<compile_context>
chip_gen: v7x
topology: tpu7x:2x2x1
jax: 0.10.2.dev20260603
libtpu: 0.0.44.dev20260713+nightly
codegen_flags: <defaults>
</compile_context>

<pallas_src>
import functools

import jax
import jax.numpy as jnp
from jax import lax
from jax.experimental import pallas as pl
from jax.experimental.pallas import tpu as pltpu
from jax.experimental.pallas import tpu_sc as plsc

_H = 64
_HH = 32
_K = 128


def _pad_up(n, m):
    return -(-n // m) * m


def _segsum_sc(table, src, dst, n_src, n_dst):
    e = src.shape[0]
    ep = _pad_up(e, 16 * _K)
    if ep != e:
        pad = ep - e
        src = jnp.concatenate([src, jnp.zeros((pad,), jnp.int32)])
        dst = jnp.concatenate([dst, jnp.full((pad,), n_dst, jnp.int32)])
    np_ = _pad_up(n_dst + 1, 128)
    rpt = np_ // 16
    et = ep // 16
    nck = et // _K
    nfull = rpt // _K
    rem = rpt % _K

    @functools.partial(
        pl.kernel,
        mesh=plsc.VectorSubcoreMesh(core_axis_name="c", subcore_axis_name="s"),
        out_type=jax.ShapeDtypeStruct((2 * np_, _HH), jnp.float32),
        scratch_types=[
            pltpu.VMEM((_K,), jnp.int32),
            pltpu.VMEM((_K,), jnp.int32),
            pltpu.VMEM((_K, _HH), jnp.float32),
            pltpu.VMEM((_K, _HH), jnp.float32),
            pltpu.VMEM_SHARED((np_, _HH), jnp.float32),
            pltpu.SemaphoreType.DMA,
        ],
        compiler_params=pltpu.CompilerParams(use_tc_tiling_on_sc=False),
    )
    def seg_kernel(table_hbm, src_hbm, dst_hbm, out_hbm, sbuf, dbuf, rows, zbuf, acc, sem):
        c = lax.axis_index("c")
        s = lax.axis_index("s")

        def _zrow(i, carry):
            zbuf[i, pl.ds(0, 16)] = jnp.zeros((16,), jnp.float32)
            zbuf[i, pl.ds(16, 16)] = jnp.zeros((16,), jnp.float32)
            return carry

        lax.fori_loop(0, _K, _zrow, 0)

        base_r = s * rpt

        def _zc(j, carry):
            pltpu.sync_copy(zbuf, acc.at[pl.ds(base_r + j * _K, _K)])
            return carry

        lax.fori_loop(0, nfull, _zc, 0)
        if rem:
            pltpu.sync_copy(zbuf.at[pl.ds(0, rem)], acc.at[pl.ds(base_r + nfull * _K, rem)])
        plsc.subcore_barrier()

        coff = c * n_src
        ebase = s * et

        def _chunk(j, carry):
            b = ebase + j * _K
            pltpu.sync_copy(src_hbm.at[pl.ds(b, _K)], sbuf)
            pltpu.sync_copy(dst_hbm.at[pl.ds(b, _K)], dbuf)
            for i in range(_K // 16):
                sl = pl.ds(i * 16, 16)
                sbuf[sl] = sbuf[sl] + coff
            pltpu.async_copy(table_hbm.at[sbuf], rows, sem).wait()
            pltpu.sync_copy(rows, acc.at[dbuf], add=True)
            return carry

        lax.fori_loop(0, nck, _chunk, 0)
        plsc.subcore_barrier()

        obase = c * np_ + base_r

        def _dc(j, carry):
            pltpu.sync_copy(acc.at[pl.ds(base_r + j * _K, _K)],
                            out_hbm.at[pl.ds(obase + j * _K, _K)])
            return carry

        lax.fori_loop(0, nfull, _dc, 0)
        if rem:
            pltpu.sync_copy(acc.at[pl.ds(base_r + nfull * _K, rem)],
                            out_hbm.at[pl.ds(obase + nfull * _K, rem)])

    return seg_kernel(table, src, dst).reshape(2, np_, _HH)


def _counts_sc(dst, n_dst):
    e = dst.shape[0]
    ep = _pad_up(e, 32 * _K)
    if ep != e:
        dst = jnp.concatenate([dst, jnp.full((ep - e,), n_dst, jnp.int32)])
    ncp = _pad_up(n_dst + 1, 128)
    rpt = ncp // 16
    et = ep // 32
    nck = et // _K
    nfull = rpt // _K
    rem = rpt % _K

    @functools.partial(
        pl.kernel,
        mesh=plsc.VectorSubcoreMesh(core_axis_name="c", subcore_axis_name="s"),
        out_type=jax.ShapeDtypeStruct((2 * ncp, 16), jnp.float32),
        scratch_types=[
            pltpu.VMEM((_K,), jnp.int32),
            pltpu.VMEM((_K, 16), jnp.float32),
            pltpu.VMEM((_K, 16), jnp.float32),
            pltpu.VMEM_SHARED((ncp, 16), jnp.float32),
        ],
        compiler_params=pltpu.CompilerParams(use_tc_tiling_on_sc=False),
    )
    def cnt_kernel(dst_hbm, out_hbm, dbuf, ones, zbuf, acc):
        c = lax.axis_index("c")
        s = lax.axis_index("s")

        def _fill(i, carry):
            ones[i, pl.ds(0, 16)] = jnp.full((16,), 1.0, jnp.float32)
            zbuf[i, pl.ds(0, 16)] = jnp.zeros((16,), jnp.float32)
            return carry

        lax.fori_loop(0, _K, _fill, 0)

        base_r = s * rpt

        def _zc(j, carry):
            pltpu.sync_copy(zbuf, acc.at[pl.ds(base_r + j * _K, _K)])
            return carry

        lax.fori_loop(0, nfull, _zc, 0)
        if rem:
            pltpu.sync_copy(zbuf.at[pl.ds(0, rem)], acc.at[pl.ds(base_r + nfull * _K, rem)])
        plsc.subcore_barrier()

        ebase = (c * 16 + s) * et

        def _chunk(j, carry):
            pltpu.sync_copy(dst_hbm.at[pl.ds(ebase + j * _K, _K)], dbuf)
            pltpu.sync_copy(ones, acc.at[dbuf], add=True)
            return carry

        lax.fori_loop(0, nck, _chunk, 0)
        plsc.subcore_barrier()

        obase = c * ncp + base_r

        def _dc(j, carry):
            pltpu.sync_copy(acc.at[pl.ds(base_r + j * _K, _K)],
                            out_hbm.at[pl.ds(obase + j * _K, _K)])
            return carry

        lax.fori_loop(0, nfull, _dc, 0)
        if rem:
            pltpu.sync_copy(acc.at[pl.ds(base_r + nfull * _K, rem)],
                            out_hbm.at[pl.ds(obase + nfull * _K, rem)])

    return cnt_kernel(dst).reshape(2, ncp, 16)


def _proj_tc(x, w, b):
    n, f = x.shape
    r = 1000
    assert n % r == 0

    def body(x_ref, w_ref, b_ref, o_ref):
        h = jnp.dot(x_ref[...], w_ref[...], preferred_element_type=jnp.float32)
        h = jnp.maximum(h + b_ref[...], 0.0)
        o_ref[0] = h[:, :_HH]
        o_ref[1] = h[:, _HH:]

    return pl.pallas_call(
        body,
        grid=(n // r,),
        in_specs=[
            pl.BlockSpec((r, f), lambda i: (i, 0)),
            pl.BlockSpec((f, _H), lambda i: (0, 0)),
            pl.BlockSpec((1, _H), lambda i: (0, 0)),
        ],
        out_specs=pl.BlockSpec((2, r, _HH), lambda i: (0, i, 0)),
        out_shape=jax.ShapeDtypeStruct((2, n, _HH), jnp.float32),
    )(x, w, b.reshape(1, _H))


def _api_layer_tc(seg_aa, cnt_aa, seg_fa, cnt_fa, h, wl0, wl1, wr, bsum):
    n = h.shape[1]
    r = 1000
    assert n % r == 0
    grid = n // r

    def body(saa, caa, sfa, cfa, h_ref, w0, w1, wr_ref, b_ref, o_ref, sum_ref):
        inv_aa = 1.0 / jnp.maximum(caa[0, :, 0] + caa[1, :, 0], 1.0)
        inv_fa = 1.0 / jnp.maximum(cfa[0, :, 0] + cfa[1, :, 0], 1.0)
        w0v = w0[...]
        w1v = w1[...]
        wrv = wr_ref[...]
        o = jnp.dot(saa[0] * inv_aa[:, None], w0v[:_HH], preferred_element_type=jnp.float32)
        o += jnp.dot(saa[1] * inv_aa[:, None], w0v[_HH:], preferred_element_type=jnp.float32)
        o += jnp.dot(sfa[0] * inv_fa[:, None], w1v[:_HH], preferred_element_type=jnp.float32)
        o += jnp.dot(sfa[1] * inv_fa[:, None], w1v[_HH:], preferred_element_type=jnp.float32)
        o += jnp.dot(h_ref[0], wrv[:_HH], preferred_element_type=jnp.float32)
        o += jnp.dot(h_ref[1], wrv[_HH:], preferred_element_type=jnp.float32)
        o = jnp.maximum(o + b_ref[...], 0.0)
        o_ref[0] = o[:, :_HH]
        o_ref[1] = o[:, _HH:]

        @pl.when(pl.program_id(0) == 0)
        def _():
            sum_ref[...] = jnp.zeros_like(sum_ref)

        sum_ref[...] += jnp.sum(o, axis=0, keepdims=True)

    return pl.pallas_call(
        body,
        grid=(grid,),
        in_specs=[
            pl.BlockSpec((2, r, _HH), lambda i: (0, i, 0)),
            pl.BlockSpec((2, r, 16), lambda i: (0, i, 0)),
            pl.BlockSpec((2, r, _HH), lambda i: (0, i, 0)),
            pl.BlockSpec((2, r, 16), lambda i: (0, i, 0)),
            pl.BlockSpec((2, r, _HH), lambda i: (0, i, 0)),
            pl.BlockSpec((_H, _H), lambda i: (0, 0)),
            pl.BlockSpec((_H, _H), lambda i: (0, 0)),
            pl.BlockSpec((_H, _H), lambda i: (0, 0)),
            pl.BlockSpec((1, _H), lambda i: (0, 0)),
        ],
        out_specs=[
            pl.BlockSpec((2, r, _HH), lambda i: (0, i, 0)),
            pl.BlockSpec((1, _H), lambda i: (0, 0)),
        ],
        out_shape=[
            jax.ShapeDtypeStruct((2, n, _HH), jnp.float32),
            jax.ShapeDtypeStruct((1, _H), jnp.float32),
        ],
    )(seg_aa, cnt_aa, seg_fa, cnt_fa, h, wl0, wl1, wr, bsum)


def _file_layer_tc(seg_af, cnt_af, h, wl2, wr2, b2):
    n = h.shape[1]
    r = 1000
    assert n % r == 0
    grid = n // r

    def body(saf, caf, h_ref, w2, wr_ref, b_ref, o_ref, sum_ref):
        inv = 1.0 / jnp.maximum(caf[0, :, 0] + caf[1, :, 0], 1.0)
        w2v = w2[...]
        wrv = wr_ref[...]
        o = jnp.dot(saf[0] * inv[:, None], w2v[:_HH], preferred_element_type=jnp.float32)
        o += jnp.dot(saf[1] * inv[:, None], w2v[_HH:], preferred_element_type=jnp.float32)
        o += jnp.dot(h_ref[0], wrv[:_HH], preferred_element_type=jnp.float32)
        o += jnp.dot(h_ref[1], wrv[_HH:], preferred_element_type=jnp.float32)
        o = jnp.maximum(o + b_ref[...], 0.0)
        o_ref[0] = o[:, :_HH]
        o_ref[1] = o[:, _HH:]

        @pl.when(pl.program_id(0) == 0)
        def _():
            sum_ref[...] = jnp.zeros_like(sum_ref)

        sum_ref[...] += jnp.sum(o, axis=0, keepdims=True)

    return pl.pallas_call(
        body,
        grid=(grid,),
        in_specs=[
            pl.BlockSpec((2, r, _HH), lambda i: (0, i, 0)),
            pl.BlockSpec((2, r, 16), lambda i: (0, i, 0)),
            pl.BlockSpec((2, r, _HH), lambda i: (0, i, 0)),
            pl.BlockSpec((_H, _H), lambda i: (0, 0)),
            pl.BlockSpec((_H, _H), lambda i: (0, 0)),
            pl.BlockSpec((1, _H), lambda i: (0, 0)),
        ],
        out_specs=[
            pl.BlockSpec((2, r, _HH), lambda i: (0, i, 0)),
            pl.BlockSpec((1, _H), lambda i: (0, 0)),
        ],
        out_shape=[
            jax.ShapeDtypeStruct((2, n, _HH), jnp.float32),
            jax.ShapeDtypeStruct((1, _H), jnp.float32),
        ],
    )(seg_af, cnt_af, h, wl2, wr2, b2)


def _head_tc(sum_api, sum_file, n_api, n_file, wc1, bc1, wc2, bc2):
    def body(sa, sf, w1, b1, w2, b2, o_ref):
        w1v = w1[...]
        hid = jnp.dot(sa[...] * (1.0 / n_api), w1v[:_H], preferred_element_type=jnp.float32)
        hid += jnp.dot(sf[...] * (1.0 / n_file), w1v[_H:], preferred_element_type=jnp.float32)
        hid = jnp.maximum(hid + b1[...], 0.0)
        o_ref[...] = jnp.dot(hid, w2[...], preferred_element_type=jnp.float32) + b2[...]

    return pl.pallas_call(
        body,
        out_shape=jax.ShapeDtypeStruct((1, 2), jnp.float32),
    )(sum_api, sum_file, wc1, bc1.reshape(1, _H), wc2, bc2.reshape(1, 2))


def _chain(dep, arr):
    return arr + (dep * 0.0).astype(arr.dtype)


def kernel(x_api, x_file, ei_api_api, ei_file_api, ei_api_file,
           W_in_api, b_in_api, W_in_file, b_in_file,
           Wl, bl, Wr, Wc1, bc1, Wc2, bc2):
    n_api = x_api.shape[0]
    n_file = x_file.shape[0]

    h_api = _proj_tc(x_api, W_in_api, b_in_api)
    h_file = _proj_tc(x_file, W_in_file, b_in_file)

    cnt_aa = _counts_sc(ei_api_api[1], n_api)
    cnt_fa = _counts_sc(_chain(cnt_aa[0, 0, 0], ei_file_api[1]), n_api)
    cnt_af = _counts_sc(_chain(cnt_fa[0, 0, 0], ei_api_file[1]), n_file)
    dep = cnt_af[0, 0, 0]

    sum_api = sum_file = None
    for l in range(2):
        seg_aa = _segsum_sc(h_api.reshape(2 * n_api, _HH),
                            ei_api_api[0], _chain(dep, ei_api_api[1]),
                            n_api, n_api)
        seg_fa = _segsum_sc(h_file.reshape(2 * n_file, _HH),
                            ei_file_api[0], _chain(seg_aa[0, 0, 0], ei_file_api[1]),
                            n_file, n_api)
        seg_af = _segsum_sc(h_api.reshape(2 * n_api, _HH),
                            ei_api_file[0], _chain(seg_fa[0, 0, 0], ei_api_file[1]),
                            n_api, n_file)
        dep = seg_af[0, 0, 0]
        h_api_n, sum_api = _api_layer_tc(
            seg_aa, cnt_aa, seg_fa, cnt_fa, h_api,
            Wl[l, 0], Wl[l, 1], Wr[l, 0] + Wr[l, 1],
            (bl[l, 0] + bl[l, 1]).reshape(1, _H))
        h_file_n, sum_file = _file_layer_tc(
            seg_af, cnt_af, h_file, Wl[l, 2], Wr[l, 2], bl[l, 2].reshape(1, _H))
        h_api, h_file = h_api_n, h_file_n

    return _head_tc(sum_api, sum_file, n_api, n_file, Wc1, bc1, Wc2, bc2)

# --- scband reference (transcript-rebuilt; emitter-appended) ---
"""Pipeline reference for scband-hgraph-sage-37838661877859 (READ-ONLY COPY).

The authoritative reference and input builder live on the scoring server;
editing this copy changes nothing except your own understanding.
"""

import jax, jax.numpy as jnp
import numpy as np

N_API, N_FILE, H = 50000, 10000, 64
E_AA, E_FA, E_AF = 800000, 320000, 320000


def _sage(h_src, h_dst, src, dst, n_dst, Wl, bl, Wr):
    # PyG SAGEConv(aggr='mean'): out = lin_l(mean_aggr(x_src)) + lin_r(x_dst)
    msg = jnp.take(h_src, src, axis=0)
    s = jax.ops.segment_sum(msg, dst, num_segments=n_dst)
    cnt = jax.ops.segment_sum(jnp.ones(src.shape, jnp.float32), dst, num_segments=n_dst)
    mean = s / jnp.maximum(cnt, 1.0)[:, None]
    return mean @ Wl + bl + h_dst @ Wr


def setup_inputs(seed: int = 0):
    key = jax.random.key(seed)
    ks = jax.random.split(key, 16)
    g = 0.1
    ei_aa = jax.random.randint(ks[2], (2, E_AA), 0, N_API, dtype=jnp.int32)
    ei_fa = jnp.concatenate([
        jax.random.randint(ks[3], (1, E_FA), 0, N_FILE, dtype=jnp.int32),
        jax.random.randint(ks[4], (1, E_FA), 0, N_API, dtype=jnp.int32)], axis=0)
    ei_af = jnp.concatenate([
        jax.random.randint(ks[5], (1, E_AF), 0, N_API, dtype=jnp.int32),
        jax.random.randint(ks[6], (1, E_AF), 0, N_FILE, dtype=jnp.int32)], axis=0)
    return {
        "x_api": jax.random.normal(ks[0], (N_API, 128), jnp.float32),
        "x_file": jax.random.normal(ks[1], (N_FILE, 64), jnp.float32),
        "ei_api_api": ei_aa,
        "ei_file_api": ei_fa,
        "ei_api_file": ei_af,
        "W_in_api": jax.random.normal(ks[7], (128, H), jnp.float32) * g,
        "b_in_api": jnp.zeros((H,), jnp.float32),
        "W_in_file": jax.random.normal(ks[8], (64, H), jnp.float32) * g,
        "b_in_file": jnp.zeros((H,), jnp.float32),
        "Wl": jax.random.normal(ks[9], (2, 3, H, H), jnp.float32) * g,
        "bl": jnp.zeros((2, 3, H), jnp.float32),
        "Wr": jax.random.normal(ks[10], (2, 3, H, H), jnp.float32) * g,
        "Wc1": jax.random.normal(ks[11], (2 * H, H), jnp.float32) * g,
        "bc1": jnp.zeros((H,), jnp.float32),
        "Wc2": jax.random.normal(ks[12], (H, 2), jnp.float32) * g,
        "bc2": jnp.zeros((2,), jnp.float32),
    }


def reference(x_api, x_file, ei_api_api, ei_file_api, ei_api_file,
              W_in_api, b_in_api, W_in_file, b_in_file,
              Wl, bl, Wr, Wc1, bc1, Wc2, bc2):
    # per-type input projection + relu
    h_api = jax.nn.relu(x_api @ W_in_api + b_in_api)
    h_file = jax.nn.relu(x_file @ W_in_file + b_in_file)
    # 2 HeteroConv layers (aggr='sum' over edge types); dropout is identity in eval
    for l in range(2):
        o_api = _sage(h_api, h_api, ei_api_api[0], ei_api_api[1], N_API, Wl[l, 0], bl[l, 0], Wr[l, 0]) + \
                _sage(h_file, h_api, ei_file_api[0], ei_file_api[1], N_API, Wl[l, 1], bl[l, 1], Wr[l, 1])
        o_file = _sage(h_api, h_file, ei_api_file[0], ei_api_file[1], N_FILE, Wl[l, 2], bl[l, 2], Wr[l, 2])
        h_api, h_file = jax.nn.relu(o_api), jax.nn.relu(o_file)
    # global mean pool per node type (batch_dict=None -> single graph)
    pooled = jnp.concatenate([h_api.mean(0, keepdims=True), h_file.mean(0, keepdims=True)], axis=-1)
    hid = jax.nn.relu(pooled @ Wc1 + bc1)
    return hid @ Wc2 + bc2

if __name__ == "__main__":
    import jax
    _d = setup_inputs()
    print(jax.jit(kernel)(*tuple(_d.values())))

</pallas_src>

<mosaic_0001>
#map = affine_map<(d0, d1) -> (0)>
#map1 = affine_map<(d0, d1) -> (0, 0)>
module attributes {stable_mosaic.version = 14 : i64} {
  func.func @cnt_kernel(%arg0: i32, %arg1: i32, %arg2: memref<802816xi32, #tpu.memory_space<hbm>>, %arg3: memref<100096x16xf32, #tpu.memory_space<hbm>>, %arg4: memref<128xi32, #tpu.memory_space<vmem>>, %arg5: memref<128x16xf32, #tpu.memory_space<vmem>>, %arg6: memref<128x16xf32, #tpu.memory_space<vmem>>, %arg7: memref<50048x16xf32, #tpu.memory_space<vmem_shared>>) attributes {dimension_semantics = [#tpu.dimension_semantics<core_parallel>, #tpu.dimension_semantics<subcore_parallel>], iteration_bounds = array<i64: 2, 16>, scalar_prefetch = 0 : i64, scratch_operands = 4 : i64, tpu.core_type = #tpu.core_type<sc_vector_subcore>, window_params = [{transform_indices = #map}, {transform_indices = #map1}]} {
    %scan3A = arith.constant 0 : i32
    %scan3A_0 = arith.constant 0 : i32
    %scan3A_1 = arith.constant 128 : i32
    %scan3A_2 = arith.addi %scan3A_0, %scan3A_1 : i32
    %scan3A_3 = arith.constant 1 : i32
    scf.for %scan3A_38 = %scan3A_0 to %scan3A_2 step %scan3A_3  : i32 {
      %broadcast_in_dim3A = arith.constant 1.000000e+00 : f32
      %broadcast_in_dim3A_39 = vector.broadcast %broadcast_in_dim3A : f32 to vector<16xf32>
      %swap3A = arith.index_cast %scan3A_38 : i32 to index
      %swap3A_40 = arith.constant 0 : index
      %swap3A_41 = tpu.vector_load %arg5[%swap3A, %swap3A_40] {strides = array<i32>} : memref<128x16xf32, #tpu.memory_space<vmem>>, vector<1x16xf32>,
      %swap3A_42 = vector.shape_cast %swap3A_41 : vector<1x16xf32> to vector<16xf32>
      %swap3A_43 = vector.shape_cast %broadcast_in_dim3A_39 : vector<16xf32> to vector<1x16xf32>
      tpu.vector_store %arg5[%swap3A, %swap3A_40], %swap3A_43 {strides = array<i32>} : memref<128x16xf32, #tpu.memory_space<vmem>>, vector<1x16xf32>,
      %broadcast_in_dim3A_44 = arith.constant 0.000000e+00 : f32
      %broadcast_in_dim3A_45 = vector.broadcast %broadcast_in_dim3A_44 : f32 to vector<16xf32>
      %swap3A_46 = arith.index_cast %scan3A_38 : i32 to index
      %swap3A_47 = arith.constant 0 : index
      %swap3A_48 = tpu.vector_load %arg6[%swap3A_46, %swap3A_47] {strides = array<i32>} : memref<128x16xf32, #tpu.memory_space<vmem>>, vector<1x16xf32>,
      %swap3A_49 = vector.shape_cast %swap3A_48 : vector<1x16xf32> to vector<16xf32>
      %swap3A_50 = vector.shape_cast %broadcast_in_dim3A_45 : vector<16xf32> to vector<1x16xf32>
      tpu.vector_store %arg6[%swap3A_46, %swap3A_47], %swap3A_50 {strides = array<i32>} : memref<128x16xf32, #tpu.memory_space<vmem>>, vector<1x16xf32>,
    }
    %scan3A_4 = arith.constant 128 : i32
    %mul3A = arith.constant 3128 : i32
    %mul3A_5 = arith.muli %arg1, %mul3A : i32
    %scan3A_6 = arith.constant 0 : i32
    %scan3A_7 = arith.constant 0 : i32
    %scan3A_8 = arith.constant 24 : i32
    %scan3A_9 = arith.addi %scan3A_7, %scan3A_8 : i32
    %scan3A_10 = arith.constant 1 : i32
    scf.for %scan3A_38 = %scan3A_7 to %scan3A_9 step %scan3A_10  : i32 {
      %mul3A_39 = arith.constant 128 : i32
      %mul3A_40 = arith.muli %scan3A_38, %mul3A_39 : i32
      %add3A_41 = arith.addi %mul3A_5, %mul3A_40 : i32
      "tpu.region"() ({
        %run_scoped3A = tpu.sem_alloc : memref<!tpu.dma_semaphore, #tpu.memory_space<semaphore_mem>>
        %dma_start3A = arith.constant 0 : i32
        %dma_start3A_42 = tpu.memref_slice %arg7[%add3A_41, %dma_start3A] : memref<50048x16xf32, #tpu.memory_space<vmem_shared>> -> memref<128x16xf32, #tpu.memory_space<vmem_shared>>
        %dma_start3A_43 = arith.constant 0 : i32
        %dma_start3A_44 = tpu.memref_slice %arg7[%add3A_41, %dma_start3A_43] : memref<50048x16xf32, #tpu.memory_space<vmem_shared>> -> memref<128x16xf32, #tpu.memory_space<vmem_shared>>
        tpu.enqueue_dma source(%arg6 : memref<128x16xf32, #tpu.memory_space<vmem>>) target(%dma_start3A_44 : memref<128x16xf32, #tpu.memory_space<vmem_shared>>) target_semaphore(%run_scoped3A : memref<!tpu.dma_semaphore, #tpu.memory_space<semaphore_mem>>)
        %dma_wait3A = arith.constant 0 : i32
        %dma_wait3A_45 = tpu.memref_slice %arg7[%add3A_41, %dma_wait3A] : memref<50048x16xf32, #tpu.memory_space<vmem_shared>> -> memref<128x16xf32, #tpu.memory_space<vmem_shared>>
        %dma_wait3A_46 = arith.constant 0 : i32
        %dma_wait3A_47 = tpu.memref_slice %arg7[%add3A_41, %dma_wait3A_46] : memref<50048x16xf32, #tpu.memory_space<vmem_shared>> -> memref<128x16xf32, #tpu.memory_space<vmem_shared>>
        tpu.wait_dma2 semaphore(%run_scoped3A : memref<!tpu.dma_semaphore, #tpu.memory_space<semaphore_mem>>) src(%arg6 : memref<128x16xf32, #tpu.memory_space<vmem>>) dst(%dma_wait3A_47 : memref<128x16xf32, #tpu.memory_space<vmem_shared>>)
        tpu.yield
      }) : () -> ()
    }
    %scan3A_11 = arith.constant 24 : i32
    %add3A = arith.constant 3072 : i32
    %add3A_12 = arith.addi %mul3A_5, %add3A : i32
    "tpu.region"() ({
      %run_scoped3A = tpu.sem_alloc : memref<!tpu.dma_semaphore, #tpu.memory_space<semaphore_mem>>
      %dma_start3A = arith.constant 0 : i32
      %dma_start3A_38 = arith.constant 0 : i32
      %dma_start3A_39 = tpu.memref_slice %arg6[%dma_start3A, %dma_start3A_38] : memref<128x16xf32, #tpu.memory_space<vmem>> -> memref<56x16xf32, #tpu.memory_space<vmem>>
      %dma_start3A_40 = arith.constant 0 : i32
      %dma_start3A_41 = tpu.memref_slice %arg7[%add3A_12, %dma_start3A_40] : memref<50048x16xf32, #tpu.memory_space<vmem_shared>> -> memref<56x16xf32, #tpu.memory_space<vmem_shared>>
      %dma_start3A_42 = arith.constant 0 : i32
      %dma_start3A_43 = tpu.memref_slice %arg7[%add3A_12, %dma_start3A_42] : memref<50048x16xf32, #tpu.memory_space<vmem_shared>> -> memref<56x16xf32, #tpu.memory_space<vmem_shared>>
      %dma_start3A_44 = arith.constant 0 : i32
      %dma_start3A_45 = arith.constant 0 : i32
      %dma_start3A_46 = tpu.memref_slice %arg6[%dma_start3A_44, %dma_start3A_45] : memref<128x16xf32, #tpu.memory_space<vmem>> -> memref<56x16xf32, #tpu.memory_space<vmem>>
      tpu.enqueue_dma source(%dma_start3A_46 : memref<56x16xf32, #tpu.memory_space<vmem>>) target(%dma_start3A_43 : memref<56x16xf32, #tpu.memory_space<vmem_shared>>) target_semaphore(%run_scoped3A : memref<!tpu.dma_semaphore, #tpu.memory_space<semaphore_mem>>)
      %dma_wait3A = arith.constant 0 : i32
      %dma_wait3A_47 = arith.constant 0 : i32
      %dma_wait3A_48 = tpu.memref_slice %arg6[%dma_wait3A, %dma_wait3A_47] : memref<128x16xf32, #tpu.memory_space<vmem>> -> memref<56x16xf32, #tpu.memory_space<vmem>>
      %dma_wait3A_49 = arith.constant 0 : i32
      %dma_wait3A_50 = tpu.memref_slice %arg7[%add3A_12, %dma_wait3A_49] : memref<50048x16xf32, #tpu.memory_space<vmem_shared>> -> memref<56x16xf32, #tpu.memory_space<vmem_shared>>
      %dma_wait3A_51 = arith.constant 0 : i32
      %dma_wait3A_52 = tpu.memref_slice %arg7[%add3A_12, %dma_wait3A_51] : memref<50048x16xf32, #tpu.memory_space<vmem_shared>> -> memref<56x16xf32, #tpu.memory_space<vmem_shared>>
      %dma_wait3A_53 = arith.constant 0 : i32
      %dma_wait3A_54 = arith.constant 0 : i32
      %dma_wait3A_55 = tpu.memref_slice %arg6[%dma_wait3A_53, %dma_wait3A_54] : memref<128x16xf32, #tpu.memory_space<vmem>> -> memref<56x16xf32, #tpu.memory_space<vmem>>
      tpu.wait_dma2 semaphore(%run_scoped3A : memref<!tpu.dma_semaphore, #tpu.memory_space<semaphore_mem>>) src(%dma_wait3A_55 : memref<56x16xf32, #tpu.memory_space<vmem>>) dst(%dma_wait3A_52 : memref<56x16xf32, #tpu.memory_space<vmem_shared>>)
      tpu.yield
    }) : () -> ()
    %barrier3A = arith.constant 0 : index
    tpu.barrier barrier_id(%barrier3A)
    %mul3A_13 = arith.constant 16 : i32
    %mul3A_14 = arith.muli %arg0, %mul3A_13 : i32
    %add3A_15 = arith.addi %mul3A_14, %arg1 : i32
    %mul3A_16 = arith.constant 25088 : i32
    %mul3A_17 = arith.muli %add3A_15, %mul3A_16 : i32
    %scan3A_18 = arith.constant 0 : i32
    %scan3A_19 = arith.constant 0 : i32
    %scan3A_20 = arith.constant 196 : i32
    %scan3A_21 = arith.addi %scan3A_19, %scan3A_20 : i32
    %scan3A_22 = arith.constant 1 : i32
    scf.for %scan3A_38 = %scan3A_19 to %scan3A_21 step %scan3A_22  : i32 {
      %mul3A_39 = arith.constant 128 : i32
      %mul3A_40 = arith.muli %scan3A_38, %mul3A_39 : i32
      %add3A_41 = arith.addi %mul3A_17, %mul3A_40 : i32
      "tpu.region"() ({
        %run_scoped3A = tpu.sem_alloc : memref<!tpu.dma_semaphore, #tpu.memory_space<semaphore_mem>>
        %dma_start3A = tpu.memref_slice %arg2[%add3A_41] : memref<802816xi32, #tpu.memory_space<hbm>> -> memref<128xi32, #tpu.memory_space<hbm>>
        %dma_start3A_42 = tpu.memref_slice %arg2[%add3A_41] : memref<802816xi32, #tpu.memory_space<hbm>> -> memref<128xi32, #tpu.memory_space<hbm>>
        tpu.enqueue_dma source(%dma_start3A_42 : memref<128xi32, #tpu.memory_space<hbm>>) target(%arg4 : memref<128xi32, #tpu.memory_space<vmem>>) target_semaphore(%run_scoped3A : memref<!tpu.dma_semaphore, #tpu.memory_space<semaphore_mem>>)
        %dma_wait3A = tpu.memref_slice %arg2[%add3A_41] : memref<802816xi32, #tpu.memory_space<hbm>> -> memref<128xi32, #tpu.memory_space<hbm>>
        %dma_wait3A_43 = tpu.memref_slice %arg2[%add3A_41] : memref<802816xi32, #tpu.memory_space<hbm>> -> memref<128xi32, #tpu.memory_space<hbm>>
        tpu.wait_dma2 semaphore(%run_scoped3A : memref<!tpu.dma_semaphore, #tpu.memory_space<semaphore_mem>>) src(%dma_wait3A_43 : memref<128xi32, #tpu.memory_space<hbm>>) dst(%arg4 : memref<128xi32, #tpu.memory_space<vmem>>)
        tpu.yield
      }) : () -> ()
      "tpu.region"() ({
        %run_scoped3A = tpu.sem_alloc : memref<!tpu.dma_semaphore, #tpu.memory_space<semaphore_mem>>
        %dma_start3A = arith.constant 0 : i32
        %dma_start3A_42 = arith.constant 0 : i32
        %dma_start3A_43 = tpu.memref_slice %arg7[%dma_start3A, %dma_start3A_42] : memref<50048x16xf32, #tpu.memory_space<vmem_shared>> -> memref<50048x16xf32, #tpu.memory_space<vmem_shared>>
        tpu.enqueue_indirect_dma source(%arg5 : memref<128x16xf32, #tpu.memory_space<vmem>>) target(%dma_start3A_43 : memref<50048x16xf32, #tpu.memory_space<vmem_shared>>) offsets(%arg4 : memref<128xi32, #tpu.memory_space<vmem>>) semaphore(%run_scoped3A : memref<!tpu.dma_semaphore, #tpu.memory_space<semaphore_mem>>) {add = true}
        %dma_wait3A = arith.constant 0 : i32
        %dma_wait3A_44 = arith.constant 0 : i32
        %dma_wait3A_45 = tpu.memref_slice %arg7[%dma_wait3A, %dma_wait3A_44] : memref<50048x16xf32, #tpu.memory_space<vmem_shared>> -> memref<50048x16xf32, #tpu.memory_space<vmem_shared>>
        tpu.wait_indirect_dma semaphore(%run_scoped3A : memref<!tpu.dma_semaphore, #tpu.memory_space<semaphore_mem>>) src(%arg5 : memref<128x16xf32, #tpu.memory_space<vmem>>) dst(%dma_wait3A_45 : memref<50048x16xf32, #tpu.memory_space<vmem_shared>>)
        tpu.yield
      }) : () -> ()
    }
    %scan3A_23 = arith.constant 196 : i32
    %barrier3A_24 = arith.constant 0 : index
    tpu.barrier barrier_id(%barrier3A_24)
    %mul3A_25 = arith.constant 50048 : i32
    %mul3A_26 = arith.muli %arg0, %mul3A_25 : i32
    %add3A_27 = arith.addi %mul3A_26, %mul3A_5 : i32
    %scan3A_28 = arith.constant 0 : i32
    %scan3A_29 = arith.constant 0 : i32
    %scan3A_30 = arith.constant 24 : i32
    %scan3A_31 = arith.addi %scan3A_29, %scan3A_30 : i32
    %scan3A_32 = arith.constant 1 : i32
    scf.for %scan3A_38 = %scan3A_29 to %scan3A_31 step %scan3A_32  : i32 {
      %mul3A_39 = arith.constant 128 : i32
      %mul3A_40 = arith.muli %scan3A_38, %mul3A_39 : i32
      %add3A_41 = arith.addi %mul3A_5, %mul3A_40 : i32
      %mul3A_42 = arith.constant 128 : i32
      %mul3A_43 = arith.muli %scan3A_38, %mul3A_42 : i32
      %add3A_44 = arith.addi %add3A_27, %mul3A_43 : i32
      "tpu.region"() ({
        %run_scoped3A = tpu.sem_alloc : memref<!tpu.dma_semaphore, #tpu.memory_space<semaphore_mem>>
        %dma_start3A = arith.constant 0 : i32
        %dma_start3A_45 = tpu.memref_slice %arg3[%add3A_44, %dma_start3A] : memref<100096x16xf32, #tpu.memory_space<hbm>> -> memref<128x16xf32, #tpu.memory_space<hbm>>
        %dma_start3A_46 = arith.constant 0 : i32
        %dma_start3A_47 = tpu.memref_slice %arg7[%add3A_41, %dma_start3A_46] : memref<50048x16xf32, #tpu.memory_space<vmem_shared>> -> memref<128x16xf32, #tpu.memory_space<vmem_shared>>
        tpu.enqueue_dma source(%dma_start3A_47 : memref<128x16xf32, #tpu.memory_space<vmem_shared>>) target(%dma_start3A_45 : memref<128x16xf32, #tpu.memory_space<hbm>>) target_semaphore(%run_scoped3A : memref<!tpu.dma_semaphore, #tpu.memory_space<semaphore_mem>>)
        %dma_wait3A = arith.constant 0 : i32
        %dma_wait3A_48 = tpu.memref_slice %arg3[%add3A_44, %dma_wait3A] : memref<100096x16xf32, #tpu.memory_space<hbm>> -> memref<128x16xf32, #tpu.memory_space<hbm>>
        %dma_wait3A_49 = arith.constant 0 : i32
        %dma_wait3A_50 = tpu.memref_slice %arg7[%add3A_41, %dma_wait3A_49] : memref<50048x16xf32, #tpu.memory_space<vmem_shared>> -> memref<128x16xf32, #tpu.memory_space<vmem_shared>>
        tpu.wait_dma2 semaphore(%run_scoped3A : memref<!tpu.dma_semaphore, #tpu.memory_space<semaphore_mem>>) src(%dma_wait3A_50 : memref<128x16xf32, #tpu.memory_space<vmem_shared>>) dst(%dma_wait3A_48 : memref<128x16xf32, #tpu.memory_space<hbm>>)
        tpu.yield
      }) : () -> ()
    }
    %scan3A_33 = arith.constant 24 : i32
    %add3A_34 = arith.constant 3072 : i32
    %add3A_35 = arith.addi %mul3A_5, %add3A_34 : i32
    %add3A_36 = arith.constant 3072 : i32
    %add3A_37 = arith.addi %add3A_27, %add3A_36 : i32
    "tpu.region"() ({
      %run_scoped3A = tpu.sem_alloc : memref<!tpu.dma_semaphore, #tpu.memory_space<semaphore_mem>>
      %dma_start3A = arith.constant 0 : i32
      %dma_start3A_38 = tpu.memref_slice %arg3[%add3A_37, %dma_start3A] : memref<100096x16xf32, #tpu.memory_space<hbm>> -> memref<56x16xf32, #tpu.memory_space<hbm>>
      %dma_start3A_39 = arith.constant 0 : i32
      %dma_start3A_40 = tpu.memref_slice %arg7[%add3A_35, %dma_start3A_39] : memref<50048x16xf32, #tpu.memory_space<vmem_shared>> -> memref<56x16xf32, #tpu.memory_space<vmem_shared>>
      tpu.enqueue_dma source(%dma_start3A_40 : memref<56x16xf32, #tpu.memory_space<vmem_shared>>) target(%dma_start3A_38 : memref<56x16xf32, #tpu.memory_space<hbm>>) target_semaphore(%run_scoped3A : memref<!tpu.dma_semaphore, #tpu.memory_space<semaphore_mem>>)
      %dma_wait3A = arith.constant 0 : i32
      %dma_wait3A_41 = tpu.memref_slice %arg3[%add3A_37, %dma_wait3A] : memref<100096x16xf32, #tpu.memory_space<hbm>> -> memref<56x16xf32, #tpu.memory_space<hbm>>
      %dma_wait3A_42 = arith.constant 0 : i32
      %dma_wait3A_43 = tpu.memref_slice %arg7[%add3A_35, %dma_wait3A_42] : memref<50048x16xf32, #tpu.memory_space<vmem_shared>> -> memref<56x16xf32, #tpu.memory_space<vmem_shared>>
      tpu.wait_dma2 semaphore(%run_scoped3A : memref<!tpu.dma_semaphore, #tpu.memory_space<semaphore_mem>>) src(%dma_wait3A_43 : memref<56x16xf32, #tpu.memory_space<vmem_shared>>) dst(%dma_wait3A_41 : memref<56x16xf32, #tpu.memory_space<hbm>>)
      tpu.yield
    }) : () -> ()
    return
  }
}

#map = affine_map<(d0, d1) -> (0, 0)>
#map1 = affine_map<(d0, d1) -> (0)>
module attributes {stable_mosaic.version = 14 : i64} {
  func.func @seg_kernel(%arg0: i32, %arg1: i32, %arg2: memref<100000x32xf32, #tpu.memory_space<hbm>>, %arg3: memref<800768xi32, #tpu.memory_space<hbm>>, %arg4: memref<800768xi32, #tpu.memory_space<hbm>>, %arg5: memref<100096x32xf32, #tpu.memory_space<hbm>>, %arg6: memref<128xi32, #tpu.memory_space<vmem>>, %arg7: memref<128xi32, #tpu.memory_space<vmem>>, %arg8: memref<128x32xf32, #tpu.memory_space<vmem>>, %arg9: memref<128x32xf32, #tpu.memory_space<vmem>>, %arg10: memref<50048x32xf32, #tpu.memory_space<vmem_shared>>, %arg11: memref<!tpu.dma_semaphore, #tpu.memory_space<semaphore_mem>>) attributes {dimension_semantics = [#tpu.dimension_semantics<core_parallel>, #tpu.dimension_semantics<subcore_parallel>], iteration_bounds = array<i64: 2, 16>, scalar_prefetch = 0 : i64, scratch_operands = 6 : i64, tpu.core_type = #tpu.core_type<sc_vector_subcore>, window_params = [{transform_indices = #map}, {transform_indices = #map1}, {transform_indices = #map1}, {transform_indices = #map}]} {
    %scan3A = arith.constant 0 : i32
    %scan3A_0 = arith.constant 0 : i32
    %scan3A_1 = arith.constant 128 : i32
    %scan3A_2 = arith.addi %scan3A_0, %scan3A_1 : i32
    %scan3A_3 = arith.constant 1 : i32
    scf.for %scan3A_37 = %scan3A_0 to %scan3A_2 step %scan3A_3  : i32 {
      %broadcast_in_dim3A = arith.constant 0.000000e+00 : f32
      %broadcast_in_dim3A_38 = vector.broadcast %broadcast_in_dim3A : f32 to vector<16xf32>
      %swap3A = arith.index_cast %scan3A_37 : i32 to index
      %swap3A_39 = arith.constant 0 : index
      %swap3A_40 = tpu.vector_load %arg9[%swap3A, %swap3A_39] {strides = array<i32>} : memref<128x32xf32, #tpu.memory_space<vmem>>, vector<1x16xf32>,
      %swap3A_41 = vector.shape_cast %swap3A_40 : vector<1x16xf32> to vector<16xf32>
      %swap3A_42 = vector.shape_cast %broadcast_in_dim3A_38 : vector<16xf32> to vector<1x16xf32>
      tpu.vector_store %arg9[%swap3A, %swap3A_39], %swap3A_42 {strides = array<i32>} : memref<128x32xf32, #tpu.memory_space<vmem>>, vector<1x16xf32>,
      %broadcast_in_dim3A_43 = arith.constant 0.000000e+00 : f32
      %broadcast_in_dim3A_44 = vector.broadcast %broadcast_in_dim3A_43 : f32 to vector<16xf32>
      %swap3A_45 = arith.index_cast %scan3A_37 : i32 to index
      %swap3A_46 = arith.constant 16 : index
      %swap3A_47 = tpu.vector_load %arg9[%swap3A_45, %swap3A_46] {strides = array<i32>} : memref<128x32xf32, #tpu.memory_space<vmem>>, vector<1x16xf32>,
      %swap3A_48 = vector.shape_cast %swap3A_47 : vector<1x16xf32> to vector<16xf32>
      %swap3A_49 = vector.shape_cast %broadcast_in_dim3A_44 : vector<16xf32> to vector<1x16xf32>
      tpu.vector_store %arg9[%swap3A_45, %swap3A_46], %swap3A_49 {strides = array<i32>} : memref<128x32xf32, #tpu.memory_space<vmem>>, vector<1x16xf32>,
    }
    %scan3A_4 = arith.constant 128 : i32
    %mul3A = arith.constant 3128 : i32
    %mul3A_5 = arith.muli %arg1, %mul3A : i32
    %scan3A_6 = arith.constant 0 : i32
    %scan3A_7 = arith.constant 0 : i32
    %scan3A_8 = arith.constant 24 : i32
    %scan3A_9 = arith.addi %scan3A_7, %scan3A_8 : i32
    %scan3A_10 = arith.constant 1 : i32
    scf.for %scan3A_37 = %scan3A_7 to %scan3A_9 step %scan3A_10  : i32 {
      %mul3A_38 = arith.constant 128 : i32
      %mul3A_39 = arith.muli %scan3A_37, %mul3A_38 : i32
      %add3A_40 = arith.addi %mul3A_5, %mul3A_39 : i32
      "tpu.region"() ({
        %run_scoped3A = tpu.sem_alloc : memref<!tpu.dma_semaphore, #tpu.memory_space<semaphore_mem>>
        %dma_start3A = arith.constant 0 : i32
        %dma_start3A_41 = tpu.memref_slice %arg10[%add3A_40, %dma_start3A] : memref<50048x32xf32, #tpu.memory_space<vmem_shared>> -> memref<128x32xf32, #tpu.memory_space<vmem_shared>>
        %dma_start3A_42 = arith.constant 0 : i32
        %dma_start3A_43 = tpu.memref_slice %arg10[%add3A_40, %dma_start3A_42] : memref<50048x32xf32, #tpu.memory_space<vmem_shared>> -> memref<128x32xf32, #tpu.memory_space<vmem_shared>>
        tpu.enqueue_dma source(%arg9 : memref<128x32xf32, #tpu.memory_space<vmem>>) target(%dma_start3A_43 : memref<128x32xf32, #tpu.memory_space<vmem_shared>>) target_semaphore(%run_scoped3A : memref<!tpu.dma_semaphore, #tpu.memory_space<semaphore_mem>>)
        %dma_wait3A = arith.constant 0 : i32
        %dma_wait3A_44 = tpu.memref_slice %arg10[%add3A_40, %dma_wait3A] : memref<50048x32xf32, #tpu.memory_space<vmem_shared>> -> memref<128x32xf32, #tpu.memory_space<vmem_shared>>
        %dma_wait3A_45 = arith.constant 0 : i32
        %dma_wait3A_46 = tpu.memref_slice %arg10[%add3A_40, %dma_wait3A_45] : memref<50048x32xf32, #tpu.memory_space<vmem_shared>> -> memref<128x32xf32, #tpu.memory_space<vmem_shared>>
        tpu.wait_dma2 semaphore(%run_scoped3A : memref<!tpu.dma_semaphore, #tpu.memory_space<semaphore_mem>>) src(%arg9 : memref<128x32xf32, #tpu.memory_space<vmem>>) dst(%dma_wait3A_46 : memref<128x32xf32, #tpu.memory_space<vmem_shared>>)
        tpu.yield
      }) : () -> ()
    }
    %scan3A_11 = arith.constant 24 : i32
    %add3A = arith.constant 3072 : i32
    %add3A_12 = arith.addi %mul3A_5, %add3A : i32
    "tpu.region"() ({
      %run_scoped3A = tpu.sem_alloc : memref<!tpu.dma_semaphore, #tpu.memory_space<semaphore_mem>>
      %dma_start3A = arith.constant 0 : i32
      %dma_start3A_37 = arith.constant 0 : i32
      %dma_start3A_38 = tpu.memref_slice %arg9[%dma_start3A, %dma_start3A_37] : memref<128x32xf32, #tpu.memory_space<vmem>> -> memref<56x32xf32, #tpu.memory_space<vmem>>
      %dma_start3A_39 = arith.constant 0 : i32
      %dma_start3A_40 = tpu.memref_slice %arg10[%add3A_12, %dma_start3A_39] : memref<50048x32xf32, #tpu.memory_space<vmem_shared>> -> memref<56x32xf32, #tpu.memory_space<vmem_shared>>
      %dma_start3A_41 = arith.constant 0 : i32
      %dma_start3A_42 = tpu.memref_slice %arg10[%add3A_12, %dma_start3A_41] : memref<50048x32xf32, #tpu.memory_space<vmem_shared>> -> memref<56x32xf32, #tpu.memory_space<vmem_shared>>
      %dma_start3A_43 = arith.constant 0 : i32
      %dma_start3A_44 = arith.constant 0 : i32
      %dma_start3A_45 = tpu.memref_slice %arg9[%dma_start3A_43, %dma_start3A_44] : memref<128x32xf32, #tpu.memory_space<vmem>> -> memref<56x32xf32, #tpu.memory_space<vmem>>
      tpu.enqueue_dma source(%dma_start3A_45 : memref<56x32xf32, #tpu.memory_space<vmem>>) target(%dma_start3A_42 : memref<56x32xf32, #tpu.memory_space<vmem_shared>>) target_semaphore(%run_scoped3A : memref<!tpu.dma_semaphore, #tpu.memory_space<semaphore_mem>>)
      %dma_wait3A = arith.constant 0 : i32
      %dma_wait3A_46 = arith.constant 0 : i32
      %dma_wait3A_47 = tpu.memref_slice %arg9[%dma_wait3A, %dma_wait3A_46] : memref<128x32xf32, #tpu.memory_space<vmem>> -> memref<56x32xf32, #tpu.memory_space<vmem>>
      %dma_wait3A_48 = arith.constant 0 : i32
      %dma_wait3A_49 = tpu.memref_slice %arg10[%add3A_12, %dma_wait3A_48] : memref<50048x32xf32, #tpu.memory_space<vmem_shared>> -> memref<56x32xf32, #tpu.memory_space<vmem_shared>>
      %dma_wait3A_50 = arith.constant 0 : i32
      %dma_wait3A_51 = tpu.memref_slice %arg10[%add3A_12, %dma_wait3A_50] : memref<50048x32xf32, #tpu.memory_space<vmem_shared>> -> memref<56x32xf32, #tpu.memory_space<vmem_shared>>
      %dma_wait3A_52 = arith.constant 0 : i32
      %dma_wait3A_53 = arith.constant 0 : i32
      %dma_wait3A_54 = tpu.memref_slice %arg9[%dma_wait3A_52, %dma_wait3A_53] : memref<128x32xf32, #tpu.memory_space<vmem>> -> memref<56x32xf32, #tpu.memory_space<vmem>>
      tpu.wait_dma2 semaphore(%run_scoped3A : memref<!tpu.dma_semaphore, #tpu.memory_space<semaphore_mem>>) src(%dma_wait3A_54 : memref<56x32xf32, #tpu.memory_space<vmem>>) dst(%dma_wait3A_51 : memref<56x32xf32, #tpu.memory_space<vmem_shared>>)
      tpu.yield
    }) : () -> ()
    %barrier3A = arith.constant 0 : index
    tpu.barrier barrier_id(%barrier3A)
    %mul3A_13 = arith.constant 50000 : i32
    %mul3A_14 = arith.muli %arg0, %mul3A_13 : i32
    %mul3A_15 = arith.constant 50048 : i32
    %mul3A_16 = arith.muli %arg1, %mul3A_15 : i32
    %scan3A_17 = arith.constant 0 : i32
    %scan3A_18 = arith.constant 0 : i32
    %scan3A_19 = arith.constant 391 : i32
    %scan3A_20 = arith.addi %scan3A_18, %scan3A_19 : i32
    %scan3A_21 = arith.constant 1 : i32
    scf.for %scan3A_37 = %scan3A_18 to %scan3A_20 step %scan3A_21  : i32 {
      %mul3A_38 = arith.constant 128 : i32
      %mul3A_39 = arith.muli %scan3A_37, %mul3A_38 : i32
      %add3A_40 = arith.addi %mul3A_16, %mul3A_39 : i32
      "tpu.region"() ({
        %run_scoped3A = tpu.sem_alloc : memref<!tpu.dma_semaphore, #tpu.memory_space<semaphore_mem>>
        %dma_start3A_115 = tpu.memref_slice %arg3[%add3A_40] : memref<800768xi32, #tpu.memory_space<hbm>> -> memref<128xi32, #tpu.memory_space<hbm>>
        %dma_start3A_116 = tpu.memref_slice %arg3[%add3A_40] : memref<800768xi32, #tpu.memory_space<hbm>> -> memref<128xi32, #tpu.memory_space<hbm>>
        tpu.enqueue_dma source(%dma_start3A_116 : memref<128xi32, #tpu.memory_space<hbm>>) target(%arg6 : memref<128xi32, #tpu.memory_space<vmem>>) target_semaphore(%run_scoped3A : memref<!tpu.dma_semaphore, #tpu.memory_space<semaphore_mem>>)
        %dma_wait3A_117 = tpu.memref_slice %arg3[%add3A_40] : memref<800768xi32, #tpu.memory_space<hbm>> -> memref<128xi32, #tpu.memory_space<hbm>>
        %dma_wait3A_118 = tpu.memref_slice %arg3[%add3A_40] : memref<800768xi32, #tpu.memory_space<hbm>> -> memref<128xi32, #tpu.memory_space<hbm>>
        tpu.wait_dma2 semaphore(%run_scoped3A : memref<!tpu.dma_semaphore, #tpu.memory_space<semaphore_mem>>) src(%dma_wait3A_118 : memref<128xi32, #tpu.memory_space<hbm>>) dst(%arg6 : memref<128xi32, #tpu.memory_space<vmem>>)
        tpu.yield
      }) : () -> ()
      "tpu.region"() ({
        %run_scoped3A = tpu.sem_alloc : memref<!tpu.dma_semaphore, #tpu.memory_space<semaphore_mem>>
        %dma_start3A_115 = tpu.memref_slice %arg4[%add3A_40] : memref<800768xi32, #tpu.memory_space<hbm>> -> memref<128xi32, #tpu.memory_space<hbm>>
        %dma_start3A_116 = tpu.memref_slice %arg4[%add3A_40] : memref<800768xi32, #tpu.memory_space<hbm>> -> memref<128xi32, #tpu.memory_space<hbm>>
        tpu.enqueue_dma source(%dma_start3A_116 : memref<128xi32, #tpu.memory_space<hbm>>) target(%arg7 : memref<128xi32, #tpu.memory_space<vmem>>) target_semaphore(%run_scoped3A : memref<!tpu.dma_semaphore, #tpu.memory_space<semaphore_mem>>)
        %dma_wait3A_117 = tpu.memref_slice %arg4[%add3A_40] : memref<800768xi32, #tpu.memory_space<hbm>> -> memref<128xi32, #tpu.memory_space<hbm>>
        %dma_wait3A_118 = tpu.memref_slice %arg4[%add3A_40] : memref<800768xi32, #tpu.memory_space<hbm>> -> memref<128xi32, #tpu.memory_space<hbm>>
        tpu.wait_dma2 semaphore(%run_scoped3A : memref<!tpu.dma_semaphore, #tpu.memory_space<semaphore_mem>>) src(%dma_wait3A_118 : memref<128xi32, #tpu.memory_space<hbm>>) dst(%arg7 : memref<128xi32, #tpu.memory_space<vmem>>)
        tpu.yield
      }) : () -> ()
      %get3A = arith.constant 0 : index
      %get3A_41 = tpu.vector_load %arg6[%get3A] {strides = array<i32>} : memref<128xi32, #tpu.memory_space<vmem>>, vector<16xi32>,
      %get3A_42 = vector.shape_cast %get3A_41 : vector<16xi32> to vector<16xi32>
      %add3A_43 = vector.broadcast %mul3A_14 : i32 to vector<16xi32>
      %add3A_44 = arith.addi %get3A_42, %add3A_43 : vector<16xi32>
      %swap3A = arith.constant 0 : index
      %swap3A_45 = tpu.vector_load %arg6[%swap3A] {strides = array<i32>} : memref<128xi32, #tpu.memory_space<vmem>>, vector<16xi32>,
      %swap3A_46 = vector.shape_cast %swap3A_45 : vector<16xi32> to vector<16xi32>
      %swap3A_47 = vector.shape_cast %add3A_44 : vector<16xi32> to vector<16xi32>
      tpu.vector_store %arg6[%swap3A], %swap3A_47 {strides = array<i32>} : memref<128xi32, #tpu.memory_space<vmem>>, vector<16xi32>,
      %get3A_48 = arith.constant 16 : index
      %get3A_49 = tpu.vector_load %arg6[%get3A_48] {strides = array<i32>} : memref<128xi32, #tpu.memory_space<vmem>>, vector<16xi32>,
      %get3A_50 = vector.shape_cast %get3A_49 : vector<16xi32> to vector<16xi32>
      %add3A_51 = vector.broadcast %mul3A_14 : i32 to vector<16xi32>
      %add3A_52 = arith.addi %get3A_50, %add3A_51 : vector<16xi32>
      %swap3A_53 = arith.constant 16 : index
      %swap3A_54 = tpu.vector_load %arg6[%swap3A_53] {strides = array<i32>} : memref<128xi32, #tpu.memory_space<vmem>>, vector<16xi32>,
      %swap3A_55 = vector.shape_cast %swap3A_54 : vector<16xi32> to vector<16xi32>
      %swap3A_56 = vector.shape_cast %add3A_52 : vector<16xi32> to vector<16xi32>
      tpu.vector_store %arg6[%swap3A_53], %swap3A_56 {strides = array<i32>} : memref<128xi32, #tpu.memory_space<vmem>>, vector<16xi32>,
      %get3A_57 = arith.constant 32 : index
      %get3A_58 = tpu.vector_load %arg6[%get3A_57] {strides = array<i32>} : memref<128xi32, #tpu.memory_space<vmem>>, vector<16xi32>,
      %get3A_59 = vector.shape_cast %get3A_58 : vector<16xi32> to vector<16xi32>
      %add3A_60 = vector.broadcast %mul3A_14 : i32 to vector<16xi32>
      %add3A_61 = arith.addi %get3A_59, %add3A_60 : vector<16xi32>
      %swap3A_62 = arith.constant 32 : index
      %swap3A_63 = tpu.vector_load %arg6[%swap3A_62] {strides = array<i32>} : memref<128xi32, #tpu.memory_space<vmem>>, vector<16xi32>,
      %swap3A_64 = vector.shape_cast %swap3A_63 : vector<16xi32> to vector<16xi32>
      %swap3A_65 = vector.shape_cast %add3A_61 : vector<16xi32> to vector<16xi32>
      tpu.vector_store %arg6[%swap3A_62], %swap3A_65 {strides = array<i32>} : memref<128xi32, #tpu.memory_space<vmem>>, vector<16xi32>,
      %get3A_66 = arith.constant 48 : index
      %get3A_67 = tpu.vector_load %arg6[%get3A_66] {strides = array<i32>} : memref<128xi32, #tpu.memory_space<vmem>>, vector<16xi32>,
      %get3A_68 = vector.shape_cast %get3A_67 : vector<16xi32> to vector<16xi32>
      %add3A_69 = vector.broadcast %mul3A_14 : i32 to vector<16xi32>
      %add3A_70 = arith.addi %get3A_68, %add3A_69 : vector<16xi32>
      %swap3A_71 = arith.constant 48 : index
      %swap3A_72 = tpu.vector_load %arg6[%swap3A_71] {strides = array<i32>} : memref<128xi32, #tpu.memory_space<vmem>>, vector<16xi32>,
      %swap3A_73 = vector.shape_cast %swap3A_72 : vector<16xi32> to vector<16xi32>
      %swap3A_74 = vector.shape_cast %add3A_70 : vector<16xi32> to vector<16xi32>
      tpu.vector_store %arg6[%swap3A_71], %swap3A_74 {strides = array<i32>} : memref<128xi32, #tpu.memory_space<vmem>>, vector<16xi32>,
      %get3A_75 = arith.constant 64 : index
      %get3A_76 = tpu.vector_load %arg6[%get3A_75] {strides = array<i32>} : memref<128xi32, #tpu.memory_space<vmem>>, vector<16xi32>,
      %get3A_77 = vector.shape_cast %get3A_76 : vector<16xi32> to vector<16xi32>
      %add3A_78 = vector.broadcast %mul3A_14 : i32 to vector<16xi32>
      %add3A_79 = arith.addi %get3A_77, %add3A_78 : vector<16xi32>
      %swap3A_80 = arith.constant 64 : index
      %swap3A_81 = tpu.vector_load %arg6[%swap3A_80] {strides = array<i32>} : memref<128xi32, #tpu.memory_space<vmem>>, vector<16xi32>,
      %swap3A_82 = vector.shape_cast %swap3A_81 : vector<16xi32> to vector<16xi32>
      %swap3A_83 = vector.shape_cast %add3A_79 : vector<16xi32> to vector<16xi32>
      tpu.vector_store %arg6[%swap3A_80], %swap3A_83 {strides = array<i32>} : memref<128xi32, #tpu.memory_space<vmem>>, vector<16xi32>,
      %get3A_84 = arith.constant 80 : index
      %get3A_85 = tpu.vector_load %arg6[%get3A_84] {strides = array<i32>} : memref<128xi32, #tpu.memory_space<vmem>>, vector<16xi32>,
      %get3A_86 = vector.shape_cast %get3A_85 : vector<16xi32> to vector<16xi32>
      %add3A_87 = vector.broadcast %mul3A_14 : i32 to vector<16xi32>
      %add3A_88 = arith.addi %get3A_86, %add3A_87 : vector<16xi32>
      %swap3A_89 = arith.constant 80 : index
      %swap3A_90 = tpu.vector_load %arg6[%swap3A_89] {strides = array<i32>} : memref<128xi32, #tpu.memory_space<vmem>>, vector<16xi32>,
      %swap3A_91 = vector.shape_cast %swap3A_90 : vector<16xi32> to vector<16xi32>
      %swap3A_92 = vector.shape_cast %add3A_88 : vector<16xi32> to vector<16xi32>
      tpu.vector_store %arg6[%swap3A_89], %swap3A_92 {strides = array<i32>} : memref<128xi32, #tpu.memory_space<vmem>>, vector<16xi32>,
      %get3A_93 = arith.constant 96 : index
      %get3A_94 = tpu.vector_load %arg6[%get3A_93] {strides = array<i32>} : memref<128xi32, #tpu.memory_space<vmem>>, vector<16xi32>,
      %get3A_95 = vector.shape_cast %get3A_94 : vector<16xi32> to vector<16xi32>
      %add3A_96 = vector.broadcast %mul3A_14 : i32 to vector<16xi32>
      %add3A_97 = arith.addi %get3A_95, %add3A_96 : vector<16xi32>
      %swap3A_98 = arith.constant 96 : index
      %swap3A_99 = tpu.vector_load %arg6[%swap3A_98] {strides = array<i32>} : memref<128xi32, #tpu.memory_space<vmem>>, vector<16xi32>,
      %swap3A_100 = vector.shape_cast %swap3A_99 : vector<16xi32> to vector<16xi32>
      %swap3A_101 = vector.shape_cast %add3A_97 : vector<16xi32> to vector<16xi32>
      tpu.vector_store %arg6[%swap3A_98], %swap3A_101 {strides = array<i32>} : memref<128xi32, #tpu.memory_space<vmem>>, vector<16xi32>,
      %get3A_102 = arith.constant 112 : index
      %get3A_103 = tpu.vector_load %arg6[%get3A_102] {strides = array<i32>} : memref<128xi32, #tpu.memory_space<vmem>>, vector<16xi32>,
      %get3A_104 = vector.shape_cast %get3A_103 : vector<16xi32> to vector<16xi32>
      %add3A_105 = vector.broadcast %mul3A_14 : i32 to vector<16xi32>
      %add3A_106 = arith.addi %get3A_104, %add3A_105 : vector<16xi32>
      %swap3A_107 = arith.constant 112 : index
      %swap3A_108 = tpu.vector_load %arg6[%swap3A_107] {strides = array<i32>} : memref<128xi32, #tpu.memory_space<vmem>>, vector<16xi32>,
      %swap3A_109 = vector.shape_cast %swap3A_108 : vector<16xi32> to vector<16xi32>
      %swap3A_110 = vector.shape_cast %add3A_106 : vector<16xi32> to vector<16xi32>
      tpu.vector_store %arg6[%swap3A_107], %swap3A_110 {strides = array<i32>} : memref<128xi32, #tpu.memory_space<vmem>>, vector<16xi32>,
      %dma_start3A = arith.constant 0 : i32
      %dma_start3A_111 = arith.constant 0 : i32
      %dma_start3A_112 = tpu.memref_slice %arg2[%dma_start3A, %dma_start3A_111] : memref<100000x32xf32, #tpu.memory_space<hbm>> -> memref<100000x32xf32, #tpu.memory_space<hbm>>
      tpu.enqueue_indirect_dma source(%dma_start3A_112 : memref<100000x32xf32, #tpu.memory_space<hbm>>) target(%arg8 : memref<128x32xf32, #tpu.memory_space<vmem>>) offsets(%arg6 : memref<128xi32, #tpu.memory_space<vmem>>) semaphore(%arg11 : memref<!tpu.dma_semaphore, #tpu.memory_space<semaphore_mem>>)
      %dma_wait3A = arith.constant 0 : i32
      %dma_wait3A_113 = arith.constant 0 : i32
      %dma_wait3A_114 = tpu.memref_slice %arg2[%dma_wait3A, %dma_wait3A_113] : memref<100000x32xf32, #tpu.memory_space<hbm>> -> memref<100000x32xf32, #tpu.memory_space<hbm>>
      tpu.wait_indirect_dma semaphore(%arg11 : memref<!tpu.dma_semaphore, #tpu.memory_space<semaphore_mem>>) src(%dma_wait3A_114 : memref<100000x32xf32, #tpu.memory_space<hbm>>) dst(%arg8 : memref<128x32xf32, #tpu.memory_space<vmem>>)
      "tpu.region"() ({
        %run_scoped3A = tpu.sem_alloc : memref<!tpu.dma_semaphore, #tpu.memory_space<semaphore_mem>>
        %dma_start3A_115 = arith.constant 0 : i32
        %dma_start3A_116 = arith.constant 0 : i32
        %dma_start3A_117 = tpu.memref_slice %arg10[%dma_start3A_115, %dma_start3A_116] : memref<50048x32xf32, #tpu.memory_space<vmem_shared>> -> memref<50048x32xf32, #tpu.memory_space<vmem_shared>>
        tpu.enqueue_indirect_dma source(%arg8 : memref<128x32xf32, #tpu.memory_space<vmem>>) target(%dma_start3A_117 : memref<50048x32xf32, #tpu.memory_space<vmem_shared>>) offsets(%arg7 : memref<128xi32, #tpu.memory_space<vmem>>) semaphore(%run_scoped3A : memref<!tpu.dma_semaphore, #tpu.memory_space<semaphore_mem>>) {add = true}
        %dma_wait3A_118 = arith.constant 0 : i32
        %dma_wait3A_119 = arith.constant 0 : i32
        %dma_wait3A_120 = tpu.memref_slice %arg10[%dma_wait3A_118, %dma_wait3A_119] : memref<50048x32xf32, #tpu.memory_space<vmem_shared>> -> memref<50048x32xf32, #tpu.memory_space<vmem_shared>>
        tpu.wait_indirect_dma semaphore(%run_scoped3A : memref<!tpu.dma_semaphore, #tpu.memory_space<semaphore_mem>>) src(%arg8 : memref<128x32xf32, #tpu.memory_space<vmem>>) dst(%dma_wait3A_120 : memref<50048x32xf32, #tpu.memory_space<vmem_shared>>)
        tpu.yield
      }) : () -> ()
    }
    %scan3A_22 = arith.constant 391 : i32
    %barrier3A_23 = arith.constant 0 : index
    tpu.barrier barrier_id(%barrier3A_23)
    %mul3A_24 = arith.constant 50048 : i32
    %mul3A_25 = arith.muli %arg0, %mul3A_24 : i32
    %add3A_26 = arith.addi %mul3A_25, %mul3A_5 : i32
    %scan3A_27 = arith.constant 0 : i32
    %scan3A_28 = arith.constant 0 : i32
    %scan3A_29 = arith.constant 24 : i32
    %scan3A_30 = arith.addi %scan3A_28, %scan3A_29 : i32
    %scan3A_31 = arith.constant 1 : i32
    scf.for %scan3A_37 = %scan3A_28 to %scan3A_30 step %scan3A_31  : i32 {
      %mul3A_38 = arith.constant 128 : i32
      %mul3A_39 = arith.muli %scan3A_37, %mul3A_38 : i32
      %add3A_40 = arith.addi %mul3A_5, %mul3A_39 : i32
      %mul3A_41 = arith.constant 128 : i32
      %mul3A_42 = arith.muli %scan3A_37, %mul3A_41 : i32
      %add3A_43 = arith.addi %add3A_26, %mul3A_42 : i32
      "tpu.region"() ({
        %run_scoped3A = tpu.sem_alloc : memref<!tpu.dma_semaphore, #tpu.memory_space<semaphore_mem>>
        %dma_start3A = arith.constant 0 : i32
        %dma_start3A_44 = tpu.memref_slice %arg5[%add3A_43, %dma_start3A] : memref<100096x32xf32, #tpu.memory_space<hbm>> -> memref<128x32xf32, #tpu.memory_space<hbm>>
        %dma_start3A_45 = arith.constant 0 : i32
        %dma_start3A_46 = tpu.memref_slice %arg10[%add3A_40, %dma_start3A_45] : memref<50048x32xf32, #tpu.memory_space<vmem_shared>> -> memref<128x32xf32, #tpu.memory_space<vmem_shared>>
        tpu.enqueue_dma source(%dma_start3A_46 : memref<128x32xf32, #tpu.memory_space<vmem_shared>>) target(%dma_start3A_44 : memref<128x32xf32, #tpu.memory_space<hbm>>) target_semaphore(%run_scoped3A : memref<!tpu.dma_semaphore, #tpu.memory_space<semaphore_mem>>)
        %dma_wait3A = arith.constant 0 : i32
        %dma_wait3A_47 = tpu.memref_slice %arg5[%add3A_43, %dma_wait3A] : memref<100096x32xf32, #tpu.memory_space<hbm>> -> memref<128x32xf32, #tpu.memory_space<hbm>>
        %dma_wait3A_48 = arith.constant 0 : i32
        %dma_wait3A_49 = tpu.memref_slice %arg10[%add3A_40, %dma_wait3A_48] : memref<50048x32xf32, #tpu.memory_space<vmem_shared>> -> memref<128x32xf32, #tpu.memory_space<vmem_shared>>
        tpu.wait_dma2 semaphore(%run_scoped3A : memref<!tpu.dma_semaphore, #tpu.memory_space<semaphore_mem>>) src(%dma_wait3A_49 : memref<128x32xf32, #tpu.memory_space<vmem_shared>>) dst(%dma_wait3A_47 : memref<128x32xf32, #tpu.memory_space<hbm>>)
        tpu.yield
      }) : () -> ()
    }
    %scan3A_32 = arith.constant 24 : i32
    %add3A_33 = arith.constant 3072 : i32
    %add3A_34 = arith.addi %mul3A_5, %add3A_33 : i32
    %add3A_35 = arith.constant 3072 : i32
    %add3A_36 = arith.addi %add3A_26, %add3A_35 : i32
    "tpu.region"() ({
      %run_scoped3A = tpu.sem_alloc : memref<!tpu.dma_semaphore, #tpu.memory_space<semaphore_mem>>
      %dma_start3A = arith.constant 0 : i32
      %dma_start3A_37 = tpu.memref_slice %arg5[%add3A_36, %dma_start3A] : memref<100096x32xf32, #tpu.memory_space<hbm>> -> memref<56x32xf32, #tpu.memory_space<hbm>>
      %dma_start3A_38 = arith.constant 0 : i32
      %dma_start3A_39 = tpu.memref_slice %arg10[%add3A_34, %dma_start3A_38] : memref<50048x32xf32, #tpu.memory_space<vmem_shared>> -> memref<56x32xf32, #tpu.memory_space<vmem_shared>>
      tpu.enqueue_dma source(%dma_start3A_39 : memref<56x32xf32, #tpu.memory_space<vmem_shared>>) target(%dma_start3A_37 : memref<56x32xf32, #tpu.memory_space<hbm>>) target_semaphore(%run_scoped3A : memref<!tpu.dma_semaphore, #tpu.memory_space<semaphore_mem>>)
      %dma_wait3A = arith.constant 0 : i32
      %dma_wait3A_40 = tpu.memref_slice %arg5[%add3A_36, %dma_wait3A] : memref<100096x32xf32, #tpu.memory_space<hbm>> -> memref<56x32xf32, #tpu.memory_space<hbm>>
      %dma_wait3A_41 = arith.constant 0 : i32
      %dma_wait3A_42 = tpu.memref_slice %arg10[%add3A_34, %dma_wait3A_41] : memref<50048x32xf32, #tpu.memory_space<vmem_shared>> -> memref<56x32xf32, #tpu.memory_space<vmem_shared>>
      tpu.wait_dma2 semaphore(%run_scoped3A : memref<!tpu.dma_semaphore, #tpu.memory_space<semaphore_mem>>) src(%dma_wait3A_42 : memref<56x32xf32, #tpu.memory_space<vmem_shared>>) dst(%dma_wait3A_40 : memref<56x32xf32, #tpu.memory_space<hbm>>)
      tpu.yield
    }) : () -> ()
    return
  }
}

#map = affine_map<(d0, d1) -> (0)>
#map1 = affine_map<(d0, d1) -> (0, 0)>
module attributes {stable_mosaic.version = 14 : i64} {
  func.func @cnt_kernel(%arg0: i32, %arg1: i32, %arg2: memref<323584xi32, #tpu.memory_space<hbm>>, %arg3: memref<20224x16xf32, #tpu.memory_space<hbm>>, %arg4: memref<128xi32, #tpu.memory_space<vmem>>, %arg5: memref<128x16xf32, #tpu.memory_space<vmem>>, %arg6: memref<128x16xf32, #tpu.memory_space<vmem>>, %arg7: memref<10112x16xf32, #tpu.memory_space<vmem_shared>>) attributes {dimension_semantics = [#tpu.dimension_semantics<core_parallel>, #tpu.dimension_semantics<subcore_parallel>], iteration_bounds = array<i64: 2, 16>, scalar_prefetch = 0 : i64, scratch_operands = 4 : i64, tpu.core_type = #tpu.core_type<sc_vector_subcore>, window_params = [{transform_indices = #map}, {transform_indices = #map1}]} {
    %scan3A = arith.constant 0 : i32
    %scan3A_0 = arith.constant 0 : i32
    %scan3A_1 = arith.constant 128 : i32
    %scan3A_2 = arith.addi %scan3A_0, %scan3A_1 : i32
    %scan3A_3 = arith.constant 1 : i32
    scf.for %scan3A_38 = %scan3A_0 to %scan3A_2 step %scan3A_3  : i32 {
      %broadcast_in_dim3A = arith.constant 1.000000e+00 : f32
      %broadcast_in_dim3A_39 = vector.broadcast %broadcast_in_dim3A : f32 to vector<16xf32>
      %swap3A = arith.index_cast %scan3A_38 : i32 to index
      %swap3A_40 = arith.constant 0 : index
      %swap3A_41 = tpu.vector_load %arg5[%swap3A, %swap3A_40] {strides = array<i32>} : memref<128x16xf32, #tpu.memory_space<vmem>>, vector<1x16xf32>,
      %swap3A_42 = vector.shape_cast %swap3A_41 : vector<1x16xf32> to vector<16xf32>
      %swap3A_43 = vector.shape_cast %broadcast_in_dim3A_39 : vector<16xf32> to vector<1x16xf32>
      tpu.vector_store %arg5[%swap3A, %swap3A_40], %swap3A_43 {strides = array<i32>} : memref<128x16xf32, #tpu.memory_space<vmem>>, vector<1x16xf32>,
      %broadcast_in_dim3A_44 = arith.constant 0.000000e+00 : f32
      %broadcast_in_dim3A_45 = vector.broadcast %broadcast_in_dim3A_44 : f32 to vector<16xf32>
      %swap3A_46 = arith.index_cast %scan3A_38 : i32 to index
      %swap3A_47 = arith.constant 0 : index
      %swap3A_48 = tpu.vector_load %arg6[%swap3A_46, %swap3A_47] {strides = array<i32>} : memref<128x16xf32, #tpu.memory_space<vmem>>, vector<1x16xf32>,
      %swap3A_49 = vector.shape_cast %swap3A_48 : vector<1x16xf32> to vector<16xf32>
      %swap3A_50 = vector.shape_cast %broadcast_in_dim3A_45 : vector<16xf32> to vector<1x16xf32>
      tpu.vector_store %arg6[%swap3A_46, %swap3A_47], %swap3A_50 {strides = array<i32>} : memref<128x16xf32, #tpu.memory_space<vmem>>, vector<1x16xf32>,
    }
    %scan3A_4 = arith.constant 128 : i32
    %mul3A = arith.constant 632 : i32
    %mul3A_5 = arith.muli %arg1, %mul3A : i32
    %scan3A_6 = arith.constant 0 : i32
    %scan3A_7 = arith.constant 0 : i32
    %scan3A_8 = arith.constant 4 : i32
    %scan3A_9 = arith.addi %scan3A_7, %scan3A_8 : i32
    %scan3A_10 = arith.constant 1 : i32
    scf.for %scan3A_38 = %scan3A_7 to %scan3A_9 step %scan3A_10  : i32 {
      %mul3A_39 = arith.constant 128 : i32
      %mul3A_40 = arith.muli %scan3A_38, %mul3A_39 : i32
      %add3A_41 = arith.addi %mul3A_5, %mul3A_40 : i32
      "tpu.region"() ({
        %run_scoped3A = tpu.sem_alloc : memref<!tpu.dma_semaphore, #tpu.memory_space<semaphore_mem>>
        %dma_start3A = arith.constant 0 : i32
        %dma_start3A_42 = tpu.memref_slice %arg7[%add3A_41, %dma_start3A] : memref<10112x16xf32, #tpu.memory_space<vmem_shared>> -> memref<128x16xf32, #tpu.memory_space<vmem_shared>>
        %dma_start3A_43 = arith.constant 0 : i32
        %dma_start3A_44 = tpu.memref_slice %arg7[%add3A_41, %dma_start3A_43] : memref<10112x16xf32, #tpu.memory_space<vmem_shared>> -> memref<128x16xf32, #tpu.memory_space<vmem_shared>>
        tpu.enqueue_dma source(%arg6 : memref<128x16xf32, #tpu.memory_space<vmem>>) target(%dma_start3A_44 : memref<128x16xf32, #tpu.memory_space<vmem_shared>>) target_semaphore(%run_scoped3A : memref<!tpu.dma_semaphore, #tpu.memory_space<semaphore_mem>>)
        %dma_wait3A = arith.constant 0 : i32
        %dma_wait3A_45 = tpu.memref_slice %arg7[%add3A_41, %dma_wait3A] : memref<10112x16xf32, #tpu.memory_space<vmem_shared>> -> memref<128x16xf32, #tpu.memory_space<vmem_shared>>
        %dma_wait3A_46 = arith.constant 0 : i32
        %dma_wait3A_47 = tpu.memref_slice %arg7[%add3A_41, %dma_wait3A_46] : memref<10112x16xf32, #tpu.memory_space<vmem_shared>> -> memref<128x16xf32, #tpu.memory_space<vmem_shared>>
        tpu.wait_dma2 semaphore(%run_scoped3A : memref<!tpu.dma_semaphore, #tpu.memory_space<semaphore_mem>>) src(%arg6 : memref<128x16xf32, #tpu.memory_space<vmem>>) dst(%dma_wait3A_47 : memref<128x16xf32, #tpu.memory_space<vmem_shared>>)
        tpu.yield
      }) : () -> ()
    }
    %scan3A_11 = arith.constant 4 : i32
    %add3A = arith.constant 512 : i32
    %add3A_12 = arith.addi %mul3A_5, %add3A : i32
    "tpu.region"() ({
      %run_scoped3A = tpu.sem_alloc : memref<!tpu.dma_semaphore, #tpu.memory_space<semaphore_mem>>
      %dma_start3A = arith.constant 0 : i32
      %dma_start3A_38 = arith.constant 0 : i32
      %dma_start3A_39 = tpu.memref_slice %arg6[%dma_start3A, %dma_start3A_38] : memref<128x16xf32, #tpu.memory_space<vmem>> -> memref<120x16xf32, #tpu.memory_space<vmem>>
      %dma_start3A_40 = arith.constant 0 : i32
      %dma_start3A_41 = tpu.memref_slice %arg7[%add3A_12, %dma_start3A_40] : memref<10112x16xf32, #tpu.memory_space<vmem_shared>> -> memref<120x16xf32, #tpu.memory_space<vmem_shared>>
      %dma_start3A_42 = arith.constant 0 : i32
      %dma_start3A_43 = tpu.memref_slice %arg7[%add3A_12, %dma_start3A_42] : memref<10112x16xf32, #tpu.memory_space<vmem_shared>> -> memref<120x16xf32, #tpu.memory_space<vmem_shared>>
      %dma_start3A_44 = arith.constant 0 : i32
      %dma_start3A_45 = arith.constant 0 : i32
      %dma_start3A_46 = tpu.memref_slice %arg6[%dma_start3A_44, %dma_start3A_45] : memref<128x16xf32, #tpu.memory_space<vmem>> -> memref<120x16xf32, #tpu.memory_space<vmem>>
      tpu.enqueue_dma source(%dma_start3A_46 : memref<120x16xf32, #tpu.memory_space<vmem>>) target(%dma_start3A_43 : memref<120x16xf32, #tpu.memory_space<vmem_shared>>) target_semaphore(%run_scoped3A : memref<!tpu.dma_semaphore, #tpu.memory_space<semaphore_mem>>)
      %dma_wait3A = arith.constant 0 : i32
      %dma_wait3A_47 = arith.constant 0 : i32
      %dma_wait3A_48 = tpu.memref_slice %arg6[%dma_wait3A, %dma_wait3A_47] : memref<128x16xf32, #tpu.memory_space<vmem>> -> memref<120x16xf32, #tpu.memory_space<vmem>>
      %dma_wait3A_49 = arith.constant 0 : i32
      %dma_wait3A_50 = tpu.memref_slice %arg7[%add3A_12, %dma_wait3A_49] : memref<10112x16xf32, #tpu.memory_space<vmem_shared>> -> memref<120x16xf32, #tpu.memory_space<vmem_shared>>
      %dma_wait3A_51 = arith.constant 0 : i32
      %dma_wait3A_52 = tpu.memref_slice %arg7[%add3A_12, %dma_wait3A_51] : memref<10112x16xf32, #tpu.memory_space<vmem_shared>> -> memref<120x16xf32, #tpu.memory_space<vmem_shared>>
      %dma_wait3A_53 = arith.constant 0 : i32
      %dma_wait3A_54 = arith.constant 0 : i32
      %dma_wait3A_55 = tpu.memref_slice %arg6[%dma_wait3A_53, %dma_wait3A_54] : memref<128x16xf32, #tpu.memory_space<vmem>> -> memref<120x16xf32, #tpu.memory_space<vmem>>
      tpu.wait_dma2 semaphore(%run_scoped3A : memref<!tpu.dma_semaphore, #tpu.memory_space<semaphore_mem>>) src(%dma_wait3A_55 : memref<120x16xf32, #tpu.memory_space<vmem>>) dst(%dma_wait3A_52 : memref<120x16xf32, #tpu.memory_space<vmem_shared>>)
      tpu.yield
    }) : () -> ()
    %barrier3A = arith.constant 0 : index
    tpu.barrier barrier_id(%barrier3A)
    %mul3A_13 = arith.constant 16 : i32
    %mul3A_14 = arith.muli %arg0, %mul3A_13 : i32
    %add3A_15 = arith.addi %mul3A_14, %arg1 : i32
    %mul3A_16 = arith.constant 10112 : i32
    %mul3A_17 = arith.muli %add3A_15, %mul3A_16 : i32
    %scan3A_18 = arith.constant 0 : i32
    %scan3A_19 = arith.constant 0 : i32
    %scan3A_20 = arith.constant 79 : i32
    %scan3A_21 = arith.addi %scan3A_19, %scan3A_20 : i32
    %scan3A_22 = arith.constant 1 : i32
    scf.for %scan3A_38 = %scan3A_19 to %scan3A_21 step %scan3A_22  : i32 {
      %mul3A_39 = arith.constant 128 : i32
      %mul3A_40 = arith.muli %scan3A_38, %mul3A_39 : i32
      %add3A_41 = arith.addi %mul3A_17, %mul3A_40 : i32
      "tpu.region"() ({
        %run_scoped3A = tpu.sem_alloc : memref<!tpu.dma_semaphore, #tpu.memory_space<semaphore_mem>>
        %dma_start3A = tpu.memref_slice %arg2[%add3A_41] : memref<323584xi32, #tpu.memory_space<hbm>> -> memref<128xi32, #tpu.memory_space<hbm>>
        %dma_start3A_42 = tpu.memref_slice %arg2[%add3A_41] : memref<323584xi32, #tpu.memory_space<hbm>> -> memref<128xi32, #tpu.memory_space<hbm>>
        tpu.enqueue_dma source(%dma_start3A_42 : memref<128xi32, #tpu.memory_space<hbm>>) target(%arg4 : memref<128xi32, #tpu.memory_space<vmem>>) target_semaphore(%run_scoped3A : memref<!tpu.dma_semaphore, #tpu.memory_space<semaphore_mem>>)
        %dma_wait3A = tpu.memref_slice %arg2[%add3A_41] : memref<323584xi32, #tpu.memory_space<hbm>> -> memref<128xi32, #tpu.memory_space<hbm>>
        %dma_wait3A_43 = tpu.memref_slice %arg2[%add3A_41] : memref<323584xi32, #tpu.memory_space<hbm>> -> memref<128xi32, #tpu.memory_space<hbm>>
        tpu.wait_dma2 semaphore(%run_scoped3A : memref<!tpu.dma_semaphore, #tpu.memory_space<semaphore_mem>>) src(%dma_wait3A_43 : memref<128xi32, #tpu.memory_space<hbm>>) dst(%arg4 : memref<128xi32, #tpu.memory_space<vmem>>)
        tpu.yield
      }) : () -> ()
      "tpu.region"() ({
        %run_scoped3A = tpu.sem_alloc : memref<!tpu.dma_semaphore, #tpu.memory_space<semaphore_mem>>
        %dma_start3A = arith.constant 0 : i32
        %dma_start3A_42 = arith.constant 0 : i32
        %dma_start3A_43 = tpu.memref_slice %arg7[%dma_start3A, %dma_start3A_42] : memref<10112x16xf32, #tpu.memory_space<vmem_shared>> -> memref<10112x16xf32, #tpu.memory_space<vmem_shared>>
        tpu.enqueue_indirect_dma source(%arg5 : memref<128x16xf32, #tpu.memory_space<vmem>>) target(%dma_start3A_43 : memref<10112x16xf32, #tpu.memory_space<vmem_shared>>) offsets(%arg4 : memref<128xi32, #tpu.memory_space<vmem>>) semaphore(%run_scoped3A : memref<!tpu.dma_semaphore, #tpu.memory_space<semaphore_mem>>) {add = true}
        %dma_wait3A = arith.constant 0 : i32
        %dma_wait3A_44 = arith.constant 0 : i32
        %dma_wait3A_45 = tpu.memref_slice %arg7[%dma_wait3A, %dma_wait3A_44] : memref<10112x16xf32, #tpu.memory_space<vmem_shared>> -> memref<10112x16xf32, #tpu.memory_space<vmem_shared>>
        tpu.wait_indirect_dma semaphore(%run_scoped3A : memref<!tpu.dma_semaphore, #tpu.memory_space<semaphore_mem>>) src(%arg5 : memref<128x16xf32, #tpu.memory_space<vmem>>) dst(%dma_wait3A_45 : memref<10112x16xf32, #tpu.memory_space<vmem_shared>>)
        tpu.yield
      }) : () -> ()
    }
    %scan3A_23 = arith.constant 79 : i32
    %barrier3A_24 = arith.constant 0 : index
    tpu.barrier barrier_id(%barrier3A_24)
    %mul3A_25 = arith.constant 10112 : i32
    %mul3A_26 = arith.muli %arg0, %mul3A_25 : i32
    %add3A_27 = arith.addi %mul3A_26, %mul3A_5 : i32
    %scan3A_28 = arith.constant 0 : i32
    %scan3A_29 = arith.constant 0 : i32
    %scan3A_30 = arith.constant 4 : i32
    %scan3A_31 = arith.addi %scan3A_29, %scan3A_30 : i32
    %scan3A_32 = arith.constant 1 : i32
    scf.for %scan3A_38 = %scan3A_29 to %scan3A_31 step %scan3A_32  : i32 {
      %mul3A_39 = arith.constant 128 : i32
      %mul3A_40 = arith.muli %scan3A_38, %mul3A_39 : i32
      %add3A_41 = arith.addi %mul3A_5, %mul3A_40 : i32
      %mul3A_42 = arith.constant 128 : i32
      %mul3A_43 = arith.muli %scan3A_38, %mul3A_42 : i32
      %add3A_44 = arith.addi %add3A_27, %mul3A_43 : i32
      "tpu.region"() ({
        %run_scoped3A = tpu.sem_alloc : memref<!tpu.dma_semaphore, #tpu.memory_space<semaphore_mem>>
        %dma_start3A = arith.constant 0 : i32
        %dma_start3A_45 = tpu.memref_slice %arg3[%add3A_44, %dma_start3A] : memref<20224x16xf32, #tpu.memory_space<hbm>> -> memref<128x16xf32, #tpu.memory_space<hbm>>
        %dma_start3A_46 = arith.constant 0 : i32
        %dma_start3A_47 = tpu.memref_slice %arg7[%add3A_41, %dma_start3A_46] : memref<10112x16xf32, #tpu.memory_space<vmem_shared>> -> memref<128x16xf32, #tpu.memory_space<vmem_shared>>
        tpu.enqueue_dma source(%dma_start3A_47 : memref<128x16xf32, #tpu.memory_space<vmem_shared>>) target(%dma_start3A_45 : memref<128x16xf32, #tpu.memory_space<hbm>>) target_semaphore(%run_scoped3A : memref<!tpu.dma_semaphore, #tpu.memory_space<semaphore_mem>>)
        %dma_wait3A = arith.constant 0 : i32
        %dma_wait3A_48 = tpu.memref_slice %arg3[%add3A_44, %dma_wait3A] : memref<20224x16xf32, #tpu.memory_space<hbm>> -> memref<128x16xf32, #tpu.memory_space<hbm>>
        %dma_wait3A_49 = arith.constant 0 : i32
        %dma_wait3A_50 = tpu.memref_slice %arg7[%add3A_41, %dma_wait3A_49] : memref<10112x16xf32, #tpu.memory_space<vmem_shared>> -> memref<128x16xf32, #tpu.memory_space<vmem_shared>>
        tpu.wait_dma2 semaphore(%run_scoped3A : memref<!tpu.dma_semaphore, #tpu.memory_space<semaphore_mem>>) src(%dma_wait3A_50 : memref<128x16xf32, #tpu.memory_space<vmem_shared>>) dst(%dma_wait3A_48 : memref<128x16xf32, #tpu.memory_space<hbm>>)
        tpu.yield
      }) : () -> ()
    }
    %scan3A_33 = arith.constant 4 : i32
    %add3A_34 = arith.constant 512 : i32
    %add3A_35 = arith.addi %mul3A_5, %add3A_34 : i32
    %add3A_36 = arith.constant 512 : i32
    %add3A_37 = arith.addi %add3A_27, %add3A_36 : i32
    "tpu.region"() ({
      %run_scoped3A = tpu.sem_alloc : memref<!tpu.dma_semaphore, #tpu.memory_space<semaphore_mem>>
      %dma_start3A = arith.constant 0 : i32
      %dma_start3A_38 = tpu.memref_slice %arg3[%add3A_37, %dma_start3A] : memref<20224x16xf32, #tpu.memory_space<hbm>> -> memref<120x16xf32, #tpu.memory_space<hbm>>
      %dma_start3A_39 = arith.constant 0 : i32
      %dma_start3A_40 = tpu.memref_slice %arg7[%add3A_35, %dma_start3A_39] : memref<10112x16xf32, #tpu.memory_space<vmem_shared>> -> memref<120x16xf32, #tpu.memory_space<vmem_shared>>
      tpu.enqueue_dma source(%dma_start3A_40 : memref<120x16xf32, #tpu.memory_space<vmem_shared>>) target(%dma_start3A_38 : memref<120x16xf32, #tpu.memory_space<hbm>>) target_semaphore(%run_scoped3A : memref<!tpu.dma_semaphore, #tpu.memory_space<semaphore_mem>>)
      %dma_wait3A = arith.constant 0 : i32
      %dma_wait3A_41 = tpu.memref_slice %arg3[%add3A_37, %dma_wait3A] : memref<20224x16xf32, #tpu.memory_space<hbm>> -> memref<120x16xf32, #tpu.memory_space<hbm>>
      %dma_wait3A_42 = arith.constant 0 : i32
      %dma_wait3A_43 = tpu.memref_slice %arg7[%add3A_35, %dma_wait3A_42] : memref<10112x16xf32, #tpu.memory_space<vmem_shared>> -> memref<120x16xf32, #tpu.memory_space<vmem_shared>>
      tpu.wait_dma2 semaphore(%run_scoped3A : memref<!tpu.dma_semaphore, #tpu.memory_space<semaphore_mem>>) src(%dma_wait3A_43 : memref<120x16xf32, #tpu.memory_space<vmem_shared>>) dst(%dma_wait3A_41 : memref<120x16xf32, #tpu.memory_space<hbm>>)
      tpu.yield
    }) : () -> ()
    return
  }
}

#map = affine_map<(d0, d1) -> (0)>
#map1 = affine_map<(d0, d1) -> (0, 0)>
module attributes {stable_mosaic.version = 14 : i64} {
  func.func @cnt_kernel(%arg0: i32, %arg1: i32, %arg2: memref<323584xi32, #tpu.memory_space<hbm>>, %arg3: memref<100096x16xf32, #tpu.memory_space<hbm>>, %arg4: memref<128xi32, #tpu.memory_space<vmem>>, %arg5: memref<128x16xf32, #tpu.memory_space<vmem>>, %arg6: memref<128x16xf32, #tpu.memory_space<vmem>>, %arg7: memref<50048x16xf32, #tpu.memory_space<vmem_shared>>) attributes {dimension_semantics = [#tpu.dimension_semantics<core_parallel>, #tpu.dimension_semantics<subcore_parallel>], iteration_bounds = array<i64: 2, 16>, scalar_prefetch = 0 : i64, scratch_operands = 4 : i64, tpu.core_type = #tpu.core_type<sc_vector_subcore>, window_params = [{transform_indices = #map}, {transform_indices = #map1}]} {
    %scan3A = arith.constant 0 : i32
    %scan3A_0 = arith.constant 0 : i32
    %scan3A_1 = arith.constant 128 : i32
    %scan3A_2 = arith.addi %scan3A_0, %scan3A_1 : i32
    %scan3A_3 = arith.constant 1 : i32
    scf.for %scan3A_38 = %scan3A_0 to %scan3A_2 step %scan3A_3  : i32 {
      %broadcast_in_dim3A = arith.constant 1.000000e+00 : f32
      %broadcast_in_dim3A_39 = vector.broadcast %broadcast_in_dim3A : f32 to vector<16xf32>
      %swap3A = arith.index_cast %scan3A_38 : i32 to index
      %swap3A_40 = arith.constant 0 : index
      %swap3A_41 = tpu.vector_load %arg5[%swap3A, %swap3A_40] {strides = array<i32>} : memref<128x16xf32, #tpu.memory_space<vmem>>, vector<1x16xf32>,
      %swap3A_42 = vector.shape_cast %swap3A_41 : vector<1x16xf32> to vector<16xf32>
      %swap3A_43 = vector.shape_cast %broadcast_in_dim3A_39 : vector<16xf32> to vector<1x16xf32>
      tpu.vector_store %arg5[%swap3A, %swap3A_40], %swap3A_43 {strides = array<i32>} : memref<128x16xf32, #tpu.memory_space<vmem>>, vector<1x16xf32>,
      %broadcast_in_dim3A_44 = arith.constant 0.000000e+00 : f32
      %broadcast_in_dim3A_45 = vector.broadcast %broadcast_in_dim3A_44 : f32 to vector<16xf32>
      %swap3A_46 = arith.index_cast %scan3A_38 : i32 to index
      %swap3A_47 = arith.constant 0 : index
      %swap3A_48 = tpu.vector_load %arg6[%swap3A_46, %swap3A_47] {strides = array<i32>} : memref<128x16xf32, #tpu.memory_space<vmem>>, vector<1x16xf32>,
      %swap3A_49 = vector.shape_cast %swap3A_48 : vector<1x16xf32> to vector<16xf32>
      %swap3A_50 = vector.shape_cast %broadcast_in_dim3A_45 : vector<16xf32> to vector<1x16xf32>
      tpu.vector_store %arg6[%swap3A_46, %swap3A_47], %swap3A_50 {strides = array<i32>} : memref<128x16xf32, #tpu.memory_space<vmem>>, vector<1x16xf32>,
    }
    %scan3A_4 = arith.constant 128 : i32
    %mul3A = arith.constant 3128 : i32
    %mul3A_5 = arith.muli %arg1, %mul3A : i32
    %scan3A_6 = arith.constant 0 : i32
    %scan3A_7 = arith.constant 0 : i32
    %scan3A_8 = arith.constant 24 : i32
    %scan3A_9 = arith.addi %scan3A_7, %scan3A_8 : i32
    %scan3A_10 = arith.constant 1 : i32
    scf.for %scan3A_38 = %scan3A_7 to %scan3A_9 step %scan3A_10  : i32 {
      %mul3A_39 = arith.constant 128 : i32
      %mul3A_40 = arith.muli %scan3A_38, %mul3A_39 : i32
      %add3A_41 = arith.addi %mul3A_5, %mul3A_40 : i32
      "tpu.region"() ({
        %run_scoped3A = tpu.sem_alloc : memref<!tpu.dma_semaphore, #tpu.memory_space<semaphore_mem>>
        %dma_start3A = arith.constant 0 : i32
        %dma_start3A_42 = tpu.memref_slice %arg7[%add3A_41, %dma_start3A] : memref<50048x16xf32, #tpu.memory_space<vmem_shared>> -> memref<128x16xf32, #tpu.memory_space<vmem_shared>>
        %dma_start3A_43 = arith.constant 0 : i32
        %dma_start3A_44 = tpu.memref_slice %arg7[%add3A_41, %dma_start3A_43] : memref<50048x16xf32, #tpu.memory_space<vmem_shared>> -> memref<128x16xf32, #tpu.memory_space<vmem_shared>>
        tpu.enqueue_dma source(%arg6 : memref<128x16xf32, #tpu.memory_space<vmem>>) target(%dma_start3A_44 : memref<128x16xf32, #tpu.memory_space<vmem_shared>>) target_semaphore(%run_scoped3A : memref<!tpu.dma_semaphore, #tpu.memory_space<semaphore_mem>>)
        %dma_wait3A = arith.constant 0 : i32
        %dma_wait3A_45 = tpu.memref_slice %arg7[%add3A_41, %dma_wait3A] : memref<50048x16xf32, #tpu.memory_space<vmem_shared>> -> memref<128x16xf32, #tpu.memory_space<vmem_shared>>
        %dma_wait3A_46 = arith.constant 0 : i32
        %dma_wait3A_47 = tpu.memref_slice %arg7[%add3A_41, %dma_wait3A_46] : memref<50048x16xf32, #tpu.memory_space<vmem_shared>> -> memref<128x16xf32, #tpu.memory_space<vmem_shared>>
        tpu.wait_dma2 semaphore(%run_scoped3A : memref<!tpu.dma_semaphore, #tpu.memory_space<semaphore_mem>>) src(%arg6 : memref<128x16xf32, #tpu.memory_space<vmem>>) dst(%dma_wait3A_47 : memref<128x16xf32, #tpu.memory_space<vmem_shared>>)
        tpu.yield
      }) : () -> ()
    }
    %scan3A_11 = arith.constant 24 : i32
    %add3A = arith.constant 3072 : i32
    %add3A_12 = arith.addi %mul3A_5, %add3A : i32
    "tpu.region"() ({
      %run_scoped3A = tpu.sem_alloc : memref<!tpu.dma_semaphore, #tpu.memory_space<semaphore_mem>>
      %dma_start3A = arith.constant 0 : i32
      %dma_start3A_38 = arith.constant 0 : i32
      %dma_start3A_39 = tpu.memref_slice %arg6[%dma_start3A, %dma_start3A_38] : memref<128x16xf32, #tpu.memory_space<vmem>> -> memref<56x16xf32, #tpu.memory_space<vmem>>
      %dma_start3A_40 = arith.constant 0 : i32
      %dma_start3A_41 = tpu.memref_slice %arg7[%add3A_12, %dma_start3A_40] : memref<50048x16xf32, #tpu.memory_space<vmem_shared>> -> memref<56x16xf32, #tpu.memory_space<vmem_shared>>
      %dma_start3A_42 = arith.constant 0 : i32
      %dma_start3A_43 = tpu.memref_slice %arg7[%add3A_12, %dma_start3A_42] : memref<50048x16xf32, #tpu.memory_space<vmem_shared>> -> memref<56x16xf32, #tpu.memory_space<vmem_shared>>
      %dma_start3A_44 = arith.constant 0 : i32
      %dma_start3A_45 = arith.constant 0 : i32
      %dma_start3A_46 = tpu.memref_slice %arg6[%dma_start3A_44, %dma_start3A_45] : memref<128x16xf32, #tpu.memory_space<vmem>> -> memref<56x16xf32, #tpu.memory_space<vmem>>
      tpu.enqueue_dma source(%dma_start3A_46 : memref<56x16xf32, #tpu.memory_space<vmem>>) target(%dma_start3A_43 : memref<56x16xf32, #tpu.memory_space<vmem_shared>>) target_semaphore(%run_scoped3A : memref<!tpu.dma_semaphore, #tpu.memory_space<semaphore_mem>>)
      %dma_wait3A = arith.constant 0 : i32
      %dma_wait3A_47 = arith.constant 0 : i32
      %dma_wait3A_48 = tpu.memref_slice %arg6[%dma_wait3A, %dma_wait3A_47] : memref<128x16xf32, #tpu.memory_space<vmem>> -> memref<56x16xf32, #tpu.memory_space<vmem>>
      %dma_wait3A_49 = arith.constant 0 : i32
      %dma_wait3A_50 = tpu.memref_slice %arg7[%add3A_12, %dma_wait3A_49] : memref<50048x16xf32, #tpu.memory_space<vmem_shared>> -> memref<56x16xf32, #tpu.memory_space<vmem_shared>>
      %dma_wait3A_51 = arith.constant 0 : i32
      %dma_wait3A_52 = tpu.memref_slice %arg7[%add3A_12, %dma_wait3A_51] : memref<50048x16xf32, #tpu.memory_space<vmem_shared>> -> memref<56x16xf32, #tpu.memory_space<vmem_shared>>
      %dma_wait3A_53 = arith.constant 0 : i32
      %dma_wait3A_54 = arith.constant 0 : i32
      %dma_wait3A_55 = tpu.memref_slice %arg6[%dma_wait3A_53, %dma_wait3A_54] : memref<128x16xf32, #tpu.memory_space<vmem>> -> memref<56x16xf32, #tpu.memory_space<vmem>>
      tpu.wait_dma2 semaphore(%run_scoped3A : memref<!tpu.dma_semaphore, #tpu.memory_space<semaphore_mem>>) src(%dma_wait3A_55 : memref<56x16xf32, #tpu.memory_space<vmem>>) dst(%dma_wait3A_52 : memref<56x16xf32, #tpu.memory_space<vmem_shared>>)
      tpu.yield
    }) : () -> ()
    %barrier3A = arith.constant 0 : index
    tpu.barrier barrier_id(%barrier3A)
    %mul3A_13 = arith.constant 16 : i32
    %mul3A_14 = arith.muli %arg0, %mul3A_13 : i32
    %add3A_15 = arith.addi %mul3A_14, %arg1 : i32
    %mul3A_16 = arith.constant 10112 : i32
    %mul3A_17 = arith.muli %add3A_15, %mul3A_16 : i32
    %scan3A_18 = arith.constant 0 : i32
    %scan3A_19 = arith.constant 0 : i32
    %scan3A_20 = arith.constant 79 : i32
    %scan3A_21 = arith.addi %scan3A_19, %scan3A_20 : i32
    %scan3A_22 = arith.constant 1 : i32
    scf.for %scan3A_38 = %scan3A_19 to %scan3A_21 step %scan3A_22  : i32 {
      %mul3A_39 = arith.constant 128 : i32
      %mul3A_40 = arith.muli %scan3A_38, %mul3A_39 : i32
      %add3A_41 = arith.addi %mul3A_17, %mul3A_40 : i32
      "tpu.region"() ({
        %run_scoped3A = tpu.sem_alloc : memref<!tpu.dma_semaphore, #tpu.memory_space<semaphore_mem>>
        %dma_start3A = tpu.memref_slice %arg2[%add3A_41] : memref<323584xi32, #tpu.memory_space<hbm>> -> memref<128xi32, #tpu.memory_space<hbm>>
        %dma_start3A_42 = tpu.memref_slice %arg2[%add3A_41] : memref<323584xi32, #tpu.memory_space<hbm>> -> memref<128xi32, #tpu.memory_space<hbm>>
        tpu.enqueue_dma source(%dma_start3A_42 : memref<128xi32, #tpu.memory_space<hbm>>) target(%arg4 : memref<128xi32, #tpu.memory_space<vmem>>) target_semaphore(%run_scoped3A : memref<!tpu.dma_semaphore, #tpu.memory_space<semaphore_mem>>)
        %dma_wait3A = tpu.memref_slice %arg2[%add3A_41] : memref<323584xi32, #tpu.memory_space<hbm>> -> memref<128xi32, #tpu.memory_space<hbm>>
        %dma_wait3A_43 = tpu.memref_slice %arg2[%add3A_41] : memref<323584xi32, #tpu.memory_space<hbm>> -> memref<128xi32, #tpu.memory_space<hbm>>
        tpu.wait_dma2 semaphore(%run_scoped3A : memref<!tpu.dma_semaphore, #tpu.memory_space<semaphore_mem>>) src(%dma_wait3A_43 : memref<128xi32, #tpu.memory_space<hbm>>) dst(%arg4 : memref<128xi32, #tpu.memory_space<vmem>>)
        tpu.yield
      }) : () -> ()
      "tpu.region"() ({
        %run_scoped3A = tpu.sem_alloc : memref<!tpu.dma_semaphore, #tpu.memory_space<semaphore_mem>>
        %dma_start3A = arith.constant 0 : i32
        %dma_start3A_42 = arith.constant 0 : i32
        %dma_start3A_43 = tpu.memref_slice %arg7[%dma_start3A, %dma_start3A_42] : memref<50048x16xf32, #tpu.memory_space<vmem_shared>> -> memref<50048x16xf32, #tpu.memory_space<vmem_shared>>
        tpu.enqueue_indirect_dma source(%arg5 : memref<128x16xf32, #tpu.memory_space<vmem>>) target(%dma_start3A_43 : memref<50048x16xf32, #tpu.memory_space<vmem_shared>>) offsets(%arg4 : memref<128xi32, #tpu.memory_space<vmem>>) semaphore(%run_scoped3A : memref<!tpu.dma_semaphore, #tpu.memory_space<semaphore_mem>>) {add = true}
        %dma_wait3A = arith.constant 0 : i32
        %dma_wait3A_44 = arith.constant 0 : i32
        %dma_wait3A_45 = tpu.memref_slice %arg7[%dma_wait3A, %dma_wait3A_44] : memref<50048x16xf32, #tpu.memory_space<vmem_shared>> -> memref<50048x16xf32, #tpu.memory_space<vmem_shared>>
        tpu.wait_indirect_dma semaphore(%run_scoped3A : memref<!tpu.dma_semaphore, #tpu.memory_space<semaphore_mem>>) src(%arg5 : memref<128x16xf32, #tpu.memory_space<vmem>>) dst(%dma_wait3A_45 : memref<50048x16xf32, #tpu.memory_space<vmem_shared>>)
        tpu.yield
      }) : () -> ()
    }
    %scan3A_23 = arith.constant 79 : i32
    %barrier3A_24 = arith.constant 0 : index
    tpu.barrier barrier_id(%barrier3A_24)
    %mul3A_25 = arith.constant 50048 : i32
    %mul3A_26 = arith.muli %arg0, %mul3A_25 : i32
    %add3A_27 = arith.addi %mul3A_26, %mul3A_5 : i32
    %scan3A_28 = arith.constant 0 : i32
    %scan3A_29 = arith.constant 0 : i32
    %scan3A_30 = arith.constant 24 : i32
    %scan3A_31 = arith.addi %scan3A_29, %scan3A_30 : i32
    %scan3A_32 = arith.constant 1 : i32
    scf.for %scan3A_38 = %scan3A_29 to %scan3A_31 step %scan3A_32  : i32 {
      %mul3A_39 = arith.constant 128 : i32
      %mul3A_40 = arith.muli %scan3A_38, %mul3A_39 : i32
      %add3A_41 = arith.addi %mul3A_5, %mul3A_40 : i32
      %mul3A_42 = arith.constant 128 : i32
      %mul3A_43 = arith.muli %scan3A_38, %mul3A_42 : i32
      %add3A_44 = arith.addi %add3A_27, %mul3A_43 : i32
      "tpu.region"() ({
        %run_scoped3A = tpu.sem_alloc : memref<!tpu.dma_semaphore, #tpu.memory_space<semaphore_mem>>
        %dma_start3A = arith.constant 0 : i32
        %dma_start3A_45 = tpu.memref_slice %arg3[%add3A_44, %dma_start3A] : memref<100096x16xf32, #tpu.memory_space<hbm>> -> memref<128x16xf32, #tpu.memory_space<hbm>>
        %dma_start3A_46 = arith.constant 0 : i32
        %dma_start3A_47 = tpu.memref_slice %arg7[%add3A_41, %dma_start3A_46] : memref<50048x16xf32, #tpu.memory_space<vmem_shared>> -> memref<128x16xf32, #tpu.memory_space<vmem_shared>>
        tpu.enqueue_dma source(%dma_start3A_47 : memref<128x16xf32, #tpu.memory_space<vmem_shared>>) target(%dma_start3A_45 : memref<128x16xf32, #tpu.memory_space<hbm>>) target_semaphore(%run_scoped3A : memref<!tpu.dma_semaphore, #tpu.memory_space<semaphore_mem>>)
        %dma_wait3A = arith.constant 0 : i32
        %dma_wait3A_48 = tpu.memref_slice %arg3[%add3A_44, %dma_wait3A] : memref<100096x16xf32, #tpu.memory_space<hbm>> -> memref<128x16xf32, #tpu.memory_space<hbm>>
        %dma_wait3A_49 = arith.constant 0 : i32
        %dma_wait3A_50 = tpu.memref_slice %arg7[%add3A_41, %dma_wait3A_49] : memref<50048x16xf32, #tpu.memory_space<vmem_shared>> -> memref<128x16xf32, #tpu.memory_space<vmem_shared>>
        tpu.wait_dma2 semaphore(%run_scoped3A : memref<!tpu.dma_semaphore, #tpu.memory_space<semaphore_mem>>) src(%dma_wait3A_50 : memref<128x16xf32, #tpu.memory_space<vmem_shared>>) dst(%dma_wait3A_48 : memref<128x16xf32, #tpu.memory_space<hbm>>)
        tpu.yield
      }) : () -> ()
    }
    %scan3A_33 = arith.constant 24 : i32
    %add3A_34 = arith.constant 3072 : i32
    %add3A_35 = arith.addi %mul3A_5, %add3A_34 : i32
    %add3A_36 = arith.constant 3072 : i32
    %add3A_37 = arith.addi %add3A_27, %add3A_36 : i32
    "tpu.region"() ({
      %run_scoped3A = tpu.sem_alloc : memref<!tpu.dma_semaphore, #tpu.memory_space<semaphore_mem>>
      %dma_start3A = arith.constant 0 : i32
      %dma_start3A_38 = tpu.memref_slice %arg3[%add3A_37, %dma_start3A] : memref<100096x16xf32, #tpu.memory_space<hbm>> -> memref<56x16xf32, #tpu.memory_space<hbm>>
      %dma_start3A_39 = arith.constant 0 : i32
      %dma_start3A_40 = tpu.memref_slice %arg7[%add3A_35, %dma_start3A_39] : memref<50048x16xf32, #tpu.memory_space<vmem_shared>> -> memref<56x16xf32, #tpu.memory_space<vmem_shared>>
      tpu.enqueue_dma source(%dma_start3A_40 : memref<56x16xf32, #tpu.memory_space<vmem_shared>>) target(%dma_start3A_38 : memref<56x16xf32, #tpu.memory_space<hbm>>) target_semaphore(%run_scoped3A : memref<!tpu.dma_semaphore, #tpu.memory_space<semaphore_mem>>)
      %dma_wait3A = arith.constant 0 : i32
      %dma_wait3A_41 = tpu.memref_slice %arg3[%add3A_37, %dma_wait3A] : memref<100096x16xf32, #tpu.memory_space<hbm>> -> memref<56x16xf32, #tpu.memory_space<hbm>>
      %dma_wait3A_42 = arith.constant 0 : i32
      %dma_wait3A_43 = tpu.memref_slice %arg7[%add3A_35, %dma_wait3A_42] : memref<50048x16xf32, #tpu.memory_space<vmem_shared>> -> memref<56x16xf32, #tpu.memory_space<vmem_shared>>
      tpu.wait_dma2 semaphore(%run_scoped3A : memref<!tpu.dma_semaphore, #tpu.memory_space<semaphore_mem>>) src(%dma_wait3A_43 : memref<56x16xf32, #tpu.memory_space<vmem_shared>>) dst(%dma_wait3A_41 : memref<56x16xf32, #tpu.memory_space<hbm>>)
      tpu.yield
    }) : () -> ()
    return
  }
}

#map = affine_map<(d0, d1) -> (0, 0)>
#map1 = affine_map<(d0, d1) -> (0)>
module attributes {stable_mosaic.version = 14 : i64} {
  func.func @seg_kernel(%arg0: i32, %arg1: i32, %arg2: memref<100000x32xf32, #tpu.memory_space<hbm>>, %arg3: memref<321536xi32, #tpu.memory_space<hbm>>, %arg4: memref<321536xi32, #tpu.memory_space<hbm>>, %arg5: memref<20224x32xf32, #tpu.memory_space<hbm>>, %arg6: memref<128xi32, #tpu.memory_space<vmem>>, %arg7: memref<128xi32, #tpu.memory_space<vmem>>, %arg8: memref<128x32xf32, #tpu.memory_space<vmem>>, %arg9: memref<128x32xf32, #tpu.memory_space<vmem>>, %arg10: memref<10112x32xf32, #tpu.memory_space<vmem_shared>>, %arg11: memref<!tpu.dma_semaphore, #tpu.memory_space<semaphore_mem>>) attributes {dimension_semantics = [#tpu.dimension_semantics<core_parallel>, #tpu.dimension_semantics<subcore_parallel>], iteration_bounds = array<i64: 2, 16>, scalar_prefetch = 0 : i64, scratch_operands = 6 : i64, tpu.core_type = #tpu.core_type<sc_vector_subcore>, window_params = [{transform_indices = #map}, {transform_indices = #map1}, {transform_indices = #map1}, {transform_indices = #map}]} {
    %scan3A = arith.constant 0 : i32
    %scan3A_0 = arith.constant 0 : i32
    %scan3A_1 = arith.constant 128 : i32
    %scan3A_2 = arith.addi %scan3A_0, %scan3A_1 : i32
    %scan3A_3 = arith.constant 1 : i32
    scf.for %scan3A_37 = %scan3A_0 to %scan3A_2 step %scan3A_3  : i32 {
      %broadcast_in_dim3A = arith.constant 0.000000e+00 : f32
      %broadcast_in_dim3A_38 = vector.broadcast %broadcast_in_dim3A : f32 to vector<16xf32>
      %swap3A = arith.index_cast %scan3A_37 : i32 to index
      %swap3A_39 = arith.constant 0 : index
      %swap3A_40 = tpu.vector_load %arg9[%swap3A, %swap3A_39] {strides = array<i32>} : memref<128x32xf32, #tpu.memory_space<vmem>>, vector<1x16xf32>,
      %swap3A_41 = vector.shape_cast %swap3A_40 : vector<1x16xf32> to vector<16xf32>
      %swap3A_42 = vector.shape_cast %broadcast_in_dim3A_38 : vector<16xf32> to vector<1x16xf32>
      tpu.vector_store %arg9[%swap3A, %swap3A_39], %swap3A_42 {strides = array<i32>} : memref<128x32xf32, #tpu.memory_space<vmem>>, vector<1x16xf32>,
      %broadcast_in_dim3A_43 = arith.constant 0.000000e+00 : f32
      %broadcast_in_dim3A_44 = vector.broadcast %broadcast_in_dim3A_43 : f32 to vector<16xf32>
      %swap3A_45 = arith.index_cast %scan3A_37 : i32 to index
      %swap3A_46 = arith.constant 16 : index
      %swap3A_47 = tpu.vector_load %arg9[%swap3A_45, %swap3A_46] {strides = array<i32>} : memref<128x32xf32, #tpu.memory_space<vmem>>, vector<1x16xf32>,
      %swap3A_48 = vector.shape_cast %swap3A_47 : vector<1x16xf32> to vector<16xf32>
      %swap3A_49 = vector.shape_cast %broadcast_in_dim3A_44 : vector<16xf32> to vector<1x16xf32>
      tpu.vector_store %arg9[%swap3A_45, %swap3A_46], %swap3A_49 {strides = array<i32>} : memref<128x32xf32, #tpu.memory_space<vmem>>, vector<1x16xf32>,
    }
    %scan3A_4 = arith.constant 128 : i32
    %mul3A = arith.constant 632 : i32
    %mul3A_5 = arith.muli %arg1, %mul3A : i32
    %scan3A_6 = arith.constant 0 : i32
    %scan3A_7 = arith.constant 0 : i32
    %scan3A_8 = arith.constant 4 : i32
    %scan3A_9 = arith.addi %scan3A_7, %scan3A_8 : i32
    %scan3A_10 = arith.constant 1 : i32
    scf.for %scan3A_37 = %scan3A_7 to %scan3A_9 step %scan3A_10  : i32 {
      %mul3A_38 = arith.constant 128 : i32
      %mul3A_39 = arith.muli %scan3A_37, %mul3A_38 : i32
      %add3A_40 = arith.addi %mul3A_5, %mul3A_39 : i32
      "tpu.region"() ({
        %run_scoped3A = tpu.sem_alloc : memref<!tpu.dma_semaphore, #tpu.memory_space<semaphore_mem>>
        %dma_start3A = arith.constant 0 : i32
        %dma_start3A_41 = tpu.memref_slice %arg10[%add3A_40, %dma_start3A] : memref<10112x32xf32, #tpu.memory_space<vmem_shared>> -> memref<128x32xf32, #tpu.memory_space<vmem_shared>>
        %dma_start3A_42 = arith.constant 0 : i32
        %dma_start3A_43 = tpu.memref_slice %arg10[%add3A_40, %dma_start3A_42] : memref<10112x32xf32, #tpu.memory_space<vmem_shared>> -> memref<128x32xf32, #tpu.memory_space<vmem_shared>>
        tpu.enqueue_dma source(%arg9 : memref<128x32xf32, #tpu.memory_space<vmem>>) target(%dma_start3A_43 : memref<128x32xf32, #tpu.memory_space<vmem_shared>>) target_semaphore(%run_scoped3A : memref<!tpu.dma_semaphore, #tpu.memory_space<semaphore_mem>>)
        %dma_wait3A = arith.constant 0 : i32
        %dma_wait3A_44 = tpu.memref_slice %arg10[%add3A_40, %dma_wait3A] : memref<10112x32xf32, #tpu.memory_space<vmem_shared>> -> memref<128x32xf32, #tpu.memory_space<vmem_shared>>
        %dma_wait3A_45 = arith.constant 0 : i32
        %dma_wait3A_46 = tpu.memref_slice %arg10[%add3A_40, %dma_wait3A_45] : memref<10112x32xf32, #tpu.memory_space<vmem_shared>> -> memref<128x32xf32, #tpu.memory_space<vmem_shared>>
        tpu.wait_dma2 semaphore(%run_scoped3A : memref<!tpu.dma_semaphore, #tpu.memory_space<semaphore_mem>>) src(%arg9 : memref<128x32xf32, #tpu.memory_space<vmem>>) dst(%dma_wait3A_46 : memref<128x32xf32, #tpu.memory_space<vmem_shared>>)
        tpu.yield
      }) : () -> ()
    }
    %scan3A_11 = arith.constant 4 : i32
    %add3A = arith.constant 512 : i32
    %add3A_12 = arith.addi %mul3A_5, %add3A : i32
    "tpu.region"() ({
      %run_scoped3A = tpu.sem_alloc : memref<!tpu.dma_semaphore, #tpu.memory_space<semaphore_mem>>
      %dma_start3A = arith.constant 0 : i32
      %dma_start3A_37 = arith.constant 0 : i32
      %dma_start3A_38 = tpu.memref_slice %arg9[%dma_start3A, %dma_start3A_37] : memref<128x32xf32, #tpu.memory_space<vmem>> -> memref<120x32xf32, #tpu.memory_space<vmem>>
      %dma_start3A_39 = arith.constant 0 : i32
      %dma_start3A_40 = tpu.memref_slice %arg10[%add3A_12, %dma_start3A_39] : memref<10112x32xf32, #tpu.memory_space<vmem_shared>> -> memref<120x32xf32, #tpu.memory_space<vmem_shared>>
      %dma_start3A_41 = arith.constant 0 : i32
      %dma_start3A_42 = tpu.memref_slice %arg10[%add3A_12, %dma_start3A_41] : memref<10112x32xf32, #tpu.memory_space<vmem_shared>> -> memref<120x32xf32, #tpu.memory_space<vmem_shared>>
      %dma_start3A_43 = arith.constant 0 : i32
      %dma_start3A_44 = arith.constant 0 : i32
      %dma_start3A_45 = tpu.memref_slice %arg9[%dma_start3A_43, %dma_start3A_44] : memref<128x32xf32, #tpu.memory_space<vmem>> -> memref<120x32xf32, #tpu.memory_space<vmem>>
      tpu.enqueue_dma source(%dma_start3A_45 : memref<120x32xf32, #tpu.memory_space<vmem>>) target(%dma_start3A_42 : memref<120x32xf32, #tpu.memory_space<vmem_shared>>) target_semaphore(%run_scoped3A : memref<!tpu.dma_semaphore, #tpu.memory_space<semaphore_mem>>)
      %dma_wait3A = arith.constant 0 : i32
      %dma_wait3A_46 = arith.constant 0 : i32
      %dma_wait3A_47 = tpu.memref_slice %arg9[%dma_wait3A, %dma_wait3A_46] : memref<128x32xf32, #tpu.memory_space<vmem>> -> memref<120x32xf32, #tpu.memory_space<vmem>>
      %dma_wait3A_48 = arith.constant 0 : i32
      %dma_wait3A_49 = tpu.memref_slice %arg10[%add3A_12, %dma_wait3A_48] : memref<10112x32xf32, #tpu.memory_space<vmem_shared>> -> memref<120x32xf32, #tpu.memory_space<vmem_shared>>
      %dma_wait3A_50 = arith.constant 0 : i32
      %dma_wait3A_51 = tpu.memref_slice %arg10[%add3A_12, %dma_wait3A_50] : memref<10112x32xf32, #tpu.memory_space<vmem_shared>> -> memref<120x32xf32, #tpu.memory_space<vmem_shared>>
      %dma_wait3A_52 = arith.constant 0 : i32
      %dma_wait3A_53 = arith.constant 0 : i32
      %dma_wait3A_54 = tpu.memref_slice %arg9[%dma_wait3A_52, %dma_wait3A_53] : memref<128x32xf32, #tpu.memory_space<vmem>> -> memref<120x32xf32, #tpu.memory_space<vmem>>
      tpu.wait_dma2 semaphore(%run_scoped3A : memref<!tpu.dma_semaphore, #tpu.memory_space<semaphore_mem>>) src(%dma_wait3A_54 : memref<120x32xf32, #tpu.memory_space<vmem>>) dst(%dma_wait3A_51 : memref<120x32xf32, #tpu.memory_space<vmem_shared>>)
      tpu.yield
    }) : () -> ()
    %barrier3A = arith.constant 0 : index
    tpu.barrier barrier_id(%barrier3A)
    %mul3A_13 = arith.constant 50000 : i32
    %mul3A_14 = arith.muli %arg0, %mul3A_13 : i32
    %mul3A_15 = arith.constant 20096 : i32
    %mul3A_16 = arith.muli %arg1, %mul3A_15 : i32
    %scan3A_17 = arith.constant 0 : i32
    %scan3A_18 = arith.constant 0 : i32
    %scan3A_19 = arith.constant 157 : i32
    %scan3A_20 = arith.addi %scan3A_18, %scan3A_19 : i32
    %scan3A_21 = arith.constant 1 : i32
    scf.for %scan3A_37 = %scan3A_18 to %scan3A_20 step %scan3A_21  : i32 {
      %mul3A_38 = arith.constant 128 : i32
      %mul3A_39 = arith.muli %scan3A_37, %mul3A_38 : i32
      %add3A_40 = arith.addi %mul3A_16, %mul3A_39 : i32
      "tpu.region"() ({
        %run_scoped3A = tpu.sem_alloc : memref<!tpu.dma_semaphore, #tpu.memory_space<semaphore_mem>>
        %dma_start3A_115 = tpu.memref_slice %arg3[%add3A_40] : memref<321536xi32, #tpu.memory_space<hbm>> -> memref<128xi32, #tpu.memory_space<hbm>>
        %dma_start3A_116 = tpu.memref_slice %arg3[%add3A_40] : memref<321536xi32, #tpu.memory_space<hbm>> -> memref<128xi32, #tpu.memory_space<hbm>>
        tpu.enqueue_dma source(%dma_start3A_116 : memref<128xi32, #tpu.memory_space<hbm>>) target(%arg6 : memref<128xi32, #tpu.memory_space<vmem>>) target_semaphore(%run_scoped3A : memref<!tpu.dma_semaphore, #tpu.memory_space<semaphore_mem>>)
        %dma_wait3A_117 = tpu.memref_slice %arg3[%add3A_40] : memref<321536xi32, #tpu.memory_space<hbm>> -> memref<128xi32, #tpu.memory_space<hbm>>
        %dma_wait3A_118 = tpu.memref_slice %arg3[%add3A_40] : memref<321536xi32, #tpu.memory_space<hbm>> -> memref<128xi32, #tpu.memory_space<hbm>>
        tpu.wait_dma2 semaphore(%run_scoped3A : memref<!tpu.dma_semaphore, #tpu.memory_space<semaphore_mem>>) src(%dma_wait3A_118 : memref<128xi32, #tpu.memory_space<hbm>>) dst(%arg6 : memref<128xi32, #tpu.memory_space<vmem>>)
        tpu.yield
      }) : () -> ()
      "tpu.region"() ({
        %run_scoped3A = tpu.sem_alloc : memref<!tpu.dma_semaphore, #tpu.memory_space<semaphore_mem>>
        %dma_start3A_115 = tpu.memref_slice %arg4[%add3A_40] : memref<321536xi32, #tpu.memory_space<hbm>> -> memref<128xi32, #tpu.memory_space<hbm>>
        %dma_start3A_116 = tpu.memref_slice %arg4[%add3A_40] : memref<321536xi32, #tpu.memory_space<hbm>> -> memref<128xi32, #tpu.memory_space<hbm>>
        tpu.enqueue_dma source(%dma_start3A_116 : memref<128xi32, #tpu.memory_space<hbm>>) target(%arg7 : memref<128xi32, #tpu.memory_space<vmem>>) target_semaphore(%run_scoped3A : memref<!tpu.dma_semaphore, #tpu.memory_space<semaphore_mem>>)
        %dma_wait3A_117 = tpu.memref_slice %arg4[%add3A_40] : memref<321536xi32, #tpu.memory_space<hbm>> -> memref<128xi32, #tpu.memory_space<hbm>>
        %dma_wait3A_118 = tpu.memref_slice %arg4[%add3A_40] : memref<321536xi32, #tpu.memory_space<hbm>> -> memref<128xi32, #tpu.memory_space<hbm>>
        tpu.wait_dma2 semaphore(%run_scoped3A : memref<!tpu.dma_semaphore, #tpu.memory_space<semaphore_mem>>) src(%dma_wait3A_118 : memref<128xi32, #tpu.memory_space<hbm>>) dst(%arg7 : memref<128xi32, #tpu.memory_space<vmem>>)
        tpu.yield
      }) : () -> ()
      %get3A = arith.constant 0 : index
      %get3A_41 = tpu.vector_load %arg6[%get3A] {strides = array<i32>} : memref<128xi32, #tpu.memory_space<vmem>>, vector<16xi32>,
      %get3A_42 = vector.shape_cast %get3A_41 : vector<16xi32> to vector<16xi32>
      %add3A_43 = vector.broadcast %mul3A_14 : i32 to vector<16xi32>
      %add3A_44 = arith.addi %get3A_42, %add3A_43 : vector<16xi32>
      %swap3A = arith.constant 0 : index
      %swap3A_45 = tpu.vector_load %arg6[%swap3A] {strides = array<i32>} : memref<128xi32, #tpu.memory_space<vmem>>, vector<16xi32>,
      %swap3A_46 = vector.shape_cast %swap3A_45 : vector<16xi32> to vector<16xi32>
      %swap3A_47 = vector.shape_cast %add3A_44 : vector<16xi32> to vector<16xi32>
      tpu.vector_store %arg6[%swap3A], %swap3A_47 {strides = array<i32>} : memref<128xi32, #tpu.memory_space<vmem>>, vector<16xi32>,
      %get3A_48 = arith.constant 16 : index
      %get3A_49 = tpu.vector_load %arg6[%get3A_48] {strides = array<i32>} : memref<128xi32, #tpu.memory_space<vmem>>, vector<16xi32>,
      %get3A_50 = vector.shape_cast %get3A_49 : vector<16xi32> to vector<16xi32>
      %add3A_51 = vector.broadcast %mul3A_14 : i32 to vector<16xi32>
      %add3A_52 = arith.addi %get3A_50, %add3A_51 : vector<16xi32>
      %swap3A_53 = arith.constant 16 : index
      %swap3A_54 = tpu.vector_load %arg6[%swap3A_53] {strides = array<i32>} : memref<128xi32, #tpu.memory_space<vmem>>, vector<16xi32>,
      %swap3A_55 = vector.shape_cast %swap3A_54 : vector<16xi32> to vector<16xi32>
      %swap3A_56 = vector.shape_cast %add3A_52 : vector<16xi32> to vector<16xi32>
      tpu.vector_store %arg6[%swap3A_53], %swap3A_56 {strides = array<i32>} : memref<128xi32, #tpu.memory_space<vmem>>, vector<16xi32>,
      %get3A_57 = arith.constant 32 : index
      %get3A_58 = tpu.vector_load %arg6[%get3A_57] {strides = array<i32>} : memref<128xi32, #tpu.memory_space<vmem>>, vector<16xi32>,
      %get3A_59 = vector.shape_cast %get3A_58 : vector<16xi32> to vector<16xi32>
      %add3A_60 = vector.broadcast %mul3A_14 : i32 to vector<16xi32>
      %add3A_61 = arith.addi %get3A_59, %add3A_60 : vector<16xi32>
      %swap3A_62 = arith.constant 32 : index
      %swap3A_63 = tpu.vector_load %arg6[%swap3A_62] {strides = array<i32>} : memref<128xi32, #tpu.memory_space<vmem>>, vector<16xi32>,
      %swap3A_64 = vector.shape_cast %swap3A_63 : vector<16xi32> to vector<16xi32>
      %swap3A_65 = vector.shape_cast %add3A_61 : vector<16xi32> to vector<16xi32>
      tpu.vector_store %arg6[%swap3A_62], %swap3A_65 {strides = array<i32>} : memref<128xi32, #tpu.memory_space<vmem>>, vector<16xi32>,
      %get3A_66 = arith.constant 48 : index
      %get3A_67 = tpu.vector_load %arg6[%get3A_66] {strides = array<i32>} : memref<128xi32, #tpu.memory_space<vmem>>, vector<16xi32>,
      %get3A_68 = vector.shape_cast %get3A_67 : vector<16xi32> to vector<16xi32>
      %add3A_69 = vector.broadcast %mul3A_14 : i32 to vector<16xi32>
      %add3A_70 = arith.addi %get3A_68, %add3A_69 : vector<16xi32>
      %swap3A_71 = arith.constant 48 : index
      %swap3A_72 = tpu.vector_load %arg6[%swap3A_71] {strides = array<i32>} : memref<128xi32, #tpu.memory_space<vmem>>, vector<16xi32>,
      %swap3A_73 = vector.shape_cast %swap3A_72 : vector<16xi32> to vector<16xi32>
      %swap3A_74 = vector.shape_cast %add3A_70 : vector<16xi32> to vector<16xi32>
      tpu.vector_store %arg6[%swap3A_71], %swap3A_74 {strides = array<i32>} : memref<128xi32, #tpu.memory_space<vmem>>, vector<16xi32>,
      %get3A_75 = arith.constant 64 : index
      %get3A_76 = tpu.vector_load %arg6[%get3A_75] {strides = array<i32>} : memref<128xi32, #tpu.memory_space<vmem>>, vector<16xi32>,
      %get3A_77 = vector.shape_cast %get3A_76 : vector<16xi32> to vector<16xi32>
      %add3A_78 = vector.broadcast %mul3A_14 : i32 to vector<16xi32>
      %add3A_79 = arith.addi %get3A_77, %add3A_78 : vector<16xi32>
      %swap3A_80 = arith.constant 64 : index
      %swap3A_81 = tpu.vector_load %arg6[%swap3A_80] {strides = array<i32>} : memref<128xi32, #tpu.memory_space<vmem>>, vector<16xi32>,
      %swap3A_82 = vector.shape_cast %swap3A_81 : vector<16xi32> to vector<16xi32>
      %swap3A_83 = vector.shape_cast %add3A_79 : vector<16xi32> to vector<16xi32>
      tpu.vector_store %arg6[%swap3A_80], %swap3A_83 {strides = array<i32>} : memref<128xi32, #tpu.memory_space<vmem>>, vector<16xi32>,
      %get3A_84 = arith.constant 80 : index
      %get3A_85 = tpu.vector_load %arg6[%get3A_84] {strides = array<i32>} : memref<128xi32, #tpu.memory_space<vmem>>, vector<16xi32>,
      %get3A_86 = vector.shape_cast %get3A_85 : vector<16xi32> to vector<16xi32>
      %add3A_87 = vector.broadcast %mul3A_14 : i32 to vector<16xi32>
      %add3A_88 = arith.addi %get3A_86, %add3A_87 : vector<16xi32>
      %swap3A_89 = arith.constant 80 : index
      %swap3A_90 = tpu.vector_load %arg6[%swap3A_89] {strides = array<i32>} : memref<128xi32, #tpu.memory_space<vmem>>, vector<16xi32>,
      %swap3A_91 = vector.shape_cast %swap3A_90 : vector<16xi32> to vector<16xi32>
      %swap3A_92 = vector.shape_cast %add3A_88 : vector<16xi32> to vector<16xi32>
      tpu.vector_store %arg6[%swap3A_89], %swap3A_92 {strides = array<i32>} : memref<128xi32, #tpu.memory_space<vmem>>, vector<16xi32>,
      %get3A_93 = arith.constant 96 : index
      %get3A_94 = tpu.vector_load %arg6[%get3A_93] {strides = array<i32>} : memref<128xi32, #tpu.memory_space<vmem>>, vector<16xi32>,
      %get3A_95 = vector.shape_cast %get3A_94 : vector<16xi32> to vector<16xi32>
      %add3A_96 = vector.broadcast %mul3A_14 : i32 to vector<16xi32>
      %add3A_97 = arith.addi %get3A_95, %add3A_96 : vector<16xi32>
      %swap3A_98 = arith.constant 96 : index
      %swap3A_99 = tpu.vector_load %arg6[%swap3A_98] {strides = array<i32>} : memref<128xi32, #tpu.memory_space<vmem>>, vector<16xi32>,
      %swap3A_100 = vector.shape_cast %swap3A_99 : vector<16xi32> to vector<16xi32>
      %swap3A_101 = vector.shape_cast %add3A_97 : vector<16xi32> to vector<16xi32>
      tpu.vector_store %arg6[%swap3A_98], %swap3A_101 {strides = array<i32>} : memref<128xi32, #tpu.memory_space<vmem>>, vector<16xi32>,
      %get3A_102 = arith.constant 112 : index
      %get3A_103 = tpu.vector_load %arg6[%get3A_102] {strides = array<i32>} : memref<128xi32, #tpu.memory_space<vmem>>, vector<16xi32>,
      %get3A_104 = vector.shape_cast %get3A_103 : vector<16xi32> to vector<16xi32>
      %add3A_105 = vector.broadcast %mul3A_14 : i32 to vector<16xi32>
      %add3A_106 = arith.addi %get3A_104, %add3A_105 : vector<16xi32>
      %swap3A_107 = arith.constant 112 : index
      %swap3A_108 = tpu.vector_load %arg6[%swap3A_107] {strides = array<i32>} : memref<128xi32, #tpu.memory_space<vmem>>, vector<16xi32>,
      %swap3A_109 = vector.shape_cast %swap3A_108 : vector<16xi32> to vector<16xi32>
      %swap3A_110 = vector.shape_cast %add3A_106 : vector<16xi32> to vector<16xi32>
      tpu.vector_store %arg6[%swap3A_107], %swap3A_110 {strides = array<i32>} : memref<128xi32, #tpu.memory_space<vmem>>, vector<16xi32>,
      %dma_start3A = arith.constant 0 : i32
      %dma_start3A_111 = arith.constant 0 : i32
      %dma_start3A_112 = tpu.memref_slice %arg2[%dma_start3A, %dma_start3A_111] : memref<100000x32xf32, #tpu.memory_space<hbm>> -> memref<100000x32xf32, #tpu.memory_space<hbm>>
      tpu.enqueue_indirect_dma source(%dma_start3A_112 : memref<100000x32xf32, #tpu.memory_space<hbm>>) target(%arg8 : memref<128x32xf32, #tpu.memory_space<vmem>>) offsets(%arg6 : memref<128xi32, #tpu.memory_space<vmem>>) semaphore(%arg11 : memref<!tpu.dma_semaphore, #tpu.memory_space<semaphore_mem>>)
      %dma_wait3A = arith.constant 0 : i32
      %dma_wait3A_113 = arith.constant 0 : i32
      %dma_wait3A_114 = tpu.memref_slice %arg2[%dma_wait3A, %dma_wait3A_113] : memref<100000x32xf32, #tpu.memory_space<hbm>> -> memref<100000x32xf32, #tpu.memory_space<hbm>>
      tpu.wait_indirect_dma semaphore(%arg11 : memref<!tpu.dma_semaphore, #tpu.memory_space<semaphore_mem>>) src(%dma_wait3A_114 : memref<100000x32xf32, #tpu.memory_space<hbm>>) dst(%arg8 : memref<128x32xf32, #tpu.memory_space<vmem>>)
      "tpu.region"() ({
        %run_scoped3A = tpu.sem_alloc : memref<!tpu.dma_semaphore, #tpu.memory_space<semaphore_mem>>
        %dma_start3A_115 = arith.constant 0 : i32
        %dma_start3A_116 = arith.constant 0 : i32
        %dma_start3A_117 = tpu.memref_slice %arg10[%dma_start3A_115, %dma_start3A_116] : memref<10112x32xf32, #tpu.memory_space<vmem_shared>> -> memref<10112x32xf32, #tpu.memory_space<vmem_shared>>
        tpu.enqueue_indirect_dma source(%arg8 : memref<128x32xf32, #tpu.memory_space<vmem>>) target(%dma_start3A_117 : memref<10112x32xf32, #tpu.memory_space<vmem_shared>>) offsets(%arg7 : memref<128xi32, #tpu.memory_space<vmem>>) semaphore(%run_scoped3A : memref<!tpu.dma_semaphore, #tpu.memory_space<semaphore_mem>>) {add = true}
        %dma_wait3A_118 = arith.constant 0 : i32
        %dma_wait3A_119 = arith.constant 0 : i32
        %dma_wait3A_120 = tpu.memref_slice %arg10[%dma_wait3A_118, %dma_wait3A_119] : memref<10112x32xf32, #tpu.memory_space<vmem_shared>> -> memref<10112x32xf32, #tpu.memory_space<vmem_shared>>
        tpu.wait_indirect_dma semaphore(%run_scoped3A : memref<!tpu.dma_semaphore, #tpu.memory_space<semaphore_mem>>) src(%arg8 : memref<128x32xf32, #tpu.memory_space<vmem>>) dst(%dma_wait3A_120 : memref<10112x32xf32, #tpu.memory_space<vmem_shared>>)
        tpu.yield
      }) : () -> ()
    }
    %scan3A_22 = arith.constant 157 : i32
    %barrier3A_23 = arith.constant 0 : index
    tpu.barrier barrier_id(%barrier3A_23)
    %mul3A_24 = arith.constant 10112 : i32
    %mul3A_25 = arith.muli %arg0, %mul3A_24 : i32
    %add3A_26 = arith.addi %mul3A_25, %mul3A_5 : i32
    %scan3A_27 = arith.constant 0 : i32
    %scan3A_28 = arith.constant 0 : i32
    %scan3A_29 = arith.constant 4 : i32
    %scan3A_30 = arith.addi %scan3A_28, %scan3A_29 : i32
    %scan3A_31 = arith.constant 1 : i32
    scf.for %scan3A_37 = %scan3A_28 to %scan3A_30 step %scan3A_31  : i32 {
      %mul3A_38 = arith.constant 128 : i32
      %mul3A_39 = arith.muli %scan3A_37, %mul3A_38 : i32
      %add3A_40 = arith.addi %mul3A_5, %mul3A_39 : i32
      %mul3A_41 = arith.constant 128 : i32
      %mul3A_42 = arith.muli %scan3A_37, %mul3A_41 : i32
      %add3A_43 = arith.addi %add3A_26, %mul3A_42 : i32
      "tpu.region"() ({
        %run_scoped3A = tpu.sem_alloc : memref<!tpu.dma_semaphore, #tpu.memory_space<semaphore_mem>>
        %dma_start3A = arith.constant 0 : i32
        %dma_start3A_44 = tpu.memref_slice %arg5[%add3A_43, %dma_start3A] : memref<20224x32xf32, #tpu.memory_space<hbm>> -> memref<128x32xf32, #tpu.memory_space<hbm>>
        %dma_start3A_45 = arith.constant 0 : i32
        %dma_start3A_46 = tpu.memref_slice %arg10[%add3A_40, %dma_start3A_45] : memref<10112x32xf32, #tpu.memory_space<vmem_shared>> -> memref<128x32xf32, #tpu.memory_space<vmem_shared>>
        tpu.enqueue_dma source(%dma_start3A_46 : memref<128x32xf32, #tpu.memory_space<vmem_shared>>) target(%dma_start3A_44 : memref<128x32xf32, #tpu.memory_space<hbm>>) target_semaphore(%run_scoped3A : memref<!tpu.dma_semaphore, #tpu.memory_space<semaphore_mem>>)
        %dma_wait3A = arith.constant 0 : i32
        %dma_wait3A_47 = tpu.memref_slice %arg5[%add3A_43, %dma_wait3A] : memref<20224x32xf32, #tpu.memory_space<hbm>> -> memref<128x32xf32, #tpu.memory_space<hbm>>
        %dma_wait3A_48 = arith.constant 0 : i32
        %dma_wait3A_49 = tpu.memref_slice %arg10[%add3A_40, %dma_wait3A_48] : memref<10112x32xf32, #tpu.memory_space<vmem_shared>> -> memref<128x32xf32, #tpu.memory_space<vmem_shared>>
        tpu.wait_dma2 semaphore(%run_scoped3A : memref<!tpu.dma_semaphore, #tpu.memory_space<semaphore_mem>>) src(%dma_wait3A_49 : memref<128x32xf32, #tpu.memory_space<vmem_shared>>) dst(%dma_wait3A_47 : memref<128x32xf32, #tpu.memory_space<hbm>>)
        tpu.yield
      }) : () -> ()
    }
    %scan3A_32 = arith.constant 4 : i32
    %add3A_33 = arith.constant 512 : i32
    %add3A_34 = arith.addi %mul3A_5, %add3A_33 : i32
    %add3A_35 = arith.constant 512 : i32
    %add3A_36 = arith.addi %add3A_26, %add3A_35 : i32
    "tpu.region"() ({
      %run_scoped3A = tpu.sem_alloc : memref<!tpu.dma_semaphore, #tpu.memory_space<semaphore_mem>>
      %dma_start3A = arith.constant 0 : i32
      %dma_start3A_37 = tpu.memref_slice %arg5[%add3A_36, %dma_start3A] : memref<20224x32xf32, #tpu.memory_space<hbm>> -> memref<120x32xf32, #tpu.memory_space<hbm>>
      %dma_start3A_38 = arith.constant 0 : i32
      %dma_start3A_39 = tpu.memref_slice %arg10[%add3A_34, %dma_start3A_38] : memref<10112x32xf32, #tpu.memory_space<vmem_shared>> -> memref<120x32xf32, #tpu.memory_space<vmem_shared>>
      tpu.enqueue_dma source(%dma_start3A_39 : memref<120x32xf32, #tpu.memory_space<vmem_shared>>) target(%dma_start3A_37 : memref<120x32xf32, #tpu.memory_space<hbm>>) target_semaphore(%run_scoped3A : memref<!tpu.dma_semaphore, #tpu.memory_space<semaphore_mem>>)
      %dma_wait3A = arith.constant 0 : i32
      %dma_wait3A_40 = tpu.memref_slice %arg5[%add3A_36, %dma_wait3A] : memref<20224x32xf32, #tpu.memory_space<hbm>> -> memref<120x32xf32, #tpu.memory_space<hbm>>
      %dma_wait3A_41 = arith.constant 0 : i32
      %dma_wait3A_42 = tpu.memref_slice %arg10[%add3A_34, %dma_wait3A_41] : memref<10112x32xf32, #tpu.memory_space<vmem_shared>> -> memref<120x32xf32, #tpu.memory_space<vmem_shared>>
      tpu.wait_dma2 semaphore(%run_scoped3A : memref<!tpu.dma_semaphore, #tpu.memory_space<semaphore_mem>>) src(%dma_wait3A_42 : memref<120x32xf32, #tpu.memory_space<vmem_shared>>) dst(%dma_wait3A_40 : memref<120x32xf32, #tpu.memory_space<hbm>>)
      tpu.yield
    }) : () -> ()
    return
  }
}

#map = affine_map<(d0, d1) -> (0, 0)>
#map1 = affine_map<(d0, d1) -> (0)>
module attributes {stable_mosaic.version = 14 : i64} {
  func.func @seg_kernel(%arg0: i32, %arg1: i32, %arg2: memref<20000x32xf32, #tpu.memory_space<hbm>>, %arg3: memref<321536xi32, #tpu.memory_space<hbm>>, %arg4: memref<321536xi32, #tpu.memory_space<hbm>>, %arg5: memref<100096x32xf32, #tpu.memory_space<hbm>>, %arg6: memref<128xi32, #tpu.memory_space<vmem>>, %arg7: memref<128xi32, #tpu.memory_space<vmem>>, %arg8: memref<128x32xf32, #tpu.memory_space<vmem>>, %arg9: memref<128x32xf32, #tpu.memory_space<vmem>>, %arg10: memref<50048x32xf32, #tpu.memory_space<vmem_shared>>, %arg11: memref<!tpu.dma_semaphore, #tpu.memory_space<semaphore_mem>>) attributes {dimension_semantics = [#tpu.dimension_semantics<core_parallel>, #tpu.dimension_semantics<subcore_parallel>], iteration_bounds = array<i64: 2, 16>, scalar_prefetch = 0 : i64, scratch_operands = 6 : i64, tpu.core_type = #tpu.core_type<sc_vector_subcore>, window_params = [{transform_indices = #map}, {transform_indices = #map1}, {transform_indices = #map1}, {transform_indices = #map}]} {
    %scan3A = arith.constant 0 : i32
    %scan3A_0 = arith.constant 0 : i32
    %scan3A_1 = arith.constant 128 : i32
    %scan3A_2 = arith.addi %scan3A_0, %scan3A_1 : i32
    %scan3A_3 = arith.constant 1 : i32
    scf.for %scan3A_37 = %scan3A_0 to %scan3A_2 step %scan3A_3  : i32 {
      %broadcast_in_dim3A = arith.constant 0.000000e+00 : f32
      %broadcast_in_dim3A_38 = vector.broadcast %broadcast_in_dim3A : f32 to vector<16xf32>
      %swap3A = arith.index_cast %scan3A_37 : i32 to index
      %swap3A_39 = arith.constant 0 : index
      %swap3A_40 = tpu.vector_load %arg9[%swap3A, %swap3A_39] {strides = array<i32>} : memref<128x32xf32, #tpu.memory_space<vmem>>, vector<1x16xf32>,
      %swap3A_41 = vector.shape_cast %swap3A_40 : vector<1x16xf32> to vector<16xf32>
      %swap3A_42 = vector.shape_cast %broadcast_in_dim3A_38 : vector<16xf32> to vector<1x16xf32>
      tpu.vector_store %arg9[%swap3A, %swap3A_39], %swap3A_42 {strides = array<i32>} : memref<128x32xf32, #tpu.memory_space<vmem>>, vector<1x16xf32>,
      %broadcast_in_dim3A_43 = arith.constant 0.000000e+00 : f32
      %broadcast_in_dim3A_44 = vector.broadcast %broadcast_in_dim3A_43 : f32 to vector<16xf32>
      %swap3A_45 = arith.index_cast %scan3A_37 : i32 to index
      %swap3A_46 = arith.constant 16 : index
      %swap3A_47 = tpu.vector_load %arg9[%swap3A_45, %swap3A_46] {strides = array<i32>} : memref<128x32xf32, #tpu.memory_space<vmem>>, vector<1x16xf32>,
      %swap3A_48 = vector.shape_cast %swap3A_47 : vector<1x16xf32> to vector<16xf32>
      %swap3A_49 = vector.shape_cast %broadcast_in_dim3A_44 : vector<16xf32> to vector<1x16xf32>
      tpu.vector_store %arg9[%swap3A_45, %swap3A_46], %swap3A_49 {strides = array<i32>} : memref<128x32xf32, #tpu.memory_space<vmem>>, vector<1x16xf32>,
    }
    %scan3A_4 = arith.constant 128 : i32
    %mul3A = arith.constant 3128 : i32
    %mul3A_5 = arith.muli %arg1, %mul3A : i32
    %scan3A_6 = arith.constant 0 : i32
    %scan3A_7 = arith.constant 0 : i32
    %scan3A_8 = arith.constant 24 : i32
    %scan3A_9 = arith.addi %scan3A_7, %scan3A_8 : i32
    %scan3A_10 = arith.constant 1 : i32
    scf.for %scan3A_37 = %scan3A_7 to %scan3A_9 step %scan3A_10  : i32 {
      %mul3A_38 = arith.constant 128 : i32
      %mul3A_39 = arith.muli %scan3A_37, %mul3A_38 : i32
      %add3A_40 = arith.addi %mul3A_5, %mul3A_39 : i32
      "tpu.region"() ({
        %run_scoped3A = tpu.sem_alloc : memref<!tpu.dma_semaphore, #tpu.memory_space<semaphore_mem>>
        %dma_start3A = arith.constant 0 : i32
        %dma_start3A_41 = tpu.memref_slice %arg10[%add3A_40, %dma_start3A] : memref<50048x32xf32, #tpu.memory_space<vmem_shared>> -> memref<128x32xf32, #tpu.memory_space<vmem_shared>>
        %dma_start3A_42 = arith.constant 0 : i32
        %dma_start3A_43 = tpu.memref_slice %arg10[%add3A_40, %dma_start3A_42] : memref<50048x32xf32, #tpu.memory_space<vmem_shared>> -> memref<128x32xf32, #tpu.memory_space<vmem_shared>>
        tpu.enqueue_dma source(%arg9 : memref<128x32xf32, #tpu.memory_space<vmem>>) target(%dma_start3A_43 : memref<128x32xf32, #tpu.memory_space<vmem_shared>>) target_semaphore(%run_scoped3A : memref<!tpu.dma_semaphore, #tpu.memory_space<semaphore_mem>>)
        %dma_wait3A = arith.constant 0 : i32
        %dma_wait3A_44 = tpu.memref_slice %arg10[%add3A_40, %dma_wait3A] : memref<50048x32xf32, #tpu.memory_space<vmem_shared>> -> memref<128x32xf32, #tpu.memory_space<vmem_shared>>
        %dma_wait3A_45 = arith.constant 0 : i32
        %dma_wait3A_46 = tpu.memref_slice %arg10[%add3A_40, %dma_wait3A_45] : memref<50048x32xf32, #tpu.memory_space<vmem_shared>> -> memref<128x32xf32, #tpu.memory_space<vmem_shared>>
        tpu.wait_dma2 semaphore(%run_scoped3A : memref<!tpu.dma_semaphore, #tpu.memory_space<semaphore_mem>>) src(%arg9 : memref<128x32xf32, #tpu.memory_space<vmem>>) dst(%dma_wait3A_46 : memref<128x32xf32, #tpu.memory_space<vmem_shared>>)
        tpu.yield
      }) : () -> ()
    }
    %scan3A_11 = arith.constant 24 : i32
    %add3A = arith.constant 3072 : i32
    %add3A_12 = arith.addi %mul3A_5, %add3A : i32
    "tpu.region"() ({
      %run_scoped3A = tpu.sem_alloc : memref<!tpu.dma_semaphore, #tpu.memory_space<semaphore_mem>>
      %dma_start3A = arith.constant 0 : i32
      %dma_start3A_37 = arith.constant 0 : i32
      %dma_start3A_38 = tpu.memref_slice %arg9[%dma_start3A, %dma_start3A_37] : memref<128x32xf32, #tpu.memory_space<vmem>> -> memref<56x32xf32, #tpu.memory_space<vmem>>
      %dma_start3A_39 = arith.constant 0 : i32
      %dma_start3A_40 = tpu.memref_slice %arg10[%add3A_12, %dma_start3A_39] : memref<50048x32xf32, #tpu.memory_space<vmem_shared>> -> memref<56x32xf32, #tpu.memory_space<vmem_shared>>
      %dma_start3A_41 = arith.constant 0 : i32
      %dma_start3A_42 = tpu.memref_slice %arg10[%add3A_12, %dma_start3A_41] : memref<50048x32xf32, #tpu.memory_space<vmem_shared>> -> memref<56x32xf32, #tpu.memory_space<vmem_shared>>
      %dma_start3A_43 = arith.constant 0 : i32
      %dma_start3A_44 = arith.constant 0 : i32
      %dma_start3A_45 = tpu.memref_slice %arg9[%dma_start3A_43, %dma_start3A_44] : memref<128x32xf32, #tpu.memory_space<vmem>> -> memref<56x32xf32, #tpu.memory_space<vmem>>
      tpu.enqueue_dma source(%dma_start3A_45 : memref<56x32xf32, #tpu.memory_space<vmem>>) target(%dma_start3A_42 : memref<56x32xf32, #tpu.memory_space<vmem_shared>>) target_semaphore(%run_scoped3A : memref<!tpu.dma_semaphore, #tpu.memory_space<semaphore_mem>>)
      %dma_wait3A = arith.constant 0 : i32
      %dma_wait3A_46 = arith.constant 0 : i32
      %dma_wait3A_47 = tpu.memref_slice %arg9[%dma_wait3A, %dma_wait3A_46] : memref<128x32xf32, #tpu.memory_space<vmem>> -> memref<56x32xf32, #tpu.memory_space<vmem>>
      %dma_wait3A_48 = arith.constant 0 : i32
      %dma_wait3A_49 = tpu.memref_slice %arg10[%add3A_12, %dma_wait3A_48] : memref<50048x32xf32, #tpu.memory_space<vmem_shared>> -> memref<56x32xf32, #tpu.memory_space<vmem_shared>>
      %dma_wait3A_50 = arith.constant 0 : i32
      %dma_wait3A_51 = tpu.memref_slice %arg10[%add3A_12, %dma_wait3A_50] : memref<50048x32xf32, #tpu.memory_space<vmem_shared>> -> memref<56x32xf32, #tpu.memory_space<vmem_shared>>
      %dma_wait3A_52 = arith.constant 0 : i32
      %dma_wait3A_53 = arith.constant 0 : i32
      %dma_wait3A_54 = tpu.memref_slice %arg9[%dma_wait3A_52, %dma_wait3A_53] : memref<128x32xf32, #tpu.memory_space<vmem>> -> memref<56x32xf32, #tpu.memory_space<vmem>>
      tpu.wait_dma2 semaphore(%run_scoped3A : memref<!tpu.dma_semaphore, #tpu.memory_space<semaphore_mem>>) src(%dma_wait3A_54 : memref<56x32xf32, #tpu.memory_space<vmem>>) dst(%dma_wait3A_51 : memref<56x32xf32, #tpu.memory_space<vmem_shared>>)
      tpu.yield
    }) : () -> ()
    %barrier3A = arith.constant 0 : index
    tpu.barrier barrier_id(%barrier3A)
    %mul3A_13 = arith.constant 10000 : i32
    %mul3A_14 = arith.muli %arg0, %mul3A_13 : i32
    %mul3A_15 = arith.constant 20096 : i32
    %mul3A_16 = arith.muli %arg1, %mul3A_15 : i32
    %scan3A_17 = arith.constant 0 : i32
    %scan3A_18 = arith.constant 0 : i32
    %scan3A_19 = arith.constant 157 : i32
    %scan3A_20 = arith.addi %scan3A_18, %scan3A_19 : i32
    %scan3A_21 = arith.constant 1 : i32
    scf.for %scan3A_37 = %scan3A_18 to %scan3A_20 step %scan3A_21  : i32 {
      %mul3A_38 = arith.constant 128 : i32
      %mul3A_39 = arith.muli %scan3A_37, %mul3A_38 : i32
      %add3A_40 = arith.addi %mul3A_16, %mul3A_39 : i32
      "tpu.region"() ({
        %run_scoped3A = tpu.sem_alloc : memref<!tpu.dma_semaphore, #tpu.memory_space<semaphore_mem>>
        %dma_start3A_115 = tpu.memref_slice %arg3[%add3A_40] : memref<321536xi32, #tpu.memory_space<hbm>> -> memref<128xi32, #tpu.memory_space<hbm>>
        %dma_start3A_116 = tpu.memref_slice %arg3[%add3A_40] : memref<321536xi32, #tpu.memory_space<hbm>> -> memref<128xi32, #tpu.memory_space<hbm>>
        tpu.enqueue_dma source(%dma_start3A_116 : memref<128xi32, #tpu.memory_space<hbm>>) target(%arg6 : memref<128xi32, #tpu.memory_space<vmem>>) target_semaphore(%run_scoped3A : memref<!tpu.dma_semaphore, #tpu.memory_space<semaphore_mem>>)
        %dma_wait3A_117 = tpu.memref_slice %arg3[%add3A_40] : memref<321536xi32, #tpu.memory_space<hbm>> -> memref<128xi32, #tpu.memory_space<hbm>>
        %dma_wait3A_118 = tpu.memref_slice %arg3[%add3A_40] : memref<321536xi32, #tpu.memory_space<hbm>> -> memref<128xi32, #tpu.memory_space<hbm>>
        tpu.wait_dma2 semaphore(%run_scoped3A : memref<!tpu.dma_semaphore, #tpu.memory_space<semaphore_mem>>) src(%dma_wait3A_118 : memref<128xi32, #tpu.memory_space<hbm>>) dst(%arg6 : memref<128xi32, #tpu.memory_space<vmem>>)
        tpu.yield
      }) : () -> ()
      "tpu.region"() ({
        %run_scoped3A = tpu.sem_alloc : memref<!tpu.dma_semaphore, #tpu.memory_space<semaphore_mem>>
        %dma_start3A_115 = tpu.memref_slice %arg4[%add3A_40] : memref<321536xi32, #tpu.memory_space<hbm>> -> memref<128xi32, #tpu.memory_space<hbm>>
        %dma_start3A_116 = tpu.memref_slice %arg4[%add3A_40] : memref<321536xi32, #tpu.memory_space<hbm>> -> memref<128xi32, #tpu.memory_space<hbm>>
        tpu.enqueue_dma source(%dma_start3A_116 : memref<128xi32, #tpu.memory_space<hbm>>) target(%arg7 : memref<128xi32, #tpu.memory_space<vmem>>) target_semaphore(%run_scoped3A : memref<!tpu.dma_semaphore, #tpu.memory_space<semaphore_mem>>)
        %dma_wait3A_117 = tpu.memref_slice %arg4[%add3A_40] : memref<321536xi32, #tpu.memory_space<hbm>> -> memref<128xi32, #tpu.memory_space<hbm>>
        %dma_wait3A_118 = tpu.memref_slice %arg4[%add3A_40] : memref<321536xi32, #tpu.memory_space<hbm>> -> memref<128xi32, #tpu.memory_space<hbm>>
        tpu.wait_dma2 semaphore(%run_scoped3A : memref<!tpu.dma_semaphore, #tpu.memory_space<semaphore_mem>>) src(%dma_wait3A_118 : memref<128xi32, #tpu.memory_space<hbm>>) dst(%arg7 : memref<128xi32, #tpu.memory_space<vmem>>)
        tpu.yield
      }) : () -> ()
      %get3A = arith.constant 0 : index
      %get3A_41 = tpu.vector_load %arg6[%get3A] {strides = array<i32>} : memref<128xi32, #tpu.memory_space<vmem>>, vector<16xi32>,
      %get3A_42 = vector.shape_cast %get3A_41 : vector<16xi32> to vector<16xi32>
      %add3A_43 = vector.broadcast %mul3A_14 : i32 to vector<16xi32>
      %add3A_44 = arith.addi %get3A_42, %add3A_43 : vector<16xi32>
      %swap3A = arith.constant 0 : index
      %swap3A_45 = tpu.vector_load %arg6[%swap3A] {strides = array<i32>} : memref<128xi32, #tpu.memory_space<vmem>>, vector<16xi32>,
      %swap3A_46 = vector.shape_cast %swap3A_45 : vector<16xi32> to vector<16xi32>
      %swap3A_47 = vector.shape_cast %add3A_44 : vector<16xi32> to vector<16xi32>
      tpu.vector_store %arg6[%swap3A], %swap3A_47 {strides = array<i32>} : memref<128xi32, #tpu.memory_space<vmem>>, vector<16xi32>,
      %get3A_48 = arith.constant 16 : index
      %get3A_49 = tpu.vector_load %arg6[%get3A_48] {strides = array<i32>} : memref<128xi32, #tpu.memory_space<vmem>>, vector<16xi32>,
      %get3A_50 = vector.shape_cast %get3A_49 : vector<16xi32> to vector<16xi32>
      %add3A_51 = vector.broadcast %mul3A_14 : i32 to vector<16xi32>
      %add3A_52 = arith.addi %get3A_50, %add3A_51 : vector<16xi32>
      %swap3A_53 = arith.constant 16 : index
      %swap3A_54 = tpu.vector_load %arg6[%swap3A_53] {strides = array<i32>} : memref<128xi32, #tpu.memory_space<vmem>>, vector<16xi32>,
      %swap3A_55 = vector.shape_cast %swap3A_54 : vector<16xi32> to vector<16xi32>
      %swap3A_56 = vector.shape_cast %add3A_52 : vector<16xi32> to vector<16xi32>
      tpu.vector_store %arg6[%swap3A_53], %swap3A_56 {strides = array<i32>} : memref<128xi32, #tpu.memory_space<vmem>>, vector<16xi32>,
      %get3A_57 = arith.constant 32 : index
      %get3A_58 = tpu.vector_load %arg6[%get3A_57] {strides = array<i32>} : memref<128xi32, #tpu.memory_space<vmem>>, vector<16xi32>,
      %get3A_59 = vector.shape_cast %get3A_58 : vector<16xi32> to vector<16xi32>
      %add3A_60 = vector.broadcast %mul3A_14 : i32 to vector<16xi32>
      %add3A_61 = arith.addi %get3A_59, %add3A_60 : vector<16xi32>
      %swap3A_62 = arith.constant 32 : index
      %swap3A_63 = tpu.vector_load %arg6[%swap3A_62] {strides = array<i32>} : memref<128xi32, #tpu.memory_space<vmem>>, vector<16xi32>,
      %swap3A_64 = vector.shape_cast %swap3A_63 : vector<16xi32> to vector<16xi32>
      %swap3A_65 = vector.shape_cast %add3A_61 : vector<16xi32> to vector<16xi32>
      tpu.vector_store %arg6[%swap3A_62], %swap3A_65 {strides = array<i32>} : memref<128xi32, #tpu.memory_space<vmem>>, vector<16xi32>,
      %get3A_66 = arith.constant 48 : index
      %get3A_67 = tpu.vector_load %arg6[%get3A_66] {strides = array<i32>} : memref<128xi32, #tpu.memory_space<vmem>>, vector<16xi32>,
      %get3A_68 = vector.shape_cast %get3A_67 : vector<16xi32> to vector<16xi32>
      %add3A_69 = vector.broadcast %mul3A_14 : i32 to vector<16xi32>
      %add3A_70 = arith.addi %get3A_68, %add3A_69 : vector<16xi32>
      %swap3A_71 = arith.constant 48 : index
      %swap3A_72 = tpu.vector_load %arg6[%swap3A_71] {strides = array<i32>} : memref<128xi32, #tpu.memory_space<vmem>>, vector<16xi32>,
      %swap3A_73 = vector.shape_cast %swap3A_72 : vector<16xi32> to vector<16xi32>
      %swap3A_74 = vector.shape_cast %add3A_70 : vector<16xi32> to vector<16xi32>
      tpu.vector_store %arg6[%swap3A_71], %swap3A_74 {strides = array<i32>} : memref<128xi32, #tpu.memory_space<vmem>>, vector<16xi32>,
      %get3A_75 = arith.constant 64 : index
      %get3A_76 = tpu.vector_load %arg6[%get3A_75] {strides = array<i32>} : memref<128xi32, #tpu.memory_space<vmem>>, vector<16xi32>,
      %get3A_77 = vector.shape_cast %get3A_76 : vector<16xi32> to vector<16xi32>
      %add3A_78 = vector.broadcast %mul3A_14 : i32 to vector<16xi32>
      %add3A_79 = arith.addi %get3A_77, %add3A_78 : vector<16xi32>
      %swap3A_80 = arith.constant 64 : index
      %swap3A_81 = tpu.vector_load %arg6[%swap3A_80] {strides = array<i32>} : memref<128xi32, #tpu.memory_space<vmem>>, vector<16xi32>,
      %swap3A_82 = vector.shape_cast %swap3A_81 : vector<16xi32> to vector<16xi32>
      %swap3A_83 = vector.shape_cast %add3A_79 : vector<16xi32> to vector<16xi32>
      tpu.vector_store %arg6[%swap3A_80], %swap3A_83 {strides = array<i32>} : memref<128xi32, #tpu.memory_space<vmem>>, vector<16xi32>,
      %get3A_84 = arith.constant 80 : index
      %get3A_85 = tpu.vector_load %arg6[%get3A_84] {strides = array<i32>} : memref<128xi32, #tpu.memory_space<vmem>>, vector<16xi32>,
      %get3A_86 = vector.shape_cast %get3A_85 : vector<16xi32> to vector<16xi32>
      %add3A_87 = vector.broadcast %mul3A_14 : i32 to vector<16xi32>
      %add3A_88 = arith.addi %get3A_86, %add3A_87 : vector<16xi32>
      %swap3A_89 = arith.constant 80 : index
      %swap3A_90 = tpu.vector_load %arg6[%swap3A_89] {strides = array<i32>} : memref<128xi32, #tpu.memory_space<vmem>>, vector<16xi32>,
      %swap3A_91 = vector.shape_cast %swap3A_90 : vector<16xi32> to vector<16xi32>
      %swap3A_92 = vector.shape_cast %add3A_88 : vector<16xi32> to vector<16xi32>
      tpu.vector_store %arg6[%swap3A_89], %swap3A_92 {strides = array<i32>} : memref<128xi32, #tpu.memory_space<vmem>>, vector<16xi32>,
      %get3A_93 = arith.constant 96 : index
      %get3A_94 = tpu.vector_load %arg6[%get3A_93] {strides = array<i32>} : memref<128xi32, #tpu.memory_space<vmem>>, vector<16xi32>,
      %get3A_95 = vector.shape_cast %get3A_94 : vector<16xi32> to vector<16xi32>
      %add3A_96 = vector.broadcast %mul3A_14 : i32 to vector<16xi32>
      %add3A_97 = arith.addi %get3A_95, %add3A_96 : vector<16xi32>
      %swap3A_98 = arith.constant 96 : index
      %swap3A_99 = tpu.vector_load %arg6[%swap3A_98] {strides = array<i32>} : memref<128xi32, #tpu.memory_space<vmem>>, vector<16xi32>,
      %swap3A_100 = vector.shape_cast %swap3A_99 : vector<16xi32> to vector<16xi32>
      %swap3A_101 = vector.shape_cast %add3A_97 : vector<16xi32> to vector<16xi32>
      tpu.vector_store %arg6[%swap3A_98], %swap3A_101 {strides = array<i32>} : memref<128xi32, #tpu.memory_space<vmem>>, vector<16xi32>,
      %get3A_102 = arith.constant 112 : index
      %get3A_103 = tpu.vector_load %arg6[%get3A_102] {strides = array<i32>} : memref<128xi32, #tpu.memory_space<vmem>>, vector<16xi32>,
      %get3A_104 = vector.shape_cast %get3A_103 : vector<16xi32> to vector<16xi32>
      %add3A_105 = vector.broadcast %mul3A_14 : i32 to vector<16xi32>
      %add3A_106 = arith.addi %get3A_104, %add3A_105 : vector<16xi32>
      %swap3A_107 = arith.constant 112 : index
      %swap3A_108 = tpu.vector_load %arg6[%swap3A_107] {strides = array<i32>} : memref<128xi32, #tpu.memory_space<vmem>>, vector<16xi32>,
      %swap3A_109 = vector.shape_cast %swap3A_108 : vector<16xi32> to vector<16xi32>
      %swap3A_110 = vector.shape_cast %add3A_106 : vector<16xi32> to vector<16xi32>
      tpu.vector_store %arg6[%swap3A_107], %swap3A_110 {strides = array<i32>} : memref<128xi32, #tpu.memory_space<vmem>>, vector<16xi32>,
      %dma_start3A = arith.constant 0 : i32
      %dma_start3A_111 = arith.constant 0 : i32
      %dma_start3A_112 = tpu.memref_slice %arg2[%dma_start3A, %dma_start3A_111] : memref<20000x32xf32, #tpu.memory_space<hbm>> -> memref<20000x32xf32, #tpu.memory_space<hbm>>
      tpu.enqueue_indirect_dma source(%dma_start3A_112 : memref<20000x32xf32, #tpu.memory_space<hbm>>) target(%arg8 : memref<128x32xf32, #tpu.memory_space<vmem>>) offsets(%arg6 : memref<128xi32, #tpu.memory_space<vmem>>) semaphore(%arg11 : memref<!tpu.dma_semaphore, #tpu.memory_space<semaphore_mem>>)
      %dma_wait3A = arith.constant 0 : i32
      %dma_wait3A_113 = arith.constant 0 : i32
      %dma_wait3A_114 = tpu.memref_slice %arg2[%dma_wait3A, %dma_wait3A_113] : memref<20000x32xf32, #tpu.memory_space<hbm>> -> memref<20000x32xf32, #tpu.memory_space<hbm>>
      tpu.wait_indirect_dma semaphore(%arg11 : memref<!tpu.dma_semaphore, #tpu.memory_space<semaphore_mem>>) src(%dma_wait3A_114 : memref<20000x32xf32, #tpu.memory_space<hbm>>) dst(%arg8 : memref<128x32xf32, #tpu.memory_space<vmem>>)
      "tpu.region"() ({
        %run_scoped3A = tpu.sem_alloc : memref<!tpu.dma_semaphore, #tpu.memory_space<semaphore_mem>>
        %dma_start3A_115 = arith.constant 0 : i32
        %dma_start3A_116 = arith.constant 0 : i32
        %dma_start3A_117 = tpu.memref_slice %arg10[%dma_start3A_115, %dma_start3A_116] : memref<50048x32xf32, #tpu.memory_space<vmem_shared>> -> memref<50048x32xf32, #tpu.memory_space<vmem_shared>>
        tpu.enqueue_indirect_dma source(%arg8 : memref<128x32xf32, #tpu.memory_space<vmem>>) target(%dma_start3A_117 : memref<50048x32xf32, #tpu.memory_space<vmem_shared>>) offsets(%arg7 : memref<128xi32, #tpu.memory_space<vmem>>) semaphore(%run_scoped3A : memref<!tpu.dma_semaphore, #tpu.memory_space<semaphore_mem>>) {add = true}
        %dma_wait3A_118 = arith.constant 0 : i32
        %dma_wait3A_119 = arith.constant 0 : i32
        %dma_wait3A_120 = tpu.memref_slice %arg10[%dma_wait3A_118, %dma_wait3A_119] : memref<50048x32xf32, #tpu.memory_space<vmem_shared>> -> memref<50048x32xf32, #tpu.memory_space<vmem_shared>>
        tpu.wait_indirect_dma semaphore(%run_scoped3A : memref<!tpu.dma_semaphore, #tpu.memory_space<semaphore_mem>>) src(%arg8 : memref<128x32xf32, #tpu.memory_space<vmem>>) dst(%dma_wait3A_120 : memref<50048x32xf32, #tpu.memory_space<vmem_shared>>)
        tpu.yield
      }) : () -> ()
    }
    %scan3A_22 = arith.constant 157 : i32
    %barrier3A_23 = arith.constant 0 : index
    tpu.barrier barrier_id(%barrier3A_23)
    %mul3A_24 = arith.constant 50048 : i32
    %mul3A_25 = arith.muli %arg0, %mul3A_24 : i32
    %add3A_26 = arith.addi %mul3A_25, %mul3A_5 : i32
    %scan3A_27 = arith.constant 0 : i32
    %scan3A_28 = arith.constant 0 : i32
    %scan3A_29 = arith.constant 24 : i32
    %scan3A_30 = arith.addi %scan3A_28, %scan3A_29 : i32
    %scan3A_31 = arith.constant 1 : i32
    scf.for %scan3A_37 = %scan3A_28 to %scan3A_30 step %scan3A_31  : i32 {
      %mul3A_38 = arith.constant 128 : i32
      %mul3A_39 = arith.muli %scan3A_37, %mul3A_38 : i32
      %add3A_40 = arith.addi %mul3A_5, %mul3A_39 : i32
      %mul3A_41 = arith.constant 128 : i32
      %mul3A_42 = arith.muli %scan3A_37, %mul3A_41 : i32
      %add3A_43 = arith.addi %add3A_26, %mul3A_42 : i32
      "tpu.region"() ({
        %run_scoped3A = tpu.sem_alloc : memref<!tpu.dma_semaphore, #tpu.memory_space<semaphore_mem>>
        %dma_start3A = arith.constant 0 : i32
        %dma_start3A_44 = tpu.memref_slice %arg5[%add3A_43, %dma_start3A] : memref<100096x32xf32, #tpu.memory_space<hbm>> -> memref<128x32xf32, #tpu.memory_space<hbm>>
        %dma_start3A_45 = arith.constant 0 : i32
        %dma_start3A_46 = tpu.memref_slice %arg10[%add3A_40, %dma_start3A_45] : memref<50048x32xf32, #tpu.memory_space<vmem_shared>> -> memref<128x32xf32, #tpu.memory_space<vmem_shared>>
        tpu.enqueue_dma source(%dma_start3A_46 : memref<128x32xf32, #tpu.memory_space<vmem_shared>>) target(%dma_start3A_44 : memref<128x32xf32, #tpu.memory_space<hbm>>) target_semaphore(%run_scoped3A : memref<!tpu.dma_semaphore, #tpu.memory_space<semaphore_mem>>)
        %dma_wait3A = arith.constant 0 : i32
        %dma_wait3A_47 = tpu.memref_slice %arg5[%add3A_43, %dma_wait3A] : memref<100096x32xf32, #tpu.memory_space<hbm>> -> memref<128x32xf32, #tpu.memory_space<hbm>>
        %dma_wait3A_48 = arith.constant 0 : i32
        %dma_wait3A_49 = tpu.memref_slice %arg10[%add3A_40, %dma_wait3A_48] : memref<50048x32xf32, #tpu.memory_space<vmem_shared>> -> memref<128x32xf32, #tpu.memory_space<vmem_shared>>
        tpu.wait_dma2 semaphore(%run_scoped3A : memref<!tpu.dma_semaphore, #tpu.memory_space<semaphore_mem>>) src(%dma_wait3A_49 : memref<128x32xf32, #tpu.memory_space<vmem_shared>>) dst(%dma_wait3A_47 : memref<128x32xf32, #tpu.memory_space<hbm>>)
        tpu.yield
      }) : () -> ()
    }
    %scan3A_32 = arith.constant 24 : i32
    %add3A_33 = arith.constant 3072 : i32
    %add3A_34 = arith.addi %mul3A_5, %add3A_33 : i32
    %add3A_35 = arith.constant 3072 : i32
    %add3A_36 = arith.addi %add3A_26, %add3A_35 : i32
    "tpu.region"() ({
      %run_scoped3A = tpu.sem_alloc : memref<!tpu.dma_semaphore, #tpu.memory_space<semaphore_mem>>
      %dma_start3A = arith.constant 0 : i32
      %dma_start3A_37 = tpu.memref_slice %arg5[%add3A_36, %dma_start3A] : memref<100096x32xf32, #tpu.memory_space<hbm>> -> memref<56x32xf32, #tpu.memory_space<hbm>>
      %dma_start3A_38 = arith.constant 0 : i32
      %dma_start3A_39 = tpu.memref_slice %arg10[%add3A_34, %dma_start3A_38] : memref<50048x32xf32, #tpu.memory_space<vmem_shared>> -> memref<56x32xf32, #tpu.memory_space<vmem_shared>>
      tpu.enqueue_dma source(%dma_start3A_39 : memref<56x32xf32, #tpu.memory_space<vmem_shared>>) target(%dma_start3A_37 : memref<56x32xf32, #tpu.memory_space<hbm>>) target_semaphore(%run_scoped3A : memref<!tpu.dma_semaphore, #tpu.memory_space<semaphore_mem>>)
      %dma_wait3A = arith.constant 0 : i32
      %dma_wait3A_40 = tpu.memref_slice %arg5[%add3A_36, %dma_wait3A] : memref<100096x32xf32, #tpu.memory_space<hbm>> -> memref<56x32xf32, #tpu.memory_space<hbm>>
      %dma_wait3A_41 = arith.constant 0 : i32
      %dma_wait3A_42 = tpu.memref_slice %arg10[%add3A_34, %dma_wait3A_41] : memref<50048x32xf32, #tpu.memory_space<vmem_shared>> -> memref<56x32xf32, #tpu.memory_space<vmem_shared>>
      tpu.wait_dma2 semaphore(%run_scoped3A : memref<!tpu.dma_semaphore, #tpu.memory_space<semaphore_mem>>) src(%dma_wait3A_42 : memref<56x32xf32, #tpu.memory_space<vmem_shared>>) dst(%dma_wait3A_40 : memref<56x32xf32, #tpu.memory_space<hbm>>)
      tpu.yield
    }) : () -> ()
    return
  }
}

#map = affine_map<(d0, d1) -> (0, 0)>
#map1 = affine_map<(d0, d1) -> (0)>
module attributes {stable_mosaic.version = 14 : i64} {
  func.func @seg_kernel(%arg0: i32, %arg1: i32, %arg2: memref<100000x32xf32, #tpu.memory_space<hbm>>, %arg3: memref<800768xi32, #tpu.memory_space<hbm>>, %arg4: memref<800768xi32, #tpu.memory_space<hbm>>, %arg5: memref<100096x32xf32, #tpu.memory_space<hbm>>, %arg6: memref<128xi32, #tpu.memory_space<vmem>>, %arg7: memref<128xi32, #tpu.memory_space<vmem>>, %arg8: memref<128x32xf32, #tpu.memory_space<vmem>>, %arg9: memref<128x32xf32, #tpu.memory_space<vmem>>, %arg10: memref<50048x32xf32, #tpu.memory_space<vmem_shared>>, %arg11: memref<!tpu.dma_semaphore, #tpu.memory_space<semaphore_mem>>) attributes {dimension_semantics = [#tpu.dimension_semantics<core_parallel>, #tpu.dimension_semantics<subcore_parallel>], iteration_bounds = array<i64: 2, 16>, scalar_prefetch = 0 : i64, scratch_operands = 6 : i64, tpu.core_type = #tpu.core_type<sc_vector_subcore>, window_params = [{transform_indices = #map}, {transform_indices = #map1}, {transform_indices = #map1}, {transform_indices = #map}]} {
    %scan3A = arith.constant 0 : i32
    %scan3A_0 = arith.constant 0 : i32
    %scan3A_1 = arith.constant 128 : i32
    %scan3A_2 = arith.addi %scan3A_0, %scan3A_1 : i32
    %scan3A_3 = arith.constant 1 : i32
    scf.for %scan3A_37 = %scan3A_0 to %scan3A_2 step %scan3A_3  : i32 {
      %broadcast_in_dim3A = arith.constant 0.000000e+00 : f32
      %broadcast_in_dim3A_38 = vector.broadcast %broadcast_in_dim3A : f32 to vector<16xf32>
      %swap3A = arith.index_cast %scan3A_37 : i32 to index
      %swap3A_39 = arith.constant 0 : index
      %swap3A_40 = tpu.vector_load %arg9[%swap3A, %swap3A_39] {strides = array<i32>} : memref<128x32xf32, #tpu.memory_space<vmem>>, vector<1x16xf32>,
      %swap3A_41 = vector.shape_cast %swap3A_40 : vector<1x16xf32> to vector<16xf32>
      %swap3A_42 = vector.shape_cast %broadcast_in_dim3A_38 : vector<16xf32> to vector<1x16xf32>
      tpu.vector_store %arg9[%swap3A, %swap3A_39], %swap3A_42 {strides = array<i32>} : memref<128x32xf32, #tpu.memory_space<vmem>>, vector<1x16xf32>,
      %broadcast_in_dim3A_43 = arith.constant 0.000000e+00 : f32
      %broadcast_in_dim3A_44 = vector.broadcast %broadcast_in_dim3A_43 : f32 to vector<16xf32>
      %swap3A_45 = arith.index_cast %scan3A_37 : i32 to index
      %swap3A_46 = arith.constant 16 : index
      %swap3A_47 = tpu.vector_load %arg9[%swap3A_45, %swap3A_46] {strides = array<i32>} : memref<128x32xf32, #tpu.memory_space<vmem>>, vector<1x16xf32>,
      %swap3A_48 = vector.shape_cast %swap3A_47 : vector<1x16xf32> to vector<16xf32>
      %swap3A_49 = vector.shape_cast %broadcast_in_dim3A_44 : vector<16xf32> to vector<1x16xf32>
      tpu.vector_store %arg9[%swap3A_45, %swap3A_46], %swap3A_49 {strides = array<i32>} : memref<128x32xf32, #tpu.memory_space<vmem>>, vector<1x16xf32>,
    }
    %scan3A_4 = arith.constant 128 : i32
    %mul3A = arith.constant 3128 : i32
    %mul3A_5 = arith.muli %arg1, %mul3A : i32
    %scan3A_6 = arith.constant 0 : i32
    %scan3A_7 = arith.constant 0 : i32
    %scan3A_8 = arith.constant 24 : i32
    %scan3A_9 = arith.addi %scan3A_7, %scan3A_8 : i32
    %scan3A_10 = arith.constant 1 : i32
    scf.for %scan3A_37 = %scan3A_7 to %scan3A_9 step %scan3A_10  : i32 {
      %mul3A_38 = arith.constant 128 : i32
      %mul3A_39 = arith.muli %scan3A_37, %mul3A_38 : i32
      %add3A_40 = arith.addi %mul3A_5, %mul3A_39 : i32
      "tpu.region"() ({
        %run_scoped3A = tpu.sem_alloc : memref<!tpu.dma_semaphore, #tpu.memory_space<semaphore_mem>>
        %dma_start3A = arith.constant 0 : i32
        %dma_start3A_41 = tpu.memref_slice %arg10[%add3A_40, %dma_start3A] : memref<50048x32xf32, #tpu.memory_space<vmem_shared>> -> memref<128x32xf32, #tpu.memory_space<vmem_shared>>
        %dma_start3A_42 = arith.constant 0 : i32
        %dma_start3A_43 = tpu.memref_slice %arg10[%add3A_40, %dma_start3A_42] : memref<50048x32xf32, #tpu.memory_space<vmem_shared>> -> memref<128x32xf32, #tpu.memory_space<vmem_shared>>
        tpu.enqueue_dma source(%arg9 : memref<128x32xf32, #tpu.memory_space<vmem>>) target(%dma_start3A_43 : memref<128x32xf32, #tpu.memory_space<vmem_shared>>) target_semaphore(%run_scoped3A : memref<!tpu.dma_semaphore, #tpu.memory_space<semaphore_mem>>)
        %dma_wait3A = arith.constant 0 : i32
        %dma_wait3A_44 = tpu.memref_slice %arg10[%add3A_40, %dma_wait3A] : memref<50048x32xf32, #tpu.memory_space<vmem_shared>> -> memref<128x32xf32, #tpu.memory_space<vmem_shared>>
        %dma_wait3A_45 = arith.constant 0 : i32
        %dma_wait3A_46 = tpu.memref_slice %arg10[%add3A_40, %dma_wait3A_45] : memref<50048x32xf32, #tpu.memory_space<vmem_shared>> -> memref<128x32xf32, #tpu.memory_space<vmem_shared>>
        tpu.wait_dma2 semaphore(%run_scoped3A : memref<!tpu.dma_semaphore, #tpu.memory_space<semaphore_mem>>) src(%arg9 : memref<128x32xf32, #tpu.memory_space<vmem>>) dst(%dma_wait3A_46 : memref<128x32xf32, #tpu.memory_space<vmem_shared>>)
        tpu.yield
      }) : () -> ()
    }
    %scan3A_11 = arith.constant 24 : i32
    %add3A = arith.constant 3072 : i32
    %add3A_12 = arith.addi %mul3A_5, %add3A : i32
    "tpu.region"() ({
      %run_scoped3A = tpu.sem_alloc : memref<!tpu.dma_semaphore, #tpu.memory_space<semaphore_mem>>
      %dma_start3A = arith.constant 0 : i32
      %dma_start3A_37 = arith.constant 0 : i32
      %dma_start3A_38 = tpu.memref_slice %arg9[%dma_start3A, %dma_start3A_37] : memref<128x32xf32, #tpu.memory_space<vmem>> -> memref<56x32xf32, #tpu.memory_space<vmem>>
      %dma_start3A_39 = arith.constant 0 : i32
      %dma_start3A_40 = tpu.memref_slice %arg10[%add3A_12, %dma_start3A_39] : memref<50048x32xf32, #tpu.memory_space<vmem_shared>> -> memref<56x32xf32, #tpu.memory_space<vmem_shared>>
      %dma_start3A_41 = arith.constant 0 : i32
      %dma_start3A_42 = tpu.memref_slice %arg10[%add3A_12, %dma_start3A_41] : memref<50048x32xf32, #tpu.memory_space<vmem_shared>> -> memref<56x32xf32, #tpu.memory_space<vmem_shared>>
      %dma_start3A_43 = arith.constant 0 : i32
      %dma_start3A_44 = arith.constant 0 : i32
      %dma_start3A_45 = tpu.memref_slice %arg9[%dma_start3A_43, %dma_start3A_44] : memref<128x32xf32, #tpu.memory_space<vmem>> -> memref<56x32xf32, #tpu.memory_space<vmem>>
      tpu.enqueue_dma source(%dma_start3A_45 : memref<56x32xf32, #tpu.memory_space<vmem>>) target(%dma_start3A_42 : memref<56x32xf32, #tpu.memory_space<vmem_shared>>) target_semaphore(%run_scoped3A : memref<!tpu.dma_semaphore, #tpu.memory_space<semaphore_mem>>)
      %dma_wait3A = arith.constant 0 : i32
      %dma_wait3A_46 = arith.constant 0 : i32
      %dma_wait3A_47 = tpu.memref_slice %arg9[%dma_wait3A, %dma_wait3A_46] : memref<128x32xf32, #tpu.memory_space<vmem>> -> memref<56x32xf32, #tpu.memory_space<vmem>>
      %dma_wait3A_48 = arith.constant 0 : i32
      %dma_wait3A_49 = tpu.memref_slice %arg10[%add3A_12, %dma_wait3A_48] : memref<50048x32xf32, #tpu.memory_space<vmem_shared>> -> memref<56x32xf32, #tpu.memory_space<vmem_shared>>
      %dma_wait3A_50 = arith.constant 0 : i32
      %dma_wait3A_51 = tpu.memref_slice %arg10[%add3A_12, %dma_wait3A_50] : memref<50048x32xf32, #tpu.memory_space<vmem_shared>> -> memref<56x32xf32, #tpu.memory_space<vmem_shared>>
      %dma_wait3A_52 = arith.constant 0 : i32
      %dma_wait3A_53 = arith.constant 0 : i32
      %dma_wait3A_54 = tpu.memref_slice %arg9[%dma_wait3A_52, %dma_wait3A_53] : memref<128x32xf32, #tpu.memory_space<vmem>> -> memref<56x32xf32, #tpu.memory_space<vmem>>
      tpu.wait_dma2 semaphore(%run_scoped3A : memref<!tpu.dma_semaphore, #tpu.memory_space<semaphore_mem>>) src(%dma_wait3A_54 : memref<56x32xf32, #tpu.memory_space<vmem>>) dst(%dma_wait3A_51 : memref<56x32xf32, #tpu.memory_space<vmem_shared>>)
      tpu.yield
    }) : () -> ()
    %barrier3A = arith.constant 0 : index
    tpu.barrier barrier_id(%barrier3A)
    %mul3A_13 = arith.constant 50000 : i32
    %mul3A_14 = arith.muli %arg0, %mul3A_13 : i32
    %mul3A_15 = arith.constant 50048 : i32
    %mul3A_16 = arith.muli %arg1, %mul3A_15 : i32
    %scan3A_17 = arith.constant 0 : i32
    %scan3A_18 = arith.constant 0 : i32
    %scan3A_19 = arith.constant 391 : i32
    %scan3A_20 = arith.addi %scan3A_18, %scan3A_19 : i32
    %scan3A_21 = arith.constant 1 : i32
    scf.for %scan3A_37 = %scan3A_18 to %scan3A_20 step %scan3A_21  : i32 {
      %mul3A_38 = arith.constant 128 : i32
      %mul3A_39 = arith.muli %scan3A_37, %mul3A_38 : i32
      %add3A_40 = arith.addi %mul3A_16, %mul3A_39 : i32
      "tpu.region"() ({
        %run_scoped3A = tpu.sem_alloc : memref<!tpu.dma_semaphore, #tpu.memory_space<semaphore_mem>>
        %dma_start3A_115 = tpu.memref_slice %arg3[%add3A_40] : memref<800768xi32, #tpu.memory_space<hbm>> -> memref<128xi32, #tpu.memory_space<hbm>>
        %dma_start3A_116 = tpu.memref_slice %arg3[%add3A_40] : memref<800768xi32, #tpu.memory_space<hbm>> -> memref<128xi32, #tpu.memory_space<hbm>>
        tpu.enqueue_dma source(%dma_start3A_116 : memref<128xi32, #tpu.memory_space<hbm>>) target(%arg6 : memref<128xi32, #tpu.memory_space<vmem>>) target_semaphore(%run_scoped3A : memref<!tpu.dma_semaphore, #tpu.memory_space<semaphore_mem>>)
        %dma_wait3A_117 = tpu.memref_slice %arg3[%add3A_40] : memref<800768xi32, #tpu.memory_space<hbm>> -> memref<128xi32, #tpu.memory_space<hbm>>
        %dma_wait3A_118 = tpu.memref_slice %arg3[%add3A_40] : memref<800768xi32, #tpu.memory_space<hbm>> -> memref<128xi32, #tpu.memory_space<hbm>>
        tpu.wait_dma2 semaphore(%run_scoped3A : memref<!tpu.dma_semaphore, #tpu.memory_space<semaphore_mem>>) src(%dma_wait3A_118 : memref<128xi32, #tpu.memory_space<hbm>>) dst(%arg6 : memref<128xi32, #tpu.memory_space<vmem>>)
        tpu.yield
      }) : () -> ()
      "tpu.region"() ({
        %run_scoped3A = tpu.sem_alloc : memref<!tpu.dma_semaphore, #tpu.memory_space<semaphore_mem>>
        %dma_start3A_115 = tpu.memref_slice %arg4[%add3A_40] : memref<800768xi32, #tpu.memory_space<hbm>> -> memref<128xi32, #tpu.memory_space<hbm>>
        %dma_start3A_116 = tpu.memref_slice %arg4[%add3A_40] : memref<800768xi32, #tpu.memory_space<hbm>> -> memref<128xi32, #tpu.memory_space<hbm>>
        tpu.enqueue_dma source(%dma_start3A_116 : memref<128xi32, #tpu.memory_space<hbm>>) target(%arg7 : memref<128xi32, #tpu.memory_space<vmem>>) target_semaphore(%run_scoped3A : memref<!tpu.dma_semaphore, #tpu.memory_space<semaphore_mem>>)
        %dma_wait3A_117 = tpu.memref_slice %arg4[%add3A_40] : memref<800768xi32, #tpu.memory_space<hbm>> -> memref<128xi32, #tpu.memory_space<hbm>>
        %dma_wait3A_118 = tpu.memref_slice %arg4[%add3A_40] : memref<800768xi32, #tpu.memory_space<hbm>> -> memref<128xi32, #tpu.memory_space<hbm>>
        tpu.wait_dma2 semaphore(%run_scoped3A : memref<!tpu.dma_semaphore, #tpu.memory_space<semaphore_mem>>) src(%dma_wait3A_118 : memref<128xi32, #tpu.memory_space<hbm>>) dst(%arg7 : memref<128xi32, #tpu.memory_space<vmem>>)
        tpu.yield
      }) : () -> ()
      %get3A = arith.constant 0 : index
      %get3A_41 = tpu.vector_load %arg6[%get3A] {strides = array<i32>} : memref<128xi32, #tpu.memory_space<vmem>>, vector<16xi32>,
      %get3A_42 = vector.shape_cast %get3A_41 : vector<16xi32> to vector<16xi32>
      %add3A_43 = vector.broadcast %mul3A_14 : i32 to vector<16xi32>
      %add3A_44 = arith.addi %get3A_42, %add3A_43 : vector<16xi32>
      %swap3A = arith.constant 0 : index
      %swap3A_45 = tpu.vector_load %arg6[%swap3A] {strides = array<i32>} : memref<128xi32, #tpu.memory_space<vmem>>, vector<16xi32>,
      %swap3A_46 = vector.shape_cast %swap3A_45 : vector<16xi32> to vector<16xi32>
      %swap3A_47 = vector.shape_cast %add3A_44 : vector<16xi32> to vector<16xi32>
      tpu.vector_store %arg6[%swap3A], %swap3A_47 {strides = array<i32>} : memref<128xi32, #tpu.memory_space<vmem>>, vector<16xi32>,
      %get3A_48 = arith.constant 16 : index
      %get3A_49 = tpu.vector_load %arg6[%get3A_48] {strides = array<i32>} : memref<128xi32, #tpu.memory_space<vmem>>, vector<16xi32>,
      %get3A_50 = vector.shape_cast %get3A_49 : vector<16xi32> to vector<16xi32>
      %add3A_51 = vector.broadcast %mul3A_14 : i32 to vector<16xi32>
      %add3A_52 = arith.addi %get3A_50, %add3A_51 : vector<16xi32>
      %swap3A_53 = arith.constant 16 : index
      %swap3A_54 = tpu.vector_load %arg6[%swap3A_53] {strides = array<i32>} : memref<128xi32, #tpu.memory_space<vmem>>, vector<16xi32>,
      %swap3A_55 = vector.shape_cast %swap3A_54 : vector<16xi32> to vector<16xi32>
      %swap3A_56 = vector.shape_cast %add3A_52 : vector<16xi32> to vector<16xi32>
      tpu.vector_store %arg6[%swap3A_53], %swap3A_56 {strides = array<i32>} : memref<128xi32, #tpu.memory_space<vmem>>, vector<16xi32>,
      %get3A_57 = arith.constant 32 : index
      %get3A_58 = tpu.vector_load %arg6[%get3A_57] {strides = array<i32>} : memref<128xi32, #tpu.memory_space<vmem>>, vector<16xi32>,
      %get3A_59 = vector.shape_cast %get3A_58 : vector<16xi32> to vector<16xi32>
      %add3A_60 = vector.broadcast %mul3A_14 : i32 to vector<16xi32>
      %add3A_61 = arith.addi %get3A_59, %add3A_60 : vector<16xi32>
      %swap3A_62 = arith.constant 32 : index
      %swap3A_63 = tpu.vector_load %arg6[%swap3A_62] {strides = array<i32>} : memref<128xi32, #tpu.memory_space<vmem>>, vector<16xi32>,
      %swap3A_64 = vector.shape_cast %swap3A_63 : vector<16xi32> to vector<16xi32>
      %swap3A_65 = vector.shape_cast %add3A_61 : vector<16xi32> to vector<16xi32>
      tpu.vector_store %arg6[%swap3A_62], %swap3A_65 {strides = array<i32>} : memref<128xi32, #tpu.memory_space<vmem>>, vector<16xi32>,
      %get3A_66 = arith.constant 48 : index
      %get3A_67 = tpu.vector_load %arg6[%get3A_66] {strides = array<i32>} : memref<128xi32, #tpu.memory_space<vmem>>, vector<16xi32>,
      %get3A_68 = vector.shape_cast %get3A_67 : vector<16xi32> to vector<16xi32>
      %add3A_69 = vector.broadcast %mul3A_14 : i32 to vector<16xi32>
      %add3A_70 = arith.addi %get3A_68, %add3A_69 : vector<16xi32>
      %swap3A_71 = arith.constant 48 : index
      %swap3A_72 = tpu.vector_load %arg6[%swap3A_71] {strides = array<i32>} : memref<128xi32, #tpu.memory_space<vmem>>, vector<16xi32>,
      %swap3A_73 = vector.shape_cast %swap3A_72 : vector<16xi32> to vector<16xi32>
      %swap3A_74 = vector.shape_cast %add3A_70 : vector<16xi32> to vector<16xi32>
      tpu.vector_store %arg6[%swap3A_71], %swap3A_74 {strides = array<i32>} : memref<128xi32, #tpu.memory_space<vmem>>, vector<16xi32>,
      %get3A_75 = arith.constant 64 : index
      %get3A_76 = tpu.vector_load %arg6[%get3A_75] {strides = array<i32>} : memref<128xi32, #tpu.memory_space<vmem>>, vector<16xi32>,
      %get3A_77 = vector.shape_cast %get3A_76 : vector<16xi32> to vector<16xi32>
      %add3A_78 = vector.broadcast %mul3A_14 : i32 to vector<16xi32>
      %add3A_79 = arith.addi %get3A_77, %add3A_78 : vector<16xi32>
      %swap3A_80 = arith.constant 64 : index
      %swap3A_81 = tpu.vector_load %arg6[%swap3A_80] {strides = array<i32>} : memref<128xi32, #tpu.memory_space<vmem>>, vector<16xi32>,
      %swap3A_82 = vector.shape_cast %swap3A_81 : vector<16xi32> to vector<16xi32>
      %swap3A_83 = vector.shape_cast %add3A_79 : vector<16xi32> to vector<16xi32>
      tpu.vector_store %arg6[%swap3A_80], %swap3A_83 {strides = array<i32>} : memref<128xi32, #tpu.memory_space<vmem>>, vector<16xi32>,
      %get3A_84 = arith.constant 80 : index
      %get3A_85 = tpu.vector_load %arg6[%get3A_84] {strides = array<i32>} : memref<128xi32, #tpu.memory_space<vmem>>, vector<16xi32>,
      %get3A_86 = vector.shape_cast %get3A_85 : vector<16xi32> to vector<16xi32>
      %add3A_87 = vector.broadcast %mul3A_14 : i32 to vector<16xi32>
      %add3A_88 = arith.addi %get3A_86, %add3A_87 : vector<16xi32>
      %swap3A_89 = arith.constant 80 : index
      %swap3A_90 = tpu.vector_load %arg6[%swap3A_89] {strides = array<i32>} : memref<128xi32, #tpu.memory_space<vmem>>, vector<16xi32>,
      %swap3A_91 = vector.shape_cast %swap3A_90 : vector<16xi32> to vector<16xi32>
      %swap3A_92 = vector.shape_cast %add3A_88 : vector<16xi32> to vector<16xi32>
      tpu.vector_store %arg6[%swap3A_89], %swap3A_92 {strides = array<i32>} : memref<128xi32, #tpu.memory_space<vmem>>, vector<16xi32>,
      %get3A_93 = arith.constant 96 : index
      %get3A_94 = tpu.vector_load %arg6[%get3A_93] {strides = array<i32>} : memref<128xi32, #tpu.memory_space<vmem>>, vector<16xi32>,
      %get3A_95 = vector.shape_cast %get3A_94 : vector<16xi32> to vector<16xi32>
      %add3A_96 = vector.broadcast %mul3A_14 : i32 to vector<16xi32>
      %add3A_97 = arith.addi %get3A_95, %add3A_96 : vector<16xi32>
      %swap3A_98 = arith.constant 96 : index
      %swap3A_99 = tpu.vector_load %arg6[%swap3A_98] {strides = array<i32>} : memref<128xi32, #tpu.memory_space<vmem>>, vector<16xi32>,
      %swap3A_100 = vector.shape_cast %swap3A_99 : vector<16xi32> to vector<16xi32>
      %swap3A_101 = vector.shape_cast %add3A_97 : vector<16xi32> to vector<16xi32>
      tpu.vector_store %arg6[%swap3A_98], %swap3A_101 {strides = array<i32>} : memref<128xi32, #tpu.memory_space<vmem>>, vector<16xi32>,
      %get3A_102 = arith.constant 112 : index
      %get3A_103 = tpu.vector_load %arg6[%get3A_102] {strides = array<i32>} : memref<128xi32, #tpu.memory_space<vmem>>, vector<16xi32>,
      %get3A_104 = vector.shape_cast %get3A_103 : vector<16xi32> to vector<16xi32>
      %add3A_105 = vector.broadcast %mul3A_14 : i32 to vector<16xi32>
      %add3A_106 = arith.addi %get3A_104, %add3A_105 : vector<16xi32>
      %swap3A_107 = arith.constant 112 : index
      %swap3A_108 = tpu.vector_load %arg6[%swap3A_107] {strides = array<i32>} : memref<128xi32, #tpu.memory_space<vmem>>, vector<16xi32>,
      %swap3A_109 = vector.shape_cast %swap3A_108 : vector<16xi32> to vector<16xi32>
      %swap3A_110 = vector.shape_cast %add3A_106 : vector<16xi32> to vector<16xi32>
      tpu.vector_store %arg6[%swap3A_107], %swap3A_110 {strides = array<i32>} : memref<128xi32, #tpu.memory_space<vmem>>, vector<16xi32>,
      %dma_start3A = arith.constant 0 : i32
      %dma_start3A_111 = arith.constant 0 : i32
      %dma_start3A_112 = tpu.memref_slice %arg2[%dma_start3A, %dma_start3A_111] : memref<100000x32xf32, #tpu.memory_space<hbm>> -> memref<100000x32xf32, #tpu.memory_space<hbm>>
      tpu.enqueue_indirect_dma source(%dma_start3A_112 : memref<100000x32xf32, #tpu.memory_space<hbm>>) target(%arg8 : memref<128x32xf32, #tpu.memory_space<vmem>>) offsets(%arg6 : memref<128xi32, #tpu.memory_space<vmem>>) semaphore(%arg11 : memref<!tpu.dma_semaphore, #tpu.memory_space<semaphore_mem>>)
      %dma_wait3A = arith.constant 0 : i32
      %dma_wait3A_113 = arith.constant 0 : i32
      %dma_wait3A_114 = tpu.memref_slice %arg2[%dma_wait3A, %dma_wait3A_113] : memref<100000x32xf32, #tpu.memory_space<hbm>> -> memref<100000x32xf32, #tpu.memory_space<hbm>>
      tpu.wait_indirect_dma semaphore(%arg11 : memref<!tpu.dma_semaphore, #tpu.memory_space<semaphore_mem>>) src(%dma_wait3A_114 : memref<100000x32xf32, #tpu.memory_space<hbm>>) dst(%arg8 : memref<128x32xf32, #tpu.memory_space<vmem>>)
      "tpu.region"() ({
        %run_scoped3A = tpu.sem_alloc : memref<!tpu.dma_semaphore, #tpu.memory_space<semaphore_mem>>
        %dma_start3A_115 = arith.constant 0 : i32
        %dma_start3A_116 = arith.constant 0 : i32
        %dma_start3A_117 = tpu.memref_slice %arg10[%dma_start3A_115, %dma_start3A_116] : memref<50048x32xf32, #tpu.memory_space<vmem_shared>> -> memref<50048x32xf32, #tpu.memory_space<vmem_shared>>
        tpu.enqueue_indirect_dma source(%arg8 : memref<128x32xf32, #tpu.memory_space<vmem>>) target(%dma_start3A_117 : memref<50048x32xf32, #tpu.memory_space<vmem_shared>>) offsets(%arg7 : memref<128xi32, #tpu.memory_space<vmem>>) semaphore(%run_scoped3A : memref<!tpu.dma_semaphore, #tpu.memory_space<semaphore_mem>>) {add = true}
        %dma_wait3A_118 = arith.constant 0 : i32
        %dma_wait3A_119 = arith.constant 0 : i32
        %dma_wait3A_120 = tpu.memref_slice %arg10[%dma_wait3A_118, %dma_wait3A_119] : memref<50048x32xf32, #tpu.memory_space<vmem_shared>> -> memref<50048x32xf32, #tpu.memory_space<vmem_shared>>
        tpu.wait_indirect_dma semaphore(%run_scoped3A : memref<!tpu.dma_semaphore, #tpu.memory_space<semaphore_mem>>) src(%arg8 : memref<128x32xf32, #tpu.memory_space<vmem>>) dst(%dma_wait3A_120 : memref<50048x32xf32, #tpu.memory_space<vmem_shared>>)
        tpu.yield
      }) : () -> ()
    }
    %scan3A_22 = arith.constant 391 : i32
    %barrier3A_23 = arith.constant 0 : index
    tpu.barrier barrier_id(%barrier3A_23)
    %mul3A_24 = arith.constant 50048 : i32
    %mul3A_25 = arith.muli %arg0, %mul3A_24 : i32
    %add3A_26 = arith.addi %mul3A_25, %mul3A_5 : i32
    %scan3A_27 = arith.constant 0 : i32
    %scan3A_28 = arith.constant 0 : i32
    %scan3A_29 = arith.constant 24 : i32
    %scan3A_30 = arith.addi %scan3A_28, %scan3A_29 : i32
    %scan3A_31 = arith.constant 1 : i32
    scf.for %scan3A_37 = %scan3A_28 to %scan3A_30 step %scan3A_31  : i32 {
      %mul3A_38 = arith.constant 128 : i32
      %mul3A_39 = arith.muli %scan3A_37, %mul3A_38 : i32
      %add3A_40 = arith.addi %mul3A_5, %mul3A_39 : i32
      %mul3A_41 = arith.constant 128 : i32
      %mul3A_42 = arith.muli %scan3A_37, %mul3A_41 : i32
      %add3A_43 = arith.addi %add3A_26, %mul3A_42 : i32
      "tpu.region"() ({
        %run_scoped3A = tpu.sem_alloc : memref<!tpu.dma_semaphore, #tpu.memory_space<semaphore_mem>>
        %dma_start3A = arith.constant 0 : i32
        %dma_start3A_44 = tpu.memref_slice %arg5[%add3A_43, %dma_start3A] : memref<100096x32xf32, #tpu.memory_space<hbm>> -> memref<128x32xf32, #tpu.memory_space<hbm>>
        %dma_start3A_45 = arith.constant 0 : i32
        %dma_start3A_46 = tpu.memref_slice %arg10[%add3A_40, %dma_start3A_45] : memref<50048x32xf32, #tpu.memory_space<vmem_shared>> -> memref<128x32xf32, #tpu.memory_space<vmem_shared>>
        tpu.enqueue_dma source(%dma_start3A_46 : memref<128x32xf32, #tpu.memory_space<vmem_shared>>) target(%dma_start3A_44 : memref<128x32xf32, #tpu.memory_space<hbm>>) target_semaphore(%run_scoped3A : memref<!tpu.dma_semaphore, #tpu.memory_space<semaphore_mem>>)
        %dma_wait3A = arith.constant 0 : i32
        %dma_wait3A_47 = tpu.memref_slice %arg5[%add3A_43, %dma_wait3A] : memref<100096x32xf32, #tpu.memory_space<hbm>> -> memref<128x32xf32, #tpu.memory_space<hbm>>
        %dma_wait3A_48 = arith.constant 0 : i32
        %dma_wait3A_49 = tpu.memref_slice %arg10[%add3A_40, %dma_wait3A_48] : memref<50048x32xf32, #tpu.memory_space<vmem_shared>> -> memref<128x32xf32, #tpu.memory_space<vmem_shared>>
        tpu.wait_dma2 semaphore(%run_scoped3A : memref<!tpu.dma_semaphore, #tpu.memory_space<semaphore_mem>>) src(%dma_wait3A_49 : memref<128x32xf32, #tpu.memory_space<vmem_shared>>) dst(%dma_wait3A_47 : memref<128x32xf32, #tpu.memory_space<hbm>>)
        tpu.yield
      }) : () -> ()
    }
    %scan3A_32 = arith.constant 24 : i32
    %add3A_33 = arith.constant 3072 : i32
    %add3A_34 = arith.addi %mul3A_5, %add3A_33 : i32
    %add3A_35 = arith.constant 3072 : i32
    %add3A_36 = arith.addi %add3A_26, %add3A_35 : i32
    "tpu.region"() ({
      %run_scoped3A = tpu.sem_alloc : memref<!tpu.dma_semaphore, #tpu.memory_space<semaphore_mem>>
      %dma_start3A = arith.constant 0 : i32
      %dma_start3A_37 = tpu.memref_slice %arg5[%add3A_36, %dma_start3A] : memref<100096x32xf32, #tpu.memory_space<hbm>> -> memref<56x32xf32, #tpu.memory_space<hbm>>
      %dma_start3A_38 = arith.constant 0 : i32
      %dma_start3A_39 = tpu.memref_slice %arg10[%add3A_34, %dma_start3A_38] : memref<50048x32xf32, #tpu.memory_space<vmem_shared>> -> memref<56x32xf32, #tpu.memory_space<vmem_shared>>
      tpu.enqueue_dma source(%dma_start3A_39 : memref<56x32xf32, #tpu.memory_space<vmem_shared>>) target(%dma_start3A_37 : memref<56x32xf32, #tpu.memory_space<hbm>>) target_semaphore(%run_scoped3A : memref<!tpu.dma_semaphore, #tpu.memory_space<semaphore_mem>>)
      %dma_wait3A = arith.constant 0 : i32
      %dma_wait3A_40 = tpu.memref_slice %arg5[%add3A_36, %dma_wait3A] : memref<100096x32xf32, #tpu.memory_space<hbm>> -> memref<56x32xf32, #tpu.memory_space<hbm>>
      %dma_wait3A_41 = arith.constant 0 : i32
      %dma_wait3A_42 = tpu.memref_slice %arg10[%add3A_34, %dma_wait3A_41] : memref<50048x32xf32, #tpu.memory_space<vmem_shared>> -> memref<56x32xf32, #tpu.memory_space<vmem_shared>>
      tpu.wait_dma2 semaphore(%run_scoped3A : memref<!tpu.dma_semaphore, #tpu.memory_space<semaphore_mem>>) src(%dma_wait3A_42 : memref<56x32xf32, #tpu.memory_space<vmem_shared>>) dst(%dma_wait3A_40 : memref<56x32xf32, #tpu.memory_space<hbm>>)
      tpu.yield
    }) : () -> ()
    return
  }
}

#map = affine_map<(d0, d1) -> (0, 0)>
#map1 = affine_map<(d0, d1) -> (0)>
module attributes {stable_mosaic.version = 14 : i64} {
  func.func @seg_kernel(%arg0: i32, %arg1: i32, %arg2: memref<20000x32xf32, #tpu.memory_space<hbm>>, %arg3: memref<321536xi32, #tpu.memory_space<hbm>>, %arg4: memref<321536xi32, #tpu.memory_space<hbm>>, %arg5: memref<100096x32xf32, #tpu.memory_space<hbm>>, %arg6: memref<128xi32, #tpu.memory_space<vmem>>, %arg7: memref<128xi32, #tpu.memory_space<vmem>>, %arg8: memref<128x32xf32, #tpu.memory_space<vmem>>, %arg9: memref<128x32xf32, #tpu.memory_space<vmem>>, %arg10: memref<50048x32xf32, #tpu.memory_space<vmem_shared>>, %arg11: memref<!tpu.dma_semaphore, #tpu.memory_space<semaphore_mem>>) attributes {dimension_semantics = [#tpu.dimension_semantics<core_parallel>, #tpu.dimension_semantics<subcore_parallel>], iteration_bounds = array<i64: 2, 16>, scalar_prefetch = 0 : i64, scratch_operands = 6 : i64, tpu.core_type = #tpu.core_type<sc_vector_subcore>, window_params = [{transform_indices = #map}, {transform_indices = #map1}, {transform_indices = #map1}, {transform_indices = #map}]} {
    %scan3A = arith.constant 0 : i32
    %scan3A_0 = arith.constant 0 : i32
    %scan3A_1 = arith.constant 128 : i32
    %scan3A_2 = arith.addi %scan3A_0, %scan3A_1 : i32
    %scan3A_3 = arith.constant 1 : i32
    scf.for %scan3A_37 = %scan3A_0 to %scan3A_2 step %scan3A_3  : i32 {
      %broadcast_in_dim3A = arith.constant 0.000000e+00 : f32
      %broadcast_in_dim3A_38 = vector.broadcast %broadcast_in_dim3A : f32 to vector<16xf32>
      %swap3A = arith.index_cast %scan3A_37 : i32 to index
      %swap3A_39 = arith.constant 0 : index
      %swap3A_40 = tpu.vector_load %arg9[%swap3A, %swap3A_39] {strides = array<i32>} : memref<128x32xf32, #tpu.memory_space<vmem>>, vector<1x16xf32>,
      %swap3A_41 = vector.shape_cast %swap3A_40 : vector<1x16xf32> to vector<16xf32>
      %swap3A_42 = vector.shape_cast %broadcast_in_dim3A_38 : vector<16xf32> to vector<1x16xf32>
      tpu.vector_store %arg9[%swap3A, %swap3A_39], %swap3A_42 {strides = array<i32>} : memref<128x32xf32, #tpu.memory_space<vmem>>, vector<1x16xf32>,
      %broadcast_in_dim3A_43 = arith.constant 0.000000e+00 : f32
      %broadcast_in_dim3A_44 = vector.broadcast %broadcast_in_dim3A_43 : f32 to vector<16xf32>
      %swap3A_45 = arith.index_cast %scan3A_37 : i32 to index
      %swap3A_46 = arith.constant 16 : index
      %swap3A_47 = tpu.vector_load %arg9[%swap3A_45, %swap3A_46] {strides = array<i32>} : memref<128x32xf32, #tpu.memory_space<vmem>>, vector<1x16xf32>,
      %swap3A_48 = vector.shape_cast %swap3A_47 : vector<1x16xf32> to vector<16xf32>
      %swap3A_49 = vector.shape_cast %broadcast_in_dim3A_44 : vector<16xf32> to vector<1x16xf32>
      tpu.vector_store %arg9[%swap3A_45, %swap3A_46], %swap3A_49 {strides = array<i32>} : memref<128x32xf32, #tpu.memory_space<vmem>>, vector<1x16xf32>,
    }
    %scan3A_4 = arith.constant 128 : i32
    %mul3A = arith.constant 3128 : i32
    %mul3A_5 = arith.muli %arg1, %mul3A : i32
    %scan3A_6 = arith.constant 0 : i32
    %scan3A_7 = arith.constant 0 : i32
    %scan3A_8 = arith.constant 24 : i32
    %scan3A_9 = arith.addi %scan3A_7, %scan3A_8 : i32
    %scan3A_10 = arith.constant 1 : i32
    scf.for %scan3A_37 = %scan3A_7 to %scan3A_9 step %scan3A_10  : i32 {
      %mul3A_38 = arith.constant 128 : i32
      %mul3A_39 = arith.muli %scan3A_37, %mul3A_38 : i32
      %add3A_40 = arith.addi %mul3A_5, %mul3A_39 : i32
      "tpu.region"() ({
        %run_scoped3A = tpu.sem_alloc : memref<!tpu.dma_semaphore, #tpu.memory_space<semaphore_mem>>
        %dma_start3A = arith.constant 0 : i32
        %dma_start3A_41 = tpu.memref_slice %arg10[%add3A_40, %dma_start3A] : memref<50048x32xf32, #tpu.memory_space<vmem_shared>> -> memref<128x32xf32, #tpu.memory_space<vmem_shared>>
        %dma_start3A_42 = arith.constant 0 : i32
        %dma_start3A_43 = tpu.memref_slice %arg10[%add3A_40, %dma_start3A_42] : memref<50048x32xf32, #tpu.memory_space<vmem_shared>> -> memref<128x32xf32, #tpu.memory_space<vmem_shared>>
        tpu.enqueue_dma source(%arg9 : memref<128x32xf32, #tpu.memory_space<vmem>>) target(%dma_start3A_43 : memref<128x32xf32, #tpu.memory_space<vmem_shared>>) target_semaphore(%run_scoped3A : memref<!tpu.dma_semaphore, #tpu.memory_space<semaphore_mem>>)
        %dma_wait3A = arith.constant 0 : i32
        %dma_wait3A_44 = tpu.memref_slice %arg10[%add3A_40, %dma_wait3A] : memref<50048x32xf32, #tpu.memory_space<vmem_shared>> -> memref<128x32xf32, #tpu.memory_space<vmem_shared>>
        %dma_wait3A_45 = arith.constant 0 : i32
        %dma_wait3A_46 = tpu.memref_slice %arg10[%add3A_40, %dma_wait3A_45] : memref<50048x32xf32, #tpu.memory_space<vmem_shared>> -> memref<128x32xf32, #tpu.memory_space<vmem_shared>>
        tpu.wait_dma2 semaphore(%run_scoped3A : memref<!tpu.dma_semaphore, #tpu.memory_space<semaphore_mem>>) src(%arg9 : memref<128x32xf32, #tpu.memory_space<vmem>>) dst(%dma_wait3A_46 : memref<128x32xf32, #tpu.memory_space<vmem_shared>>)
        tpu.yield
      }) : () -> ()
    }
    %scan3A_11 = arith.constant 24 : i32
    %add3A = arith.constant 3072 : i32
    %add3A_12 = arith.addi %mul3A_5, %add3A : i32
    "tpu.region"() ({
      %run_scoped3A = tpu.sem_alloc : memref<!tpu.dma_semaphore, #tpu.memory_space<semaphore_mem>>
      %dma_start3A = arith.constant 0 : i32
      %dma_start3A_37 = arith.constant 0 : i32
      %dma_start3A_38 = tpu.memref_slice %arg9[%dma_start3A, %dma_start3A_37] : memref<128x32xf32, #tpu.memory_space<vmem>> -> memref<56x32xf32, #tpu.memory_space<vmem>>
      %dma_start3A_39 = arith.constant 0 : i32
      %dma_start3A_40 = tpu.memref_slice %arg10[%add3A_12, %dma_start3A_39] : memref<50048x32xf32, #tpu.memory_space<vmem_shared>> -> memref<56x32xf32, #tpu.memory_space<vmem_shared>>
      %dma_start3A_41 = arith.constant 0 : i32
      %dma_start3A_42 = tpu.memref_slice %arg10[%add3A_12, %dma_start3A_41] : memref<50048x32xf32, #tpu.memory_space<vmem_shared>> -> memref<56x32xf32, #tpu.memory_space<vmem_shared>>
      %dma_start3A_43 = arith.constant 0 : i32
      %dma_start3A_44 = arith.constant 0 : i32
      %dma_start3A_45 = tpu.memref_slice %arg9[%dma_start3A_43, %dma_start3A_44] : memref<128x32xf32, #tpu.memory_space<vmem>> -> memref<56x32xf32, #tpu.memory_space<vmem>>
      tpu.enqueue_dma source(%dma_start3A_45 : memref<56x32xf32, #tpu.memory_space<vmem>>) target(%dma_start3A_42 : memref<56x32xf32, #tpu.memory_space<vmem_shared>>) target_semaphore(%run_scoped3A : memref<!tpu.dma_semaphore, #tpu.memory_space<semaphore_mem>>)
      %dma_wait3A = arith.constant 0 : i32
      %dma_wait3A_46 = arith.constant 0 : i32
      %dma_wait3A_47 = tpu.memref_slice %arg9[%dma_wait3A, %dma_wait3A_46] : memref<128x32xf32, #tpu.memory_space<vmem>> -> memref<56x32xf32, #tpu.memory_space<vmem>>
      %dma_wait3A_48 = arith.constant 0 : i32
      %dma_wait3A_49 = tpu.memref_slice %arg10[%add3A_12, %dma_wait3A_48] : memref<50048x32xf32, #tpu.memory_space<vmem_shared>> -> memref<56x32xf32, #tpu.memory_space<vmem_shared>>
      %dma_wait3A_50 = arith.constant 0 : i32
      %dma_wait3A_51 = tpu.memref_slice %arg10[%add3A_12, %dma_wait3A_50] : memref<50048x32xf32, #tpu.memory_space<vmem_shared>> -> memref<56x32xf32, #tpu.memory_space<vmem_shared>>
      %dma_wait3A_52 = arith.constant 0 : i32
      %dma_wait3A_53 = arith.constant 0 : i32
      %dma_wait3A_54 = tpu.memref_slice %arg9[%dma_wait3A_52, %dma_wait3A_53] : memref<128x32xf32, #tpu.memory_space<vmem>> -> memref<56x32xf32, #tpu.memory_space<vmem>>
      tpu.wait_dma2 semaphore(%run_scoped3A : memref<!tpu.dma_semaphore, #tpu.memory_space<semaphore_mem>>) src(%dma_wait3A_54 : memref<56x32xf32, #tpu.memory_space<vmem>>) dst(%dma_wait3A_51 : memref<56x32xf32, #tpu.memory_space<vmem_shared>>)
      tpu.yield
    }) : () -> ()
    %barrier3A = arith.constant 0 : index
    tpu.barrier barrier_id(%barrier3A)
    %mul3A_13 = arith.constant 10000 : i32
    %mul3A_14 = arith.muli %arg0, %mul3A_13 : i32
    %mul3A_15 = arith.constant 20096 : i32
    %mul3A_16 = arith.muli %arg1, %mul3A_15 : i32
    %scan3A_17 = arith.constant 0 : i32
    %scan3A_18 = arith.constant 0 : i32
    %scan3A_19 = arith.constant 157 : i32
    %scan3A_20 = arith.addi %scan3A_18, %scan3A_19 : i32
    %scan3A_21 = arith.constant 1 : i32
    scf.for %scan3A_37 = %scan3A_18 to %scan3A_20 step %scan3A_21  : i32 {
      %mul3A_38 = arith.constant 128 : i32
      %mul3A_39 = arith.muli %scan3A_37, %mul3A_38 : i32
      %add3A_40 = arith.addi %mul3A_16, %mul3A_39 : i32
      "tpu.region"() ({
        %run_scoped3A = tpu.sem_alloc : memref<!tpu.dma_semaphore, #tpu.memory_space<semaphore_mem>>
        %dma_start3A_115 = tpu.memref_slice %arg3[%add3A_40] : memref<321536xi32, #tpu.memory_space<hbm>> -> memref<128xi32, #tpu.memory_space<hbm>>
        %dma_start3A_116 = tpu.memref_slice %arg3[%add3A_40] : memref<321536xi32, #tpu.memory_space<hbm>> -> memref<128xi32, #tpu.memory_space<hbm>>
        tpu.enqueue_dma source(%dma_start3A_116 : memref<128xi32, #tpu.memory_space<hbm>>) target(%arg6 : memref<128xi32, #tpu.memory_space<vmem>>) target_semaphore(%run_scoped3A : memref<!tpu.dma_semaphore, #tpu.memory_space<semaphore_mem>>)
        %dma_wait3A_117 = tpu.memref_slice %arg3[%add3A_40] : memref<321536xi32, #tpu.memory_space<hbm>> -> memref<128xi32, #tpu.memory_space<hbm>>
        %dma_wait3A_118 = tpu.memref_slice %arg3[%add3A_40] : memref<321536xi32, #tpu.memory_space<hbm>> -> memref<128xi32, #tpu.memory_space<hbm>>
        tpu.wait_dma2 semaphore(%run_scoped3A : memref<!tpu.dma_semaphore, #tpu.memory_space<semaphore_mem>>) src(%dma_wait3A_118 : memref<128xi32, #tpu.memory_space<hbm>>) dst(%arg6 : memref<128xi32, #tpu.memory_space<vmem>>)
        tpu.yield
      }) : () -> ()
      "tpu.region"() ({
        %run_scoped3A = tpu.sem_alloc : memref<!tpu.dma_semaphore, #tpu.memory_space<semaphore_mem>>
        %dma_start3A_115 = tpu.memref_slice %arg4[%add3A_40] : memref<321536xi32, #tpu.memory_space<hbm>> -> memref<128xi32, #tpu.memory_space<hbm>>
        %dma_start3A_116 = tpu.memref_slice %arg4[%add3A_40] : memref<321536xi32, #tpu.memory_space<hbm>> -> memref<128xi32, #tpu.memory_space<hbm>>
        tpu.enqueue_dma source(%dma_start3A_116 : memref<128xi32, #tpu.memory_space<hbm>>) target(%arg7 : memref<128xi32, #tpu.memory_space<vmem>>) target_semaphore(%run_scoped3A : memref<!tpu.dma_semaphore, #tpu.memory_space<semaphore_mem>>)
        %dma_wait3A_117 = tpu.memref_slice %arg4[%add3A_40] : memref<321536xi32, #tpu.memory_space<hbm>> -> memref<128xi32, #tpu.memory_space<hbm>>
        %dma_wait3A_118 = tpu.memref_slice %arg4[%add3A_40] : memref<321536xi32, #tpu.memory_space<hbm>> -> memref<128xi32, #tpu.memory_space<hbm>>
        tpu.wait_dma2 semaphore(%run_scoped3A : memref<!tpu.dma_semaphore, #tpu.memory_space<semaphore_mem>>) src(%dma_wait3A_118 : memref<128xi32, #tpu.memory_space<hbm>>) dst(%arg7 : memref<128xi32, #tpu.memory_space<vmem>>)
        tpu.yield
      }) : () -> ()
      %get3A = arith.constant 0 : index
      %get3A_41 = tpu.vector_load %arg6[%get3A] {strides = array<i32>} : memref<128xi32, #tpu.memory_space<vmem>>, vector<16xi32>,
      %get3A_42 = vector.shape_cast %get3A_41 : vector<16xi32> to vector<16xi32>
      %add3A_43 = vector.broadcast %mul3A_14 : i32 to vector<16xi32>
      %add3A_44 = arith.addi %get3A_42, %add3A_43 : vector<16xi32>
      %swap3A = arith.constant 0 : index
      %swap3A_45 = tpu.vector_load %arg6[%swap3A] {strides = array<i32>} : memref<128xi32, #tpu.memory_space<vmem>>, vector<16xi32>,
      %swap3A_46 = vector.shape_cast %swap3A_45 : vector<16xi32> to vector<16xi32>
      %swap3A_47 = vector.shape_cast %add3A_44 : vector<16xi32> to vector<16xi32>
      tpu.vector_store %arg6[%swap3A], %swap3A_47 {strides = array<i32>} : memref<128xi32, #tpu.memory_space<vmem>>, vector<16xi32>,
      %get3A_48 = arith.constant 16 : index
      %get3A_49 = tpu.vector_load %arg6[%get3A_48] {strides = array<i32>} : memref<128xi32, #tpu.memory_space<vmem>>, vector<16xi32>,
      %get3A_50 = vector.shape_cast %get3A_49 : vector<16xi32> to vector<16xi32>
      %add3A_51 = vector.broadcast %mul3A_14 : i32 to vector<16xi32>
      %add3A_52 = arith.addi %get3A_50, %add3A_51 : vector<16xi32>
      %swap3A_53 = arith.constant 16 : index
      %swap3A_54 = tpu.vector_load %arg6[%swap3A_53] {strides = array<i32>} : memref<128xi32, #tpu.memory_space<vmem>>, vector<16xi32>,
      %swap3A_55 = vector.shape_cast %swap3A_54 : vector<16xi32> to vector<16xi32>
      %swap3A_56 = vector.shape_cast %add3A_52 : vector<16xi32> to vector<16xi32>
      tpu.vector_store %arg6[%swap3A_53], %swap3A_56 {strides = array<i32>} : memref<128xi32, #tpu.memory_space<vmem>>, vector<16xi32>,
      %get3A_57 = arith.constant 32 : index
      %get3A_58 = tpu.vector_load %arg6[%get3A_57] {strides = array<i32>} : memref<128xi32, #tpu.memory_space<vmem>>, vector<16xi32>,
      %get3A_59 = vector.shape_cast %get3A_58 : vector<16xi32> to vector<16xi32>
      %add3A_60 = vector.broadcast %mul3A_14 : i32 to vector<16xi32>
      %add3A_61 = arith.addi %get3A_59, %add3A_60 : vector<16xi32>
      %swap3A_62 = arith.constant 32 : index
      %swap3A_63 = tpu.vector_load %arg6[%swap3A_62] {strides = array<i32>} : memref<128xi32, #tpu.memory_space<vmem>>, vector<16xi32>,
      %swap3A_64 = vector.shape_cast %swap3A_63 : vector<16xi32> to vector<16xi32>
      %swap3A_65 = vector.shape_cast %add3A_61 : vector<16xi32> to vector<16xi32>
      tpu.vector_store %arg6[%swap3A_62], %swap3A_65 {strides = array<i32>} : memref<128xi32, #tpu.memory_space<vmem>>, vector<16xi32>,
      %get3A_66 = arith.constant 48 : index
      %get3A_67 = tpu.vector_load %arg6[%get3A_66] {strides = array<i32>} : memref<128xi32, #tpu.memory_space<vmem>>, vector<16xi32>,
      %get3A_68 = vector.shape_cast %get3A_67 : vector<16xi32> to vector<16xi32>
      %add3A_69 = vector.broadcast %mul3A_14 : i32 to vector<16xi32>
      %add3A_70 = arith.addi %get3A_68, %add3A_69 : vector<16xi32>
      %swap3A_71 = arith.constant 48 : index
      %swap3A_72 = tpu.vector_load %arg6[%swap3A_71] {strides = array<i32>} : memref<128xi32, #tpu.memory_space<vmem>>, vector<16xi32>,
      %swap3A_73 = vector.shape_cast %swap3A_72 : vector<16xi32> to vector<16xi32>
      %swap3A_74 = vector.shape_cast %add3A_70 : vector<16xi32> to vector<16xi32>
      tpu.vector_store %arg6[%swap3A_71], %swap3A_74 {strides = array<i32>} : memref<128xi32, #tpu.memory_space<vmem>>, vector<16xi32>,
      %get3A_75 = arith.constant 64 : index
      %get3A_76 = tpu.vector_load %arg6[%get3A_75] {strides = array<i32>} : memref<128xi32, #tpu.memory_space<vmem>>, vector<16xi32>,
      %get3A_77 = vector.shape_cast %get3A_76 : vector<16xi32> to vector<16xi32>
      %add3A_78 = vector.broadcast %mul3A_14 : i32 to vector<16xi32>
      %add3A_79 = arith.addi %get3A_77, %add3A_78 : vector<16xi32>
      %swap3A_80 = arith.constant 64 : index
      %swap3A_81 = tpu.vector_load %arg6[%swap3A_80] {strides = array<i32>} : memref<128xi32, #tpu.memory_space<vmem>>, vector<16xi32>,
      %swap3A_82 = vector.shape_cast %swap3A_81 : vector<16xi32> to vector<16xi32>
      %swap3A_83 = vector.shape_cast %add3A_79 : vector<16xi32> to vector<16xi32>
      tpu.vector_store %arg6[%swap3A_80], %swap3A_83 {strides = array<i32>} : memref<128xi32, #tpu.memory_space<vmem>>, vector<16xi32>,
      %get3A_84 = arith.constant 80 : index
      %get3A_85 = tpu.vector_load %arg6[%get3A_84] {strides = array<i32>} : memref<128xi32, #tpu.memory_space<vmem>>, vector<16xi32>,
      %get3A_86 = vector.shape_cast %get3A_85 : vector<16xi32> to vector<16xi32>
      %add3A_87 = vector.broadcast %mul3A_14 : i32 to vector<16xi32>
      %add3A_88 = arith.addi %get3A_86, %add3A_87 : vector<16xi32>
      %swap3A_89 = arith.constant 80 : index
      %swap3A_90 = tpu.vector_load %arg6[%swap3A_89] {strides = array<i32>} : memref<128xi32, #tpu.memory_space<vmem>>, vector<16xi32>,
      %swap3A_91 = vector.shape_cast %swap3A_90 : vector<16xi32> to vector<16xi32>
      %swap3A_92 = vector.shape_cast %add3A_88 : vector<16xi32> to vector<16xi32>
      tpu.vector_store %arg6[%swap3A_89], %swap3A_92 {strides = array<i32>} : memref<128xi32, #tpu.memory_space<vmem>>, vector<16xi32>,
      %get3A_93 = arith.constant 96 : index
      %get3A_94 = tpu.vector_load %arg6[%get3A_93] {strides = array<i32>} : memref<128xi32, #tpu.memory_space<vmem>>, vector<16xi32>,
      %get3A_95 = vector.shape_cast %get3A_94 : vector<16xi32> to vector<16xi32>
      %add3A_96 = vector.broadcast %mul3A_14 : i32 to vector<16xi32>
      %add3A_97 = arith.addi %get3A_95, %add3A_96 : vector<16xi32>
      %swap3A_98 = arith.constant 96 : index
      %swap3A_99 = tpu.vector_load %arg6[%swap3A_98] {strides = array<i32>} : memref<128xi32, #tpu.memory_space<vmem>>, vector<16xi32>,
      %swap3A_100 = vector.shape_cast %swap3A_99 : vector<16xi32> to vector<16xi32>
      %swap3A_101 = vector.shape_cast %add3A_97 : vector<16xi32> to vector<16xi32>
      tpu.vector_store %arg6[%swap3A_98], %swap3A_101 {strides = array<i32>} : memref<128xi32, #tpu.memory_space<vmem>>, vector<16xi32>,
      %get3A_102 = arith.constant 112 : index
      %get3A_103 = tpu.vector_load %arg6[%get3A_102] {strides = array<i32>} : memref<128xi32, #tpu.memory_space<vmem>>, vector<16xi32>,
      %get3A_104 = vector.shape_cast %get3A_103 : vector<16xi32> to vector<16xi32>
      %add3A_105 = vector.broadcast %mul3A_14 : i32 to vector<16xi32>
      %add3A_106 = arith.addi %get3A_104, %add3A_105 : vector<16xi32>
      %swap3A_107 = arith.constant 112 : index
      %swap3A_108 = tpu.vector_load %arg6[%swap3A_107] {strides = array<i32>} : memref<128xi32, #tpu.memory_space<vmem>>, vector<16xi32>,
      %swap3A_109 = vector.shape_cast %swap3A_108 : vector<16xi32> to vector<16xi32>
      %swap3A_110 = vector.shape_cast %add3A_106 : vector<16xi32> to vector<16xi32>
      tpu.vector_store %arg6[%swap3A_107], %swap3A_110 {strides = array<i32>} : memref<128xi32, #tpu.memory_space<vmem>>, vector<16xi32>,
      %dma_start3A = arith.constant 0 : i32
      %dma_start3A_111 = arith.constant 0 : i32
      %dma_start3A_112 = tpu.memref_slice %arg2[%dma_start3A, %dma_start3A_111] : memref<20000x32xf32, #tpu.memory_space<hbm>> -> memref<20000x32xf32, #tpu.memory_space<hbm>>
      tpu.enqueue_indirect_dma source(%dma_start3A_112 : memref<20000x32xf32, #tpu.memory_space<hbm>>) target(%arg8 : memref<128x32xf32, #tpu.memory_space<vmem>>) offsets(%arg6 : memref<128xi32, #tpu.memory_space<vmem>>) semaphore(%arg11 : memref<!tpu.dma_semaphore, #tpu.memory_space<semaphore_mem>>)
      %dma_wait3A = arith.constant 0 : i32
      %dma_wait3A_113 = arith.constant 0 : i32
      %dma_wait3A_114 = tpu.memref_slice %arg2[%dma_wait3A, %dma_wait3A_113] : memref<20000x32xf32, #tpu.memory_space<hbm>> -> memref<20000x32xf32, #tpu.memory_space<hbm>>
      tpu.wait_indirect_dma semaphore(%arg11 : memref<!tpu.dma_semaphore, #tpu.memory_space<semaphore_mem>>) src(%dma_wait3A_114 : memref<20000x32xf32, #tpu.memory_space<hbm>>) dst(%arg8 : memref<128x32xf32, #tpu.memory_space<vmem>>)
      "tpu.region"() ({
        %run_scoped3A = tpu.sem_alloc : memref<!tpu.dma_semaphore, #tpu.memory_space<semaphore_mem>>
        %dma_start3A_115 = arith.constant 0 : i32
        %dma_start3A_116 = arith.constant 0 : i32
        %dma_start3A_117 = tpu.memref_slice %arg10[%dma_start3A_115, %dma_start3A_116] : memref<50048x32xf32, #tpu.memory_space<vmem_shared>> -> memref<50048x32xf32, #tpu.memory_space<vmem_shared>>
        tpu.enqueue_indirect_dma source(%arg8 : memref<128x32xf32, #tpu.memory_space<vmem>>) target(%dma_start3A_117 : memref<50048x32xf32, #tpu.memory_space<vmem_shared>>) offsets(%arg7 : memref<128xi32, #tpu.memory_space<vmem>>) semaphore(%run_scoped3A : memref<!tpu.dma_semaphore, #tpu.memory_space<semaphore_mem>>) {add = true}
        %dma_wait3A_118 = arith.constant 0 : i32
        %dma_wait3A_119 = arith.constant 0 : i32
        %dma_wait3A_120 = tpu.memref_slice %arg10[%dma_wait3A_118, %dma_wait3A_119] : memref<50048x32xf32, #tpu.memory_space<vmem_shared>> -> memref<50048x32xf32, #tpu.memory_space<vmem_shared>>
        tpu.wait_indirect_dma semaphore(%run_scoped3A : memref<!tpu.dma_semaphore, #tpu.memory_space<semaphore_mem>>) src(%arg8 : memref<128x32xf32, #tpu.memory_space<vmem>>) dst(%dma_wait3A_120 : memref<50048x32xf32, #tpu.memory_space<vmem_shared>>)
        tpu.yield
      }) : () -> ()
    }
    %scan3A_22 = arith.constant 157 : i32
    %barrier3A_23 = arith.constant 0 : index
    tpu.barrier barrier_id(%barrier3A_23)
    %mul3A_24 = arith.constant 50048 : i32
    %mul3A_25 = arith.muli %arg0, %mul3A_24 : i32
    %add3A_26 = arith.addi %mul3A_25, %mul3A_5 : i32
    %scan3A_27 = arith.constant 0 : i32
    %scan3A_28 = arith.constant 0 : i32
    %scan3A_29 = arith.constant 24 : i32
    %scan3A_30 = arith.addi %scan3A_28, %scan3A_29 : i32
    %scan3A_31 = arith.constant 1 : i32
    scf.for %scan3A_37 = %scan3A_28 to %scan3A_30 step %scan3A_31  : i32 {
      %mul3A_38 = arith.constant 128 : i32
      %mul3A_39 = arith.muli %scan3A_37, %mul3A_38 : i32
      %add3A_40 = arith.addi %mul3A_5, %mul3A_39 : i32
      %mul3A_41 = arith.constant 128 : i32
      %mul3A_42 = arith.muli %scan3A_37, %mul3A_41 : i32
      %add3A_43 = arith.addi %add3A_26, %mul3A_42 : i32
      "tpu.region"() ({
        %run_scoped3A = tpu.sem_alloc : memref<!tpu.dma_semaphore, #tpu.memory_space<semaphore_mem>>
        %dma_start3A = arith.constant 0 : i32
        %dma_start3A_44 = tpu.memref_slice %arg5[%add3A_43, %dma_start3A] : memref<100096x32xf32, #tpu.memory_space<hbm>> -> memref<128x32xf32, #tpu.memory_space<hbm>>
        %dma_start3A_45 = arith.constant 0 : i32
        %dma_start3A_46 = tpu.memref_slice %arg10[%add3A_40, %dma_start3A_45] : memref<50048x32xf32, #tpu.memory_space<vmem_shared>> -> memref<128x32xf32, #tpu.memory_space<vmem_shared>>
        tpu.enqueue_dma source(%dma_start3A_46 : memref<128x32xf32, #tpu.memory_space<vmem_shared>>) target(%dma_start3A_44 : memref<128x32xf32, #tpu.memory_space<hbm>>) target_semaphore(%run_scoped3A : memref<!tpu.dma_semaphore, #tpu.memory_space<semaphore_mem>>)
        %dma_wait3A = arith.constant 0 : i32
        %dma_wait3A_47 = tpu.memref_slice %arg5[%add3A_43, %dma_wait3A] : memref<100096x32xf32, #tpu.memory_space<hbm>> -> memref<128x32xf32, #tpu.memory_space<hbm>>
        %dma_wait3A_48 = arith.constant 0 : i32
        %dma_wait3A_49 = tpu.memref_slice %arg10[%add3A_40, %dma_wait3A_48] : memref<50048x32xf32, #tpu.memory_space<vmem_shared>> -> memref<128x32xf32, #tpu.memory_space<vmem_shared>>
        tpu.wait_dma2 semaphore(%run_scoped3A : memref<!tpu.dma_semaphore, #tpu.memory_space<semaphore_mem>>) src(%dma_wait3A_49 : memref<128x32xf32, #tpu.memory_space<vmem_shared>>) dst(%dma_wait3A_47 : memref<128x32xf32, #tpu.memory_space<hbm>>)
        tpu.yield
      }) : () -> ()
    }
    %scan3A_32 = arith.constant 24 : i32
    %add3A_33 = arith.constant 3072 : i32
    %add3A_34 = arith.addi %mul3A_5, %add3A_33 : i32
    %add3A_35 = arith.constant 3072 : i32
    %add3A_36 = arith.addi %add3A_26, %add3A_35 : i32
    "tpu.region"() ({
      %run_scoped3A = tpu.sem_alloc : memref<!tpu.dma_semaphore, #tpu.memory_space<semaphore_mem>>
      %dma_start3A = arith.constant 0 : i32
      %dma_start3A_37 = tpu.memref_slice %arg5[%add3A_36, %dma_start3A] : memref<100096x32xf32, #tpu.memory_space<hbm>> -> memref<56x32xf32, #tpu.memory_space<hbm>>
      %dma_start3A_38 = arith.constant 0 : i32
      %dma_start3A_39 = tpu.memref_slice %arg10[%add3A_34, %dma_start3A_38] : memref<50048x32xf32, #tpu.memory_space<vmem_shared>> -> memref<56x32xf32, #tpu.memory_space<vmem_shared>>
      tpu.enqueue_dma source(%dma_start3A_39 : memref<56x32xf32, #tpu.memory_space<vmem_shared>>) target(%dma_start3A_37 : memref<56x32xf32, #tpu.memory_space<hbm>>) target_semaphore(%run_scoped3A : memref<!tpu.dma_semaphore, #tpu.memory_space<semaphore_mem>>)
      %dma_wait3A = arith.constant 0 : i32
      %dma_wait3A_40 = tpu.memref_slice %arg5[%add3A_36, %dma_wait3A] : memref<100096x32xf32, #tpu.memory_space<hbm>> -> memref<56x32xf32, #tpu.memory_space<hbm>>
      %dma_wait3A_41 = arith.constant 0 : i32
      %dma_wait3A_42 = tpu.memref_slice %arg10[%add3A_34, %dma_wait3A_41] : memref<50048x32xf32, #tpu.memory_space<vmem_shared>> -> memref<56x32xf32, #tpu.memory_space<vmem_shared>>
      tpu.wait_dma2 semaphore(%run_scoped3A : memref<!tpu.dma_semaphore, #tpu.memory_space<semaphore_mem>>) src(%dma_wait3A_42 : memref<56x32xf32, #tpu.memory_space<vmem_shared>>) dst(%dma_wait3A_40 : memref<56x32xf32, #tpu.memory_space<hbm>>)
      tpu.yield
    }) : () -> ()
    return
  }
}

#map = affine_map<(d0, d1) -> (0, 0)>
#map1 = affine_map<(d0, d1) -> (0)>
module attributes {stable_mosaic.version = 14 : i64} {
  func.func @seg_kernel(%arg0: i32, %arg1: i32, %arg2: memref<100000x32xf32, #tpu.memory_space<hbm>>, %arg3: memref<321536xi32, #tpu.memory_space<hbm>>, %arg4: memref<321536xi32, #tpu.memory_space<hbm>>, %arg5: memref<20224x32xf32, #tpu.memory_space<hbm>>, %arg6: memref<128xi32, #tpu.memory_space<vmem>>, %arg7: memref<128xi32, #tpu.memory_space<vmem>>, %arg8: memref<128x32xf32, #tpu.memory_space<vmem>>, %arg9: memref<128x32xf32, #tpu.memory_space<vmem>>, %arg10: memref<10112x32xf32, #tpu.memory_space<vmem_shared>>, %arg11: memref<!tpu.dma_semaphore, #tpu.memory_space<semaphore_mem>>) attributes {dimension_semantics = [#tpu.dimension_semantics<core_parallel>, #tpu.dimension_semantics<subcore_parallel>], iteration_bounds = array<i64: 2, 16>, scalar_prefetch = 0 : i64, scratch_operands = 6 : i64, tpu.core_type = #tpu.core_type<sc_vector_subcore>, window_params = [{transform_indices = #map}, {transform_indices = #map1}, {transform_indices = #map1}, {transform_indices = #map}]} {
    %scan3A = arith.constant 0 : i32
    %scan3A_0 = arith.constant 0 : i32
    %scan3A_1 = arith.constant 128 : i32
    %scan3A_2 = arith.addi %scan3A_0, %scan3A_1 : i32
    %scan3A_3 = arith.constant 1 : i32
    scf.for %scan3A_37 = %scan3A_0 to %scan3A_2 step %scan3A_3  : i32 {
      %broadcast_in_dim3A = arith.constant 0.000000e+00 : f32
      %broadcast_in_dim3A_38 = vector.broadcast %broadcast_in_dim3A : f32 to vector<16xf32>
      %swap3A = arith.index_cast %scan3A_37 : i32 to index
      %swap3A_39 = arith.constant 0 : index
      %swap3A_40 = tpu.vector_load %arg9[%swap3A, %swap3A_39] {strides = array<i32>} : memref<128x32xf32, #tpu.memory_space<vmem>>, vector<1x16xf32>,
      %swap3A_41 = vector.shape_cast %swap3A_40 : vector<1x16xf32> to vector<16xf32>
      %swap3A_42 = vector.shape_cast %broadcast_in_dim3A_38 : vector<16xf32> to vector<1x16xf32>
      tpu.vector_store %arg9[%swap3A, %swap3A_39], %swap3A_42 {strides = array<i32>} : memref<128x32xf32, #tpu.memory_space<vmem>>, vector<1x16xf32>,
      %broadcast_in_dim3A_43 = arith.constant 0.000000e+00 : f32
      %broadcast_in_dim3A_44 = vector.broadcast %broadcast_in_dim3A_43 : f32 to vector<16xf32>
      %swap3A_45 = arith.index_cast %scan3A_37 : i32 to index
      %swap3A_46 = arith.constant 16 : index
      %swap3A_47 = tpu.vector_load %arg9[%swap3A_45, %swap3A_46] {strides = array<i32>} : memref<128x32xf32, #tpu.memory_space<vmem>>, vector<1x16xf32>,
      %swap3A_48 = vector.shape_cast %swap3A_47 : vector<1x16xf32> to vector<16xf32>
      %swap3A_49 = vector.shape_cast %broadcast_in_dim3A_44 : vector<16xf32> to vector<1x16xf32>
      tpu.vector_store %arg9[%swap3A_45, %swap3A_46], %swap3A_49 {strides = array<i32>} : memref<128x32xf32, #tpu.memory_space<vmem>>, vector<1x16xf32>,
    }
    %scan3A_4 = arith.constant 128 : i32
    %mul3A = arith.constant 632 : i32
    %mul3A_5 = arith.muli %arg1, %mul3A : i32
    %scan3A_6 = arith.constant 0 : i32
    %scan3A_7 = arith.constant 0 : i32
    %scan3A_8 = arith.constant 4 : i32
    %scan3A_9 = arith.addi %scan3A_7, %scan3A_8 : i32
    %scan3A_10 = arith.constant 1 : i32
    scf.for %scan3A_37 = %scan3A_7 to %scan3A_9 step %scan3A_10  : i32 {
      %mul3A_38 = arith.constant 128 : i32
      %mul3A_39 = arith.muli %scan3A_37, %mul3A_38 : i32
      %add3A_40 = arith.addi %mul3A_5, %mul3A_39 : i32
      "tpu.region"() ({
        %run_scoped3A = tpu.sem_alloc : memref<!tpu.dma_semaphore, #tpu.memory_space<semaphore_mem>>
        %dma_start3A = arith.constant 0 : i32
        %dma_start3A_41 = tpu.memref_slice %arg10[%add3A_40, %dma_start3A] : memref<10112x32xf32, #tpu.memory_space<vmem_shared>> -> memref<128x32xf32, #tpu.memory_space<vmem_shared>>
        %dma_start3A_42 = arith.constant 0 : i32
        %dma_start3A_43 = tpu.memref_slice %arg10[%add3A_40, %dma_start3A_42] : memref<10112x32xf32, #tpu.memory_space<vmem_shared>> -> memref<128x32xf32, #tpu.memory_space<vmem_shared>>
        tpu.enqueue_dma source(%arg9 : memref<128x32xf32, #tpu.memory_space<vmem>>) target(%dma_start3A_43 : memref<128x32xf32, #tpu.memory_space<vmem_shared>>) target_semaphore(%run_scoped3A : memref<!tpu.dma_semaphore, #tpu.memory_space<semaphore_mem>>)
        %dma_wait3A = arith.constant 0 : i32
        %dma_wait3A_44 = tpu.memref_slice %arg10[%add3A_40, %dma_wait3A] : memref<10112x32xf32, #tpu.memory_space<vmem_shared>> -> memref<128x32xf32, #tpu.memory_space<vmem_shared>>
        %dma_wait3A_45 = arith.constant 0 : i32
        %dma_wait3A_46 = tpu.memref_slice %arg10[%add3A_40, %dma_wait3A_45] : memref<10112x32xf32, #tpu.memory_space<vmem_shared>> -> memref<128x32xf32, #tpu.memory_space<vmem_shared>>
        tpu.wait_dma2 semaphore(%run_scoped3A : memref<!tpu.dma_semaphore, #tpu.memory_space<semaphore_mem>>) src(%arg9 : memref<128x32xf32, #tpu.memory_space<vmem>>) dst(%dma_wait3A_46 : memref<128x32xf32, #tpu.memory_space<vmem_shared>>)
        tpu.yield
      }) : () -> ()
    }
    %scan3A_11 = arith.constant 4 : i32
    %add3A = arith.constant 512 : i32
    %add3A_12 = arith.addi %mul3A_5, %add3A : i32
    "tpu.region"() ({
      %run_scoped3A = tpu.sem_alloc : memref<!tpu.dma_semaphore, #tpu.memory_space<semaphore_mem>>
      %dma_start3A = arith.constant 0 : i32
      %dma_start3A_37 = arith.constant 0 : i32
      %dma_start3A_38 = tpu.memref_slice %arg9[%dma_start3A, %dma_start3A_37] : memref<128x32xf32, #tpu.memory_space<vmem>> -> memref<120x32xf32, #tpu.memory_space<vmem>>
      %dma_start3A_39 = arith.constant 0 : i32
      %dma_start3A_40 = tpu.memref_slice %arg10[%add3A_12, %dma_start3A_39] : memref<10112x32xf32, #tpu.memory_space<vmem_shared>> -> memref<120x32xf32, #tpu.memory_space<vmem_shared>>
      %dma_start3A_41 = arith.constant 0 : i32
      %dma_start3A_42 = tpu.memref_slice %arg10[%add3A_12, %dma_start3A_41] : memref<10112x32xf32, #tpu.memory_space<vmem_shared>> -> memref<120x32xf32, #tpu.memory_space<vmem_shared>>
      %dma_start3A_43 = arith.constant 0 : i32
      %dma_start3A_44 = arith.constant 0 : i32
      %dma_start3A_45 = tpu.memref_slice %arg9[%dma_start3A_43, %dma_start3A_44] : memref<128x32xf32, #tpu.memory_space<vmem>> -> memref<120x32xf32, #tpu.memory_space<vmem>>
      tpu.enqueue_dma source(%dma_start3A_45 : memref<120x32xf32, #tpu.memory_space<vmem>>) target(%dma_start3A_42 : memref<120x32xf32, #tpu.memory_space<vmem_shared>>) target_semaphore(%run_scoped3A : memref<!tpu.dma_semaphore, #tpu.memory_space<semaphore_mem>>)
      %dma_wait3A = arith.constant 0 : i32
      %dma_wait3A_46 = arith.constant 0 : i32
      %dma_wait3A_47 = tpu.memref_slice %arg9[%dma_wait3A, %dma_wait3A_46] : memref<128x32xf32, #tpu.memory_space<vmem>> -> memref<120x32xf32, #tpu.memory_space<vmem>>
      %dma_wait3A_48 = arith.constant 0 : i32
      %dma_wait3A_49 = tpu.memref_slice %arg10[%add3A_12, %dma_wait3A_48] : memref<10112x32xf32, #tpu.memory_space<vmem_shared>> -> memref<120x32xf32, #tpu.memory_space<vmem_shared>>
      %dma_wait3A_50 = arith.constant 0 : i32
      %dma_wait3A_51 = tpu.memref_slice %arg10[%add3A_12, %dma_wait3A_50] : memref<10112x32xf32, #tpu.memory_space<vmem_shared>> -> memref<120x32xf32, #tpu.memory_space<vmem_shared>>
      %dma_wait3A_52 = arith.constant 0 : i32
      %dma_wait3A_53 = arith.constant 0 : i32
      %dma_wait3A_54 = tpu.memref_slice %arg9[%dma_wait3A_52, %dma_wait3A_53] : memref<128x32xf32, #tpu.memory_space<vmem>> -> memref<120x32xf32, #tpu.memory_space<vmem>>
      tpu.wait_dma2 semaphore(%run_scoped3A : memref<!tpu.dma_semaphore, #tpu.memory_space<semaphore_mem>>) src(%dma_wait3A_54 : memref<120x32xf32, #tpu.memory_space<vmem>>) dst(%dma_wait3A_51 : memref<120x32xf32, #tpu.memory_space<vmem_shared>>)
      tpu.yield
    }) : () -> ()
    %barrier3A = arith.constant 0 : index
    tpu.barrier barrier_id(%barrier3A)
    %mul3A_13 = arith.constant 50000 : i32
    %mul3A_14 = arith.muli %arg0, %mul3A_13 : i32
    %mul3A_15 = arith.constant 20096 : i32
    %mul3A_16 = arith.muli %arg1, %mul3A_15 : i32
    %scan3A_17 = arith.constant 0 : i32
    %scan3A_18 = arith.constant 0 : i32
    %scan3A_19 = arith.constant 157 : i32
    %scan3A_20 = arith.addi %scan3A_18, %scan3A_19 : i32
    %scan3A_21 = arith.constant 1 : i32
    scf.for %scan3A_37 = %scan3A_18 to %scan3A_20 step %scan3A_21  : i32 {
      %mul3A_38 = arith.constant 128 : i32
      %mul3A_39 = arith.muli %scan3A_37, %mul3A_38 : i32
      %add3A_40 = arith.addi %mul3A_16, %mul3A_39 : i32
      "tpu.region"() ({
        %run_scoped3A = tpu.sem_alloc : memref<!tpu.dma_semaphore, #tpu.memory_space<semaphore_mem>>
        %dma_start3A_115 = tpu.memref_slice %arg3[%add3A_40] : memref<321536xi32, #tpu.memory_space<hbm>> -> memref<128xi32, #tpu.memory_space<hbm>>
        %dma_start3A_116 = tpu.memref_slice %arg3[%add3A_40] : memref<321536xi32, #tpu.memory_space<hbm>> -> memref<128xi32, #tpu.memory_space<hbm>>
        tpu.enqueue_dma source(%dma_start3A_116 : memref<128xi32, #tpu.memory_space<hbm>>) target(%arg6 : memref<128xi32, #tpu.memory_space<vmem>>) target_semaphore(%run_scoped3A : memref<!tpu.dma_semaphore, #tpu.memory_space<semaphore_mem>>)
        %dma_wait3A_117 = tpu.memref_slice %arg3[%add3A_40] : memref<321536xi32, #tpu.memory_space<hbm>> -> memref<128xi32, #tpu.memory_space<hbm>>
        %dma_wait3A_118 = tpu.memref_slice %arg3[%add3A_40] : memref<321536xi32, #tpu.memory_space<hbm>> -> memref<128xi32, #tpu.memory_space<hbm>>
        tpu.wait_dma2 semaphore(%run_scoped3A : memref<!tpu.dma_semaphore, #tpu.memory_space<semaphore_mem>>) src(%dma_wait3A_118 : memref<128xi32, #tpu.memory_space<hbm>>) dst(%arg6 : memref<128xi32, #tpu.memory_space<vmem>>)
        tpu.yield
      }) : () -> ()
      "tpu.region"() ({
        %run_scoped3A = tpu.sem_alloc : memref<!tpu.dma_semaphore, #tpu.memory_space<semaphore_mem>>
        %dma_start3A_115 = tpu.memref_slice %arg4[%add3A_40] : memref<321536xi32, #tpu.memory_space<hbm>> -> memref<128xi32, #tpu.memory_space<hbm>>
        %dma_start3A_116 = tpu.memref_slice %arg4[%add3A_40] : memref<321536xi32, #tpu.memory_space<hbm>> -> memref<128xi32, #tpu.memory_space<hbm>>
        tpu.enqueue_dma source(%dma_start3A_116 : memref<128xi32, #tpu.memory_space<hbm>>) target(%arg7 : memref<128xi32, #tpu.memory_space<vmem>>) target_semaphore(%run_scoped3A : memref<!tpu.dma_semaphore, #tpu.memory_space<semaphore_mem>>)
        %dma_wait3A_117 = tpu.memref_slice %arg4[%add3A_40] : memref<321536xi32, #tpu.memory_space<hbm>> -> memref<128xi32, #tpu.memory_space<hbm>>
        %dma_wait3A_118 = tpu.memref_slice %arg4[%add3A_40] : memref<321536xi32, #tpu.memory_space<hbm>> -> memref<128xi32, #tpu.memory_space<hbm>>
        tpu.wait_dma2 semaphore(%run_scoped3A : memref<!tpu.dma_semaphore, #tpu.memory_space<semaphore_mem>>) src(%dma_wait3A_118 : memref<128xi32, #tpu.memory_space<hbm>>) dst(%arg7 : memref<128xi32, #tpu.memory_space<vmem>>)
        tpu.yield
      }) : () -> ()
      %get3A = arith.constant 0 : index
      %get3A_41 = tpu.vector_load %arg6[%get3A] {strides = array<i32>} : memref<128xi32, #tpu.memory_space<vmem>>, vector<16xi32>,
      %get3A_42 = vector.shape_cast %get3A_41 : vector<16xi32> to vector<16xi32>
      %add3A_43 = vector.broadcast %mul3A_14 : i32 to vector<16xi32>
      %add3A_44 = arith.addi %get3A_42, %add3A_43 : vector<16xi32>
      %swap3A = arith.constant 0 : index
      %swap3A_45 = tpu.vector_load %arg6[%swap3A] {strides = array<i32>} : memref<128xi32, #tpu.memory_space<vmem>>, vector<16xi32>,
      %swap3A_46 = vector.shape_cast %swap3A_45 : vector<16xi32> to vector<16xi32>
      %swap3A_47 = vector.shape_cast %add3A_44 : vector<16xi32> to vector<16xi32>
      tpu.vector_store %arg6[%swap3A], %swap3A_47 {strides = array<i32>} : memref<128xi32, #tpu.memory_space<vmem>>, vector<16xi32>,
      %get3A_48 = arith.constant 16 : index
      %get3A_49 = tpu.vector_load %arg6[%get3A_48] {strides = array<i32>} : memref<128xi32, #tpu.memory_space<vmem>>, vector<16xi32>,
      %get3A_50 = vector.shape_cast %get3A_49 : vector<16xi32> to vector<16xi32>
      %add3A_51 = vector.broadcast %mul3A_14 : i32 to vector<16xi32>
      %add3A_52 = arith.addi %get3A_50, %add3A_51 : vector<16xi32>
      %swap3A_53 = arith.constant 16 : index
      %swap3A_54 = tpu.vector_load %arg6[%swap3A_53] {strides = array<i32>} : memref<128xi32, #tpu.memory_space<vmem>>, vector<16xi32>,
      %swap3A_55 = vector.shape_cast %swap3A_54 : vector<16xi32> to vector<16xi32>
      %swap3A_56 = vector.shape_cast %add3A_52 : vector<16xi32> to vector<16xi32>
      tpu.vector_store %arg6[%swap3A_53], %swap3A_56 {strides = array<i32>} : memref<128xi32, #tpu.memory_space<vmem>>, vector<16xi32>,
      %get3A_57 = arith.constant 32 : index
      %get3A_58 = tpu.vector_load %arg6[%get3A_57] {strides = array<i32>} : memref<128xi32, #tpu.memory_space<vmem>>, vector<16xi32>,
      %get3A_59 = vector.shape_cast %get3A_58 : vector<16xi32> to vector<16xi32>
      %add3A_60 = vector.broadcast %mul3A_14 : i32 to vector<16xi32>
      %add3A_61 = arith.addi %get3A_59, %add3A_60 : vector<16xi32>
      %swap3A_62 = arith.constant 32 : index
      %swap3A_63 = tpu.vector_load %arg6[%swap3A_62] {strides = array<i32>} : memref<128xi32, #tpu.memory_space<vmem>>, vector<16xi32>,
      %swap3A_64 = vector.shape_cast %swap3A_63 : vector<16xi32> to vector<16xi32>
      %swap3A_65 = vector.shape_cast %add3A_61 : vector<16xi32> to vector<16xi32>
      tpu.vector_store %arg6[%swap3A_62], %swap3A_65 {strides = array<i32>} : memref<128xi32, #tpu.memory_space<vmem>>, vector<16xi32>,
      %get3A_66 = arith.constant 48 : index
      %get3A_67 = tpu.vector_load %arg6[%get3A_66] {strides = array<i32>} : memref<128xi32, #tpu.memory_space<vmem>>, vector<16xi32>,
      %get3A_68 = vector.shape_cast %get3A_67 : vector<16xi32> to vector<16xi32>
      %add3A_69 = vector.broadcast %mul3A_14 : i32 to vector<16xi32>
      %add3A_70 = arith.addi %get3A_68, %add3A_69 : vector<16xi32>
      %swap3A_71 = arith.constant 48 : index
      %swap3A_72 = tpu.vector_load %arg6[%swap3A_71] {strides = array<i32>} : memref<128xi32, #tpu.memory_space<vmem>>, vector<16xi32>,
      %swap3A_73 = vector.shape_cast %swap3A_72 : vector<16xi32> to vector<16xi32>
      %swap3A_74 = vector.shape_cast %add3A_70 : vector<16xi32> to vector<16xi32>
      tpu.vector_store %arg6[%swap3A_71], %swap3A_74 {strides = array<i32>} : memref<128xi32, #tpu.memory_space<vmem>>, vector<16xi32>,
      %get3A_75 = arith.constant 64 : index
      %get3A_76 = tpu.vector_load %arg6[%get3A_75] {strides = array<i32>} : memref<128xi32, #tpu.memory_space<vmem>>, vector<16xi32>,
      %get3A_77 = vector.shape_cast %get3A_76 : vector<16xi32> to vector<16xi32>
      %add3A_78 = vector.broadcast %mul3A_14 : i32 to vector<16xi32>
      %add3A_79 = arith.addi %get3A_77, %add3A_78 : vector<16xi32>
      %swap3A_80 = arith.constant 64 : index
      %swap3A_81 = tpu.vector_load %arg6[%swap3A_80] {strides = array<i32>} : memref<128xi32, #tpu.memory_space<vmem>>, vector<16xi32>,
      %swap3A_82 = vector.shape_cast %swap3A_81 : vector<16xi32> to vector<16xi32>
      %swap3A_83 = vector.shape_cast %add3A_79 : vector<16xi32> to vector<16xi32>
      tpu.vector_store %arg6[%swap3A_80], %swap3A_83 {strides = array<i32>} : memref<128xi32, #tpu.memory_space<vmem>>, vector<16xi32>,
      %get3A_84 = arith.constant 80 : index
      %get3A_85 = tpu.vector_load %arg6[%get3A_84] {strides = array<i32>} : memref<128xi32, #tpu.memory_space<vmem>>, vector<16xi32>,
      %get3A_86 = vector.shape_cast %get3A_85 : vector<16xi32> to vector<16xi32>
      %add3A_87 = vector.broadcast %mul3A_14 : i32 to vector<16xi32>
      %add3A_88 = arith.addi %get3A_86, %add3A_87 : vector<16xi32>
      %swap3A_89 = arith.constant 80 : index
      %swap3A_90 = tpu.vector_load %arg6[%swap3A_89] {strides = array<i32>} : memref<128xi32, #tpu.memory_space<vmem>>, vector<16xi32>,
      %swap3A_91 = vector.shape_cast %swap3A_90 : vector<16xi32> to vector<16xi32>
      %swap3A_92 = vector.shape_cast %add3A_88 : vector<16xi32> to vector<16xi32>
      tpu.vector_store %arg6[%swap3A_89], %swap3A_92 {strides = array<i32>} : memref<128xi32, #tpu.memory_space<vmem>>, vector<16xi32>,
      %get3A_93 = arith.constant 96 : index
      %get3A_94 = tpu.vector_load %arg6[%get3A_93] {strides = array<i32>} : memref<128xi32, #tpu.memory_space<vmem>>, vector<16xi32>,
      %get3A_95 = vector.shape_cast %get3A_94 : vector<16xi32> to vector<16xi32>
      %add3A_96 = vector.broadcast %mul3A_14 : i32 to vector<16xi32>
      %add3A_97 = arith.addi %get3A_95, %add3A_96 : vector<16xi32>
      %swap3A_98 = arith.constant 96 : index
      %swap3A_99 = tpu.vector_load %arg6[%swap3A_98] {strides = array<i32>} : memref<128xi32, #tpu.memory_space<vmem>>, vector<16xi32>,
      %swap3A_100 = vector.shape_cast %swap3A_99 : vector<16xi32> to vector<16xi32>
      %swap3A_101 = vector.shape_cast %add3A_97 : vector<16xi32> to vector<16xi32>
      tpu.vector_store %arg6[%swap3A_98], %swap3A_101 {strides = array<i32>} : memref<128xi32, #tpu.memory_space<vmem>>, vector<16xi32>,
      %get3A_102 = arith.constant 112 : index
      %get3A_103 = tpu.vector_load %arg6[%get3A_102] {strides = array<i32>} : memref<128xi32, #tpu.memory_space<vmem>>, vector<16xi32>,
      %get3A_104 = vector.shape_cast %get3A_103 : vector<16xi32> to vector<16xi32>
      %add3A_105 = vector.broadcast %mul3A_14 : i32 to vector<16xi32>
      %add3A_106 = arith.addi %get3A_104, %add3A_105 : vector<16xi32>
      %swap3A_107 = arith.constant 112 : index
      %swap3A_108 = tpu.vector_load %arg6[%swap3A_107] {strides = array<i32>} : memref<128xi32, #tpu.memory_space<vmem>>, vector<16xi32>,
      %swap3A_109 = vector.shape_cast %swap3A_108 : vector<16xi32> to vector<16xi32>
      %swap3A_110 = vector.shape_cast %add3A_106 : vector<16xi32> to vector<16xi32>
      tpu.vector_store %arg6[%swap3A_107], %swap3A_110 {strides = array<i32>} : memref<128xi32, #tpu.memory_space<vmem>>, vector<16xi32>,
      %dma_start3A = arith.constant 0 : i32
      %dma_start3A_111 = arith.constant 0 : i32
      %dma_start3A_112 = tpu.memref_slice %arg2[%dma_start3A, %dma_start3A_111] : memref<100000x32xf32, #tpu.memory_space<hbm>> -> memref<100000x32xf32, #tpu.memory_space<hbm>>
      tpu.enqueue_indirect_dma source(%dma_start3A_112 : memref<100000x32xf32, #tpu.memory_space<hbm>>) target(%arg8 : memref<128x32xf32, #tpu.memory_space<vmem>>) offsets(%arg6 : memref<128xi32, #tpu.memory_space<vmem>>) semaphore(%arg11 : memref<!tpu.dma_semaphore, #tpu.memory_space<semaphore_mem>>)
      %dma_wait3A = arith.constant 0 : i32
      %dma_wait3A_113 = arith.constant 0 : i32
      %dma_wait3A_114 = tpu.memref_slice %arg2[%dma_wait3A, %dma_wait3A_113] : memref<100000x32xf32, #tpu.memory_space<hbm>> -> memref<100000x32xf32, #tpu.memory_space<hbm>>
      tpu.wait_indirect_dma semaphore(%arg11 : memref<!tpu.dma_semaphore, #tpu.memory_space<semaphore_mem>>) src(%dma_wait3A_114 : memref<100000x32xf32, #tpu.memory_space<hbm>>) dst(%arg8 : memref<128x32xf32, #tpu.memory_space<vmem>>)
      "tpu.region"() ({
        %run_scoped3A = tpu.sem_alloc : memref<!tpu.dma_semaphore, #tpu.memory_space<semaphore_mem>>
        %dma_start3A_115 = arith.constant 0 : i32
        %dma_start3A_116 = arith.constant 0 : i32
        %dma_start3A_117 = tpu.memref_slice %arg10[%dma_start3A_115, %dma_start3A_116] : memref<10112x32xf32, #tpu.memory_space<vmem_shared>> -> memref<10112x32xf32, #tpu.memory_space<vmem_shared>>
        tpu.enqueue_indirect_dma source(%arg8 : memref<128x32xf32, #tpu.memory_space<vmem>>) target(%dma_start3A_117 : memref<10112x32xf32, #tpu.memory_space<vmem_shared>>) offsets(%arg7 : memref<128xi32, #tpu.memory_space<vmem>>) semaphore(%run_scoped3A : memref<!tpu.dma_semaphore, #tpu.memory_space<semaphore_mem>>) {add = true}
        %dma_wait3A_118 = arith.constant 0 : i32
        %dma_wait3A_119 = arith.constant 0 : i32
        %dma_wait3A_120 = tpu.memref_slice %arg10[%dma_wait3A_118, %dma_wait3A_119] : memref<10112x32xf32, #tpu.memory_space<vmem_shared>> -> memref<10112x32xf32, #tpu.memory_space<vmem_shared>>
        tpu.wait_indirect_dma semaphore(%run_scoped3A : memref<!tpu.dma_semaphore, #tpu.memory_space<semaphore_mem>>) src(%arg8 : memref<128x32xf32, #tpu.memory_space<vmem>>) dst(%dma_wait3A_120 : memref<10112x32xf32, #tpu.memory_space<vmem_shared>>)
        tpu.yield
      }) : () -> ()
    }
    %scan3A_22 = arith.constant 157 : i32
    %barrier3A_23 = arith.constant 0 : index
    tpu.barrier barrier_id(%barrier3A_23)
    %mul3A_24 = arith.constant 10112 : i32
    %mul3A_25 = arith.muli %arg0, %mul3A_24 : i32
    %add3A_26 = arith.addi %mul3A_25, %mul3A_5 : i32
    %scan3A_27 = arith.constant 0 : i32
    %scan3A_28 = arith.constant 0 : i32
    %scan3A_29 = arith.constant 4 : i32
    %scan3A_30 = arith.addi %scan3A_28, %scan3A_29 : i32
    %scan3A_31 = arith.constant 1 : i32
    scf.for %scan3A_37 = %scan3A_28 to %scan3A_30 step %scan3A_31  : i32 {
      %mul3A_38 = arith.constant 128 : i32
      %mul3A_39 = arith.muli %scan3A_37, %mul3A_38 : i32
      %add3A_40 = arith.addi %mul3A_5, %mul3A_39 : i32
      %mul3A_41 = arith.constant 128 : i32
      %mul3A_42 = arith.muli %scan3A_37, %mul3A_41 : i32
      %add3A_43 = arith.addi %add3A_26, %mul3A_42 : i32
      "tpu.region"() ({
        %run_scoped3A = tpu.sem_alloc : memref<!tpu.dma_semaphore, #tpu.memory_space<semaphore_mem>>
        %dma_start3A = arith.constant 0 : i32
        %dma_start3A_44 = tpu.memref_slice %arg5[%add3A_43, %dma_start3A] : memref<20224x32xf32, #tpu.memory_space<hbm>> -> memref<128x32xf32, #tpu.memory_space<hbm>>
        %dma_start3A_45 = arith.constant 0 : i32
        %dma_start3A_46 = tpu.memref_slice %arg10[%add3A_40, %dma_start3A_45] : memref<10112x32xf32, #tpu.memory_space<vmem_shared>> -> memref<128x32xf32, #tpu.memory_space<vmem_shared>>
        tpu.enqueue_dma source(%dma_start3A_46 : memref<128x32xf32, #tpu.memory_space<vmem_shared>>) target(%dma_start3A_44 : memref<128x32xf32, #tpu.memory_space<hbm>>) target_semaphore(%run_scoped3A : memref<!tpu.dma_semaphore, #tpu.memory_space<semaphore_mem>>)
        %dma_wait3A = arith.constant 0 : i32
        %dma_wait3A_47 = tpu.memref_slice %arg5[%add3A_43, %dma_wait3A] : memref<20224x32xf32, #tpu.memory_space<hbm>> -> memref<128x32xf32, #tpu.memory_space<hbm>>
        %dma_wait3A_48 = arith.constant 0 : i32
        %dma_wait3A_49 = tpu.memref_slice %arg10[%add3A_40, %dma_wait3A_48] : memref<10112x32xf32, #tpu.memory_space<vmem_shared>> -> memref<128x32xf32, #tpu.memory_space<vmem_shared>>
        tpu.wait_dma2 semaphore(%run_scoped3A : memref<!tpu.dma_semaphore, #tpu.memory_space<semaphore_mem>>) src(%dma_wait3A_49 : memref<128x32xf32, #tpu.memory_space<vmem_shared>>) dst(%dma_wait3A_47 : memref<128x32xf32, #tpu.memory_space<hbm>>)
        tpu.yield
      }) : () -> ()
    }
    %scan3A_32 = arith.constant 4 : i32
    %add3A_33 = arith.constant 512 : i32
    %add3A_34 = arith.addi %mul3A_5, %add3A_33 : i32
    %add3A_35 = arith.constant 512 : i32
    %add3A_36 = arith.addi %add3A_26, %add3A_35 : i32
    "tpu.region"() ({
      %run_scoped3A = tpu.sem_alloc : memref<!tpu.dma_semaphore, #tpu.memory_space<semaphore_mem>>
      %dma_start3A = arith.constant 0 : i32
      %dma_start3A_37 = tpu.memref_slice %arg5[%add3A_36, %dma_start3A] : memref<20224x32xf32, #tpu.memory_space<hbm>> -> memref<120x32xf32, #tpu.memory_space<hbm>>
      %dma_start3A_38 = arith.constant 0 : i32
      %dma_start3A_39 = tpu.memref_slice %arg10[%add3A_34, %dma_start3A_38] : memref<10112x32xf32, #tpu.memory_space<vmem_shared>> -> memref<120x32xf32, #tpu.memory_space<vmem_shared>>
      tpu.enqueue_dma source(%dma_start3A_39 : memref<120x32xf32, #tpu.memory_space<vmem_shared>>) target(%dma_start3A_37 : memref<120x32xf32, #tpu.memory_space<hbm>>) target_semaphore(%run_scoped3A : memref<!tpu.dma_semaphore, #tpu.memory_space<semaphore_mem>>)
      %dma_wait3A = arith.constant 0 : i32
      %dma_wait3A_40 = tpu.memref_slice %arg5[%add3A_36, %dma_wait3A] : memref<20224x32xf32, #tpu.memory_space<hbm>> -> memref<120x32xf32, #tpu.memory_space<hbm>>
      %dma_wait3A_41 = arith.constant 0 : i32
      %dma_wait3A_42 = tpu.memref_slice %arg10[%add3A_34, %dma_wait3A_41] : memref<10112x32xf32, #tpu.memory_space<vmem_shared>> -> memref<120x32xf32, #tpu.memory_space<vmem_shared>>
      tpu.wait_dma2 semaphore(%run_scoped3A : memref<!tpu.dma_semaphore, #tpu.memory_space<semaphore_mem>>) src(%dma_wait3A_42 : memref<120x32xf32, #tpu.memory_space<vmem_shared>>) dst(%dma_wait3A_40 : memref<120x32xf32, #tpu.memory_space<hbm>>)
      tpu.yield
    }) : () -> ()
    return
  }
}

module attributes {stable_mosaic.version = 14 : i64} {
  func.func @body(%arg0: i32, %arg1: memref<1000x128xf32, #tpu.memory_space<vmem>>, %arg2: memref<128x64xf32, #tpu.memory_space<vmem>>, %arg3: memref<1x64xf32, #tpu.memory_space<vmem>>, %arg4: memref<2x1000x32xf32, #tpu.memory_space<vmem>>) attributes {dimension_semantics = [#tpu.dimension_semantics<arbitrary>], iteration_bounds = array<i64: 50>, scalar_prefetch = 0 : i64, scratch_operands = 0 : i64, tpu.core_type = #tpu.core_type<tc>, window_params = [{transform_indices = @transform_0, window_bounds = array<i64: 1000, 128>}, {pipeline_mode = #tpu.pipeline_mode<synchronous>, transform_indices = @transform_1, window_bounds = array<i64: 128, 64>}, {pipeline_mode = #tpu.pipeline_mode<synchronous>, transform_indices = @transform_2, window_bounds = array<i64: 1, 64>}, {transform_indices = @transform_3, window_bounds = array<i64: 2, 1000, 32>}]} {
    %get3A = arith.constant 0 : index
    %get3A_0 = arith.constant 0 : index
    %get3A_1 = vector.load %arg1[%get3A, %get3A_0] : memref<1000x128xf32, #tpu.memory_space<vmem>>, vector<1000x128xf32>
    %get3A_2 = arith.constant 0 : index
    %get3A_3 = arith.constant 0 : index
    %get3A_4 = vector.load %arg2[%get3A_2, %get3A_3] : memref<128x64xf32, #tpu.memory_space<vmem>>, vector<128x64xf32>
    %dot_general3A = arith.constant dense<0.000000e+00> : vector<1000x64xf32>
    %dot_general3A_5 = tpu.matmul %get3A_1, %get3A_4, %dot_general3A {dimension_numbers = #tpu.dot_dimension_numbers<[1], [0], [0], [1], [0, 0, 1, 1], [], []>, transpose_lhs_hint = false} : vector<1000x128xf32>, vector<128x64xf32>, vector<1000x64xf32> -> vector<1000x64xf32>
    %get3A_6 = arith.constant 0 : index
    %get3A_7 = arith.constant 0 : index
    %get3A_8 = vector.load %arg3[%get3A_6, %get3A_7] : memref<1x64xf32, #tpu.memory_space<vmem>>, vector<1x64xf32>
    %add3A = vector.broadcast %get3A_8 : vector<1x64xf32> to vector<1000x64xf32>
    %add3A_9 = arith.addf %dot_general3A_5, %add3A : vector<1000x64xf32>
    %max3A = arith.constant 0.000000e+00 : f32
    %max3A_10 = vector.broadcast %max3A : f32 to vector<1000x64xf32>
    %max3A_11 = arith.maximumf %add3A_9, %max3A_10 : vector<1000x64xf32>
    %slice3A = vector.extract_strided_slice %max3A_11 {offsets = [0, 0], sizes = [1000, 32], strides = [1, 1]} : vector<1000x64xf32> to vector<1000x32xf32>
    %swap3A = arith.constant 0 : index
    %swap3A_12 = arith.constant 0 : index
    %swap3A_13 = arith.constant 0 : index
    %swap3A_14 = vector.load %arg4[%swap3A, %swap3A_12, %swap3A_13] : memref<2x1000x32xf32, #tpu.memory_space<vmem>>, vector<1x1000x32xf32>
    %swap3A_15 = vector.shape_cast %swap3A_14 : vector<1x1000x32xf32> to vector<1000x32xf32>
    %swap3A_16 = vector.shape_cast %slice3A : vector<1000x32xf32> to vector<1x1000x32xf32>
    tpu.vector_store %arg4[%swap3A, %swap3A_12, %swap3A_13], %swap3A_16 {strides = array<i32>} : memref<2x1000x32xf32, #tpu.memory_space<vmem>>, vector<1x1000x32xf32>,
    %slice3A_17 = vector.extract_strided_slice %max3A_11 {offsets = [0, 32], sizes = [1000, 32], strides = [1, 1]} : vector<1000x64xf32> to vector<1000x32xf32>
    %swap3A_18 = arith.constant 1 : index
    %swap3A_19 = arith.constant 0 : index
    %swap3A_20 = arith.constant 0 : index
    %swap3A_21 = vector.load %arg4[%swap3A_18, %swap3A_19, %swap3A_20] : memref<2x1000x32xf32, #tpu.memory_space<vmem>>, vector<1x1000x32xf32>
    %swap3A_22 = vector.shape_cast %swap3A_21 : vector<1x1000x32xf32> to vector<1000x32xf32>
    %swap3A_23 = vector.shape_cast %slice3A_17 : vector<1000x32xf32> to vector<1x1000x32xf32>
    tpu.vector_store %arg4[%swap3A_18, %swap3A_19, %swap3A_20], %swap3A_23 {strides = array<i32>} : memref<2x1000x32xf32, #tpu.memory_space<vmem>>, vector<1x1000x32xf32>,
    return
  }
  func.func @transform_0(%arg0: i32) -> (i32, i32) {
    %c0_i32 = arith.constant 0 : i32
    %c0_i32_0 = arith.constant 0 : i32
    return %arg0, %c0_i32 : i32, i32
  }
  func.func @transform_1(%arg0: i32) -> (i32, i32) {
    %c0_i32 = arith.constant 0 : i32
    %c0_i32_0 = arith.constant 0 : i32
    %c0_i32_1 = arith.constant 0 : i32
    return %c0_i32, %c0_i32_0 : i32, i32
  }
  func.func @transform_2(%arg0: i32) -> (i32, i32) {
    %c0_i32 = arith.constant 0 : i32
    %c0_i32_0 = arith.constant 0 : i32
    %c0_i32_1 = arith.constant 0 : i32
    return %c0_i32, %c0_i32_0 : i32, i32
  }
  func.func @transform_3(%arg0: i32) -> (i32, i32, i32) {
    %c0_i32 = arith.constant 0 : i32
    %c0_i32_0 = arith.constant 0 : i32
    %c0_i32_1 = arith.constant 0 : i32
    return %c0_i32, %arg0, %c0_i32_0 : i32, i32, i32
  }
}

module attributes {stable_mosaic.version = 14 : i64} {
  func.func @body(%arg0: i32, %arg1: memref<1000x64xf32, #tpu.memory_space<vmem>>, %arg2: memref<64x64xf32, #tpu.memory_space<vmem>>, %arg3: memref<1x64xf32, #tpu.memory_space<vmem>>, %arg4: memref<2x1000x32xf32, #tpu.memory_space<vmem>>) attributes {dimension_semantics = [#tpu.dimension_semantics<arbitrary>], iteration_bounds = array<i64: 10>, scalar_prefetch = 0 : i64, scratch_operands = 0 : i64, tpu.core_type = #tpu.core_type<tc>, window_params = [{transform_indices = @transform_0, window_bounds = array<i64: 1000, 64>}, {pipeline_mode = #tpu.pipeline_mode<synchronous>, transform_indices = @transform_1, window_bounds = array<i64: 64, 64>}, {pipeline_mode = #tpu.pipeline_mode<synchronous>, transform_indices = @transform_2, window_bounds = array<i64: 1, 64>}, {transform_indices = @transform_3, window_bounds = array<i64: 2, 1000, 32>}]} {
    %get3A = arith.constant 0 : index
    %get3A_0 = arith.constant 0 : index
    %get3A_1 = vector.load %arg1[%get3A, %get3A_0] : memref<1000x64xf32, #tpu.memory_space<vmem>>, vector<1000x64xf32>
    %get3A_2 = arith.constant 0 : index
    %get3A_3 = arith.constant 0 : index
    %get3A_4 = vector.load %arg2[%get3A_2, %get3A_3] : memref<64x64xf32, #tpu.memory_space<vmem>>, vector<64x64xf32>
    %dot_general3A = arith.constant dense<0.000000e+00> : vector<1000x64xf32>
    %dot_general3A_5 = tpu.matmul %get3A_1, %get3A_4, %dot_general3A {dimension_numbers = #tpu.dot_dimension_numbers<[1], [0], [0], [1], [0, 0, 1, 1], [], []>, transpose_lhs_hint = false} : vector<1000x64xf32>, vector<64x64xf32>, vector<1000x64xf32> -> vector<1000x64xf32>
    %get3A_6 = arith.constant 0 : index
    %get3A_7 = arith.constant 0 : index
    %get3A_8 = vector.load %arg3[%get3A_6, %get3A_7] : memref<1x64xf32, #tpu.memory_space<vmem>>, vector<1x64xf32>
    %add3A = vector.broadcast %get3A_8 : vector<1x64xf32> to vector<1000x64xf32>
    %add3A_9 = arith.addf %dot_general3A_5, %add3A : vector<1000x64xf32>
    %max3A = arith.constant 0.000000e+00 : f32
    %max3A_10 = vector.broadcast %max3A : f32 to vector<1000x64xf32>
    %max3A_11 = arith.maximumf %add3A_9, %max3A_10 : vector<1000x64xf32>
    %slice3A = vector.extract_strided_slice %max3A_11 {offsets = [0, 0], sizes = [1000, 32], strides = [1, 1]} : vector<1000x64xf32> to vector<1000x32xf32>
    %swap3A = arith.constant 0 : index
    %swap3A_12 = arith.constant 0 : index
    %swap3A_13 = arith.constant 0 : index
    %swap3A_14 = vector.load %arg4[%swap3A, %swap3A_12, %swap3A_13] : memref<2x1000x32xf32, #tpu.memory_space<vmem>>, vector<1x1000x32xf32>
    %swap3A_15 = vector.shape_cast %swap3A_14 : vector<1x1000x32xf32> to vector<1000x32xf32>
    %swap3A_16 = vector.shape_cast %slice3A : vector<1000x32xf32> to vector<1x1000x32xf32>
    tpu.vector_store %arg4[%swap3A, %swap3A_12, %swap3A_13], %swap3A_16 {strides = array<i32>} : memref<2x1000x32xf32, #tpu.memory_space<vmem>>, vector<1x1000x32xf32>,
    %slice3A_17 = vector.extract_strided_slice %max3A_11 {offsets = [0, 32], sizes = [1000, 32], strides = [1, 1]} : vector<1000x64xf32> to vector<1000x32xf32>
    %swap3A_18 = arith.constant 1 : index
    %swap3A_19 = arith.constant 0 : index
    %swap3A_20 = arith.constant 0 : index
    %swap3A_21 = vector.load %arg4[%swap3A_18, %swap3A_19, %swap3A_20] : memref<2x1000x32xf32, #tpu.memory_space<vmem>>, vector<1x1000x32xf32>
    %swap3A_22 = vector.shape_cast %swap3A_21 : vector<1x1000x32xf32> to vector<1000x32xf32>
    %swap3A_23 = vector.shape_cast %slice3A_17 : vector<1000x32xf32> to vector<1x1000x32xf32>
    tpu.vector_store %arg4[%swap3A_18, %swap3A_19, %swap3A_20], %swap3A_23 {strides = array<i32>} : memref<2x1000x32xf32, #tpu.memory_space<vmem>>, vector<1x1000x32xf32>,
    return
  }
  func.func @transform_0(%arg0: i32) -> (i32, i32) {
    %c0_i32 = arith.constant 0 : i32
    %c0_i32_0 = arith.constant 0 : i32
    return %arg0, %c0_i32 : i32, i32
  }
  func.func @transform_1(%arg0: i32) -> (i32, i32) {
    %c0_i32 = arith.constant 0 : i32
    %c0_i32_0 = arith.constant 0 : i32
    %c0_i32_1 = arith.constant 0 : i32
    return %c0_i32, %c0_i32_0 : i32, i32
  }
  func.func @transform_2(%arg0: i32) -> (i32, i32) {
    %c0_i32 = arith.constant 0 : i32
    %c0_i32_0 = arith.constant 0 : i32
    %c0_i32_1 = arith.constant 0 : i32
    return %c0_i32, %c0_i32_0 : i32, i32
  }
  func.func @transform_3(%arg0: i32) -> (i32, i32, i32) {
    %c0_i32 = arith.constant 0 : i32
    %c0_i32_0 = arith.constant 0 : i32
    %c0_i32_1 = arith.constant 0 : i32
    return %c0_i32, %arg0, %c0_i32_0 : i32, i32, i32
  }
}

module attributes {stable_mosaic.version = 14 : i64} {
  func.func @body(%arg0: i32, %arg1: memref<2x1000x32xf32, #tpu.memory_space<vmem>>, %arg2: memref<2x1000x16xf32, #tpu.memory_space<vmem>>, %arg3: memref<2x1000x32xf32, #tpu.memory_space<vmem>>, %arg4: memref<2x1000x16xf32, #tpu.memory_space<vmem>>, %arg5: memref<2x1000x32xf32, #tpu.memory_space<vmem>>, %arg6: memref<64x64xf32, #tpu.memory_space<vmem>>, %arg7: memref<64x64xf32, #tpu.memory_space<vmem>>, %arg8: memref<64x64xf32, #tpu.memory_space<vmem>>, %arg9: memref<1x64xf32, #tpu.memory_space<vmem>>, %arg10: memref<2x1000x32xf32, #tpu.memory_space<vmem>>, %arg11: memref<1x64xf32, #tpu.memory_space<vmem>>) attributes {dimension_semantics = [#tpu.dimension_semantics<arbitrary>], iteration_bounds = array<i64: 50>, scalar_prefetch = 0 : i64, scratch_operands = 0 : i64, tpu.core_type = #tpu.core_type<tc>, window_params = [{transform_indices = @transform_0, window_bounds = array<i64: 2, 1000, 32>}, {transform_indices = @transform_1, window_bounds = array<i64: 2, 1000, 16>}, {transform_indices = @transform_2, window_bounds = array<i64: 2, 1000, 32>}, {transform_indices = @transform_3, window_bounds = array<i64: 2, 1000, 16>}, {transform_indices = @transform_4, window_bounds = array<i64: 2, 1000, 32>}, {pipeline_mode = #tpu.pipeline_mode<synchronous>, transform_indices = @transform_5, window_bounds = array<i64: 64, 64>}, {pipeline_mode = #tpu.pipeline_mode<synchronous>, transform_indices = @transform_6, window_bounds = array<i64: 64, 64>}, {pipeline_mode = #tpu.pipeline_mode<synchronous>, transform_indices = @transform_7, window_bounds = array<i64: 64, 64>}, {pipeline_mode = #tpu.pipeline_mode<synchronous>, transform_indices = @transform_8, window_bounds = array<i64: 1, 64>}, {transform_indices = @transform_9, window_bounds = array<i64: 2, 1000, 32>}, {pipeline_mode = #tpu.pipeline_mode<synchronous>, transform_indices = @transform_10, window_bounds = array<i64: 1, 64>}]} {
    %get3A = arith.constant 0 : index
    %get3A_0 = arith.constant 0 : index
    %get3A_1 = arith.constant 0 : index
    %get3A_2 = vector.load %arg2[%get3A, %get3A_0, %get3A_1] : memref<2x1000x16xf32, #tpu.memory_space<vmem>>, vector<1x1000x1xf32>
    %get3A_3 = vector.shape_cast %get3A_2 : vector<1x1000x1xf32> to vector<1000xf32>
    %get3A_4 = arith.constant 1 : index
    %get3A_5 = arith.constant 0 : index
    %get3A_6 = arith.constant 0 : index
    %get3A_7 = vector.load %arg2[%get3A_4, %get3A_5, %get3A_6] : memref<2x1000x16xf32, #tpu.memory_space<vmem>>, vector<1x1000x1xf32>
    %get3A_8 = vector.shape_cast %get3A_7 : vector<1x1000x1xf32> to vector<1000xf32>
    %add3A = arith.addf %get3A_3, %get3A_8 : vector<1000xf32>
    %max3A = arith.constant 1.000000e+00 : f32
    %max3A_9 = vector.broadcast %max3A : f32 to vector<1000xf32>
    %max3A_10 = arith.maximumf %add3A, %max3A_9 : vector<1000xf32>
    %div3A = arith.constant 1.000000e+00 : f32
    %div3A_11 = vector.broadcast %div3A : f32 to vector<1000xf32>
    %div3A_12 = arith.divf %div3A_11, %max3A_10 : vector<1000xf32>
    %get3A_13 = arith.constant 0 : index
    %get3A_14 = arith.constant 0 : index
    %get3A_15 = arith.constant 0 : index
    %get3A_16 = vector.load %arg4[%get3A_13, %get3A_14, %get3A_15] : memref<2x1000x16xf32, #tpu.memory_space<vmem>>, vector<1x1000x1xf32>
    %get3A_17 = vector.shape_cast %get3A_16 : vector<1x1000x1xf32> to vector<1000xf32>
    %get3A_18 = arith.constant 1 : index
    %get3A_19 = arith.constant 0 : index
    %get3A_20 = arith.constant 0 : index
    %get3A_21 = vector.load %arg4[%get3A_18, %get3A_19, %get3A_20] : memref<2x1000x16xf32, #tpu.memory_space<vmem>>, vector<1x1000x1xf32>
    %get3A_22 = vector.shape_cast %get3A_21 : vector<1x1000x1xf32> to vector<1000xf32>
    %add3A_23 = arith.addf %get3A_17, %get3A_22 : vector<1000xf32>
    %max3A_24 = arith.constant 1.000000e+00 : f32
    %max3A_25 = vector.broadcast %max3A_24 : f32 to vector<1000xf32>
    %max3A_26 = arith.maximumf %add3A_23, %max3A_25 : vector<1000xf32>
    %div3A_27 = arith.constant 1.000000e+00 : f32
    %div3A_28 = vector.broadcast %div3A_27 : f32 to vector<1000xf32>
    %div3A_29 = arith.divf %div3A_28, %max3A_26 : vector<1000xf32>
    %get3A_30 = arith.constant 0 : index
    %get3A_31 = arith.constant 0 : index
    %get3A_32 = vector.load %arg6[%get3A_30, %get3A_31] : memref<64x64xf32, #tpu.memory_space<vmem>>, vector<64x64xf32>
    %get3A_33 = arith.constant 0 : index
    %get3A_34 = arith.constant 0 : index
    %get3A_35 = vector.load %arg7[%get3A_33, %get3A_34] : memref<64x64xf32, #tpu.memory_space<vmem>>, vector<64x64xf32>
    %get3A_36 = arith.constant 0 : index
    %get3A_37 = arith.constant 0 : index
    %get3A_38 = vector.load %arg8[%get3A_36, %get3A_37] : memref<64x64xf32, #tpu.memory_space<vmem>>, vector<64x64xf32>
    %get3A_39 = arith.constant 0 : index
    %get3A_40 = arith.constant 0 : index
    %get3A_41 = arith.constant 0 : index
    %get3A_42 = vector.load %arg1[%get3A_39, %get3A_40, %get3A_41] : memref<2x1000x32xf32, #tpu.memory_space<vmem>>, vector<1x1000x32xf32>
    %get3A_43 = vector.shape_cast %get3A_42 : vector<1x1000x32xf32> to vector<1000x32xf32>
    %broadcast_in_dim3A = vector.shape_cast %div3A_12 : vector<1000xf32> to vector<1000x1xf32>
    %mul3A = vector.broadcast %broadcast_in_dim3A : vector<1000x1xf32> to vector<1000x32xf32>
    %mul3A_44 = arith.mulf %get3A_43, %mul3A : vector<1000x32xf32>
    %slice3A = vector.extract_strided_slice %get3A_32 {offsets = [0, 0], sizes = [32, 64], strides = [1, 1]} : vector<64x64xf32> to vector<32x64xf32>
    %dot_general3A = arith.constant dense<0.000000e+00> : vector<1000x64xf32>
    %dot_general3A_45 = tpu.matmul %mul3A_44, %slice3A, %dot_general3A {dimension_numbers = #tpu.dot_dimension_numbers<[1], [0], [0], [1], [0, 0, 1, 1], [], []>, transpose_lhs_hint = false} : vector<1000x32xf32>, vector<32x64xf32>, vector<1000x64xf32> -> vector<1000x64xf32>
    %get3A_46 = arith.constant 1 : index
    %get3A_47 = arith.constant 0 : index
    %get3A_48 = arith.constant 0 : index
    %get3A_49 = vector.load %arg1[%get3A_46, %get3A_47, %get3A_48] : memref<2x1000x32xf32, #tpu.memory_space<vmem>>, vector<1x1000x32xf32>
    %get3A_50 = vector.shape_cast %get3A_49 : vector<1x1000x32xf32> to vector<1000x32xf32>
    %broadcast_in_dim3A_51 = vector.shape_cast %div3A_12 : vector<1000xf32> to vector<1000x1xf32>
    %mul3A_52 = vector.broadcast %broadcast_in_dim3A_51 : vector<1000x1xf32> to vector<1000x32xf32>
    %mul3A_53 = arith.mulf %get3A_50, %mul3A_52 : vector<1000x32xf32>
    %slice3A_54 = vector.extract_strided_slice %get3A_32 {offsets = [32, 0], sizes = [32, 64], strides = [1, 1]} : vector<64x64xf32> to vector<32x64xf32>
    %dot_general3A_55 = arith.constant dense<0.000000e+00> : vector<1000x64xf32>
    %dot_general3A_56 = tpu.matmul %mul3A_53, %slice3A_54, %dot_general3A_55 {dimension_numbers = #tpu.dot_dimension_numbers<[1], [0], [0], [1], [0, 0, 1, 1], [], []>, transpose_lhs_hint = false} : vector<1000x32xf32>, vector<32x64xf32>, vector<1000x64xf32> -> vector<1000x64xf32>
    %add3A_57 = arith.addf %dot_general3A_45, %dot_general3A_56 : vector<1000x64xf32>
    %get3A_58 = arith.constant 0 : index
    %get3A_59 = arith.constant 0 : index
    %get3A_60 = arith.constant 0 : index
    %get3A_61 = vector.load %arg3[%get3A_58, %get3A_59, %get3A_60] : memref<2x1000x32xf32, #tpu.memory_space<vmem>>, vector<1x1000x32xf32>
    %get3A_62 = vector.shape_cast %get3A_61 : vector<1x1000x32xf32> to vector<1000x32xf32>
    %broadcast_in_dim3A_63 = vector.shape_cast %div3A_29 : vector<1000xf32> to vector<1000x1xf32>
    %mul3A_64 = vector.broadcast %broadcast_in_dim3A_63 : vector<1000x1xf32> to vector<1000x32xf32>
    %mul3A_65 = arith.mulf %get3A_62, %mul3A_64 : vector<1000x32xf32>
    %slice3A_66 = vector.extract_strided_slice %get3A_35 {offsets = [0, 0], sizes = [32, 64], strides = [1, 1]} : vector<64x64xf32> to vector<32x64xf32>
    %dot_general3A_67 = arith.constant dense<0.000000e+00> : vector<1000x64xf32>
    %dot_general3A_68 = tpu.matmul %mul3A_65, %slice3A_66, %dot_general3A_67 {dimension_numbers = #tpu.dot_dimension_numbers<[1], [0], [0], [1], [0, 0, 1, 1], [], []>, transpose_lhs_hint = false} : vector<1000x32xf32>, vector<32x64xf32>, vector<1000x64xf32> -> vector<1000x64xf32>
    %add3A_69 = arith.addf %add3A_57, %dot_general3A_68 : vector<1000x64xf32>
    %get3A_70 = arith.constant 1 : index
    %get3A_71 = arith.constant 0 : index
    %get3A_72 = arith.constant 0 : index
    %get3A_73 = vector.load %arg3[%get3A_70, %get3A_71, %get3A_72] : memref<2x1000x32xf32, #tpu.memory_space<vmem>>, vector<1x1000x32xf32>
    %get3A_74 = vector.shape_cast %get3A_73 : vector<1x1000x32xf32> to vector<1000x32xf32>
    %broadcast_in_dim3A_75 = vector.shape_cast %div3A_29 : vector<1000xf32> to vector<1000x1xf32>
    %mul3A_76 = vector.broadcast %broadcast_in_dim3A_75 : vector<1000x1xf32> to vector<1000x32xf32>
    %mul3A_77 = arith.mulf %get3A_74, %mul3A_76 : vector<1000x32xf32>
    %slice3A_78 = vector.extract_strided_slice %get3A_35 {offsets = [32, 0], sizes = [32, 64], strides = [1, 1]} : vector<64x64xf32> to vector<32x64xf32>
    %dot_general3A_79 = arith.constant dense<0.000000e+00> : vector<1000x64xf32>
    %dot_general3A_80 = tpu.matmul %mul3A_77, %slice3A_78, %dot_general3A_79 {dimension_numbers = #tpu.dot_dimension_numbers<[1], [0], [0], [1], [0, 0, 1, 1], [], []>, transpose_lhs_hint = false} : vector<1000x32xf32>, vector<32x64xf32>, vector<1000x64xf32> -> vector<1000x64xf32>
    %add3A_81 = arith.addf %add3A_69, %dot_general3A_80 : vector<1000x64xf32>
    %get3A_82 = arith.constant 0 : index
    %get3A_83 = arith.constant 0 : index
    %get3A_84 = arith.constant 0 : index
    %get3A_85 = vector.load %arg5[%get3A_82, %get3A_83, %get3A_84] : memref<2x1000x32xf32, #tpu.memory_space<vmem>>, vector<1x1000x32xf32>
    %get3A_86 = vector.shape_cast %get3A_85 : vector<1x1000x32xf32> to vector<1000x32xf32>
    %slice3A_87 = vector.extract_strided_slice %get3A_38 {offsets = [0, 0], sizes = [32, 64], strides = [1, 1]} : vector<64x64xf32> to vector<32x64xf32>
    %dot_general3A_88 = arith.constant dense<0.000000e+00> : vector<1000x64xf32>
    %dot_general3A_89 = tpu.matmul %get3A_86, %slice3A_87, %dot_general3A_88 {dimension_numbers = #tpu.dot_dimension_numbers<[1], [0], [0], [1], [0, 0, 1, 1], [], []>, transpose_lhs_hint = false} : vector<1000x32xf32>, vector<32x64xf32>, vector<1000x64xf32> -> vector<1000x64xf32>
    %add3A_90 = arith.addf %add3A_81, %dot_general3A_89 : vector<1000x64xf32>
    %get3A_91 = arith.constant 1 : index
    %get3A_92 = arith.constant 0 : index
    %get3A_93 = arith.constant 0 : index
    %get3A_94 = vector.load %arg5[%get3A_91, %get3A_92, %get3A_93] : memref<2x1000x32xf32, #tpu.memory_space<vmem>>, vector<1x1000x32xf32>
    %get3A_95 = vector.shape_cast %get3A_94 : vector<1x1000x32xf32> to vector<1000x32xf32>
    %slice3A_96 = vector.extract_strided_slice %get3A_38 {offsets = [32, 0], sizes = [32, 64], strides = [1, 1]} : vector<64x64xf32> to vector<32x64xf32>
    %dot_general3A_97 = arith.constant dense<0.000000e+00> : vector<1000x64xf32>
    %dot_general3A_98 = tpu.matmul %get3A_95, %slice3A_96, %dot_general3A_97 {dimension_numbers = #tpu.dot_dimension_numbers<[1], [0], [0], [1], [0, 0, 1, 1], [], []>, transpose_lhs_hint = false} : vector<1000x32xf32>, vector<32x64xf32>, vector<1000x64xf32> -> vector<1000x64xf32>
    %add3A_99 = arith.addf %add3A_90, %dot_general3A_98 : vector<1000x64xf32>
    %get3A_100 = arith.constant 0 : index
    %get3A_101 = arith.constant 0 : index
    %get3A_102 = vector.load %arg9[%get3A_100, %get3A_101] : memref<1x64xf32, #tpu.memory_space<vmem>>, vector<1x64xf32>
    %add3A_103 = vector.broadcast %get3A_102 : vector<1x64xf32> to vector<1000x64xf32>
    %add3A_104 = arith.addf %add3A_99, %add3A_103 : vector<1000x64xf32>
    %max3A_105 = arith.constant 0.000000e+00 : f32
    %max3A_106 = vector.broadcast %max3A_105 : f32 to vector<1000x64xf32>
    %max3A_107 = arith.maximumf %add3A_104, %max3A_106 : vector<1000x64xf32>
    %slice3A_108 = vector.extract_strided_slice %max3A_107 {offsets = [0, 0], sizes = [1000, 32], strides = [1, 1]} : vector<1000x64xf32> to vector<1000x32xf32>
    %swap3A = arith.constant 0 : index
    %swap3A_109 = arith.constant 0 : index
    %swap3A_110 = arith.constant 0 : index
    %swap3A_111 = vector.load %arg10[%swap3A, %swap3A_109, %swap3A_110] : memref<2x1000x32xf32, #tpu.memory_space<vmem>>, vector<1x1000x32xf32>
    %swap3A_112 = vector.shape_cast %swap3A_111 : vector<1x1000x32xf32> to vector<1000x32xf32>
    %swap3A_113 = vector.shape_cast %slice3A_108 : vector<1000x32xf32> to vector<1x1000x32xf32>
    tpu.vector_store %arg10[%swap3A, %swap3A_109, %swap3A_110], %swap3A_113 {strides = array<i32>} : memref<2x1000x32xf32, #tpu.memory_space<vmem>>, vector<1x1000x32xf32>,
    %slice3A_114 = vector.extract_strided_slice %max3A_107 {offsets = [0, 32], sizes = [1000, 32], strides = [1, 1]} : vector<1000x64xf32> to vector<1000x32xf32>
    %swap3A_115 = arith.constant 1 : index
    %swap3A_116 = arith.constant 0 : index
    %swap3A_117 = arith.constant 0 : index
    %swap3A_118 = vector.load %arg10[%swap3A_115, %swap3A_116, %swap3A_117] : memref<2x1000x32xf32, #tpu.memory_space<vmem>>, vector<1x1000x32xf32>
    %swap3A_119 = vector.shape_cast %swap3A_118 : vector<1x1000x32xf32> to vector<1000x32xf32>
    %swap3A_120 = vector.shape_cast %slice3A_114 : vector<1000x32xf32> to vector<1x1000x32xf32>
    tpu.vector_store %arg10[%swap3A_115, %swap3A_116, %swap3A_117], %swap3A_120 {strides = array<i32>} : memref<2x1000x32xf32, #tpu.memory_space<vmem>>, vector<1x1000x32xf32>,
    %eq3A = arith.constant 0 : i32
    %eq3A_121 = arith.cmpi eq, %arg0, %eq3A : i32
    %convert_element_type3A = arith.extui %eq3A_121 : i1 to i32
    %cond3A = arith.constant 0 : i32
    %cond3A_122 = arith.cmpi ne, %convert_element_type3A, %cond3A : i32
    scf.if %cond3A_122 {
      %broadcast_in_dim3A_132 = arith.constant 0.000000e+00 : f32
      %broadcast_in_dim3A_133 = vector.broadcast %broadcast_in_dim3A_132 : f32 to vector<1x64xf32>
      %swap3A_134 = arith.constant 0 : index
      %swap3A_135 = arith.constant 0 : index
      %swap3A_136 = vector.load %arg11[%swap3A_134, %swap3A_135] : memref<1x64xf32, #tpu.memory_space<vmem>>, vector<1x64xf32>
      tpu.vector_store %arg11[%swap3A_134, %swap3A_135], %broadcast_in_dim3A_133 {strides = array<i32>} : memref<1x64xf32, #tpu.memory_space<vmem>>, vector<1x64xf32>,
    } else {
    }
    %get3A_123 = arith.constant 0 : index
    %get3A_124 = arith.constant 0 : index
    %get3A_125 = vector.load %arg11[%get3A_123, %get3A_124] : memref<1x64xf32, #tpu.memory_space<vmem>>, vector<1x64xf32>
    %reduce_sum3A = arith.constant dense<0.000000e+00> : vector<64xf32>
    %reduce_sum3A_126 = vector.multi_reduction <add>, %max3A_107, %reduce_sum3A [0] : vector<1000x64xf32> to vector<64xf32>
    %broadcast_in_dim3A_127 = vector.shape_cast %reduce_sum3A_126 : vector<64xf32> to vector<1x64xf32>
    %add3A_128 = arith.addf %get3A_125, %broadcast_in_dim3A_127 : vector<1x64xf32>
    %swap3A_129 = arith.constant 0 : index
    %swap3A_130 = arith.constant 0 : index
    %swap3A_131 = vector.load %arg11[%swap3A_129, %swap3A_130] : memref<1x64xf32, #tpu.memory_space<vmem>>, vector<1x64xf32>
    tpu.vector_store %arg11[%swap3A_129, %swap3A_130], %add3A_128 {strides = array<i32>} : memref<1x64xf32, #tpu.memory_space<vmem>>, vector<1x64xf32>,
    return
  }
  func.func @transform_0(%arg0: i32) -> (i32, i32, i32) {
    %c0_i32 = arith.constant 0 : i32
    %c0_i32_0 = arith.constant 0 : i32
    %c0_i32_1 = arith.constant 0 : i32
    return %c0_i32, %arg0, %c0_i32_0 : i32, i32, i32
  }
  func.func @transform_1(%arg0: i32) -> (i32, i32, i32) {
    %c0_i32 = arith.constant 0 : i32
    %c0_i32_0 = arith.constant 0 : i32
    %c0_i32_1 = arith.constant 0 : i32
    return %c0_i32, %arg0, %c0_i32_0 : i32, i32, i32
  }
  func.func @transform_2(%arg0: i32) -> (i32, i32, i32) {
    %c0_i32 = arith.constant 0 : i32
    %c0_i32_0 = arith.constant 0 : i32
    %c0_i32_1 = arith.constant 0 : i32
    return %c0_i32, %arg0, %c0_i32_0 : i32, i32, i32
  }
  func.func @transform_3(%arg0: i32) -> (i32, i32, i32) {
    %c0_i32 = arith.constant 0 : i32
    %c0_i32_0 = arith.constant 0 : i32
    %c0_i32_1 = arith.constant 0 : i32
    return %c0_i32, %arg0, %c0_i32_0 : i32, i32, i32
  }
  func.func @transform_4(%arg0: i32) -> (i32, i32, i32) {
    %c0_i32 = arith.constant 0 : i32
    %c0_i32_0 = arith.constant 0 : i32
    %c0_i32_1 = arith.constant 0 : i32
    return %c0_i32, %arg0, %c0_i32_0 : i32, i32, i32
  }
  func.func @transform_5(%arg0: i32) -> (i32, i32) {
    %c0_i32 = arith.constant 0 : i32
    %c0_i32_0 = arith.constant 0 : i32
    %c0_i32_1 = arith.constant 0 : i32
    return %c0_i32, %c0_i32_0 : i32, i32
  }
  func.func @transform_6(%arg0: i32) -> (i32, i32) {
    %c0_i32 = arith.constant 0 : i32
    %c0_i32_0 = arith.constant 0 : i32
    %c0_i32_1 = arith.constant 0 : i32
    return %c0_i32, %c0_i32_0 : i32, i32
  }
  func.func @transform_7(%arg0: i32) -> (i32, i32) {
    %c0_i32 = arith.constant 0 : i32
    %c0_i32_0 = arith.constant 0 : i32
    %c0_i32_1 = arith.constant 0 : i32
    return %c0_i32, %c0_i32_0 : i32, i32
  }
  func.func @transform_8(%arg0: i32) -> (i32, i32) {
    %c0_i32 = arith.constant 0 : i32
    %c0_i32_0 = arith.constant 0 : i32
    %c0_i32_1 = arith.constant 0 : i32
    return %c0_i32, %c0_i32_0 : i32, i32
  }
  func.func @transform_9(%arg0: i32) -> (i32, i32, i32) {
    %c0_i32 = arith.constant 0 : i32
    %c0_i32_0 = arith.constant 0 : i32
    %c0_i32_1 = arith.constant 0 : i32
    return %c0_i32, %arg0, %c0_i32_0 : i32, i32, i32
  }
  func.func @transform_10(%arg0: i32) -> (i32, i32) {
    %c0_i32 = arith.constant 0 : i32
    %c0_i32_0 = arith.constant 0 : i32
    %c0_i32_1 = arith.constant 0 : i32
    return %c0_i32, %c0_i32_0 : i32, i32
  }
}

module attributes {stable_mosaic.version = 14 : i64} {
  func.func @body(%arg0: i32, %arg1: memref<2x1000x32xf32, #tpu.memory_space<vmem>>, %arg2: memref<2x1000x16xf32, #tpu.memory_space<vmem>>, %arg3: memref<2x1000x32xf32, #tpu.memory_space<vmem>>, %arg4: memref<64x64xf32, #tpu.memory_space<vmem>>, %arg5: memref<64x64xf32, #tpu.memory_space<vmem>>, %arg6: memref<1x64xf32, #tpu.memory_space<vmem>>, %arg7: memref<2x1000x32xf32, #tpu.memory_space<vmem>>, %arg8: memref<1x64xf32, #tpu.memory_space<vmem>>) attributes {dimension_semantics = [#tpu.dimension_semantics<arbitrary>], iteration_bounds = array<i64: 10>, scalar_prefetch = 0 : i64, scratch_operands = 0 : i64, tpu.core_type = #tpu.core_type<tc>, window_params = [{transform_indices = @transform_0, window_bounds = array<i64: 2, 1000, 32>}, {transform_indices = @transform_1, window_bounds = array<i64: 2, 1000, 16>}, {transform_indices = @transform_2, window_bounds = array<i64: 2, 1000, 32>}, {pipeline_mode = #tpu.pipeline_mode<synchronous>, transform_indices = @transform_3, window_bounds = array<i64: 64, 64>}, {pipeline_mode = #tpu.pipeline_mode<synchronous>, transform_indices = @transform_4, window_bounds = array<i64: 64, 64>}, {pipeline_mode = #tpu.pipeline_mode<synchronous>, transform_indices = @transform_5, window_bounds = array<i64: 1, 64>}, {transform_indices = @transform_6, window_bounds = array<i64: 2, 1000, 32>}, {pipeline_mode = #tpu.pipeline_mode<synchronous>, transform_indices = @transform_7, window_bounds = array<i64: 1, 64>}]} {
    %get3A = arith.constant 0 : index
    %get3A_0 = arith.constant 0 : index
    %get3A_1 = arith.constant 0 : index
    %get3A_2 = vector.load %arg2[%get3A, %get3A_0, %get3A_1] : memref<2x1000x16xf32, #tpu.memory_space<vmem>>, vector<1x1000x1xf32>
    %get3A_3 = vector.shape_cast %get3A_2 : vector<1x1000x1xf32> to vector<1000xf32>
    %get3A_4 = arith.constant 1 : index
    %get3A_5 = arith.constant 0 : index
    %get3A_6 = arith.constant 0 : index
    %get3A_7 = vector.load %arg2[%get3A_4, %get3A_5, %get3A_6] : memref<2x1000x16xf32, #tpu.memory_space<vmem>>, vector<1x1000x1xf32>
    %get3A_8 = vector.shape_cast %get3A_7 : vector<1x1000x1xf32> to vector<1000xf32>
    %add3A = arith.addf %get3A_3, %get3A_8 : vector<1000xf32>
    %max3A = arith.constant 1.000000e+00 : f32
    %max3A_9 = vector.broadcast %max3A : f32 to vector<1000xf32>
    %max3A_10 = arith.maximumf %add3A, %max3A_9 : vector<1000xf32>
    %div3A = arith.constant 1.000000e+00 : f32
    %div3A_11 = vector.broadcast %div3A : f32 to vector<1000xf32>
    %div3A_12 = arith.divf %div3A_11, %max3A_10 : vector<1000xf32>
    %get3A_13 = arith.constant 0 : index
    %get3A_14 = arith.constant 0 : index
    %get3A_15 = vector.load %arg4[%get3A_13, %get3A_14] : memref<64x64xf32, #tpu.memory_space<vmem>>, vector<64x64xf32>
    %get3A_16 = arith.constant 0 : index
    %get3A_17 = arith.constant 0 : index
    %get3A_18 = vector.load %arg5[%get3A_16, %get3A_17] : memref<64x64xf32, #tpu.memory_space<vmem>>, vector<64x64xf32>
    %get3A_19 = arith.constant 0 : index
    %get3A_20 = arith.constant 0 : index
    %get3A_21 = arith.constant 0 : index
    %get3A_22 = vector.load %arg1[%get3A_19, %get3A_20, %get3A_21] : memref<2x1000x32xf32, #tpu.memory_space<vmem>>, vector<1x1000x32xf32>
    %get3A_23 = vector.shape_cast %get3A_22 : vector<1x1000x32xf32> to vector<1000x32xf32>
    %broadcast_in_dim3A = vector.shape_cast %div3A_12 : vector<1000xf32> to vector<1000x1xf32>
    %mul3A = vector.broadcast %broadcast_in_dim3A : vector<1000x1xf32> to vector<1000x32xf32>
    %mul3A_24 = arith.mulf %get3A_23, %mul3A : vector<1000x32xf32>
    %slice3A = vector.extract_strided_slice %get3A_15 {offsets = [0, 0], sizes = [32, 64], strides = [1, 1]} : vector<64x64xf32> to vector<32x64xf32>
    %dot_general3A = arith.constant dense<0.000000e+00> : vector<1000x64xf32>
    %dot_general3A_25 = tpu.matmul %mul3A_24, %slice3A, %dot_general3A {dimension_numbers = #tpu.dot_dimension_numbers<[1], [0], [0], [1], [0, 0, 1, 1], [], []>, transpose_lhs_hint = false} : vector<1000x32xf32>, vector<32x64xf32>, vector<1000x64xf32> -> vector<1000x64xf32>
    %get3A_26 = arith.constant 1 : index
    %get3A_27 = arith.constant 0 : index
    %get3A_28 = arith.constant 0 : index
    %get3A_29 = vector.load %arg1[%get3A_26, %get3A_27, %get3A_28] : memref<2x1000x32xf32, #tpu.memory_space<vmem>>, vector<1x1000x32xf32>
    %get3A_30 = vector.shape_cast %get3A_29 : vector<1x1000x32xf32> to vector<1000x32xf32>
    %broadcast_in_dim3A_31 = vector.shape_cast %div3A_12 : vector<1000xf32> to vector<1000x1xf32>
    %mul3A_32 = vector.broadcast %broadcast_in_dim3A_31 : vector<1000x1xf32> to vector<1000x32xf32>
    %mul3A_33 = arith.mulf %get3A_30, %mul3A_32 : vector<1000x32xf32>
    %slice3A_34 = vector.extract_strided_slice %get3A_15 {offsets = [32, 0], sizes = [32, 64], strides = [1, 1]} : vector<64x64xf32> to vector<32x64xf32>
    %dot_general3A_35 = arith.constant dense<0.000000e+00> : vector<1000x64xf32>
    %dot_general3A_36 = tpu.matmul %mul3A_33, %slice3A_34, %dot_general3A_35 {dimension_numbers = #tpu.dot_dimension_numbers<[1], [0], [0], [1], [0, 0, 1, 1], [], []>, transpose_lhs_hint = false} : vector<1000x32xf32>, vector<32x64xf32>, vector<1000x64xf32> -> vector<1000x64xf32>
    %add3A_37 = arith.addf %dot_general3A_25, %dot_general3A_36 : vector<1000x64xf32>
    %get3A_38 = arith.constant 0 : index
    %get3A_39 = arith.constant 0 : index
    %get3A_40 = arith.constant 0 : index
    %get3A_41 = vector.load %arg3[%get3A_38, %get3A_39, %get3A_40] : memref<2x1000x32xf32, #tpu.memory_space<vmem>>, vector<1x1000x32xf32>
    %get3A_42 = vector.shape_cast %get3A_41 : vector<1x1000x32xf32> to vector<1000x32xf32>
    %slice3A_43 = vector.extract_strided_slice %get3A_18 {offsets = [0, 0], sizes = [32, 64], strides = [1, 1]} : vector<64x64xf32> to vector<32x64xf32>
    %dot_general3A_44 = arith.constant dense<0.000000e+00> : vector<1000x64xf32>
    %dot_general3A_45 = tpu.matmul %get3A_42, %slice3A_43, %dot_general3A_44 {dimension_numbers = #tpu.dot_dimension_numbers<[1], [0], [0], [1], [0, 0, 1, 1], [], []>, transpose_lhs_hint = false} : vector<1000x32xf32>, vector<32x64xf32>, vector<1000x64xf32> -> vector<1000x64xf32>
    %add3A_46 = arith.addf %add3A_37, %dot_general3A_45 : vector<1000x64xf32>
    %get3A_47 = arith.constant 1 : index
    %get3A_48 = arith.constant 0 : index
    %get3A_49 = arith.constant 0 : index
    %get3A_50 = vector.load %arg3[%get3A_47, %get3A_48, %get3A_49] : memref<2x1000x32xf32, #tpu.memory_space<vmem>>, vector<1x1000x32xf32>
    %get3A_51 = vector.shape_cast %get3A_50 : vector<1x1000x32xf32> to vector<1000x32xf32>
    %slice3A_52 = vector.extract_strided_slice %get3A_18 {offsets = [32, 0], sizes = [32, 64], strides = [1, 1]} : vector<64x64xf32> to vector<32x64xf32>
    %dot_general3A_53 = arith.constant dense<0.000000e+00> : vector<1000x64xf32>
    %dot_general3A_54 = tpu.matmul %get3A_51, %slice3A_52, %dot_general3A_53 {dimension_numbers = #tpu.dot_dimension_numbers<[1], [0], [0], [1], [0, 0, 1, 1], [], []>, transpose_lhs_hint = false} : vector<1000x32xf32>, vector<32x64xf32>, vector<1000x64xf32> -> vector<1000x64xf32>
    %add3A_55 = arith.addf %add3A_46, %dot_general3A_54 : vector<1000x64xf32>
    %get3A_56 = arith.constant 0 : index
    %get3A_57 = arith.constant 0 : index
    %get3A_58 = vector.load %arg6[%get3A_56, %get3A_57] : memref<1x64xf32, #tpu.memory_space<vmem>>, vector<1x64xf32>
    %add3A_59 = vector.broadcast %get3A_58 : vector<1x64xf32> to vector<1000x64xf32>
    %add3A_60 = arith.addf %add3A_55, %add3A_59 : vector<1000x64xf32>
    %max3A_61 = arith.constant 0.000000e+00 : f32
    %max3A_62 = vector.broadcast %max3A_61 : f32 to vector<1000x64xf32>
    %max3A_63 = arith.maximumf %add3A_60, %max3A_62 : vector<1000x64xf32>
    %slice3A_64 = vector.extract_strided_slice %max3A_63 {offsets = [0, 0], sizes = [1000, 32], strides = [1, 1]} : vector<1000x64xf32> to vector<1000x32xf32>
    %swap3A = arith.constant 0 : index
    %swap3A_65 = arith.constant 0 : index
    %swap3A_66 = arith.constant 0 : index
    %swap3A_67 = vector.load %arg7[%swap3A, %swap3A_65, %swap3A_66] : memref<2x1000x32xf32, #tpu.memory_space<vmem>>, vector<1x1000x32xf32>
    %swap3A_68 = vector.shape_cast %swap3A_67 : vector<1x1000x32xf32> to vector<1000x32xf32>
    %swap3A_69 = vector.shape_cast %slice3A_64 : vector<1000x32xf32> to vector<1x1000x32xf32>
    tpu.vector_store %arg7[%swap3A, %swap3A_65, %swap3A_66], %swap3A_69 {strides = array<i32>} : memref<2x1000x32xf32, #tpu.memory_space<vmem>>, vector<1x1000x32xf32>,
    %slice3A_70 = vector.extract_strided_slice %max3A_63 {offsets = [0, 32], sizes = [1000, 32], strides = [1, 1]} : vector<1000x64xf32> to vector<1000x32xf32>
    %swap3A_71 = arith.constant 1 : index
    %swap3A_72 = arith.constant 0 : index
    %swap3A_73 = arith.constant 0 : index
    %swap3A_74 = vector.load %arg7[%swap3A_71, %swap3A_72, %swap3A_73] : memref<2x1000x32xf32, #tpu.memory_space<vmem>>, vector<1x1000x32xf32>
    %swap3A_75 = vector.shape_cast %swap3A_74 : vector<1x1000x32xf32> to vector<1000x32xf32>
    %swap3A_76 = vector.shape_cast %slice3A_70 : vector<1000x32xf32> to vector<1x1000x32xf32>
    tpu.vector_store %arg7[%swap3A_71, %swap3A_72, %swap3A_73], %swap3A_76 {strides = array<i32>} : memref<2x1000x32xf32, #tpu.memory_space<vmem>>, vector<1x1000x32xf32>,
    %eq3A = arith.constant 0 : i32
    %eq3A_77 = arith.cmpi eq, %arg0, %eq3A : i32
    %convert_element_type3A = arith.extui %eq3A_77 : i1 to i32
    %cond3A = arith.constant 0 : i32
    %cond3A_78 = arith.cmpi ne, %convert_element_type3A, %cond3A : i32
    scf.if %cond3A_78 {
      %broadcast_in_dim3A_88 = arith.constant 0.000000e+00 : f32
      %broadcast_in_dim3A_89 = vector.broadcast %broadcast_in_dim3A_88 : f32 to vector<1x64xf32>
      %swap3A_90 = arith.constant 0 : index
      %swap3A_91 = arith.constant 0 : index
      %swap3A_92 = vector.load %arg8[%swap3A_90, %swap3A_91] : memref<1x64xf32, #tpu.memory_space<vmem>>, vector<1x64xf32>
      tpu.vector_store %arg8[%swap3A_90, %swap3A_91], %broadcast_in_dim3A_89 {strides = array<i32>} : memref<1x64xf32, #tpu.memory_space<vmem>>, vector<1x64xf32>,
    } else {
    }
    %get3A_79 = arith.constant 0 : index
    %get3A_80 = arith.constant 0 : index
    %get3A_81 = vector.load %arg8[%get3A_79, %get3A_80] : memref<1x64xf32, #tpu.memory_space<vmem>>, vector<1x64xf32>
    %reduce_sum3A = arith.constant dense<0.000000e+00> : vector<64xf32>
    %reduce_sum3A_82 = vector.multi_reduction <add>, %max3A_63, %reduce_sum3A [0] : vector<1000x64xf32> to vector<64xf32>
    %broadcast_in_dim3A_83 = vector.shape_cast %reduce_sum3A_82 : vector<64xf32> to vector<1x64xf32>
    %add3A_84 = arith.addf %get3A_81, %broadcast_in_dim3A_83 : vector<1x64xf32>
    %swap3A_85 = arith.constant 0 : index
    %swap3A_86 = arith.constant 0 : index
    %swap3A_87 = vector.load %arg8[%swap3A_85, %swap3A_86] : memref<1x64xf32, #tpu.memory_space<vmem>>, vector<1x64xf32>
    tpu.vector_store %arg8[%swap3A_85, %swap3A_86], %add3A_84 {strides = array<i32>} : memref<1x64xf32, #tpu.memory_space<vmem>>, vector<1x64xf32>,
    return
  }
  func.func @transform_0(%arg0: i32) -> (i32, i32, i32) {
    %c0_i32 = arith.constant 0 : i32
    %c0_i32_0 = arith.constant 0 : i32
    %c0_i32_1 = arith.constant 0 : i32
    return %c0_i32, %arg0, %c0_i32_0 : i32, i32, i32
  }
  func.func @transform_1(%arg0: i32) -> (i32, i32, i32) {
    %c0_i32 = arith.constant 0 : i32
    %c0_i32_0 = arith.constant 0 : i32
    %c0_i32_1 = arith.constant 0 : i32
    return %c0_i32, %arg0, %c0_i32_0 : i32, i32, i32
  }
  func.func @transform_2(%arg0: i32) -> (i32, i32, i32) {
    %c0_i32 = arith.constant 0 : i32
    %c0_i32_0 = arith.constant 0 : i32
    %c0_i32_1 = arith.constant 0 : i32
    return %c0_i32, %arg0, %c0_i32_0 : i32, i32, i32
  }
  func.func @transform_3(%arg0: i32) -> (i32, i32) {
    %c0_i32 = arith.constant 0 : i32
    %c0_i32_0 = arith.constant 0 : i32
    %c0_i32_1 = arith.constant 0 : i32
    return %c0_i32, %c0_i32_0 : i32, i32
  }
  func.func @transform_4(%arg0: i32) -> (i32, i32) {
    %c0_i32 = arith.constant 0 : i32
    %c0_i32_0 = arith.constant 0 : i32
    %c0_i32_1 = arith.constant 0 : i32
    return %c0_i32, %c0_i32_0 : i32, i32
  }
  func.func @transform_5(%arg0: i32) -> (i32, i32) {
    %c0_i32 = arith.constant 0 : i32
    %c0_i32_0 = arith.constant 0 : i32
    %c0_i32_1 = arith.constant 0 : i32
    return %c0_i32, %c0_i32_0 : i32, i32
  }
  func.func @transform_6(%arg0: i32) -> (i32, i32, i32) {
    %c0_i32 = arith.constant 0 : i32
    %c0_i32_0 = arith.constant 0 : i32
    %c0_i32_1 = arith.constant 0 : i32
    return %c0_i32, %arg0, %c0_i32_0 : i32, i32, i32
  }
  func.func @transform_7(%arg0: i32) -> (i32, i32) {
    %c0_i32 = arith.constant 0 : i32
    %c0_i32_0 = arith.constant 0 : i32
    %c0_i32_1 = arith.constant 0 : i32
    return %c0_i32, %c0_i32_0 : i32, i32
  }
}

module attributes {stable_mosaic.version = 14 : i64} {
  func.func @body(%arg0: i32, %arg1: memref<2x1000x32xf32, #tpu.memory_space<vmem>>, %arg2: memref<2x1000x16xf32, #tpu.memory_space<vmem>>, %arg3: memref<2x1000x32xf32, #tpu.memory_space<vmem>>, %arg4: memref<2x1000x16xf32, #tpu.memory_space<vmem>>, %arg5: memref<2x1000x32xf32, #tpu.memory_space<vmem>>, %arg6: memref<64x64xf32, #tpu.memory_space<vmem>>, %arg7: memref<64x64xf32, #tpu.memory_space<vmem>>, %arg8: memref<64x64xf32, #tpu.memory_space<vmem>>, %arg9: memref<1x64xf32, #tpu.memory_space<vmem>>, %arg10: memref<2x1000x32xf32, #tpu.memory_space<vmem>>, %arg11: memref<1x64xf32, #tpu.memory_space<vmem>>) attributes {dimension_semantics = [#tpu.dimension_semantics<arbitrary>], iteration_bounds = array<i64: 50>, scalar_prefetch = 0 : i64, scratch_operands = 0 : i64, tpu.core_type = #tpu.core_type<tc>, window_params = [{transform_indices = @transform_0, window_bounds = array<i64: 2, 1000, 32>}, {transform_indices = @transform_1, window_bounds = array<i64: 2, 1000, 16>}, {transform_indices = @transform_2, window_bounds = array<i64: 2, 1000, 32>}, {transform_indices = @transform_3, window_bounds = array<i64: 2, 1000, 16>}, {transform_indices = @transform_4, window_bounds = array<i64: 2, 1000, 32>}, {pipeline_mode = #tpu.pipeline_mode<synchronous>, transform_indices = @transform_5, window_bounds = array<i64: 64, 64>}, {pipeline_mode = #tpu.pipeline_mode<synchronous>, transform_indices = @transform_6, window_bounds = array<i64: 64, 64>}, {pipeline_mode = #tpu.pipeline_mode<synchronous>, transform_indices = @transform_7, window_bounds = array<i64: 64, 64>}, {pipeline_mode = #tpu.pipeline_mode<synchronous>, transform_indices = @transform_8, window_bounds = array<i64: 1, 64>}, {transform_indices = @transform_9, window_bounds = array<i64: 2, 1000, 32>}, {pipeline_mode = #tpu.pipeline_mode<synchronous>, transform_indices = @transform_10, window_bounds = array<i64: 1, 64>}]} {
    %get3A = arith.constant 0 : index
    %get3A_0 = arith.constant 0 : index
    %get3A_1 = arith.constant 0 : index
    %get3A_2 = vector.load %arg2[%get3A, %get3A_0, %get3A_1] : memref<2x1000x16xf32, #tpu.memory_space<vmem>>, vector<1x1000x1xf32>
    %get3A_3 = vector.shape_cast %get3A_2 : vector<1x1000x1xf32> to vector<1000xf32>
    %get3A_4 = arith.constant 1 : index
    %get3A_5 = arith.constant 0 : index
    %get3A_6 = arith.constant 0 : index
    %get3A_7 = vector.load %arg2[%get3A_4, %get3A_5, %get3A_6] : memref<2x1000x16xf32, #tpu.memory_space<vmem>>, vector<1x1000x1xf32>
    %get3A_8 = vector.shape_cast %get3A_7 : vector<1x1000x1xf32> to vector<1000xf32>
    %add3A = arith.addf %get3A_3, %get3A_8 : vector<1000xf32>
    %max3A = arith.constant 1.000000e+00 : f32
    %max3A_9 = vector.broadcast %max3A : f32 to vector<1000xf32>
    %max3A_10 = arith.maximumf %add3A, %max3A_9 : vector<1000xf32>
    %div3A = arith.constant 1.000000e+00 : f32
    %div3A_11 = vector.broadcast %div3A : f32 to vector<1000xf32>
    %div3A_12 = arith.divf %div3A_11, %max3A_10 : vector<1000xf32>
    %get3A_13 = arith.constant 0 : index
    %get3A_14 = arith.constant 0 : index
    %get3A_15 = arith.constant 0 : index
    %get3A_16 = vector.load %arg4[%get3A_13, %get3A_14, %get3A_15] : memref<2x1000x16xf32, #tpu.memory_space<vmem>>, vector<1x1000x1xf32>
    %get3A_17 = vector.shape_cast %get3A_16 : vector<1x1000x1xf32> to vector<1000xf32>
    %get3A_18 = arith.constant 1 : index
    %get3A_19 = arith.constant 0 : index
    %get3A_20 = arith.constant 0 : index
    %get3A_21 = vector.load %arg4[%get3A_18, %get3A_19, %get3A_20] : memref<2x1000x16xf32, #tpu.memory_space<vmem>>, vector<1x1000x1xf32>
    %get3A_22 = vector.shape_cast %get3A_21 : vector<1x1000x1xf32> to vector<1000xf32>
    %add3A_23 = arith.addf %get3A_17, %get3A_22 : vector<1000xf32>
    %max3A_24 = arith.constant 1.000000e+00 : f32
    %max3A_25 = vector.broadcast %max3A_24 : f32 to vector<1000xf32>
    %max3A_26 = arith.maximumf %add3A_23, %max3A_25 : vector<1000xf32>
    %div3A_27 = arith.constant 1.000000e+00 : f32
    %div3A_28 = vector.broadcast %div3A_27 : f32 to vector<1000xf32>
    %div3A_29 = arith.divf %div3A_28, %max3A_26 : vector<1000xf32>
    %get3A_30 = arith.constant 0 : index
    %get3A_31 = arith.constant 0 : index
    %get3A_32 = vector.load %arg6[%get3A_30, %get3A_31] : memref<64x64xf32, #tpu.memory_space<vmem>>, vector<64x64xf32>
    %get3A_33 = arith.constant 0 : index
    %get3A_34 = arith.constant 0 : index
    %get3A_35 = vector.load %arg7[%get3A_33, %get3A_34] : memref<64x64xf32, #tpu.memory_space<vmem>>, vector<64x64xf32>
    %get3A_36 = arith.constant 0 : index
    %get3A_37 = arith.constant 0 : index
    %get3A_38 = vector.load %arg8[%get3A_36, %get3A_37] : memref<64x64xf32, #tpu.memory_space<vmem>>, vector<64x64xf32>
    %get3A_39 = arith.constant 0 : index
    %get3A_40 = arith.constant 0 : index
    %get3A_41 = arith.constant 0 : index
    %get3A_42 = vector.load %arg1[%get3A_39, %get3A_40, %get3A_41] : memref<2x1000x32xf32, #tpu.memory_space<vmem>>, vector<1x1000x32xf32>
    %get3A_43 = vector.shape_cast %get3A_42 : vector<1x1000x32xf32> to vector<1000x32xf32>
    %broadcast_in_dim3A = vector.shape_cast %div3A_12 : vector<1000xf32> to vector<1000x1xf32>
    %mul3A = vector.broadcast %broadcast_in_dim3A : vector<1000x1xf32> to vector<1000x32xf32>
    %mul3A_44 = arith.mulf %get3A_43, %mul3A : vector<1000x32xf32>
    %slice3A = vector.extract_strided_slice %get3A_32 {offsets = [0, 0], sizes = [32, 64], strides = [1, 1]} : vector<64x64xf32> to vector<32x64xf32>
    %dot_general3A = arith.constant dense<0.000000e+00> : vector<1000x64xf32>
    %dot_general3A_45 = tpu.matmul %mul3A_44, %slice3A, %dot_general3A {dimension_numbers = #tpu.dot_dimension_numbers<[1], [0], [0], [1], [0, 0, 1, 1], [], []>, transpose_lhs_hint = false} : vector<1000x32xf32>, vector<32x64xf32>, vector<1000x64xf32> -> vector<1000x64xf32>
    %get3A_46 = arith.constant 1 : index
    %get3A_47 = arith.constant 0 : index
    %get3A_48 = arith.constant 0 : index
    %get3A_49 = vector.load %arg1[%get3A_46, %get3A_47, %get3A_48] : memref<2x1000x32xf32, #tpu.memory_space<vmem>>, vector<1x1000x32xf32>
    %get3A_50 = vector.shape_cast %get3A_49 : vector<1x1000x32xf32> to vector<1000x32xf32>
    %broadcast_in_dim3A_51 = vector.shape_cast %div3A_12 : vector<1000xf32> to vector<1000x1xf32>
    %mul3A_52 = vector.broadcast %broadcast_in_dim3A_51 : vector<1000x1xf32> to vector<1000x32xf32>
    %mul3A_53 = arith.mulf %get3A_50, %mul3A_52 : vector<1000x32xf32>
    %slice3A_54 = vector.extract_strided_slice %get3A_32 {offsets = [32, 0], sizes = [32, 64], strides = [1, 1]} : vector<64x64xf32> to vector<32x64xf32>
    %dot_general3A_55 = arith.constant dense<0.000000e+00> : vector<1000x64xf32>
    %dot_general3A_56 = tpu.matmul %mul3A_53, %slice3A_54, %dot_general3A_55 {dimension_numbers = #tpu.dot_dimension_numbers<[1], [0], [0], [1], [0, 0, 1, 1], [], []>, transpose_lhs_hint = false} : vector<1000x32xf32>, vector<32x64xf32>, vector<1000x64xf32> -> vector<1000x64xf32>
    %add3A_57 = arith.addf %dot_general3A_45, %dot_general3A_56 : vector<1000x64xf32>
    %get3A_58 = arith.constant 0 : index
    %get3A_59 = arith.constant 0 : index
    %get3A_60 = arith.constant 0 : index
    %get3A_61 = vector.load %arg3[%get3A_58, %get3A_59, %get3A_60] : memref<2x1000x32xf32, #tpu.memory_space<vmem>>, vector<1x1000x32xf32>
    %get3A_62 = vector.shape_cast %get3A_61 : vector<1x1000x32xf32> to vector<1000x32xf32>
    %broadcast_in_dim3A_63 = vector.shape_cast %div3A_29 : vector<1000xf32> to vector<1000x1xf32>
    %mul3A_64 = vector.broadcast %broadcast_in_dim3A_63 : vector<1000x1xf32> to vector<1000x32xf32>
    %mul3A_65 = arith.mulf %get3A_62, %mul3A_64 : vector<1000x32xf32>
    %slice3A_66 = vector.extract_strided_slice %get3A_35 {offsets = [0, 0], sizes = [32, 64], strides = [1, 1]} : vector<64x64xf32> to vector<32x64xf32>
    %dot_general3A_67 = arith.constant dense<0.000000e+00> : vector<1000x64xf32>
    %dot_general3A_68 = tpu.matmul %mul3A_65, %slice3A_66, %dot_general3A_67 {dimension_numbers = #tpu.dot_dimension_numbers<[1], [0], [0], [1], [0, 0, 1, 1], [], []>, transpose_lhs_hint = false} : vector<1000x32xf32>, vector<32x64xf32>, vector<1000x64xf32> -> vector<1000x64xf32>
    %add3A_69 = arith.addf %add3A_57, %dot_general3A_68 : vector<1000x64xf32>
    %get3A_70 = arith.constant 1 : index
    %get3A_71 = arith.constant 0 : index
    %get3A_72 = arith.constant 0 : index
    %get3A_73 = vector.load %arg3[%get3A_70, %get3A_71, %get3A_72] : memref<2x1000x32xf32, #tpu.memory_space<vmem>>, vector<1x1000x32xf32>
    %get3A_74 = vector.shape_cast %get3A_73 : vector<1x1000x32xf32> to vector<1000x32xf32>
    %broadcast_in_dim3A_75 = vector.shape_cast %div3A_29 : vector<1000xf32> to vector<1000x1xf32>
    %mul3A_76 = vector.broadcast %broadcast_in_dim3A_75 : vector<1000x1xf32> to vector<1000x32xf32>
    %mul3A_77 = arith.mulf %get3A_74, %mul3A_76 : vector<1000x32xf32>
    %slice3A_78 = vector.extract_strided_slice %get3A_35 {offsets = [32, 0], sizes = [32, 64], strides = [1, 1]} : vector<64x64xf32> to vector<32x64xf32>
    %dot_general3A_79 = arith.constant dense<0.000000e+00> : vector<1000x64xf32>
    %dot_general3A_80 = tpu.matmul %mul3A_77, %slice3A_78, %dot_general3A_79 {dimension_numbers = #tpu.dot_dimension_numbers<[1], [0], [0], [1], [0, 0, 1, 1], [], []>, transpose_lhs_hint = false} : vector<1000x32xf32>, vector<32x64xf32>, vector<1000x64xf32> -> vector<1000x64xf32>
    %add3A_81 = arith.addf %add3A_69, %dot_general3A_80 : vector<1000x64xf32>
    %get3A_82 = arith.constant 0 : index
    %get3A_83 = arith.constant 0 : index
    %get3A_84 = arith.constant 0 : index
    %get3A_85 = vector.load %arg5[%get3A_82, %get3A_83, %get3A_84] : memref<2x1000x32xf32, #tpu.memory_space<vmem>>, vector<1x1000x32xf32>
    %get3A_86 = vector.shape_cast %get3A_85 : vector<1x1000x32xf32> to vector<1000x32xf32>
    %slice3A_87 = vector.extract_strided_slice %get3A_38 {offsets = [0, 0], sizes = [32, 64], strides = [1, 1]} : vector<64x64xf32> to vector<32x64xf32>
    %dot_general3A_88 = arith.constant dense<0.000000e+00> : vector<1000x64xf32>
    %dot_general3A_89 = tpu.matmul %get3A_86, %slice3A_87, %dot_general3A_88 {dimension_numbers = #tpu.dot_dimension_numbers<[1], [0], [0], [1], [0, 0, 1, 1], [], []>, transpose_lhs_hint = false} : vector<1000x32xf32>, vector<32x64xf32>, vector<1000x64xf32> -> vector<1000x64xf32>
    %add3A_90 = arith.addf %add3A_81, %dot_general3A_89 : vector<1000x64xf32>
    %get3A_91 = arith.constant 1 : index
    %get3A_92 = arith.constant 0 : index
    %get3A_93 = arith.constant 0 : index
    %get3A_94 = vector.load %arg5[%get3A_91, %get3A_92, %get3A_93] : memref<2x1000x32xf32, #tpu.memory_space<vmem>>, vector<1x1000x32xf32>
    %get3A_95 = vector.shape_cast %get3A_94 : vector<1x1000x32xf32> to vector<1000x32xf32>
    %slice3A_96 = vector.extract_strided_slice %get3A_38 {offsets = [32, 0], sizes = [32, 64], strides = [1, 1]} : vector<64x64xf32> to vector<32x64xf32>
    %dot_general3A_97 = arith.constant dense<0.000000e+00> : vector<1000x64xf32>
    %dot_general3A_98 = tpu.matmul %get3A_95, %slice3A_96, %dot_general3A_97 {dimension_numbers = #tpu.dot_dimension_numbers<[1], [0], [0], [1], [0, 0, 1, 1], [], []>, transpose_lhs_hint = false} : vector<1000x32xf32>, vector<32x64xf32>, vector<1000x64xf32> -> vector<1000x64xf32>
    %add3A_99 = arith.addf %add3A_90, %dot_general3A_98 : vector<1000x64xf32>
    %get3A_100 = arith.constant 0 : index
    %get3A_101 = arith.constant 0 : index
    %get3A_102 = vector.load %arg9[%get3A_100, %get3A_101] : memref<1x64xf32, #tpu.memory_space<vmem>>, vector<1x64xf32>
    %add3A_103 = vector.broadcast %get3A_102 : vector<1x64xf32> to vector<1000x64xf32>
    %add3A_104 = arith.addf %add3A_99, %add3A_103 : vector<1000x64xf32>
    %max3A_105 = arith.constant 0.000000e+00 : f32
    %max3A_106 = vector.broadcast %max3A_105 : f32 to vector<1000x64xf32>
    %max3A_107 = arith.maximumf %add3A_104, %max3A_106 : vector<1000x64xf32>
    %slice3A_108 = vector.extract_strided_slice %max3A_107 {offsets = [0, 0], sizes = [1000, 32], strides = [1, 1]} : vector<1000x64xf32> to vector<1000x32xf32>
    %swap3A = arith.constant 0 : index
    %swap3A_109 = arith.constant 0 : index
    %swap3A_110 = arith.constant 0 : index
    %swap3A_111 = vector.load %arg10[%swap3A, %swap3A_109, %swap3A_110] : memref<2x1000x32xf32, #tpu.memory_space<vmem>>, vector<1x1000x32xf32>
    %swap3A_112 = vector.shape_cast %swap3A_111 : vector<1x1000x32xf32> to vector<1000x32xf32>
    %swap3A_113 = vector.shape_cast %slice3A_108 : vector<1000x32xf32> to vector<1x1000x32xf32>
    tpu.vector_store %arg10[%swap3A, %swap3A_109, %swap3A_110], %swap3A_113 {strides = array<i32>} : memref<2x1000x32xf32, #tpu.memory_space<vmem>>, vector<1x1000x32xf32>,
    %slice3A_114 = vector.extract_strided_slice %max3A_107 {offsets = [0, 32], sizes = [1000, 32], strides = [1, 1]} : vector<1000x64xf32> to vector<1000x32xf32>
    %swap3A_115 = arith.constant 1 : index
    %swap3A_116 = arith.constant 0 : index
    %swap3A_117 = arith.constant 0 : index
    %swap3A_118 = vector.load %arg10[%swap3A_115, %swap3A_116, %swap3A_117] : memref<2x1000x32xf32, #tpu.memory_space<vmem>>, vector<1x1000x32xf32>
    %swap3A_119 = vector.shape_cast %swap3A_118 : vector<1x1000x32xf32> to vector<1000x32xf32>
    %swap3A_120 = vector.shape_cast %slice3A_114 : vector<1000x32xf32> to vector<1x1000x32xf32>
    tpu.vector_store %arg10[%swap3A_115, %swap3A_116, %swap3A_117], %swap3A_120 {strides = array<i32>} : memref<2x1000x32xf32, #tpu.memory_space<vmem>>, vector<1x1000x32xf32>,
    %eq3A = arith.constant 0 : i32
    %eq3A_121 = arith.cmpi eq, %arg0, %eq3A : i32
    %convert_element_type3A = arith.extui %eq3A_121 : i1 to i32
    %cond3A = arith.constant 0 : i32
    %cond3A_122 = arith.cmpi ne, %convert_element_type3A, %cond3A : i32
    scf.if %cond3A_122 {
      %broadcast_in_dim3A_132 = arith.constant 0.000000e+00 : f32
      %broadcast_in_dim3A_133 = vector.broadcast %broadcast_in_dim3A_132 : f32 to vector<1x64xf32>
      %swap3A_134 = arith.constant 0 : index
      %swap3A_135 = arith.constant 0 : index
      %swap3A_136 = vector.load %arg11[%swap3A_134, %swap3A_135] : memref<1x64xf32, #tpu.memory_space<vmem>>, vector<1x64xf32>
      tpu.vector_store %arg11[%swap3A_134, %swap3A_135], %broadcast_in_dim3A_133 {strides = array<i32>} : memref<1x64xf32, #tpu.memory_space<vmem>>, vector<1x64xf32>,
    } else {
    }
    %get3A_123 = arith.constant 0 : index
    %get3A_124 = arith.constant 0 : index
    %get3A_125 = vector.load %arg11[%get3A_123, %get3A_124] : memref<1x64xf32, #tpu.memory_space<vmem>>, vector<1x64xf32>
    %reduce_sum3A = arith.constant dense<0.000000e+00> : vector<64xf32>
    %reduce_sum3A_126 = vector.multi_reduction <add>, %max3A_107, %reduce_sum3A [0] : vector<1000x64xf32> to vector<64xf32>
    %broadcast_in_dim3A_127 = vector.shape_cast %reduce_sum3A_126 : vector<64xf32> to vector<1x64xf32>
    %add3A_128 = arith.addf %get3A_125, %broadcast_in_dim3A_127 : vector<1x64xf32>
    %swap3A_129 = arith.constant 0 : index
    %swap3A_130 = arith.constant 0 : index
    %swap3A_131 = vector.load %arg11[%swap3A_129, %swap3A_130] : memref<1x64xf32, #tpu.memory_space<vmem>>, vector<1x64xf32>
    tpu.vector_store %arg11[%swap3A_129, %swap3A_130], %add3A_128 {strides = array<i32>} : memref<1x64xf32, #tpu.memory_space<vmem>>, vector<1x64xf32>,
    return
  }
  func.func @transform_0(%arg0: i32) -> (i32, i32, i32) {
    %c0_i32 = arith.constant 0 : i32
    %c0_i32_0 = arith.constant 0 : i32
    %c0_i32_1 = arith.constant 0 : i32
    return %c0_i32, %arg0, %c0_i32_0 : i32, i32, i32
  }
  func.func @transform_1(%arg0: i32) -> (i32, i32, i32) {
    %c0_i32 = arith.constant 0 : i32
    %c0_i32_0 = arith.constant 0 : i32
    %c0_i32_1 = arith.constant 0 : i32
    return %c0_i32, %arg0, %c0_i32_0 : i32, i32, i32
  }
  func.func @transform_2(%arg0: i32) -> (i32, i32, i32) {
    %c0_i32 = arith.constant 0 : i32
    %c0_i32_0 = arith.constant 0 : i32
    %c0_i32_1 = arith.constant 0 : i32
    return %c0_i32, %arg0, %c0_i32_0 : i32, i32, i32
  }
  func.func @transform_3(%arg0: i32) -> (i32, i32, i32) {
    %c0_i32 = arith.constant 0 : i32
    %c0_i32_0 = arith.constant 0 : i32
    %c0_i32_1 = arith.constant 0 : i32
    return %c0_i32, %arg0, %c0_i32_0 : i32, i32, i32
  }
  func.func @transform_4(%arg0: i32) -> (i32, i32, i32) {
    %c0_i32 = arith.constant 0 : i32
    %c0_i32_0 = arith.constant 0 : i32
    %c0_i32_1 = arith.constant 0 : i32
    return %c0_i32, %arg0, %c0_i32_0 : i32, i32, i32
  }
  func.func @transform_5(%arg0: i32) -> (i32, i32) {
    %c0_i32 = arith.constant 0 : i32
    %c0_i32_0 = arith.constant 0 : i32
    %c0_i32_1 = arith.constant 0 : i32
    return %c0_i32, %c0_i32_0 : i32, i32
  }
  func.func @transform_6(%arg0: i32) -> (i32, i32) {
    %c0_i32 = arith.constant 0 : i32
    %c0_i32_0 = arith.constant 0 : i32
    %c0_i32_1 = arith.constant 0 : i32
    return %c0_i32, %c0_i32_0 : i32, i32
  }
  func.func @transform_7(%arg0: i32) -> (i32, i32) {
    %c0_i32 = arith.constant 0 : i32
    %c0_i32_0 = arith.constant 0 : i32
    %c0_i32_1 = arith.constant 0 : i32
    return %c0_i32, %c0_i32_0 : i32, i32
  }
  func.func @transform_8(%arg0: i32) -> (i32, i32) {
    %c0_i32 = arith.constant 0 : i32
    %c0_i32_0 = arith.constant 0 : i32
    %c0_i32_1 = arith.constant 0 : i32
    return %c0_i32, %c0_i32_0 : i32, i32
  }
  func.func @transform_9(%arg0: i32) -> (i32, i32, i32) {
    %c0_i32 = arith.constant 0 : i32
    %c0_i32_0 = arith.constant 0 : i32
    %c0_i32_1 = arith.constant 0 : i32
    return %c0_i32, %arg0, %c0_i32_0 : i32, i32, i32
  }
  func.func @transform_10(%arg0: i32) -> (i32, i32) {
    %c0_i32 = arith.constant 0 : i32
    %c0_i32_0 = arith.constant 0 : i32
    %c0_i32_1 = arith.constant 0 : i32
    return %c0_i32, %c0_i32_0 : i32, i32
  }
}

module attributes {stable_mosaic.version = 14 : i64} {
  func.func @body(%arg0: i32, %arg1: memref<2x1000x32xf32, #tpu.memory_space<vmem>>, %arg2: memref<2x1000x16xf32, #tpu.memory_space<vmem>>, %arg3: memref<2x1000x32xf32, #tpu.memory_space<vmem>>, %arg4: memref<64x64xf32, #tpu.memory_space<vmem>>, %arg5: memref<64x64xf32, #tpu.memory_space<vmem>>, %arg6: memref<1x64xf32, #tpu.memory_space<vmem>>, %arg7: memref<2x1000x32xf32, #tpu.memory_space<vmem>>, %arg8: memref<1x64xf32, #tpu.memory_space<vmem>>) attributes {dimension_semantics = [#tpu.dimension_semantics<arbitrary>], iteration_bounds = array<i64: 10>, scalar_prefetch = 0 : i64, scratch_operands = 0 : i64, tpu.core_type = #tpu.core_type<tc>, window_params = [{transform_indices = @transform_0, window_bounds = array<i64: 2, 1000, 32>}, {transform_indices = @transform_1, window_bounds = array<i64: 2, 1000, 16>}, {transform_indices = @transform_2, window_bounds = array<i64: 2, 1000, 32>}, {pipeline_mode = #tpu.pipeline_mode<synchronous>, transform_indices = @transform_3, window_bounds = array<i64: 64, 64>}, {pipeline_mode = #tpu.pipeline_mode<synchronous>, transform_indices = @transform_4, window_bounds = array<i64: 64, 64>}, {pipeline_mode = #tpu.pipeline_mode<synchronous>, transform_indices = @transform_5, window_bounds = array<i64: 1, 64>}, {transform_indices = @transform_6, window_bounds = array<i64: 2, 1000, 32>}, {pipeline_mode = #tpu.pipeline_mode<synchronous>, transform_indices = @transform_7, window_bounds = array<i64: 1, 64>}]} {
    %get3A = arith.constant 0 : index
    %get3A_0 = arith.constant 0 : index
    %get3A_1 = arith.constant 0 : index
    %get3A_2 = vector.load %arg2[%get3A, %get3A_0, %get3A_1] : memref<2x1000x16xf32, #tpu.memory_space<vmem>>, vector<1x1000x1xf32>
    %get3A_3 = vector.shape_cast %get3A_2 : vector<1x1000x1xf32> to vector<1000xf32>
    %get3A_4 = arith.constant 1 : index
    %get3A_5 = arith.constant 0 : index
    %get3A_6 = arith.constant 0 : index
    %get3A_7 = vector.load %arg2[%get3A_4, %get3A_5, %get3A_6] : memref<2x1000x16xf32, #tpu.memory_space<vmem>>, vector<1x1000x1xf32>
    %get3A_8 = vector.shape_cast %get3A_7 : vector<1x1000x1xf32> to vector<1000xf32>
    %add3A = arith.addf %get3A_3, %get3A_8 : vector<1000xf32>
    %max3A = arith.constant 1.000000e+00 : f32
    %max3A_9 = vector.broadcast %max3A : f32 to vector<1000xf32>
    %max3A_10 = arith.maximumf %add3A, %max3A_9 : vector<1000xf32>
    %div3A = arith.constant 1.000000e+00 : f32
    %div3A_11 = vector.broadcast %div3A : f32 to vector<1000xf32>
    %div3A_12 = arith.divf %div3A_11, %max3A_10 : vector<1000xf32>
    %get3A_13 = arith.constant 0 : index
    %get3A_14 = arith.constant 0 : index
    %get3A_15 = vector.load %arg4[%get3A_13, %get3A_14] : memref<64x64xf32, #tpu.memory_space<vmem>>, vector<64x64xf32>
    %get3A_16 = arith.constant 0 : index
    %get3A_17 = arith.constant 0 : index
    %get3A_18 = vector.load %arg5[%get3A_16, %get3A_17] : memref<64x64xf32, #tpu.memory_space<vmem>>, vector<64x64xf32>
    %get3A_19 = arith.constant 0 : index
    %get3A_20 = arith.constant 0 : index
    %get3A_21 = arith.constant 0 : index
    %get3A_22 = vector.load %arg1[%get3A_19, %get3A_20, %get3A_21] : memref<2x1000x32xf32, #tpu.memory_space<vmem>>, vector<1x1000x32xf32>
    %get3A_23 = vector.shape_cast %get3A_22 : vector<1x1000x32xf32> to vector<1000x32xf32>
    %broadcast_in_dim3A = vector.shape_cast %div3A_12 : vector<1000xf32> to vector<1000x1xf32>
    %mul3A = vector.broadcast %broadcast_in_dim3A : vector<1000x1xf32> to vector<1000x32xf32>
    %mul3A_24 = arith.mulf %get3A_23, %mul3A : vector<1000x32xf32>
    %slice3A = vector.extract_strided_slice %get3A_15 {offsets = [0, 0], sizes = [32, 64], strides = [1, 1]} : vector<64x64xf32> to vector<32x64xf32>
    %dot_general3A = arith.constant dense<0.000000e+00> : vector<1000x64xf32>
    %dot_general3A_25 = tpu.matmul %mul3A_24, %slice3A, %dot_general3A {dimension_numbers = #tpu.dot_dimension_numbers<[1], [0], [0], [1], [0, 0, 1, 1], [], []>, transpose_lhs_hint = false} : vector<1000x32xf32>, vector<32x64xf32>, vector<1000x64xf32> -> vector<1000x64xf32>
    %get3A_26 = arith.constant 1 : index
    %get3A_27 = arith.constant 0 : index
    %get3A_28 = arith.constant 0 : index
    %get3A_29 = vector.load %arg1[%get3A_26, %get3A_27, %get3A_28] : memref<2x1000x32xf32, #tpu.memory_space<vmem>>, vector<1x1000x32xf32>
    %get3A_30 = vector.shape_cast %get3A_29 : vector<1x1000x32xf32> to vector<1000x32xf32>
    %broadcast_in_dim3A_31 = vector.shape_cast %div3A_12 : vector<1000xf32> to vector<1000x1xf32>
    %mul3A_32 = vector.broadcast %broadcast_in_dim3A_31 : vector<1000x1xf32> to vector<1000x32xf32>
    %mul3A_33 = arith.mulf %get3A_30, %mul3A_32 : vector<1000x32xf32>
    %slice3A_34 = vector.extract_strided_slice %get3A_15 {offsets = [32, 0], sizes = [32, 64], strides = [1, 1]} : vector<64x64xf32> to vector<32x64xf32>
    %dot_general3A_35 = arith.constant dense<0.000000e+00> : vector<1000x64xf32>
    %dot_general3A_36 = tpu.matmul %mul3A_33, %slice3A_34, %dot_general3A_35 {dimension_numbers = #tpu.dot_dimension_numbers<[1], [0], [0], [1], [0, 0, 1, 1], [], []>, transpose_lhs_hint = false} : vector<1000x32xf32>, vector<32x64xf32>, vector<1000x64xf32> -> vector<1000x64xf32>
    %add3A_37 = arith.addf %dot_general3A_25, %dot_general3A_36 : vector<1000x64xf32>
    %get3A_38 = arith.constant 0 : index
    %get3A_39 = arith.constant 0 : index
    %get3A_40 = arith.constant 0 : index
    %get3A_41 = vector.load %arg3[%get3A_38, %get3A_39, %get3A_40] : memref<2x1000x32xf32, #tpu.memory_space<vmem>>, vector<1x1000x32xf32>
    %get3A_42 = vector.shape_cast %get3A_41 : vector<1x1000x32xf32> to vector<1000x32xf32>
    %slice3A_43 = vector.extract_strided_slice %get3A_18 {offsets = [0, 0], sizes = [32, 64], strides = [1, 1]} : vector<64x64xf32> to vector<32x64xf32>
    %dot_general3A_44 = arith.constant dense<0.000000e+00> : vector<1000x64xf32>
    %dot_general3A_45 = tpu.matmul %get3A_42, %slice3A_43, %dot_general3A_44 {dimension_numbers = #tpu.dot_dimension_numbers<[1], [0], [0], [1], [0, 0, 1, 1], [], []>, transpose_lhs_hint = false} : vector<1000x32xf32>, vector<32x64xf32>, vector<1000x64xf32> -> vector<1000x64xf32>
    %add3A_46 = arith.addf %add3A_37, %dot_general3A_45 : vector<1000x64xf32>
    %get3A_47 = arith.constant 1 : index
    %get3A_48 = arith.constant 0 : index
    %get3A_49 = arith.constant 0 : index
    %get3A_50 = vector.load %arg3[%get3A_47, %get3A_48, %get3A_49] : memref<2x1000x32xf32, #tpu.memory_space<vmem>>, vector<1x1000x32xf32>
    %get3A_51 = vector.shape_cast %get3A_50 : vector<1x1000x32xf32> to vector<1000x32xf32>
    %slice3A_52 = vector.extract_strided_slice %get3A_18 {offsets = [32, 0], sizes = [32, 64], strides = [1, 1]} : vector<64x64xf32> to vector<32x64xf32>
    %dot_general3A_53 = arith.constant dense<0.000000e+00> : vector<1000x64xf32>
    %dot_general3A_54 = tpu.matmul %get3A_51, %slice3A_52, %dot_general3A_53 {dimension_numbers = #tpu.dot_dimension_numbers<[1], [0], [0], [1], [0, 0, 1, 1], [], []>, transpose_lhs_hint = false} : vector<1000x32xf32>, vector<32x64xf32>, vector<1000x64xf32> -> vector<1000x64xf32>
    %add3A_55 = arith.addf %add3A_46, %dot_general3A_54 : vector<1000x64xf32>
    %get3A_56 = arith.constant 0 : index
    %get3A_57 = arith.constant 0 : index
    %get3A_58 = vector.load %arg6[%get3A_56, %get3A_57] : memref<1x64xf32, #tpu.memory_space<vmem>>, vector<1x64xf32>
    %add3A_59 = vector.broadcast %get3A_58 : vector<1x64xf32> to vector<1000x64xf32>
    %add3A_60 = arith.addf %add3A_55, %add3A_59 : vector<1000x64xf32>
    %max3A_61 = arith.constant 0.000000e+00 : f32
    %max3A_62 = vector.broadcast %max3A_61 : f32 to vector<1000x64xf32>
    %max3A_63 = arith.maximumf %add3A_60, %max3A_62 : vector<1000x64xf32>
    %slice3A_64 = vector.extract_strided_slice %max3A_63 {offsets = [0, 0], sizes = [1000, 32], strides = [1, 1]} : vector<1000x64xf32> to vector<1000x32xf32>
    %swap3A = arith.constant 0 : index
    %swap3A_65 = arith.constant 0 : index
    %swap3A_66 = arith.constant 0 : index
    %swap3A_67 = vector.load %arg7[%swap3A, %swap3A_65, %swap3A_66] : memref<2x1000x32xf32, #tpu.memory_space<vmem>>, vector<1x1000x32xf32>
    %swap3A_68 = vector.shape_cast %swap3A_67 : vector<1x1000x32xf32> to vector<1000x32xf32>
    %swap3A_69 = vector.shape_cast %slice3A_64 : vector<1000x32xf32> to vector<1x1000x32xf32>
    tpu.vector_store %arg7[%swap3A, %swap3A_65, %swap3A_66], %swap3A_69 {strides = array<i32>} : memref<2x1000x32xf32, #tpu.memory_space<vmem>>, vector<1x1000x32xf32>,
    %slice3A_70 = vector.extract_strided_slice %max3A_63 {offsets = [0, 32], sizes = [1000, 32], strides = [1, 1]} : vector<1000x64xf32> to vector<1000x32xf32>
    %swap3A_71 = arith.constant 1 : index
    %swap3A_72 = arith.constant 0 : index
    %swap3A_73 = arith.constant 0 : index
    %swap3A_74 = vector.load %arg7[%swap3A_71, %swap3A_72, %swap3A_73] : memref<2x1000x32xf32, #tpu.memory_space<vmem>>, vector<1x1000x32xf32>
    %swap3A_75 = vector.shape_cast %swap3A_74 : vector<1x1000x32xf32> to vector<1000x32xf32>
    %swap3A_76 = vector.shape_cast %slice3A_70 : vector<1000x32xf32> to vector<1x1000x32xf32>
    tpu.vector_store %arg7[%swap3A_71, %swap3A_72, %swap3A_73], %swap3A_76 {strides = array<i32>} : memref<2x1000x32xf32, #tpu.memory_space<vmem>>, vector<1x1000x32xf32>,
    %eq3A = arith.constant 0 : i32
    %eq3A_77 = arith.cmpi eq, %arg0, %eq3A : i32
    %convert_element_type3A = arith.extui %eq3A_77 : i1 to i32
    %cond3A = arith.constant 0 : i32
    %cond3A_78 = arith.cmpi ne, %convert_element_type3A, %cond3A : i32
    scf.if %cond3A_78 {
      %broadcast_in_dim3A_88 = arith.constant 0.000000e+00 : f32
      %broadcast_in_dim3A_89 = vector.broadcast %broadcast_in_dim3A_88 : f32 to vector<1x64xf32>
      %swap3A_90 = arith.constant 0 : index
      %swap3A_91 = arith.constant 0 : index
      %swap3A_92 = vector.load %arg8[%swap3A_90, %swap3A_91] : memref<1x64xf32, #tpu.memory_space<vmem>>, vector<1x64xf32>
      tpu.vector_store %arg8[%swap3A_90, %swap3A_91], %broadcast_in_dim3A_89 {strides = array<i32>} : memref<1x64xf32, #tpu.memory_space<vmem>>, vector<1x64xf32>,
    } else {
    }
    %get3A_79 = arith.constant 0 : index
    %get3A_80 = arith.constant 0 : index
    %get3A_81 = vector.load %arg8[%get3A_79, %get3A_80] : memref<1x64xf32, #tpu.memory_space<vmem>>, vector<1x64xf32>
    %reduce_sum3A = arith.constant dense<0.000000e+00> : vector<64xf32>
    %reduce_sum3A_82 = vector.multi_reduction <add>, %max3A_63, %reduce_sum3A [0] : vector<1000x64xf32> to vector<64xf32>
    %broadcast_in_dim3A_83 = vector.shape_cast %reduce_sum3A_82 : vector<64xf32> to vector<1x64xf32>
    %add3A_84 = arith.addf %get3A_81, %broadcast_in_dim3A_83 : vector<1x64xf32>
    %swap3A_85 = arith.constant 0 : index
    %swap3A_86 = arith.constant 0 : index
    %swap3A_87 = vector.load %arg8[%swap3A_85, %swap3A_86] : memref<1x64xf32, #tpu.memory_space<vmem>>, vector<1x64xf32>
    tpu.vector_store %arg8[%swap3A_85, %swap3A_86], %add3A_84 {strides = array<i32>} : memref<1x64xf32, #tpu.memory_space<vmem>>, vector<1x64xf32>,
    return
  }
  func.func @transform_0(%arg0: i32) -> (i32, i32, i32) {
    %c0_i32 = arith.constant 0 : i32
    %c0_i32_0 = arith.constant 0 : i32
    %c0_i32_1 = arith.constant 0 : i32
    return %c0_i32, %arg0, %c0_i32_0 : i32, i32, i32
  }
  func.func @transform_1(%arg0: i32) -> (i32, i32, i32) {
    %c0_i32 = arith.constant 0 : i32
    %c0_i32_0 = arith.constant 0 : i32
    %c0_i32_1 = arith.constant 0 : i32
    return %c0_i32, %arg0, %c0_i32_0 : i32, i32, i32
  }
  func.func @transform_2(%arg0: i32) -> (i32, i32, i32) {
    %c0_i32 = arith.constant 0 : i32
    %c0_i32_0 = arith.constant 0 : i32
    %c0_i32_1 = arith.constant 0 : i32
    return %c0_i32, %arg0, %c0_i32_0 : i32, i32, i32
  }
  func.func @transform_3(%arg0: i32) -> (i32, i32) {
    %c0_i32 = arith.constant 0 : i32
    %c0_i32_0 = arith.constant 0 : i32
    %c0_i32_1 = arith.constant 0 : i32
    return %c0_i32, %c0_i32_0 : i32, i32
  }
  func.func @transform_4(%arg0: i32) -> (i32, i32) {
    %c0_i32 = arith.constant 0 : i32
    %c0_i32_0 = arith.constant 0 : i32
    %c0_i32_1 = arith.constant 0 : i32
    return %c0_i32, %c0_i32_0 : i32, i32
  }
  func.func @transform_5(%arg0: i32) -> (i32, i32) {
    %c0_i32 = arith.constant 0 : i32
    %c0_i32_0 = arith.constant 0 : i32
    %c0_i32_1 = arith.constant 0 : i32
    return %c0_i32, %c0_i32_0 : i32, i32
  }
  func.func @transform_6(%arg0: i32) -> (i32, i32, i32) {
    %c0_i32 = arith.constant 0 : i32
    %c0_i32_0 = arith.constant 0 : i32
    %c0_i32_1 = arith.constant 0 : i32
    return %c0_i32, %arg0, %c0_i32_0 : i32, i32, i32
  }
  func.func @transform_7(%arg0: i32) -> (i32, i32) {
    %c0_i32 = arith.constant 0 : i32
    %c0_i32_0 = arith.constant 0 : i32
    %c0_i32_1 = arith.constant 0 : i32
    return %c0_i32, %c0_i32_0 : i32, i32
  }
}

module attributes {stable_mosaic.version = 14 : i64} {
  func.func @body(%arg0: memref<1x64xf32, #tpu.memory_space<vmem>>, %arg1: memref<1x64xf32, #tpu.memory_space<vmem>>, %arg2: memref<128x64xf32, #tpu.memory_space<vmem>>, %arg3: memref<1x64xf32, #tpu.memory_space<vmem>>, %arg4: memref<64x2xf32, #tpu.memory_space<vmem>>, %arg5: memref<1x2xf32, #tpu.memory_space<vmem>>, %arg6: memref<1x2xf32, #tpu.memory_space<vmem>>) attributes {dimension_semantics = [], scalar_prefetch = 0 : i64, scratch_operands = 0 : i64, tpu.core_type = #tpu.core_type<tc>} {
    %get3A = arith.constant 0 : index
    %get3A_0 = arith.constant 0 : index
    %get3A_1 = vector.load %arg2[%get3A, %get3A_0] : memref<128x64xf32, #tpu.memory_space<vmem>>, vector<128x64xf32>
    %get3A_2 = arith.constant 0 : index
    %get3A_3 = arith.constant 0 : index
    %get3A_4 = vector.load %arg0[%get3A_2, %get3A_3] : memref<1x64xf32, #tpu.memory_space<vmem>>, vector<1x64xf32>
    %mul3A = arith.constant 2.000000e-05 : f32
    %mul3A_5 = vector.broadcast %mul3A : f32 to vector<1x64xf32>
    %mul3A_6 = arith.mulf %get3A_4, %mul3A_5 : vector<1x64xf32>
    %slice3A = vector.extract_strided_slice %get3A_1 {offsets = [0, 0], sizes = [64, 64], strides = [1, 1]} : vector<128x64xf32> to vector<64x64xf32>
    %dot_general3A = arith.constant dense<0.000000e+00> : vector<1x64xf32>
    %dot_general3A_7 = tpu.matmul %mul3A_6, %slice3A, %dot_general3A {dimension_numbers = #tpu.dot_dimension_numbers<[1], [0], [0], [1], [0, 0, 1, 1], [], []>, transpose_lhs_hint = false} : vector<1x64xf32>, vector<64x64xf32>, vector<1x64xf32> -> vector<1x64xf32>
    %get3A_8 = arith.constant 0 : index
    %get3A_9 = arith.constant 0 : index
    %get3A_10 = vector.load %arg1[%get3A_8, %get3A_9] : memref<1x64xf32, #tpu.memory_space<vmem>>, vector<1x64xf32>
    %mul3A_11 = arith.constant 9.99999974E-5 : f32
    %mul3A_12 = vector.broadcast %mul3A_11 : f32 to vector<1x64xf32>
    %mul3A_13 = arith.mulf %get3A_10, %mul3A_12 : vector<1x64xf32>
    %slice3A_14 = vector.extract_strided_slice %get3A_1 {offsets = [64, 0], sizes = [64, 64], strides = [1, 1]} : vector<128x64xf32> to vector<64x64xf32>
    %dot_general3A_15 = arith.constant dense<0.000000e+00> : vector<1x64xf32>
    %dot_general3A_16 = tpu.matmul %mul3A_13, %slice3A_14, %dot_general3A_15 {dimension_numbers = #tpu.dot_dimension_numbers<[1], [0], [0], [1], [0, 0, 1, 1], [], []>, transpose_lhs_hint = false} : vector<1x64xf32>, vector<64x64xf32>, vector<1x64xf32> -> vector<1x64xf32>
    %add3A = arith.addf %dot_general3A_7, %dot_general3A_16 : vector<1x64xf32>
    %get3A_17 = arith.constant 0 : index
    %get3A_18 = arith.constant 0 : index
    %get3A_19 = vector.load %arg3[%get3A_17, %get3A_18] : memref<1x64xf32, #tpu.memory_space<vmem>>, vector<1x64xf32>
    %add3A_20 = arith.addf %add3A, %get3A_19 : vector<1x64xf32>
    %max3A = arith.constant 0.000000e+00 : f32
    %max3A_21 = vector.broadcast %max3A : f32 to vector<1x64xf32>
    %max3A_22 = arith.maximumf %add3A_20, %max3A_21 : vector<1x64xf32>
    %get3A_23 = arith.constant 0 : index
    %get3A_24 = arith.constant 0 : index
    %get3A_25 = vector.load %arg4[%get3A_23, %get3A_24] : memref<64x2xf32, #tpu.memory_space<vmem>>, vector<64x2xf32>
    %dot_general3A_26 = arith.constant dense<0.000000e+00> : vector<1x2xf32>
    %dot_general3A_27 = tpu.matmul %max3A_22, %get3A_25, %dot_general3A_26 {dimension_numbers = #tpu.dot_dimension_numbers<[1], [0], [0], [1], [0, 0, 1, 1], [], []>, transpose_lhs_hint = false} : vector<1x64xf32>, vector<64x2xf32>, vector<1x2xf32> -> vector<1x2xf32>
    %get3A_28 = arith.constant 0 : index
    %get3A_29 = arith.constant 0 : index
    %get3A_30 = vector.load %arg5[%get3A_28, %get3A_29] : memref<1x2xf32, #tpu.memory_space<vmem>>, vector<1x2xf32>
    %add3A_31 = arith.addf %dot_general3A_27, %get3A_30 : vector<1x2xf32>
    %swap3A = arith.constant 0 : index
    %swap3A_32 = arith.constant 0 : index
    %swap3A_33 = vector.load %arg6[%swap3A, %swap3A_32] : memref<1x2xf32, #tpu.memory_space<vmem>>, vector<1x2xf32>
    tpu.vector_store %arg6[%swap3A, %swap3A_32], %add3A_31 {strides = array<i32>} : memref<1x2xf32, #tpu.memory_space<vmem>>, vector<1x2xf32>,
    return
  }
}

</mosaic_0001>

<sc_bundles>
// kernel: kernel.18.cloned.1.call-start
scs
__scs_entry_jumppad:
0x0: {  	(pc) =	sbr.rel $0x88, $3  }
0x1: {  	(tag) =	ssettag $0x0;
	lr =	simm.s32 $0x1  }
0x2: {  	[smem:$0x3F91] =	sst lr;
	_ =	strace $0xD0000000  }
0x3: {  	_ = 	snop  }
0x4: {  	_ = 	snop  }
0x5: {  	_ = 	snop  }
0x6: {  	_ = 	snop  }
0x7: {  	_ = 	snop  }
__scs_overlays_trampoline_lowered:
0x8: {  	[smem:$0x3FA0] =	sst s0  }
0x9: {  	[smem:$0x3FA1] =	sst s1  }
0xa: {  	[smem:$0x3FA2] =	sst s2  }
0xb: {  	[smem:$0x3FA3] =	sst s3  }
0xc: {  	[smem:$0x3FA4] =	sst s4  }
0xd: {  	[smem:$0x3FA5] =	sst s5  }
0xe: {  	[smem:$0x3FA6] =	sst s6  }
0xf: {  	[smem:$0x3FA7] =	sst s7  }
0x10: {  	[smem:$0x3FA8] =	sst s8  }
0x11: {  	[smem:$0x3FA9] =	sst s9;
	s0 =	simm.s32 @!p0 $0x0  }
0x12: {  	s1 =	sld [smem:$0x3F8F];
	s0 =	simm.s32 @p0 $0x1  }
0x13: {  	[smem:$0x3FAA] =	sst s0;
	s0 =	simm.s32 @!p1 $0x0  }
0x14: {  	s2 =	sld [smem:$0x3F8E];
	s0 =	simm.s32 @p1 $0x1  }
0x15: {  	[smem:$0x3FAB] =	sst s0;
	s0 =	simm.s32 @!p2 $0x0  }
0x16: {  	s3 =	sld [smem:$0x3FDB];
	s0 =	simm.s32 @p2 $0x1  }
0x17: {  	s4 =	simm.s32 $0x1BF5;
	[smem:$0x3FAD] =	sst s0  }
0x18: {  	s0 =	sld [smem:$0x3F90];
	_ =	swait.ge [sflag:s4], $0x0  }
0x19: {  	s7 =	sld [smem:$0x3F91]  }
0x1a: {  	s8 =	sadd.s32 $0xFFFFE003, lr  }
0x1b: {  	s9 =	sadd.s32 $0xFFFFFEF7, lr;
	s5 =	simm.s32 $0xFFFFFFFF;
	p2 =	slt.u32 s8, $0xFFFFF086  }
0x1c: {  	p1 =	slt.u32 s9, $0xF7A;
	s5 =	simm.s32 @!p2 $0x0  }
0x1d: {  	s5 =	simm.s32 @p1 $0x1;
	p0 =	seq.s32 s7, s2  }
0x1e: {  	s7 =	smul.u32 @!p0 $0xF7A, s2;
	p2 =	seq.s32 @!p0 s5, $0x0  }
0x1f: {  	s9 =	smul.u32 $0xF7A, s1;
	s8 =	simm.s32 @!p0 $0x1BF5;
	p2 =	por !p2, p0  }
0x20: {  	[sflag:s8] =	ssyncset.s32 @!p0 $0xFFFFF086;
	s6 =	sadd.s32 @!p0 s3, s7;
	s7 =	simm.s32 @!p0 $0x108  }
0x21: {  	s3 =	sadd.s32 s3, s9;
	s6 =	sadd.s32 @!p0 $0x88, s6;
	s7 =	simm.s32 @p2 $0x1082  }
0x22: {  	[simem:s7], [sflag:s8] =	dma.local @!p0 [hbm:s6], $0xF7A  }
0x23: {  	s9 =	sor.u32 $0xD0000000, s2;
	s6 =	simm.s32 $0x108;
	_ =	swait.ge @!p0 [sflag:s8], $0x0  }
0x24: {  	s3 =	sadd.s32 $0x88, s3;
	s6 =	simm.s32 @!p1 $0x1082;
	[sflag:s4] =	ssyncset.s32 $0xFFFFF086  }
0x25: {  	[simem:s6], [sflag:s4] =	dma.local [hbm:s3], $0xF7A  }
0x26: {  	[smem:$0x3F91] =	sst s1;
	(tag) =	ssettag s2;
	_ =	strace s9  }
0x27: {  	s1 =	sld [smem:$0x3FA1]  }
0x28: {  	s2 =	sld [smem:$0x3FA2]  }
0x29: {  	s4 =	sld [smem:$0x3FA4]  }
0x2a: {  	p0 =	seq.s32 s5, $0x0;
	s5 =	sld [smem:$0x3FA5]  }
0x2b: {  	s6 =	sld [smem:$0x3FA6]  }
0x2c: {  	s7 =	sld [smem:$0x3FA7]  }
0x2d: {  	s3 =	simm.s32 $0x108;
	s8 =	sld [smem:$0x3FA8]  }
0x2e: {  	s3 =	simm.s32 @!p0 $0x1082;
	s9 =	sld [smem:$0x3FA9]  }
0x2f: {  	lr =	sadd.s32 s0, s3;
	s0 =	sld [smem:$0x3FA0]  }
0x30: {  	s3 =	sld [smem:$0x3FA3]  }
0x31: {  	[smem:$0x3FAC] =	sst s10  }
0x32: {  	s10 =	sld [smem:$0x3FAA];
	_ =	sdelay $0x3  }
0x33: {  	p0 =	seq.s32 s10, $0x1;
	s10 =	sld [smem:$0x3FAC];
	_ =	sdelay $0x3  }
0x34: {  	[smem:$0x3FAC] =	sst s10  }
0x35: {  	s10 =	sld [smem:$0x3FAB];
	_ =	sdelay $0x3  }
0x36: {  	p1 =	seq.s32 s10, $0x1;
	s10 =	sld [smem:$0x3FAC];
	_ =	sdelay $0x3  }
0x37: {  	[smem:$0x3FAC] =	sst s10  }
0x38: {  	s10 =	sld [smem:$0x3FAD]  }
0x39: {  	_ = 	snop;
	(pc) =	sbr.ind lr, $3  }
0x3a: {  	_ = 	snop  }
0x3b: {  	_ = 	snop  }
0x3c: {  	p2 =	seq.s32 s10, $0x1;
	s10 =	sld [smem:$0x3FAC]  }
0x3d: {  	_ =	shalt  }
0x3e: {  	_ =	shalt  }
0x3f: {  	_ =	shalt  }
0x40: {  	_ =	shalt  }
0x41: {  	_ =	shalt  }
0x42: {  	_ =	shalt  }
0x43: {  	_ =	shalt  }
0x44: {  	_ =	shalt  }
0x45: {  	_ =	shalt  }
0x46: {  	_ =	shalt  }
0x47: {  	_ =	shalt  }
0x48: {  	_ =	shalt  }
0x49: {  	_ =	shalt  }
0x4a: {  	_ =	shalt  }
0x4b: {  	_ =	shalt  }
0x4c: {  	_ =	shalt  }
0x4d: {  	_ =	shalt  }
0x4e: {  	_ =	shalt  }
0x4f: {  	_ =	shalt  }
0x50: {  	_ =	shalt  }
0x51: {  	_ =	shalt  }
0x52: {  	_ =	shalt  }
0x53: {  	_ =	shalt  }
0x54: {  	_ =	shalt  }
0x55: {  	_ =	shalt  }
0x56: {  	_ =	shalt  }
0x57: {  	_ =	shalt  }
0x58: {  	_ =	shalt  }
0x59: {  	_ =	shalt  }
0x5a: {  	_ =	shalt  }
0x5b: {  	_ =	shalt  }
0x5c: {  	_ =	shalt  }
0x5d: {  	_ =	shalt  }
0x5e: {  	_ =	shalt  }
0x5f: {  	_ =	shalt  }
0x60: {  	_ =	shalt  }
0x61: {  	_ =	shalt  }
0x62: {  	_ =	shalt  }
0x63: {  	_ =	shalt  }
0x64: {  	_ =	shalt  }
0x65: {  	_ =	shalt  }
0x66: {  	_ =	shalt  }
0x67: {  	_ =	shalt  }
0x68: {  	_ =	shalt  }
0x69: {  	_ =	shalt  }
0x6a: {  	_ =	shalt  }
0x6b: {  	_ =	shalt  }
0x6c: {  	_ =	shalt  }
0x6d: {  	_ =	shalt  }
0x6e: {  	_ =	shalt  }
0x6f: {  	_ =	shalt  }
0x70: {  	_ =	shalt  }
0x71: {  	_ =	shalt  }
0x72: {  	_ =	shalt  }
0x73: {  	_ =	shalt  }
0x74: {  	_ =	shalt  }
0x75: {  	_ =	shalt  }
0x76: {  	_ =	shalt  }
0x77: {  	_ =	shalt  }
0x78: {  	_ =	shalt  }
0x79: {  	_ =	shalt  }
0x7a: {  	_ =	shalt  }
0x7b: {  	_ =	shalt  }
0x7c: {  	_ =	shalt  }
0x7d: {  	_ =	shalt  }
0x7e: {  	_ =	shalt  }
0x7f: {  	_ =	shalt  }
0x80: {  	_ =	shalt  }
0x81: {  	_ =	shalt  }
0x82: {  	_ =	shalt  }
0x83: {  	_ =	shalt  }
0x84: {  	_ =	shalt  }
0x85: {  	_ =	shalt  }
0x86: {  	_ =	shalt  }
0x87: {  	_ =	shalt  }
.Lfunc_end0:
.L_simem_size_0:
called_computation_lowered:
.L_overlay_start_0:
0x88: {  	s2 =	sld [smem:$0x3FD9]  }
0x89: {  	s3 =	sld [smem:$0x3FFE];
	_ =	sdelay $0x1  }
0x8a: {  	s1 =	srdreg.scid  }
0x8b: {  	s0 =	sand.u32 $0x1, s1  }
0x8c: {  	s16 =	sshll.u32 s0, $0xA;
	s2 =	sadd.s32 s3, s2  }
0x8d: {  	s2 =	sadd.s32 s2, s16  }
0x8e: {  	[smem:$0x3FB8] =	sst s2  }
0x8f: {  	_ = 	snop  }
0x90: {  	(tm) =	ssettm $0x1  }
0x91: {  	s17 =	sld [smem:$0x3FFB];
	_ =	sdelay $0x3  }
0x92: {  	_ =	strace s17  }
0x93: {  	s2 =	sld [smem:$0x3FFC];
	_ =	sdelay $0x3  }
0x94: {  	_ =	strace s2  }
0x95: {  	s2 =	sld [smem:$0x3FFD];
	_ =	sdelay $0x3  }
0x96: {  	_ =	strace s2  }
0x97: {  	_ =	strace $0x8FFFFFFF  }
0x98: {  	s18 =	sld [smem:$0x3FDB];
	_ =	sdelay $0x1  }
0x99: {  	s19 =	simm.s32 $_scs_section_size  }
0x9a: {  	s4 =	simm.s32 $_size__tile_overlayer_lowered;
	s5 =	simm.s32 $_tile_overlayer_lowered  }
0x9b: {  	s22 =	simm.s32 $0x1BFF;
	s21 =	sshll.u32 s5, $0x1;
	s2 =	sadd.s32 s19, s18  }
0x9c: {  	s6 =	simm.s32 $0x0;
	s20 =	sshll.u32 s4, $0x1;
	s4 =	sadd.s32 s21, s2  }
0x9d: {  	[timem:s6], [sflag:s22] =	dma.local [hbm:s4], s20  }
0x9e: {  	_ =	swait.ge [sflag:s22], s20  }
0x9f: {  	s3 =	ssub.s32 $0x0, s20;
	[sflag:s22] =	ssyncset.done $0x0  }
0xa0: {  	[sflag:s22] =	ssyncadd.s32 s3;
	_ =	sdelay $0x1  }
0xa1: {  	s23 =	simm.s32 $0x1B8B  }
0xa2: {  	_ =	swait.ge [sflag:s23], $0x1  }
0xa3: {  	[sflag:s23] =	ssyncset.done $0x0  }
0xa4: {  	s25 =	simm.s32 $0x1B8E;
	s24 =	sld [smem:$0x3FFE];
	[sflag:s23] =	ssyncadd.s32 $0xFFFFFFFF  }
0xa5: {  	s26 =	simm.s32 $execute0_lowered;
	[smem:$0x3FD2] =	sst s25  }
0xa6: {  	s4 =	sshll.u32 s26, $0x1;
	_ =	strace $0x80000046;
	[dreg:$0x1] =	wrdreg $0xFFFFFFFF  }
0xa7: {  	s28 =	simm.s32 $_size_execute0_lowered;
	s2 =	sadd.s32 s2, s4;
	[dreg:$0x0] =	wrdreg $0x0  }
0xa8: {  	s4 =	sshll.u32 s28, $0x1;
	[dreg:$0x2] =	wrdreg s2  }
0xa9: {  	[dreg:$0x3] =	wrdreg s4  }
0xaa: {  	[dreg:$0x4] =	wrdreg $0xC0  }
0xab: {  	_ =	task [dreg:s6], $0x5FFFF  }
0xac: {  	[dreg:$0x1] =	wrdreg $0xFFFFFFFF  }
0xad: {  	[dreg:$0x0] =	wrdreg $0x60  }
0xae: {  	[dreg:$0x2] =	wrdreg s24  }
0xaf: {  	[dreg:$0x3] =	wrdreg $0x10800  }
0xb0: {  	[dreg:$0x4] =	wrdreg $0x9  }
0xb1: {  	_ =	task.clear_ibuf [dreg:s6], $0x5FFFF;
	_ =	strace $0x90000046  }
0xb2: {  	s29 =	simm.s32 $0x9;
	_ =	strace $0x80000048  }
0xb3: {  	_ =	swait.ge [sflag:s29], $0x1  }
0xb4: {  	[sflag:s29] =	ssyncadd.s32 $0xFFFFFFFF  }
0xb5: {  	_ =	strace $0x90000048  }
0xb6: {  	_ =	sfence  }
0xb7: {  	s30 =	sld [smem:$0x0];
	_ =	sdelay $0x2  }
0xb8: {  	s31 =	sshll.u32 s1, $0xD;
	s1 =	sshrl.u32 s1, $0x2  }
0xb9: {  	s3 =	sand.u32 $0x4000, s31;
	s1 =	sadd.s32 s1, s30  }
0xba: {  	s0 =	sor.u32 s3, s0;
	s1 =	sshll.u32 s1, $0x11  }
0xbb: {  	s0 =	sor.u32 s1, s0  }
0xbc: {  	s0 =	sadd.s32 $0x8F2B, s0  }
0xbd: {  	[sflag:s0] =	ssyncadd.remote.s32 $0x1  }
0xbe: {  	_ =	sfence.sel $0xFFFF  }
0xbf: {  	[dreg:$0x0] =	wrdreg $0xFFFFFFFF;
	(pc) =	sbr.abs _section_cstart, $3  }
0xc0: {  	[dreg:$0x1] =	wrdreg $0xFFFFFFFF  }
0xc1: {  	_ =	task.clear_ibuf [dreg:s6], $0x2FFFF;
	_ =	strace $0x9FFFFFFF  }
0xc2: {  	(tm) =	ssettm $0x7FFFFFFF  }
0xc3: {  	_ =	shalt  }
tec
execute0_lowered:
.L_overlay_start_1:
0x0: {  	(tag) =	ssettag $0x1  }
0x1: {  	s10 =	stileid.u32  }
0x2: {  	s0 =	srdreg.scid;
	s5 =	smul.u32 $0x6200, s10  }
0x3: {  	s1 =	rddreg [dreg:$0x0];
	s6 =	smul.u32 $0xC38, s10  }
0x4: {  	s2 =	rddreg [dreg:$0x1];
	s7 =	smul.u32 $0x30E00, s10  }
0x5: {  	s3 =	simm.s32 $0x0;
	s0 =	sand.u32 $0x1, s0;
	s26 =	smul.u32 $0x1870, s10  }
0x6: {  	[smem:$0x7FF] =	sst s3;
	s4 =	smul.u32 $0x62000, s0  }
0x7: {  	s10 =	simm.s32 $0x0;
	s11 =	smul.u32 $0xC380, s0;
	_ =	strace $0x80000047  }
0x8: {  	s13 =	ssub.s32 $0x2, s0;
	s0 =	smul.u32 $0x18700, s0;
	s14 =	sshrl.u32 s7, $0x2  }
0x9: {  	s9 =	sshrl.u32 s13, $0x1;
	s7 =	simm.s32 $0x1;
	s4 =	sadd.s32 s5, s4  }
0xa: {  	s12 =	sadd.s32 s6, s11;
	s17 =	ssub.s32 s13, s9;
	s9 =	simm.s32 $0x80  }
0xb: {  	s4 =	sshrl.u32 s4, $0x3;
	s15 =	sshll.u32 s12, $0x1;
	s18 =	smax.u32 s17, $0x1  }
0xc: {  	s8 =	sadd.s32 s4, s1;
	s1 =	sadd.s32 $0x35000, s1;
	s4 =	sadd.s32 s14, s2  }
0xd: {  	[dreg:$0x4] =	wrdreg s18;
	s16 =	sadd.s32 s15, s1;
	s5 =	sadd.s32 $0xC000, s4  }
0xe: {  	s13 =	sadd.s32 $0x800, s4;
	s19 =	sadd.s32 $0x1000, s4;
	s20 =	sadd.s32 $0x1800, s4  }
0xf: {  	s21 =	sadd.s32 $0x2000, s4;
	s22 =	sadd.s32 $0x2800, s4;
	[dreg:$0x5] =	wrdreg s19  }
0x10: {  	s23 =	sadd.s32 $0x3000, s4;
	s24 =	sadd.s32 $0x3800, s4;
	[dreg:$0x6] =	wrdreg s20  }
0x11: {  	s25 =	sadd.s32 $0x4000, s4;
	s17 =	sadd.s32 $0x5000, s4;
	[dreg:$0x7] =	wrdreg s21  }
0x12: {  	s18 =	sadd.s32 $0x5800, s4;
	s0 =	sadd.s32 s0, s1;
	[dreg:$0x8] =	wrdreg s22  }
0x13: {  	s28 =	sadd.s32 $0x9000, s4;
	s29 =	sadd.s32 $0x9800, s4;
	[dreg:$0x9] =	wrdreg s23  }
0x14: {  	s30 =	sadd.s32 $0xA000, s4;
	s31 =	sadd.s32 $0xA800, s4;
	[dreg:$0xa] =	wrdreg s24  }
0x15: {  	s1 =	sadd.s32 $0xB000, s4;
	s6 =	sadd.s32 $0x1800, s16;
	[dreg:$0xb] =	wrdreg s25  }
0x16: {  	s16 =	sadd.s32 $0x4800, s4;
	s19 =	sadd.s32 $0x6000, s4;
	s20 =	sadd.s32 $0x6800, s4  }
0x17: {  	s21 =	sadd.s32 $0x7000, s4;
	s22 =	sadd.s32 $0x7800, s4;
	s23 =	sadd.s32 s26, s0  }
0x18: {  	s24 =	sadd.s32 $0x8000, s4;
	s25 =	sadd.s32 $0x1C800, s8;
	s26 =	sadd.s32 $0x8800, s4  }
0x19: {  	v0 =	vimm.f32 $1.000000000e+00;
	v1 =	vimm.f32 $0.0e+00;
	s0 =	sadd.s32 $0xB800, s4;
	[dreg:$0x3] =	wrdreg s6;
	s6 =	simm.s32 $0x880  }
.LBB2_1:
0x1a: {  	s8 =	simm.s32 $0x40;
	s11 =	simm.s32 $0x0  }
.LBB2_2:
0x1b: {  	p0 =	sne.s32 s8, $0x1FC0;
	[tilespmem:s11+$0x80] =	vst v0;
	s12 =	smov.u32 s8;
	s8 =	sadd.s32 $0x40, s8  }
.Ltmp0:
0x1c: {  	[tilespmem:s11+$0x880] =	vst v1;
	(pc) =	sbr.rel @p0 .LBB2_2-.Ltmp0, $2  }
0x1d: {  	_ =	sdelay $0x2  }
0x1e: {  	s11 =	sshra.s32 s12, $0x2  }
0x1f: {  	[tilespmem:s11+$0x80] =	vst v0  }
0x20: {  	[tilespmem:s11+$0x880] =	vst v1  }
0x21: {  	[spmem:s4] =	stream.linear.scatter [tilespmem:s6], [sflag:$0x1], $0x800, $0x38;
	[tilespmem:$0xD400] =	vst v63  }
0x22: {  	_ =	swait.ge [sflag:s7], $0x800  }
0x23: {  	[sflag:s7] =	ssyncset.done $0x0  }
0x24: {  	[sflag:s7] =	ssyncadd.s32 $0xFFFFF800  }
0x25: {  	[spmem:s13] =	stream.linear.scatter [tilespmem:s6], [sflag:$0x1], $0x800, $0x38;
	[tilespmem:$0xD400] =	vst v63  }
0x26: {  	_ =	swait.ge [sflag:s7], $0x800  }
0x27: {  	[sflag:s7] =	ssyncset.done $0x0  }
0x28: {  	s8 =	rddreg [dreg:$0x5];
	[sflag:s7] =	ssyncadd.s32 $0xFFFFF800  }
0x29: {  	[spmem:s8] =	stream.linear.scatter [tilespmem:s6], [sflag:$0x1], $0x800, $0x38;
	[tilespmem:$0xD400] =	vst v63  }
0x2a: {  	_ =	swait.ge [sflag:s7], $0x800  }
0x2b: {  	[sflag:s7] =	ssyncset.done $0x0  }
0x2c: {  	s12 =	rddreg [dreg:$0x6];
	[sflag:s7] =	ssyncadd.s32 $0xFFFFF800  }
0x2d: {  	[spmem:s12] =	stream.linear.scatter [tilespmem:s6], [sflag:$0x1], $0x800, $0x38;
	[tilespmem:$0xD400] =	vst v63  }
0x2e: {  	_ =	swait.ge [sflag:s7], $0x800  }
0x2f: {  	[sflag:s7] =	ssyncset.done $0x0  }
0x30: {  	s14 =	rddreg [dreg:$0x7];
	[sflag:s7] =	ssyncadd.s32 $0xFFFFF800  }
0x31: {  	[spmem:s14] =	stream.linear.scatter [tilespmem:s6], [sflag:$0x1], $0x800, $0x38;
	[tilespmem:$0xD400] =	vst v63  }
0x32: {  	_ =	swait.ge [sflag:s7], $0x800  }
0x33: {  	[sflag:s7] =	ssyncset.done $0x0  }
0x34: {  	s15 =	rddreg [dreg:$0x8];
	[sflag:s7] =	ssyncadd.s32 $0xFFFFF800  }
0x35: {  	[spmem:s15] =	stream.linear.scatter [tilespmem:s6], [sflag:$0x1], $0x800, $0x38;
	[tilespmem:$0xD400] =	vst v63  }
0x36: {  	_ =	swait.ge [sflag:s7], $0x800  }
0x37: {  	[sflag:s7] =	ssyncset.done $0x0  }
0x38: {  	s11 =	rddreg [dreg:$0x9];
	[sflag:s7] =	ssyncadd.s32 $0xFFFFF800  }
0x39: {  	[spmem:s11] =	stream.linear.scatter [tilespmem:s6], [sflag:$0x1], $0x800, $0x38;
	[tilespmem:$0xD400] =	vst v63  }
0x3a: {  	_ =	swait.ge [sflag:s7], $0x800  }
0x3b: {  	[sflag:s7] =	ssyncset.done $0x0  }
0x3c: {  	s12 =	rddreg [dreg:$0xa];
	[sflag:s7] =	ssyncadd.s32 $0xFFFFF800  }
0x3d: {  	[spmem:s12] =	stream.linear.scatter [tilespmem:s6], [sflag:$0x1], $0x800, $0x38;
	[tilespmem:$0xD400] =	vst v63  }
0x3e: {  	_ =	swait.ge [sflag:s7], $0x800  }
0x3f: {  	[sflag:s7] =	ssyncset.done $0x0  }
0x40: {  	s14 =	rddreg [dreg:$0xb];
	[sflag:s7] =	ssyncadd.s32 $0xFFFFF800  }
0x41: {  	[spmem:s14] =	stream.linear.scatter [tilespmem:s6], [sflag:$0x1], $0x800, $0x38;
	[tilespmem:$0xD400] =	vst v63  }
0x42: {  	_ =	swait.ge [sflag:s7], $0x800  }
0x43: {  	[sflag:s7] =	ssyncset.done $0x0  }
0x44: {  	[sflag:s7] =	ssyncadd.s32 $0xFFFFF800  }
0x45: {  	[spmem:s16] =	stream.linear.scatter [tilespmem:s6], [sflag:$0x1], $0x800, $0x38;
	[tilespmem:$0xD400] =	vst v63  }
0x46: {  	_ =	swait.ge [sflag:s7], $0x800  }
0x47: {  	[sflag:s7] =	ssyncset.done $0x0  }
0x48: {  	[sflag:s7] =	ssyncadd.s32 $0xFFFFF800  }
0x49: {  	[spmem:s17] =	stream.linear.scatter [tilespmem:s6], [sflag:$0x1], $0x800, $0x38;
	[tilespmem:$0xD400] =	vst v63  }
0x4a: {  	_ =	swait.ge [sflag:s7], $0x800  }
0x4b: {  	[sflag:s7] =	ssyncset.done $0x0  }
0x4c: {  	[sflag:s7] =	ssyncadd.s32 $0xFFFFF800  }
0x4d: {  	[spmem:s18] =	stream.linear.scatter [tilespmem:s6], [sflag:$0x1], $0x800, $0x38;
	[tilespmem:$0xD400] =	vst v63  }
0x4e: {  	_ =	swait.ge [sflag:s7], $0x800  }
0x4f: {  	[sflag:s7] =	ssyncset.done $0x0  }
0x50: {  	[sflag:s7] =	ssyncadd.s32 $0xFFFFF800  }
0x51: {  	[spmem:s19] =	stream.linear.scatter [tilespmem:s6], [sflag:$0x1], $0x800, $0x38;
	[tilespmem:$0xD400] =	vst v63  }
0x52: {  	_ =	swait.ge [sflag:s7], $0x800  }
0x53: {  	[sflag:s7] =	ssyncset.done $0x0  }
0x54: {  	[sflag:s7] =	ssyncadd.s32 $0xFFFFF800  }
0x55: {  	[spmem:s20] =	stream.linear.scatter [tilespmem:s6], [sflag:$0x1], $0x800, $0x38;
	[tilespmem:$0xD400] =	vst v63  }
0x56: {  	_ =	swait.ge [sflag:s7], $0x800  }
0x57: {  	[sflag:s7] =	ssyncset.done $0x0  }
0x58: {  	[sflag:s7] =	ssyncadd.s32 $0xFFFFF800  }
0x59: {  	[spmem:s21] =	stream.linear.scatter [tilespmem:s6], [sflag:$0x1], $0x800, $0x38;
	[tilespmem:$0xD400] =	vst v63  }
0x5a: {  	_ =	swait.ge [sflag:s7], $0x800  }
0x5b: {  	[sflag:s7] =	ssyncset.done $0x0  }
0x5c: {  	[sflag:s7] =	ssyncadd.s32 $0xFFFFF800  }
0x5d: {  	[spmem:s22] =	stream.linear.scatter [tilespmem:s6], [sflag:$0x1], $0x800, $0x38;
	[tilespmem:$0xD400] =	vst v63  }
0x5e: {  	_ =	swait.ge [sflag:s7], $0x800  }
0x5f: {  	[sflag:s7] =	ssyncset.done $0x0  }
0x60: {  	[sflag:s7] =	ssyncadd.s32 $0xFFFFF800  }
0x61: {  	[spmem:s24] =	stream.linear.scatter [tilespmem:s6], [sflag:$0x1], $0x800, $0x38;
	[tilespmem:$0xD400] =	vst v63  }
0x62: {  	_ =	swait.ge [sflag:s7], $0x800  }
0x63: {  	[sflag:s7] =	ssyncset.done $0x0  }
0x64: {  	[sflag:s7] =	ssyncadd.s32 $0xFFFFF800  }
0x65: {  	[spmem:s26] =	stream.linear.scatter [tilespmem:s6], [sflag:$0x1], $0x800, $0x38;
	[tilespmem:$0xD400] =	vst v63  }
0x66: {  	_ =	swait.ge [sflag:s7], $0x800  }
0x67: {  	[sflag:s7] =	ssyncset.done $0x0  }
0x68: {  	[sflag:s7] =	ssyncadd.s32 $0xFFFFF800  }
0x69: {  	[spmem:s28] =	stream.linear.scatter [tilespmem:s6], [sflag:$0x1], $0x800, $0x38;
	[tilespmem:$0xD400] =	vst v63  }
0x6a: {  	_ =	swait.ge [sflag:s7], $0x800  }
0x6b: {  	[sflag:s7] =	ssyncset.done $0x0  }
0x6c: {  	[sflag:s7] =	ssyncadd.s32 $0xFFFFF800  }
0x6d: {  	[spmem:s29] =	stream.linear.scatter [tilespmem:s6], [sflag:$0x1], $0x800, $0x38;
	[tilespmem:$0xD400] =	vst v63  }
0x6e: {  	_ =	swait.ge [sflag:s7], $0x800  }
0x6f: {  	[sflag:s7] =	ssyncset.done $0x0  }
0x70: {  	[sflag:s7] =	ssyncadd.s32 $0xFFFFF800  }
0x71: {  	[spmem:s30] =	stream.linear.scatter [tilespmem:s6], [sflag:$0x1], $0x800, $0x38;
	[tilespmem:$0xD400] =	vst v63  }
0x72: {  	_ =	swait.ge [sflag:s7], $0x800  }
0x73: {  	[sflag:s7] =	ssyncset.done $0x0  }
0x74: {  	[sflag:s7] =	ssyncadd.s32 $0xFFFFF800  }
0x75: {  	[spmem:s31] =	stream.linear.scatter [tilespmem:s6], [sflag:$0x1], $0x800, $0x38;
	[tilespmem:$0xD400] =	vst v63  }
0x76: {  	_ =	swait.ge [sflag:s7], $0x800  }
0x77: {  	[sflag:s7] =	ssyncset.done $0x0  }
0x78: {  	[sflag:s7] =	ssyncadd.s32 $0xFFFFF800  }
0x79: {  	[spmem:s1] =	stream.linear.scatter [tilespmem:s6], [sflag:$0x1], $0x800, $0x38;
	[tilespmem:$0xD400] =	vst v63  }
0x7a: {  	_ =	swait.ge [sflag:s7], $0x800  }
0x7b: {  	[sflag:s7] =	ssyncset.done $0x0  }
0x7c: {  	[sflag:s7] =	ssyncadd.s32 $0xFFFFF800  }
0x7d: {  	[spmem:s0] =	stream.linear.scatter [tilespmem:s6], [sflag:$0x1], $0x800, $0x38;
	[tilespmem:$0xD400] =	vst v63  }
0x7e: {  	_ =	swait.ge [sflag:s7], $0x800  }
0x7f: {  	[sflag:s7] =	ssyncset.done $0x0  }
0x80: {  	[sflag:s7] =	ssyncadd.s32 $0xFFFFF800  }
0x81: {  	[spmem:s5] =	stream.linear.scatter [tilespmem:s6], [sflag:$0x1], $0x380, $0x38;
	[tilespmem:$0xD400] =	vst v63  }
0x82: {  	_ =	swait.ge [sflag:s7], $0x380  }
0x83: {  	[sflag:s7] =	ssyncset.done $0x0  }
0x84: {  	[sflag:s7] =	ssyncadd.s32 $0xFFFFFC80  }
0x85: {  	s15 =	sadd.s32 $0x0, s25;
	[bflag:$0x0] =	sbarrier.arrive $0xFFFF  }
0x86: {  	[tilespmem:s3], [sflag:$0x1] =	stream.linear.gather [hbm4b:s15+s3], $0x80, $0x38;
	[tilespmem:$0xD400] =	vst v63  }
0x87: {  	_ =	swait.ge [sflag:s7], $0x80  }
0x88: {  	[sflag:s7] =	ssyncset.done $0x0  }
0x89: {  	[sflag:s7] =	ssyncadd.s32 $0xFFFFFF80  }
0x8a: {  	[spmem:s2] =	stream.indirect.scatter.add.f32 [tilespmem:s9], [sflag:$0x1], $0x10, s3, s9, $0xb8;
	[tilespmem:$0xD400] =	vst v63  }
0x8b: {  	_ =	swait.ge [sflag:s7], $0x800  }
0x8c: {  	s8 =	simm.s32 $0x20;
	s11 =	simm.s32 $0x10;
	[sflag:s7] =	ssyncset.done $0x0  }
.LBB2_4:
0x8d: {  	s12 =	sadd.s32 s11, s25  }
0x8e: {  	[sflag:s7] =	ssyncadd.s32 $0xFFFFF800;
	s11 =	smov.u32 s8;
	s14 =	sadd.s32 $0x10, s8  }
0x8f: {  	[tilespmem:s3], [sflag:$0x1] =	stream.linear.gather [hbm4b:s12+s3], $0x80, $0x38;
	[tilespmem:$0xD400] =	vst v63  }
0x90: {  	p0 =	sne.s32 s8, $0xC30;
	_ =	swait.ge [sflag:s7], $0x80  }
.Ltmp1:
0x91: {  	[sflag:s7] =	ssyncset.done $0x0;
	(pc) =	sbr.rel @p0 .LBB2_4-.Ltmp1, $4  }
0x92: {  	[sflag:s7] =	ssyncadd.s32 $0xFFFFFF80  }
0x93: {  	[spmem:s2] =	stream.indirect.scatter.add.f32 [tilespmem:s9], [sflag:$0x1], $0x10, s3, s9, $0xb8;
	[tilespmem:$0xD400] =	vst v63  }
0x94: {  	_ =	swait.ge [sflag:s7], $0x800  }
0x95: {  	s8 =	smov.u32 s14;
	[sflag:s7] =	ssyncset.done $0x0  }
0x96: {  	s8 =	sadd.s32 s11, s25;
	[sflag:s7] =	ssyncadd.s32 $0xFFFFF800  }
0x97: {  	[tilespmem:s3], [sflag:$0x1] =	stream.linear.gather [hbm4b:s8+s3], $0x80, $0x38;
	[tilespmem:$0xD400] =	vst v63  }
0x98: {  	_ =	swait.ge [sflag:s7], $0x80  }
0x99: {  	[sflag:s7] =	ssyncset.done $0x0  }
0x9a: {  	[sflag:s7] =	ssyncadd.s32 $0xFFFFFF80  }
0x9b: {  	[spmem:s2] =	stream.indirect.scatter.add.f32 [tilespmem:s9], [sflag:$0x1], $0x10, s3, s9, $0xb8;
	[tilespmem:$0xD400] =	vst v63  }
0x9c: {  	_ =	swait.ge [sflag:s7], $0x800  }
0x9d: {  	s14 =	stileid.u32;
	[sflag:s7] =	ssyncset.done $0x0  }
0x9e: {  	s12 =	sadd.s32 $0x0, s23;
	s8 =	sshll.u32 s14, $0x6;
	[sflag:s7] =	ssyncadd.s32 $0xFFFFF800  }
0x9f: {  	s15 =	sshrl.u32 s4, $0x3;
	s11 =	sor.u32 $0x1C01, s8;
	[bflag:$0x0] =	sbarrier.arrive $0xFFFF  }
0xa0: {  	[hbm:s12], [sflag:s11] =	dma.local [spmem:s15], $0x100  }
0xa1: {  	s8 =	smov.u32 s13;
	s12 =	simm.s32 $0x100;
	_ =	swait.ge [sflag:s7], $0x100  }
.LBB2_6:
0xa2: {  	s14 =	sadd.s32 s12, s23;
	[sflag:s7] =	ssyncset.done $0x0;
	p0 =	sne.s32 s12, $0x1700  }
.Ltmp2:
0xa3: {  	s15 =	sshrl.u32 s8, $0x3;
	[sflag:s7] =	ssyncadd.s32 $0xFFFFFF00;
	(pc) =	sbr.rel @p0 .LBB2_6-.Ltmp2, $3  }
0xa4: {  	[hbm:s14], [sflag:s11] =	dma.local [spmem:s15], $0x100  }
0xa5: {  	s12 =	sadd.s32 $0x100, s12;
	_ =	sdelay $0x1  }
0xa6: {  	s8 =	sadd.s32 $0x800, s8;
	_ =	swait.ge [sflag:s7], $0x100  }
0xa7: {  	[sflag:s7] =	ssyncset.done $0x0  }
0xa8: {  	s8 =	sshrl.u32 s5, $0x3;
	s12 =	rddreg [dreg:$0x3];
	[sflag:s7] =	ssyncadd.s32 $0xFFFFFF00  }
0xa9: {  	[hbm:s12], [sflag:s11] =	dma.local [spmem:s8], $0x70  }
0xaa: {  	_ =	swait.ge [sflag:s7], $0x70  }
0xab: {  	s10 =	sadd.s32 $0x1, s10;
	s15 =	rddreg [dreg:$0x4]  }
0xac: {  	p0 =	sne.s32 s10, s15  }
.Ltmp3:
0xad: {  	_ = 	snop;
	(pc) =	sbr.rel @p0 .LBB2_1-.Ltmp3, $3  }
0xae: {  	_ =	sdelay $0x1  }
0xaf: {  	[sflag:s7] =	ssyncset.done $0x0  }
0xb0: {  	[sflag:s7] =	ssyncadd.s32 $0xFFFFFF90  }
0xb1: {  	_ =	sfence.sel $0x180000  }
0xb2: {  	[bflag:$0x0] =	sbarrier.arrive $0xFFFF  }
0xb3: {  	_ =	strace $0x90000047  }
0xb4: {  	s0 =	stileid.u32;
	[bflag:$0x2] =	sbarrier.arrive $0xFFFF  }
0xb5: {  	p0 =	sne.s32 s0, $0x0;
	s0 =	rddreg [dreg:$0x2]  }
0xb6: {  	s0 =	sadd.s32 @!p0 $0x100000, s0  }
0xb7: {  	[sflag:s0] =	ssyncadd.tile.s32 @!p0 $0x1;
	_ =	shalt  }
.Lfunc_end2:
_tile_overlayer_lowered:
.L_overlay_start_2:
0xb8: {  	(tag) =	ssettag $0x2  }
0xb9: {  	s0 =	rddreg [dreg:$0x0];
	s2 =	stileid.u32  }
0xba: {  	s1 =	rddreg [dreg:$0x1];
	p0 =	sne.s32 s2, $0x0  }
0xbb: {  	s3 =	rddreg [dreg:$0x2];
	[bflag:$0x3] =	sbarrier.arrive $0xFFFF;
	s2 =	simm.s32 @!p0 $0x1C01  }
0xbc: {  	[timem:s3], [sflag:s2] =	dma.local @!p0 [hbm:s0], s1  }
0xbd: {  	s0 =	simm.s32 @!p0 $0x1  }
0xbe: {  	_ =	swait.ge @!p0 [sflag:s0], s1  }
0xbf: {  	s1 =	ssub.s32 @!p0 $0x0, s1;
	[sflag:s0] =	ssyncset.done @!p0 $0x0  }
0xc0: {  	[sflag:s0] =	ssyncadd.s32 @!p0 s1  }
0xc1: {  	[bflag:$0x3] =	sbarrier.arrive $0xFFFF  }
0xc2: {  	_ =	shalt  }

// kernel: kernel.21.cloned.1.call-start
scs
__scs_entry_jumppad:
0x0: {  	(pc) =	sbr.rel $0x88, $3  }
0x1: {  	(tag) =	ssettag $0x0;
	lr =	simm.s32 $0x1  }
0x2: {  	[smem:$0x3F91] =	sst lr;
	_ =	strace $0xD0000000  }
0x3: {  	_ = 	snop  }
0x4: {  	_ = 	snop  }
0x5: {  	_ = 	snop  }
0x6: {  	_ = 	snop  }
0x7: {  	_ = 	snop  }
__scs_overlays_trampoline_lowered:
0x8: {  	[smem:$0x3FA0] =	sst s0  }
0x9: {  	[smem:$0x3FA1] =	sst s1  }
0xa: {  	[smem:$0x3FA2] =	sst s2  }
0xb: {  	[smem:$0x3FA3] =	sst s3  }
0xc: {  	[smem:$0x3FA4] =	sst s4  }
0xd: {  	[smem:$0x3FA5] =	sst s5  }
0xe: {  	[smem:$0x3FA6] =	sst s6  }
0xf: {  	[smem:$0x3FA7] =	sst s7  }
0x10: {  	[smem:$0x3FA8] =	sst s8  }
0x11: {  	[smem:$0x3FA9] =	sst s9;
	s0 =	simm.s32 @!p0 $0x0  }
0x12: {  	s1 =	sld [smem:$0x3F8F];
	s0 =	simm.s32 @p0 $0x1  }
0x13: {  	[smem:$0x3FAA] =	sst s0;
	s0 =	simm.s32 @!p1 $0x0  }
0x14: {  	s2 =	sld [smem:$0x3F8E];
	s0 =	simm.s32 @p1 $0x1  }
0x15: {  	[smem:$0x3FAB] =	sst s0;
	s0 =	simm.s32 @!p2 $0x0  }
0x16: {  	s3 =	sld [smem:$0x3FDB];
	s0 =	simm.s32 @p2 $0x1  }
0x17: {  	s4 =	simm.s32 $0x1BF5;
	[smem:$0x3FAD] =	sst s0  }
0x18: {  	s0 =	sld [smem:$0x3F90];
	_ =	swait.ge [sflag:s4], $0x0  }
0x19: {  	s7 =	sld [smem:$0x3F91]  }
0x1a: {  	s8 =	sadd.s32 $0xFFFFE003, lr  }
0x1b: {  	s9 =	sadd.s32 $0xFFFFFEF7, lr;
	s5 =	simm.s32 $0xFFFFFFFF;
	p2 =	slt.u32 s8, $0xFFFFF086  }
0x1c: {  	p1 =	slt.u32 s9, $0xF7A;
	s5 =	simm.s32 @!p2 $0x0  }
0x1d: {  	s5 =	simm.s32 @p1 $0x1;
	p0 =	seq.s32 s7, s2  }
0x1e: {  	s7 =	smul.u32 @!p0 $0xF7A, s2;
	p2 =	seq.s32 @!p0 s5, $0x0  }
0x1f: {  	s9 =	smul.u32 $0xF7A, s1;
	s8 =	simm.s32 @!p0 $0x1BF5;
	p2 =	por !p2, p0  }
0x20: {  	[sflag:s8] =	ssyncset.s32 @!p0 $0xFFFFF086;
	s6 =	sadd.s32 @!p0 s3, s7;
	s7 =	simm.s32 @!p0 $0x108  }
0x21: {  	s3 =	sadd.s32 s3, s9;
	s6 =	sadd.s32 @!p0 $0x88, s6;
	s7 =	simm.s32 @p2 $0x1082  }
0x22: {  	[simem:s7], [sflag:s8] =	dma.local @!p0 [hbm:s6], $0xF7A  }
0x23: {  	s9 =	sor.u32 $0xD0000000, s2;
	s6 =	simm.s32 $0x108;
	_ =	swait.ge @!p0 [sflag:s8], $0x0  }
0x24: {  	s3 =	sadd.s32 $0x88, s3;
	s6 =	simm.s32 @!p1 $0x1082;
	[sflag:s4] =	ssyncset.s32 $0xFFFFF086  }
0x25: {  	[simem:s6], [sflag:s4] =	dma.local [hbm:s3], $0xF7A  }
0x26: {  	[smem:$0x3F91] =	sst s1;
	(tag) =	ssettag s2;
	_ =	strace s9  }
0x27: {  	s1 =	sld [smem:$0x3FA1]  }
0x28: {  	s2 =	sld [smem:$0x3FA2]  }
0x29: {  	s4 =	sld [smem:$0x3FA4]  }
0x2a: {  	p0 =	seq.s32 s5, $0x0;
	s5 =	sld [smem:$0x3FA5]  }
0x2b: {  	s6 =	sld [smem:$0x3FA6]  }
0x2c: {  	s7 =	sld [smem:$0x3FA7]  }
0x2d: {  	s3 =	simm.s32 $0x108;
	s8 =	sld [smem:$0x3FA8]  }
0x2e: {  	s3 =	simm.s32 @!p0 $0x1082;
	s9 =	sld [smem:$0x3FA9]  }
0x2f: {  	lr =	sadd.s32 s0, s3;
	s0 =	sld [smem:$0x3FA0]  }
0x30: {  	s3 =	sld [smem:$0x3FA3]  }
0x31: {  	[smem:$0x3FAC] =	sst s10  }
0x32: {  	s10 =	sld [smem:$0x3FAA];
	_ =	sdelay $0x3  }
0x33: {  	p0 =	seq.s32 s10, $0x1;
	s10 =	sld [smem:$0x3FAC];
	_ =	sdelay $0x3  }
0x34: {  	[smem:$0x3FAC] =	sst s10  }
0x35: {  	s10 =	sld [smem:$0x3FAB];
	_ =	sdelay $0x3  }
0x36: {  	p1 =	seq.s32 s10, $0x1;
	s10 =	sld [smem:$0x3FAC];
	_ =	sdelay $0x3  }
0x37: {  	[smem:$0x3FAC] =	sst s10  }
0x38: {  	s10 =	sld [smem:$0x3FAD]  }
0x39: {  	_ = 	snop;
	(pc) =	sbr.ind lr, $3  }
0x3a: {  	_ = 	snop  }
0x3b: {  	_ = 	snop  }
0x3c: {  	p2 =	seq.s32 s10, $0x1;
	s10 =	sld [smem:$0x3FAC]  }
0x3d: {  	_ =	shalt  }
0x3e: {  	_ =	shalt  }
0x3f: {  	_ =	shalt  }
0x40: {  	_ =	shalt  }
0x41: {  	_ =	shalt  }
0x42: {  	_ =	shalt  }
0x43: {  	_ =	shalt  }
0x44: {  	_ =	shalt  }
0x45: {  	_ =	shalt  }
0x46: {  	_ =	shalt  }
0x47: {  	_ =	shalt  }
0x48: {  	_ =	shalt  }
0x49: {  	_ =	shalt  }
0x4a: {  	_ =	shalt  }
0x4b: {  	_ =	shalt  }
0x4c: {  	_ =	shalt  }
0x4d: {  	_ =	shalt  }
0x4e: {  	_ =	shalt  }
0x4f: {  	_ =	shalt  }
0x50: {  	_ =	shalt  }
0x51: {  	_ =	shalt  }
0x52: {  	_ =	shalt  }
0x53: {  	_ =	shalt  }
0x54: {  	_ =	shalt  }
0x55: {  	_ =	shalt  }
0x56: {  	_ =	shalt  }
0x57: {  	_ =	shalt  }
0x58: {  	_ =	shalt  }
0x59: {  	_ =	shalt  }
0x5a: {  	_ =	shalt  }
0x5b: {  	_ =	shalt  }
0x5c: {  	_ =	shalt  }
0x5d: {  	_ =	shalt  }
0x5e: {  	_ =	shalt  }
0x5f: {  	_ =	shalt  }
0x60: {  	_ =	shalt  }
0x61: {  	_ =	shalt  }
0x62: {  	_ =	shalt  }
0x63: {  	_ =	shalt  }
0x64: {  	_ =	shalt  }
0x65: {  	_ =	shalt  }
0x66: {  	_ =	shalt  }
0x67: {  	_ =	shalt  }
0x68: {  	_ =	shalt  }
0x69: {  	_ =	shalt  }
0x6a: {  	_ =	shalt  }
0x6b: {  	_ =	shalt  }
0x6c: {  	_ =	shalt  }
0x6d: {  	_ =	shalt  }
0x6e: {  	_ =	shalt  }
0x6f: {  	_ =	shalt  }
0x70: {  	_ =	shalt  }
0x71: {  	_ =	shalt  }
0x72: {  	_ =	shalt  }
0x73: {  	_ =	shalt  }
0x74: {  	_ =	shalt  }
0x75: {  	_ =	shalt  }
0x76: {  	_ =	shalt  }
0x77: {  	_ =	shalt  }
0x78: {  	_ =	shalt  }
0x79: {  	_ =	shalt  }
0x7a: {  	_ =	shalt  }
0x7b: {  	_ =	shalt  }
0x7c: {  	_ =	shalt  }
0x7d: {  	_ =	shalt  }
0x7e: {  	_ =	shalt  }
0x7f: {  	_ =	shalt  }
0x80: {  	_ =	shalt  }
0x81: {  	_ =	shalt  }
0x82: {  	_ =	shalt  }
0x83: {  	_ =	shalt  }
0x84: {  	_ =	shalt  }
0x85: {  	_ =	shalt  }
0x86: {  	_ =	shalt  }
0x87: {  	_ =	shalt  }
.Lfunc_end0:
.L_simem_size_0:
called_computation.1_lowered:
.L_overlay_start_0:
0x88: {  	s2 =	sld [smem:$0x3FD9]  }
0x89: {  	s3 =	sld [smem:$0x3FFE];
	_ =	sdelay $0x1  }
0x8a: {  	s1 =	srdreg.scid  }
0x8b: {  	s0 =	sand.u32 $0x1, s1  }
0x8c: {  	s16 =	sshll.u32 s0, $0xA;
	s2 =	sadd.s32 s3, s2  }
0x8d: {  	s2 =	sadd.s32 s2, s16  }
0x8e: {  	[smem:$0x3FB8] =	sst s2  }
0x8f: {  	_ = 	snop  }
0x90: {  	(tm) =	ssettm $0x1  }
0x91: {  	s17 =	sld [smem:$0x3FFB];
	_ =	sdelay $0x3  }
0x92: {  	_ =	strace s17  }
0x93: {  	s2 =	sld [smem:$0x3FFC];
	_ =	sdelay $0x3  }
0x94: {  	_ =	strace s2  }
0x95: {  	s2 =	sld [smem:$0x3FFD];
	_ =	sdelay $0x3  }
0x96: {  	_ =	strace s2  }
0x97: {  	_ =	strace $0x8FFFFFFF  }
0x98: {  	s18 =	sld [smem:$0x3FDB];
	_ =	sdelay $0x1  }
0x99: {  	s19 =	simm.s32 $_scs_section_size  }
0x9a: {  	s4 =	simm.s32 $_size__tile_overlayer_lowered;
	s5 =	simm.s32 $_tile_overlayer_lowered  }
0x9b: {  	s22 =	simm.s32 $0x1BFF;
	s21 =	sshll.u32 s5, $0x1;
	s2 =	sadd.s32 s19, s18  }
0x9c: {  	s6 =	simm.s32 $0x0;
	s20 =	sshll.u32 s4, $0x1;
	s4 =	sadd.s32 s21, s2  }
0x9d: {  	[timem:s6], [sflag:s22] =	dma.local [hbm:s4], s20  }
0x9e: {  	_ =	swait.ge [sflag:s22], s20  }
0x9f: {  	s3 =	ssub.s32 $0x0, s20;
	[sflag:s22] =	ssyncset.done $0x0  }
0xa0: {  	[sflag:s22] =	ssyncadd.s32 s3;
	_ =	sdelay $0x1  }
0xa1: {  	s23 =	simm.s32 $0x1B8B  }
0xa2: {  	_ =	swait.ge [sflag:s23], $0x1  }
0xa3: {  	[sflag:s23] =	ssyncset.done $0x0  }
0xa4: {  	s25 =	simm.s32 $0x1B8E;
	s24 =	sld [smem:$0x3FFE];
	[sflag:s23] =	ssyncadd.s32 $0xFFFFFFFF  }
0xa5: {  	s26 =	simm.s32 $execute0_lowered;
	[smem:$0x3FD2] =	sst s25  }
0xa6: {  	s4 =	sshll.u32 s26, $0x1;
	_ =	strace $0x80000049;
	[dreg:$0x1] =	wrdreg $0xFFFFFFFF  }
0xa7: {  	s28 =	simm.s32 $_size_execute0_lowered;
	s2 =	sadd.s32 s2, s4;
	[dreg:$0x0] =	wrdreg $0x0  }
0xa8: {  	s4 =	sshll.u32 s28, $0x1;
	[dreg:$0x2] =	wrdreg s2  }
0xa9: {  	[dreg:$0x3] =	wrdreg s4  }
0xaa: {  	[dreg:$0x4] =	wrdreg $0xC0  }
0xab: {  	_ =	task [dreg:s6], $0x5FFFF  }
0xac: {  	[dreg:$0x1] =	wrdreg $0xFFFFFFFF  }
0xad: {  	[dreg:$0x0] =	wrdreg $0x60  }
0xae: {  	[dreg:$0x2] =	wrdreg s24  }
0xaf: {  	[dreg:$0x3] =	wrdreg $0x10800  }
0xb0: {  	[dreg:$0x4] =	wrdreg $0x9  }
0xb1: {  	_ =	task.clear_ibuf [dreg:s6], $0x5FFFF;
	_ =	strace $0x90000049  }
0xb2: {  	s29 =	simm.s32 $0x9;
	_ =	strace $0x8000004B  }
0xb3: {  	_ =	swait.ge [sflag:s29], $0x1  }
0xb4: {  	[sflag:s29] =	ssyncadd.s32 $0xFFFFFFFF  }
0xb5: {  	_ =	strace $0x9000004B  }
0xb6: {  	_ =	sfence  }
0xb7: {  	s30 =	sld [smem:$0x0];
	_ =	sdelay $0x2  }
0xb8: {  	s31 =	sshll.u32 s1, $0xD;
	s1 =	sshrl.u32 s1, $0x2  }
0xb9: {  	s3 =	sand.u32 $0x4000, s31;
	s1 =	sadd.s32 s1, s30  }
0xba: {  	s0 =	sor.u32 s3, s0;
	s1 =	sshll.u32 s1, $0x11  }
0xbb: {  	s0 =	sor.u32 s1, s0  }
0xbc: {  	s0 =	sadd.s32 $0x8F2B, s0  }
0xbd: {  	[sflag:s0] =	ssyncadd.remote.s32 $0x1  }
0xbe: {  	_ =	sfence.sel $0xFFFF  }
0xbf: {  	[dreg:$0x0] =	wrdreg $0xFFFFFFFF;
	(pc) =	sbr.abs _section_cstart, $3  }
0xc0: {  	[dreg:$0x1] =	wrdreg $0xFFFFFFFF  }
0xc1: {  	_ =	task.clear_ibuf [dreg:s6], $0x2FFFF;
	_ =	strace $0x9FFFFFFF  }
0xc2: {  	(tm) =	ssettm $0x7FFFFFFF  }
0xc3: {  	_ =	shalt  }
tec
execute0_lowered:
.L_overlay_start_1:
0x0: {  	(tag) =	ssettag $0x1  }
0x1: {  	s10 =	stileid.u32  }
0x2: {  	s0 =	srdreg.scid;
	s5 =	smul.u32 $0x2780, s10  }
0x3: {  	s1 =	rddreg [dreg:$0x0];
	s6 =	smul.u32 $0xC38, s10  }
0x4: {  	s2 =	rddreg [dreg:$0x1];
	s7 =	smul.u32 $0x30E00, s10  }
0x5: {  	s3 =	simm.s32 $0x0;
	s0 =	sand.u32 $0x1, s0;
	s26 =	smul.u32 $0x1870, s10  }
0x6: {  	[smem:$0x7FF] =	sst s3;
	s4 =	smul.u32 $0x27800, s0  }
0x7: {  	s10 =	simm.s32 $0x0;
	s11 =	smul.u32 $0xC380, s0;
	_ =	strace $0x8000004A  }
0x8: {  	s13 =	ssub.s32 $0x2, s0;
	s0 =	smul.u32 $0x18700, s0;
	s14 =	sshrl.u32 s7, $0x2  }
0x9: {  	s9 =	sshrl.u32 s13, $0x1;
	s7 =	simm.s32 $0x1;
	s4 =	sadd.s32 s5, s4  }
0xa: {  	s12 =	sadd.s32 s6, s11;
	s17 =	ssub.s32 s13, s9;
	s9 =	simm.s32 $0x80  }
0xb: {  	s4 =	sshrl.u32 s4, $0x3;
	s15 =	sshll.u32 s12, $0x1;
	s18 =	smax.u32 s17, $0x1  }
0xc: {  	s8 =	sadd.s32 s4, s1;
	s1 =	sadd.s32 $0x26600, s1;
	s4 =	sadd.s32 s14, s2  }
0xd: {  	[dreg:$0x4] =	wrdreg s18;
	s16 =	sadd.s32 s15, s1;
	s5 =	sadd.s32 $0xC000, s4  }
0xe: {  	s13 =	sadd.s32 $0x800, s4;
	s19 =	sadd.s32 $0x1000, s4;
	s20 =	sadd.s32 $0x1800, s4  }
0xf: {  	s21 =	sadd.s32 $0x2000, s4;
	s22 =	sadd.s32 $0x2800, s4;
	[dreg:$0x5] =	wrdreg s19  }
0x10: {  	s23 =	sadd.s32 $0x3000, s4;
	s24 =	sadd.s32 $0x3800, s4;
	[dreg:$0x6] =	wrdreg s20  }
0x11: {  	s25 =	sadd.s32 $0x4000, s4;
	s17 =	sadd.s32 $0x5000, s4;
	[dreg:$0x7] =	wrdreg s21  }
0x12: {  	s18 =	sadd.s32 $0x5800, s4;
	s0 =	sadd.s32 s0, s1;
	[dreg:$0x8] =	wrdreg s22  }
0x13: {  	s28 =	sadd.s32 $0x9000, s4;
	s29 =	sadd.s32 $0x9800, s4;
	[dreg:$0x9] =	wrdreg s23  }
0x14: {  	s30 =	sadd.s32 $0xA000, s4;
	s31 =	sadd.s32 $0xA800, s4;
	[dreg:$0xa] =	wrdreg s24  }
0x15: {  	s1 =	sadd.s32 $0xB000, s4;
	s6 =	sadd.s32 $0x1800, s16;
	[dreg:$0xb] =	wrdreg s25  }
0x16: {  	s16 =	sadd.s32 $0x4800, s4;
	s19 =	sadd.s32 $0x6000, s4;
	s20 =	sadd.s32 $0x6800, s4  }
0x17: {  	s21 =	sadd.s32 $0x7000, s4;
	s22 =	sadd.s32 $0x7800, s4;
	s23 =	sadd.s32 s26, s0  }
0x18: {  	s24 =	sadd.s32 $0x8000, s4;
	s25 =	sadd.s32 $0x1C800, s8;
	s26 =	sadd.s32 $0x8800, s4  }
0x19: {  	v0 =	vimm.f32 $1.000000000e+00;
	v1 =	vimm.f32 $0.0e+00;
	s0 =	sadd.s32 $0xB800, s4;
	[dreg:$0x3] =	wrdreg s6;
	s6 =	simm.s32 $0x880  }
.LBB2_1:
0x1a: {  	s8 =	simm.s32 $0x40;
	s11 =	simm.s32 $0x0  }
.LBB2_2:
0x1b: {  	p0 =	sne.s32 s8, $0x1FC0;
	[tilespmem:s11+$0x80] =	vst v0;
	s12 =	smov.u32 s8;
	s8 =	sadd.s32 $0x40, s8  }
.Ltmp0:
0x1c: {  	[tilespmem:s11+$0x880] =	vst v1;
	(pc) =	sbr.rel @p0 .LBB2_2-.Ltmp0, $2  }
0x1d: {  	_ =	sdelay $0x2  }
0x1e: {  	s11 =	sshra.s32 s12, $0x2  }
0x1f: {  	[tilespmem:s11+$0x80] =	vst v0  }
0x20: {  	[tilespmem:s11+$0x880] =	vst v1  }
0x21: {  	[spmem:s4] =	stream.linear.scatter [tilespmem:s6], [sflag:$0x1], $0x800, $0x38;
	[tilespmem:$0xD400] =	vst v63  }
0x22: {  	_ =	swait.ge [sflag:s7], $0x800  }
0x23: {  	[sflag:s7] =	ssyncset.done $0x0  }
0x24: {  	[sflag:s7] =	ssyncadd.s32 $0xFFFFF800  }
0x25: {  	[spmem:s13] =	stream.linear.scatter [tilespmem:s6], [sflag:$0x1], $0x800, $0x38;
	[tilespmem:$0xD400] =	vst v63  }
0x26: {  	_ =	swait.ge [sflag:s7], $0x800  }
0x27: {  	[sflag:s7] =	ssyncset.done $0x0  }
0x28: {  	s8 =	rddreg [dreg:$0x5];
	[sflag:s7] =	ssyncadd.s32 $0xFFFFF800  }
0x29: {  	[spmem:s8] =	stream.linear.scatter [tilespmem:s6], [sflag:$0x1], $0x800, $0x38;
	[tilespmem:$0xD400] =	vst v63  }
0x2a: {  	_ =	swait.ge [sflag:s7], $0x800  }
0x2b: {  	[sflag:s7] =	ssyncset.done $0x0  }
0x2c: {  	s12 =	rddreg [dreg:$0x6];
	[sflag:s7] =	ssyncadd.s32 $0xFFFFF800  }
0x2d: {  	[spmem:s12] =	stream.linear.scatter [tilespmem:s6], [sflag:$0x1], $0x800, $0x38;
	[tilespmem:$0xD400] =	vst v63  }
0x2e: {  	_ =	swait.ge [sflag:s7], $0x800  }
0x2f: {  	[sflag:s7] =	ssyncset.done $0x0  }
0x30: {  	s14 =	rddreg [dreg:$0x7];
	[sflag:s7] =	ssyncadd.s32 $0xFFFFF800  }
0x31: {  	[spmem:s14] =	stream.linear.scatter [tilespmem:s6], [sflag:$0x1], $0x800, $0x38;
	[tilespmem:$0xD400] =	vst v63  }
0x32: {  	_ =	swait.ge [sflag:s7], $0x800  }
0x33: {  	[sflag:s7] =	ssyncset.done $0x0  }
0x34: {  	s15 =	rddreg [dreg:$0x8];
	[sflag:s7] =	ssyncadd.s32 $0xFFFFF800  }
0x35: {  	[spmem:s15] =	stream.linear.scatter [tilespmem:s6], [sflag:$0x1], $0x800, $0x38;
	[tilespmem:$0xD400] =	vst v63  }
0x36: {  	_ =	swait.ge [sflag:s7], $0x800  }
0x37: {  	[sflag:s7] =	ssyncset.done $0x0  }
0x38: {  	s11 =	rddreg [dreg:$0x9];
	[sflag:s7] =	ssyncadd.s32 $0xFFFFF800  }
0x39: {  	[spmem:s11] =	stream.linear.scatter [tilespmem:s6], [sflag:$0x1], $0x800, $0x38;
	[tilespmem:$0xD400] =	vst v63  }
0x3a: {  	_ =	swait.ge [sflag:s7], $0x800  }
0x3b: {  	[sflag:s7] =	ssyncset.done $0x0  }
0x3c: {  	s12 =	rddreg [dreg:$0xa];
	[sflag:s7] =	ssyncadd.s32 $0xFFFFF800  }
0x3d: {  	[spmem:s12] =	stream.linear.scatter [tilespmem:s6], [sflag:$0x1], $0x800, $0x38;
	[tilespmem:$0xD400] =	vst v63  }
0x3e: {  	_ =	swait.ge [sflag:s7], $0x800  }
0x3f: {  	[sflag:s7] =	ssyncset.done $0x0  }
0x40: {  	s14 =	rddreg [dreg:$0xb];
	[sflag:s7] =	ssyncadd.s32 $0xFFFFF800  }
0x41: {  	[spmem:s14] =	stream.linear.scatter [tilespmem:s6], [sflag:$0x1], $0x800, $0x38;
	[tilespmem:$0xD400] =	vst v63  }
0x42: {  	_ =	swait.ge [sflag:s7], $0x800  }
0x43: {  	[sflag:s7] =	ssyncset.done $0x0  }
0x44: {  	[sflag:s7] =	ssyncadd.s32 $0xFFFFF800  }
0x45: {  	[spmem:s16] =	stream.linear.scatter [tilespmem:s6], [sflag:$0x1], $0x800, $0x38;
	[tilespmem:$0xD400] =	vst v63  }
0x46: {  	_ =	swait.ge [sflag:s7], $0x800  }
0x47: {  	[sflag:s7] =	ssyncset.done $0x0  }
0x48: {  	[sflag:s7] =	ssyncadd.s32 $0xFFFFF800  }
0x49: {  	[spmem:s17] =	stream.linear.scatter [tilespmem:s6], [sflag:$0x1], $0x800, $0x38;
	[tilespmem:$0xD400] =	vst v63  }
0x4a: {  	_ =	swait.ge [sflag:s7], $0x800  }
0x4b: {  	[sflag:s7] =	ssyncset.done $0x0  }
0x4c: {  	[sflag:s7] =	ssyncadd.s32 $0xFFFFF800  }
0x4d: {  	[spmem:s18] =	stream.linear.scatter [tilespmem:s6], [sflag:$0x1], $0x800, $0x38;
	[tilespmem:$0xD400] =	vst v63  }
0x4e: {  	_ =	swait.ge [sflag:s7], $0x800  }
0x4f: {  	[sflag:s7] =	ssyncset.done $0x0  }
0x50: {  	[sflag:s7] =	ssyncadd.s32 $0xFFFFF800  }
0x51: {  	[spmem:s19] =	stream.linear.scatter [tilespmem:s6], [sflag:$0x1], $0x800, $0x38;
	[tilespmem:$0xD400] =	vst v63  }
0x52: {  	_ =	swait.ge [sflag:s7], $0x800  }
0x53: {  	[sflag:s7] =	ssyncset.done $0x0  }
0x54: {  	[sflag:s7] =	ssyncadd.s32 $0xFFFFF800  }
0x55: {  	[spmem:s20] =	stream.linear.scatter [tilespmem:s6], [sflag:$0x1], $0x800, $0x38;
	[tilespmem:$0xD400] =	vst v63  }
0x56: {  	_ =	swait.ge [sflag:s7], $0x800  }
0x57: {  	[sflag:s7] =	ssyncset.done $0x0  }
0x58: {  	[sflag:s7] =	ssyncadd.s32 $0xFFFFF800  }
0x59: {  	[spmem:s21] =	stream.linear.scatter [tilespmem:s6], [sflag:$0x1], $0x800, $0x38;
	[tilespmem:$0xD400] =	vst v63  }
0x5a: {  	_ =	swait.ge [sflag:s7], $0x800  }
0x5b: {  	[sflag:s7] =	ssyncset.done $0x0  }
0x5c: {  	[sflag:s7] =	ssyncadd.s32 $0xFFFFF800  }
0x5d: {  	[spmem:s22] =	stream.linear.scatter [tilespmem:s6], [sflag:$0x1], $0x800, $0x38;
	[tilespmem:$0xD400] =	vst v63  }
0x5e: {  	_ =	swait.ge [sflag:s7], $0x800  }
0x5f: {  	[sflag:s7] =	ssyncset.done $0x0  }
0x60: {  	[sflag:s7] =	ssyncadd.s32 $0xFFFFF800  }
0x61: {  	[spmem:s24] =	stream.linear.scatter [tilespmem:s6], [sflag:$0x1], $0x800, $0x38;
	[tilespmem:$0xD400] =	vst v63  }
0x62: {  	_ =	swait.ge [sflag:s7], $0x800  }
0x63: {  	[sflag:s7] =	ssyncset.done $0x0  }
0x64: {  	[sflag:s7] =	ssyncadd.s32 $0xFFFFF800  }
0x65: {  	[spmem:s26] =	stream.linear.scatter [tilespmem:s6], [sflag:$0x1], $0x800, $0x38;
	[tilespmem:$0xD400] =	vst v63  }
0x66: {  	_ =	swait.ge [sflag:s7], $0x800  }
0x67: {  	[sflag:s7] =	ssyncset.done $0x0  }
0x68: {  	[sflag:s7] =	ssyncadd.s32 $0xFFFFF800  }
0x69: {  	[spmem:s28] =	stream.linear.scatter [tilespmem:s6], [sflag:$0x1], $0x800, $0x38;
	[tilespmem:$0xD400] =	vst v63  }
0x6a: {  	_ =	swait.ge [sflag:s7], $0x800  }
0x6b: {  	[sflag:s7] =	ssyncset.done $0x0  }
0x6c: {  	[sflag:s7] =	ssyncadd.s32 $0xFFFFF800  }
0x6d: {  	[spmem:s29] =	stream.linear.scatter [tilespmem:s6], [sflag:$0x1], $0x800, $0x38;
	[tilespmem:$0xD400] =	vst v63  }
0x6e: {  	_ =	swait.ge [sflag:s7], $0x800  }
0x6f: {  	[sflag:s7] =	ssyncset.done $0x0  }
0x70: {  	[sflag:s7] =	ssyncadd.s32 $0xFFFFF800  }
0x71: {  	[spmem:s30] =	stream.linear.scatter [tilespmem:s6], [sflag:$0x1], $0x800, $0x38;
	[tilespmem:$0xD400] =	vst v63  }
0x72: {  	_ =	swait.ge [sflag:s7], $0x800  }
0x73: {  	[sflag:s7] =	ssyncset.done $0x0  }
0x74: {  	[sflag:s7] =	ssyncadd.s32 $0xFFFFF800  }
0x75: {  	[spmem:s31] =	stream.linear.scatter [tilespmem:s6], [sflag:$0x1], $0x800, $0x38;
	[tilespmem:$0xD400] =	vst v63  }
0x76: {  	_ =	swait.ge [sflag:s7], $0x800  }
0x77: {  	[sflag:s7] =	ssyncset.done $0x0  }
0x78: {  	[sflag:s7] =	ssyncadd.s32 $0xFFFFF800  }
0x79: {  	[spmem:s1] =	stream.linear.scatter [tilespmem:s6], [sflag:$0x1], $0x800, $0x38;
	[tilespmem:$0xD400] =	vst v63  }
0x7a: {  	_ =	swait.ge [sflag:s7], $0x800  }
0x7b: {  	[sflag:s7] =	ssyncset.done $0x0  }
0x7c: {  	[sflag:s7] =	ssyncadd.s32 $0xFFFFF800  }
0x7d: {  	[spmem:s0] =	stream.linear.scatter [tilespmem:s6], [sflag:$0x1], $0x800, $0x38;
	[tilespmem:$0xD400] =	vst v63  }
0x7e: {  	_ =	swait.ge [sflag:s7], $0x800  }
0x7f: {  	[sflag:s7] =	ssyncset.done $0x0  }
0x80: {  	[sflag:s7] =	ssyncadd.s32 $0xFFFFF800  }
0x81: {  	[spmem:s5] =	stream.linear.scatter [tilespmem:s6], [sflag:$0x1], $0x380, $0x38;
	[tilespmem:$0xD400] =	vst v63  }
0x82: {  	_ =	swait.ge [sflag:s7], $0x380  }
0x83: {  	[sflag:s7] =	ssyncset.done $0x0  }
0x84: {  	[sflag:s7] =	ssyncadd.s32 $0xFFFFFC80  }
0x85: {  	s15 =	sadd.s32 $0x0, s25;
	[bflag:$0x0] =	sbarrier.arrive $0xFFFF  }
0x86: {  	[tilespmem:s3], [sflag:$0x1] =	stream.linear.gather [hbm4b:s15+s3], $0x80, $0x38;
	[tilespmem:$0xD400] =	vst v63  }
0x87: {  	_ =	swait.ge [sflag:s7], $0x80  }
0x88: {  	[sflag:s7] =	ssyncset.done $0x0  }
0x89: {  	[sflag:s7] =	ssyncadd.s32 $0xFFFFFF80  }
0x8a: {  	[spmem:s2] =	stream.indirect.scatter.add.f32 [tilespmem:s9], [sflag:$0x1], $0x10, s3, s9, $0xb8;
	[tilespmem:$0xD400] =	vst v63  }
0x8b: {  	_ =	swait.ge [sflag:s7], $0x800  }
0x8c: {  	s8 =	simm.s32 $0x20;
	s11 =	simm.s32 $0x10;
	[sflag:s7] =	ssyncset.done $0x0  }
.LBB2_4:
0x8d: {  	s12 =	sadd.s32 s11, s25  }
0x8e: {  	[sflag:s7] =	ssyncadd.s32 $0xFFFFF800;
	s11 =	smov.u32 s8;
	s14 =	sadd.s32 $0x10, s8  }
0x8f: {  	[tilespmem:s3], [sflag:$0x1] =	stream.linear.gather [hbm4b:s12+s3], $0x80, $0x38;
	[tilespmem:$0xD400] =	vst v63  }
0x90: {  	p0 =	sne.s32 s8, $0x4E0;
	_ =	swait.ge [sflag:s7], $0x80  }
.Ltmp1:
0x91: {  	[sflag:s7] =	ssyncset.done $0x0;
	(pc) =	sbr.rel @p0 .LBB2_4-.Ltmp1, $4  }
0x92: {  	[sflag:s7] =	ssyncadd.s32 $0xFFFFFF80  }
0x93: {  	[spmem:s2] =	stream.indirect.scatter.add.f32 [tilespmem:s9], [sflag:$0x1], $0x10, s3, s9, $0xb8;
	[tilespmem:$0xD400] =	vst v63  }
0x94: {  	_ =	swait.ge [sflag:s7], $0x800  }
0x95: {  	s8 =	smov.u32 s14;
	[sflag:s7] =	ssyncset.done $0x0  }
0x96: {  	s8 =	sadd.s32 s11, s25;
	[sflag:s7] =	ssyncadd.s32 $0xFFFFF800  }
0x97: {  	[tilespmem:s3], [sflag:$0x1] =	stream.linear.gather [hbm4b:s8+s3], $0x80, $0x38;
	[tilespmem:$0xD400] =	vst v63  }
0x98: {  	_ =	swait.ge [sflag:s7], $0x80  }
0x99: {  	[sflag:s7] =	ssyncset.done $0x0  }
0x9a: {  	[sflag:s7] =	ssyncadd.s32 $0xFFFFFF80  }
0x9b: {  	[spmem:s2] =	stream.indirect.scatter.add.f32 [tilespmem:s9], [sflag:$0x1], $0x10, s3, s9, $0xb8;
	[tilespmem:$0xD400] =	vst v63  }
0x9c: {  	_ =	swait.ge [sflag:s7], $0x800  }
0x9d: {  	s14 =	stileid.u32;
	[sflag:s7] =	ssyncset.done $0x0  }
0x9e: {  	s12 =	sadd.s32 $0x0, s23;
	s8 =	sshll.u32 s14, $0x6;
	[sflag:s7] =	ssyncadd.s32 $0xFFFFF800  }
0x9f: {  	s15 =	sshrl.u32 s4, $0x3;
	s11 =	sor.u32 $0x1C01, s8;
	[bflag:$0x0] =	sbarrier.arrive $0xFFFF  }
0xa0: {  	[hbm:s12], [sflag:s11] =	dma.local [spmem:s15], $0x100  }
0xa1: {  	s8 =	smov.u32 s13;
	s12 =	simm.s32 $0x100;
	_ =	swait.ge [sflag:s7], $0x100  }
.LBB2_6:
0xa2: {  	s14 =	sadd.s32 s12, s23;
	[sflag:s7] =	ssyncset.done $0x0;
	p0 =	sne.s32 s12, $0x1700  }
.Ltmp2:
0xa3: {  	s15 =	sshrl.u32 s8, $0x3;
	[sflag:s7] =	ssyncadd.s32 $0xFFFFFF00;
	(pc) =	sbr.rel @p0 .LBB2_6-.Ltmp2, $3  }
0xa4: {  	[hbm:s14], [sflag:s11] =	dma.local [spmem:s15], $0x100  }
0xa5: {  	s12 =	sadd.s32 $0x100, s12;
	_ =	sdelay $0x1  }
0xa6: {  	s8 =	sadd.s32 $0x800, s8;
	_ =	swait.ge [sflag:s7], $0x100  }
0xa7: {  	[sflag:s7] =	ssyncset.done $0x0  }
0xa8: {  	s8 =	sshrl.u32 s5, $0x3;
	s12 =	rddreg [dreg:$0x3];
	[sflag:s7] =	ssyncadd.s32 $0xFFFFFF00  }
0xa9: {  	[hbm:s12], [sflag:s11] =	dma.local [spmem:s8], $0x70  }
0xaa: {  	_ =	swait.ge [sflag:s7], $0x70  }
0xab: {  	s10 =	sadd.s32 $0x1, s10;
	s15 =	rddreg [dreg:$0x4]  }
0xac: {  	p0 =	sne.s32 s10, s15  }
.Ltmp3:
0xad: {  	_ = 	snop;
	(pc) =	sbr.rel @p0 .LBB2_1-.Ltmp3, $3  }
0xae: {  	_ =	sdelay $0x1  }
0xaf: {  	[sflag:s7] =	ssyncset.done $0x0  }
0xb0: {  	[sflag:s7] =	ssyncadd.s32 $0xFFFFFF90  }
0xb1: {  	_ =	sfence.sel $0x180000  }
0xb2: {  	[bflag:$0x0] =	sbarrier.arrive $0xFFFF  }
0xb3: {  	_ =	strace $0x9000004A  }
0xb4: {  	s0 =	stileid.u32;
	[bflag:$0x2] =	sbarrier.arrive $0xFFFF  }
0xb5: {  	p0 =	sne.s32 s0, $0x0;
	s0 =	rddreg [dreg:$0x2]  }
0xb6: {  	s0 =	sadd.s32 @!p0 $0x100000, s0  }
0xb7: {  	[sflag:s0] =	ssyncadd.tile.s32 @!p0 $0x1;
	_ =	shalt  }
.Lfunc_end2:
_tile_overlayer_lowered:
.L_overlay_start_2:
0xb8: {  	(tag) =	ssettag $0x2  }
0xb9: {  	s0 =	rddreg [dreg:$0x0];
	s2 =	stileid.u32  }
0xba: {  	s1 =	rddreg [dreg:$0x1];
	p0 =	sne.s32 s2, $0x0  }
0xbb: {  	s3 =	rddreg [dreg:$0x2];
	[bflag:$0x3] =	sbarrier.arrive $0xFFFF;
	s2 =	simm.s32 @!p0 $0x1C01  }
0xbc: {  	[timem:s3], [sflag:s2] =	dma.local @!p0 [hbm:s0], s1  }
0xbd: {  	s0 =	simm.s32 @!p0 $0x1  }
0xbe: {  	_ =	swait.ge @!p0 [sflag:s0], s1  }
0xbf: {  	s1 =	ssub.s32 @!p0 $0x0, s1;
	[sflag:s0] =	ssyncset.done @!p0 $0x0  }
0xc0: {  	[sflag:s0] =	ssyncadd.s32 @!p0 s1  }
0xc1: {  	[bflag:$0x3] =	sbarrier.arrive $0xFFFF  }
0xc2: {  	_ =	shalt  }

// kernel: kernel.24.cloned.1.call-start
scs
__scs_entry_jumppad:
0x0: {  	(pc) =	sbr.rel $0x88, $3  }
0x1: {  	(tag) =	ssettag $0x0;
	lr =	simm.s32 $0x1  }
0x2: {  	[smem:$0x3F91] =	sst lr;
	_ =	strace $0xD0000000  }
0x3: {  	_ = 	snop  }
0x4: {  	_ = 	snop  }
0x5: {  	_ = 	snop  }
0x6: {  	_ = 	snop  }
0x7: {  	_ = 	snop  }
__scs_overlays_trampoline_lowered:
0x8: {  	[smem:$0x3FA0] =	sst s0  }
0x9: {  	[smem:$0x3FA1] =	sst s1  }
0xa: {  	[smem:$0x3FA2] =	sst s2  }
0xb: {  	[smem:$0x3FA3] =	sst s3  }
0xc: {  	[smem:$0x3FA4] =	sst s4  }
0xd: {  	[smem:$0x3FA5] =	sst s5  }
0xe: {  	[smem:$0x3FA6] =	sst s6  }
0xf: {  	[smem:$0x3FA7] =	sst s7  }
0x10: {  	[smem:$0x3FA8] =	sst s8  }
0x11: {  	[smem:$0x3FA9] =	sst s9;
	s0 =	simm.s32 @!p0 $0x0  }
0x12: {  	s1 =	sld [smem:$0x3F8F];
	s0 =	simm.s32 @p0 $0x1  }
0x13: {  	[smem:$0x3FAA] =	sst s0;
	s0 =	simm.s32 @!p1 $0x0  }
0x14: {  	s2 =	sld [smem:$0x3F8E];
	s0 =	simm.s32 @p1 $0x1  }
0x15: {  	[smem:$0x3FAB] =	sst s0;
	s0 =	simm.s32 @!p2 $0x0  }
0x16: {  	s3 =	sld [smem:$0x3FDB];
	s0 =	simm.s32 @p2 $0x1  }
0x17: {  	s4 =	simm.s32 $0x1BF5;
	[smem:$0x3FAD] =	sst s0  }
0x18: {  	s0 =	sld [smem:$0x3F90];
	_ =	swait.ge [sflag:s4], $0x0  }
0x19: {  	s7 =	sld [smem:$0x3F91]  }
0x1a: {  	s8 =	sadd.s32 $0xFFFFE003, lr  }
0x1b: {  	s9 =	sadd.s32 $0xFFFFFEF7, lr;
	s5 =	simm.s32 $0xFFFFFFFF;
	p2 =	slt.u32 s8, $0xFFFFF086  }
0x1c: {  	p1 =	slt.u32 s9, $0xF7A;
	s5 =	simm.s32 @!p2 $0x0  }
0x1d: {  	s5 =	simm.s32 @p1 $0x1;
	p0 =	seq.s32 s7, s2  }
0x1e: {  	s7 =	smul.u32 @!p0 $0xF7A, s2;
	p2 =	seq.s32 @!p0 s5, $0x0  }
0x1f: {  	s9 =	smul.u32 $0xF7A, s1;
	s8 =	simm.s32 @!p0 $0x1BF5;
	p2 =	por !p2, p0  }
0x20: {  	[sflag:s8] =	ssyncset.s32 @!p0 $0xFFFFF086;
	s6 =	sadd.s32 @!p0 s3, s7;
	s7 =	simm.s32 @!p0 $0x108  }
0x21: {  	s3 =	sadd.s32 s3, s9;
	s6 =	sadd.s32 @!p0 $0x88, s6;
	s7 =	simm.s32 @p2 $0x1082  }
0x22: {  	[simem:s7], [sflag:s8] =	dma.local @!p0 [hbm:s6], $0xF7A  }
0x23: {  	s9 =	sor.u32 $0xD0000000, s2;
	s6 =	simm.s32 $0x108;
	_ =	swait.ge @!p0 [sflag:s8], $0x0  }
0x24: {  	s3 =	sadd.s32 $0x88, s3;
	s6 =	simm.s32 @!p1 $0x1082;
	[sflag:s4] =	ssyncset.s32 $0xFFFFF086  }
0x25: {  	[simem:s6], [sflag:s4] =	dma.local [hbm:s3], $0xF7A  }
0x26: {  	[smem:$0x3F91] =	sst s1;
	(tag) =	ssettag s2;
	_ =	strace s9  }
0x27: {  	s1 =	sld [smem:$0x3FA1]  }
0x28: {  	s2 =	sld [smem:$0x3FA2]  }
0x29: {  	s4 =	sld [smem:$0x3FA4]  }
0x2a: {  	p0 =	seq.s32 s5, $0x0;
	s5 =	sld [smem:$0x3FA5]  }
0x2b: {  	s6 =	sld [smem:$0x3FA6]  }
0x2c: {  	s7 =	sld [smem:$0x3FA7]  }
0x2d: {  	s3 =	simm.s32 $0x108;
	s8 =	sld [smem:$0x3FA8]  }
0x2e: {  	s3 =	simm.s32 @!p0 $0x1082;
	s9 =	sld [smem:$0x3FA9]  }
0x2f: {  	lr =	sadd.s32 s0, s3;
	s0 =	sld [smem:$0x3FA0]  }
0x30: {  	s3 =	sld [smem:$0x3FA3]  }
0x31: {  	[smem:$0x3FAC] =	sst s10  }
0x32: {  	s10 =	sld [smem:$0x3FAA];
	_ =	sdelay $0x3  }
0x33: {  	p0 =	seq.s32 s10, $0x1;
	s10 =	sld [smem:$0x3FAC];
	_ =	sdelay $0x3  }
0x34: {  	[smem:$0x3FAC] =	sst s10  }
0x35: {  	s10 =	sld [smem:$0x3FAB];
	_ =	sdelay $0x3  }
0x36: {  	p1 =	seq.s32 s10, $0x1;
	s10 =	sld [smem:$0x3FAC];
	_ =	sdelay $0x3  }
0x37: {  	[smem:$0x3FAC] =	sst s10  }
0x38: {  	s10 =	sld [smem:$0x3FAD]  }
0x39: {  	_ = 	snop;
	(pc) =	sbr.ind lr, $3  }
0x3a: {  	_ = 	snop  }
0x3b: {  	_ = 	snop  }
0x3c: {  	p2 =	seq.s32 s10, $0x1;
	s10 =	sld [smem:$0x3FAC]  }
0x3d: {  	_ =	shalt  }
0x3e: {  	_ =	shalt  }
0x3f: {  	_ =	shalt  }
0x40: {  	_ =	shalt  }
0x41: {  	_ =	shalt  }
0x42: {  	_ =	shalt  }
0x43: {  	_ =	shalt  }
0x44: {  	_ =	shalt  }
0x45: {  	_ =	shalt  }
0x46: {  	_ =	shalt  }
0x47: {  	_ =	shalt  }
0x48: {  	_ =	shalt  }
0x49: {  	_ =	shalt  }
0x4a: {  	_ =	shalt  }
0x4b: {  	_ =	shalt  }
0x4c: {  	_ =	shalt  }
0x4d: {  	_ =	shalt  }
0x4e: {  	_ =	shalt  }
0x4f: {  	_ =	shalt  }
0x50: {  	_ =	shalt  }
0x51: {  	_ =	shalt  }
0x52: {  	_ =	shalt  }
0x53: {  	_ =	shalt  }
0x54: {  	_ =	shalt  }
0x55: {  	_ =	shalt  }
0x56: {  	_ =	shalt  }
0x57: {  	_ =	shalt  }
0x58: {  	_ =	shalt  }
0x59: {  	_ =	shalt  }
0x5a: {  	_ =	shalt  }
0x5b: {  	_ =	shalt  }
0x5c: {  	_ =	shalt  }
0x5d: {  	_ =	shalt  }
0x5e: {  	_ =	shalt  }
0x5f: {  	_ =	shalt  }
0x60: {  	_ =	shalt  }
0x61: {  	_ =	shalt  }
0x62: {  	_ =	shalt  }
0x63: {  	_ =	shalt  }
0x64: {  	_ =	shalt  }
0x65: {  	_ =	shalt  }
0x66: {  	_ =	shalt  }
0x67: {  	_ =	shalt  }
0x68: {  	_ =	shalt  }
0x69: {  	_ =	shalt  }
0x6a: {  	_ =	shalt  }
0x6b: {  	_ =	shalt  }
0x6c: {  	_ =	shalt  }
0x6d: {  	_ =	shalt  }
0x6e: {  	_ =	shalt  }
0x6f: {  	_ =	shalt  }
0x70: {  	_ =	shalt  }
0x71: {  	_ =	shalt  }
0x72: {  	_ =	shalt  }
0x73: {  	_ =	shalt  }
0x74: {  	_ =	shalt  }
0x75: {  	_ =	shalt  }
0x76: {  	_ =	shalt  }
0x77: {  	_ =	shalt  }
0x78: {  	_ =	shalt  }
0x79: {  	_ =	shalt  }
0x7a: {  	_ =	shalt  }
0x7b: {  	_ =	shalt  }
0x7c: {  	_ =	shalt  }
0x7d: {  	_ =	shalt  }
0x7e: {  	_ =	shalt  }
0x7f: {  	_ =	shalt  }
0x80: {  	_ =	shalt  }
0x81: {  	_ =	shalt  }
0x82: {  	_ =	shalt  }
0x83: {  	_ =	shalt  }
0x84: {  	_ =	shalt  }
0x85: {  	_ =	shalt  }
0x86: {  	_ =	shalt  }
0x87: {  	_ =	shalt  }
.Lfunc_end0:
.L_simem_size_0:
called_computation.2_lowered:
.L_overlay_start_0:
0x88: {  	s2 =	sld [smem:$0x3FD9]  }
0x89: {  	s3 =	sld [smem:$0x3FFE];
	_ =	sdelay $0x1  }
0x8a: {  	s1 =	srdreg.scid  }
0x8b: {  	s0 =	sand.u32 $0x1, s1  }
0x8c: {  	s16 =	sshll.u32 s0, $0xA;
	s2 =	sadd.s32 s3, s2  }
0x8d: {  	s2 =	sadd.s32 s2, s16  }
0x8e: {  	[smem:$0x3FB8] =	sst s2  }
0x8f: {  	_ = 	snop  }
0x90: {  	(tm) =	ssettm $0x1  }
0x91: {  	s17 =	sld [smem:$0x3FFB];
	_ =	sdelay $0x3  }
0x92: {  	_ =	strace s17  }
0x93: {  	s2 =	sld [smem:$0x3FFC];
	_ =	sdelay $0x3  }
0x94: {  	_ =	strace s2  }
0x95: {  	s2 =	sld [smem:$0x3FFD];
	_ =	sdelay $0x3  }
0x96: {  	_ =	strace s2  }
0x97: {  	_ =	strace $0x8FFFFFFF  }
0x98: {  	s18 =	sld [smem:$0x3FDB];
	_ =	sdelay $0x1  }
0x99: {  	s19 =	simm.s32 $_scs_section_size  }
0x9a: {  	s4 =	simm.s32 $_size__tile_overlayer_lowered;
	s5 =	simm.s32 $_tile_overlayer_lowered  }
0x9b: {  	s22 =	simm.s32 $0x1BFF;
	s21 =	sshll.u32 s5, $0x1;
	s2 =	sadd.s32 s19, s18  }
0x9c: {  	s6 =	simm.s32 $0x0;
	s20 =	sshll.u32 s4, $0x1;
	s4 =	sadd.s32 s21, s2  }
0x9d: {  	[timem:s6], [sflag:s22] =	dma.local [hbm:s4], s20  }
0x9e: {  	_ =	swait.ge [sflag:s22], s20  }
0x9f: {  	s3 =	ssub.s32 $0x0, s20;
	[sflag:s22] =	ssyncset.done $0x0  }
0xa0: {  	[sflag:s22] =	ssyncadd.s32 s3;
	_ =	sdelay $0x1  }
0xa1: {  	s23 =	simm.s32 $0x1B8B  }
0xa2: {  	_ =	swait.ge [sflag:s23], $0x1  }
0xa3: {  	[sflag:s23] =	ssyncset.done $0x0  }
0xa4: {  	s25 =	simm.s32 $0x1B8E;
	s24 =	sld [smem:$0x3FFE];
	[sflag:s23] =	ssyncadd.s32 $0xFFFFFFFF  }
0xa5: {  	s26 =	simm.s32 $execute0_lowered;
	[smem:$0x3FD2] =	sst s25  }
0xa6: {  	s4 =	sshll.u32 s26, $0x1;
	_ =	strace $0x8000004C;
	[dreg:$0x1] =	wrdreg $0xFFFFFFFF  }
0xa7: {  	s28 =	simm.s32 $_size_execute0_lowered;
	s2 =	sadd.s32 s2, s4;
	[dreg:$0x0] =	wrdreg $0x0  }
0xa8: {  	s4 =	sshll.u32 s28, $0x1;
	[dreg:$0x2] =	wrdreg s2  }
0xa9: {  	[dreg:$0x3] =	wrdreg s4  }
0xaa: {  	[dreg:$0x4] =	wrdreg $0xC0  }
0xab: {  	_ =	task [dreg:s6], $0x5FFFF  }
0xac: {  	[dreg:$0x1] =	wrdreg $0xFFFFFFFF  }
0xad: {  	[dreg:$0x0] =	wrdreg $0x60  }
0xae: {  	[dreg:$0x2] =	wrdreg s24  }
0xaf: {  	[dreg:$0x3] =	wrdreg $0x10800  }
0xb0: {  	[dreg:$0x4] =	wrdreg $0x9  }
0xb1: {  	_ =	task.clear_ibuf [dreg:s6], $0x5FFFF;
	_ =	strace $0x9000004C  }
0xb2: {  	s29 =	simm.s32 $0x9;
	_ =	strace $0x8000004E  }
0xb3: {  	_ =	swait.ge [sflag:s29], $0x1  }
0xb4: {  	[sflag:s29] =	ssyncadd.s32 $0xFFFFFFFF  }
0xb5: {  	_ =	strace $0x9000004E  }
0xb6: {  	_ =	sfence  }
0xb7: {  	s30 =	sld [smem:$0x0];
	_ =	sdelay $0x2  }
0xb8: {  	s31 =	sshll.u32 s1, $0xD;
	s1 =	sshrl.u32 s1, $0x2  }
0xb9: {  	s3 =	sand.u32 $0x4000, s31;
	s1 =	sadd.s32 s1, s30  }
0xba: {  	s0 =	sor.u32 s3, s0;
	s1 =	sshll.u32 s1, $0x11  }
0xbb: {  	s0 =	sor.u32 s1, s0  }
0xbc: {  	s0 =	sadd.s32 $0x8F2B, s0  }
0xbd: {  	[sflag:s0] =	ssyncadd.remote.s32 $0x1  }
0xbe: {  	_ =	sfence.sel $0xFFFF  }
0xbf: {  	[dreg:$0x0] =	wrdreg $0xFFFFFFFF;
	(pc) =	sbr.abs _section_cstart, $3  }
0xc0: {  	[dreg:$0x1] =	wrdreg $0xFFFFFFFF  }
0xc1: {  	_ =	task.clear_ibuf [dreg:s6], $0x2FFFF;
	_ =	strace $0x9FFFFFFF  }
0xc2: {  	(tm) =	ssettm $0x7FFFFFFF  }
0xc3: {  	_ =	shalt  }
tec
execute0_lowered:
.L_overlay_start_1:
0x0: {  	(tag) =	ssettag $0x1  }
0x1: {  	s0 =	srdreg.scid;
	s4 =	rddreg [dreg:$0x0]  }
0x2: {  	s2 =	rddreg [dreg:$0x1];
	s5 =	sand.u32 $0x1, s0  }
0x3: {  	s0 =	stileid.u32;
	s6 =	smul.u32 $0x27800, s5  }
0x4: {  	s1 =	rddreg [dreg:$0x2];
	s3 =	simm.s32 $0x0;
	s7 =	smul.u32 $0x2780, s0  }
0x5: {  	s16 =	simm.s32 $0x880;
	s17 =	simm.s32 $0x1;
	s8 =	smul.u32 $0x278, s0  }
0x6: {  	s18 =	simm.s32 $0x80;
	s20 =	simm.s32 $0x0;
	s26 =	smul.u32 $0x2780, s5  }
0x7: {  	[smem:$0x7FF] =	sst s3;
	s9 =	smul.u32 $0x9E00, s0;
	s5 =	ssub.s32 $0x2, s5  }
0x8: {  	_ =	strace $0x8000004D;
	s19 =	sshll.u32 s0, $0x6;
	s30 =	sshrl.u32 s5, $0x1  }
0x9: {  	s19 =	sor.u32 $0x1C01, s19;
	s6 =	sadd.s32 s7, s6;
	s28 =	sadd.s32 s8, s26  }
0xa: {  	s29 =	sshrl.u32 s9, $0x2;
	s31 =	ssub.s32 s5, s30;
	s6 =	sshrl.u32 s6, $0x3  }
0xb: {  	s8 =	smax.u32 s31, $0x1;
	s15 =	sadd.s32 s6, s4;
	s6 =	sshll.u32 s28, $0x1  }
0xc: {  	s14 =	sadd.s32 s6, s4;
	s4 =	sadd.s32 s29, s2;
	s15 =	sadd.s32 $0x1C800, s15  }
0xd: {  	s5 =	sadd.s32 $0x2000, s4;
	s6 =	sadd.s32 $0x26A00, s14;
	s7 =	sadd.s32 $0x26600, s14  }
0xe: {  	s9 =	sadd.s32 $0x800, s4;
	s10 =	sadd.s32 $0x1000, s4;
	s11 =	sadd.s32 $0x1800, s4  }
0xf: {  	v0 =	vimm.f32 $1.000000000e+00;
	v1 =	vimm.f32 $0.0e+00;
	s12 =	sadd.s32 $0x26700, s14;
	s13 =	sadd.s32 $0x26800, s14;
	s14 =	sadd.s32 $0x26900, s14  }
.LBB2_1:
0x10: {  	s21 =	simm.s32 $0x40;
	s22 =	simm.s32 $0x0  }
.LBB2_2:
0x11: {  	p0 =	sne.s32 s21, $0x1FC0;
	[tilespmem:s22+$0x80] =	vst v0;
	s23 =	smov.u32 s21;
	s21 =	sadd.s32 $0x40, s21  }
.Ltmp0:
0x12: {  	[tilespmem:s22+$0x880] =	vst v1;
	(pc) =	sbr.rel @p0 .LBB2_2-.Ltmp0, $2  }
0x13: {  	_ =	sdelay $0x2  }
0x14: {  	s22 =	sshra.s32 s23, $0x2  }
0x15: {  	[tilespmem:s22+$0x80] =	vst v0  }
0x16: {  	[tilespmem:s22+$0x880] =	vst v1  }
0x17: {  	[spmem:s4] =	stream.linear.scatter [tilespmem:s16], [sflag:$0x1], $0x800, $0x38;
	[tilespmem:$0x3800] =	vst v63  }
0x18: {  	_ =	swait.ge [sflag:s17], $0x800  }
0x19: {  	[sflag:s17] =	ssyncset.done $0x0  }
0x1a: {  	[sflag:s17] =	ssyncadd.s32 $0xFFFFF800  }
0x1b: {  	[spmem:s9] =	stream.linear.scatter [tilespmem:s16], [sflag:$0x1], $0x800, $0x38;
	[tilespmem:$0x3800] =	vst v63  }
0x1c: {  	_ =	swait.ge [sflag:s17], $0x800  }
0x1d: {  	[sflag:s17] =	ssyncset.done $0x0  }
0x1e: {  	[sflag:s17] =	ssyncadd.s32 $0xFFFFF800  }
0x1f: {  	[spmem:s10] =	stream.linear.scatter [tilespmem:s16], [sflag:$0x1], $0x800, $0x38;
	[tilespmem:$0x3800] =	vst v63  }
0x20: {  	_ =	swait.ge [sflag:s17], $0x800  }
0x21: {  	[sflag:s17] =	ssyncset.done $0x0  }
0x22: {  	[sflag:s17] =	ssyncadd.s32 $0xFFFFF800  }
0x23: {  	[spmem:s11] =	stream.linear.scatter [tilespmem:s16], [sflag:$0x1], $0x800, $0x38;
	[tilespmem:$0x3800] =	vst v63  }
0x24: {  	_ =	swait.ge [sflag:s17], $0x800  }
0x25: {  	[sflag:s17] =	ssyncset.done $0x0  }
0x26: {  	[sflag:s17] =	ssyncadd.s32 $0xFFFFF800  }
0x27: {  	[spmem:s5] =	stream.linear.scatter [tilespmem:s16], [sflag:$0x1], $0x780, $0x38;
	[tilespmem:$0x3800] =	vst v63  }
0x28: {  	_ =	swait.ge [sflag:s17], $0x780  }
0x29: {  	[sflag:s17] =	ssyncset.done $0x0  }
0x2a: {  	[sflag:s17] =	ssyncadd.s32 $0xFFFFF880  }
0x2b: {  	s21 =	sadd.s32 $0x0, s15;
	[bflag:$0x0] =	sbarrier.arrive $0xFFFF  }
0x2c: {  	[tilespmem:s3], [sflag:$0x1] =	stream.linear.gather [hbm4b:s21+s3], $0x80, $0x38;
	[tilespmem:$0x3800] =	vst v63  }
0x2d: {  	_ =	swait.ge [sflag:s17], $0x80  }
0x2e: {  	[sflag:s17] =	ssyncset.done $0x0  }
0x2f: {  	[sflag:s17] =	ssyncadd.s32 $0xFFFFFF80  }
0x30: {  	[spmem:s2] =	stream.indirect.scatter.add.f32 [tilespmem:s18], [sflag:$0x1], $0x10, s3, s18, $0xb8;
	[tilespmem:$0x3800] =	vst v63  }
0x31: {  	_ =	swait.ge [sflag:s17], $0x800  }
0x32: {  	s22 =	simm.s32 $0x20;
	s21 =	simm.s32 $0x10;
	[sflag:s17] =	ssyncset.done $0x0  }
.LBB2_4:
0x33: {  	s23 =	sadd.s32 s21, s15  }
0x34: {  	[sflag:s17] =	ssyncadd.s32 $0xFFFFF800;
	s21 =	smov.u32 s22;
	s24 =	sadd.s32 $0x10, s22  }
0x35: {  	[tilespmem:s3], [sflag:$0x1] =	stream.linear.gather [hbm4b:s23+s3], $0x80, $0x38;
	[tilespmem:$0x3800] =	vst v63  }
0x36: {  	p0 =	sne.s32 s22, $0x4E0;
	_ =	swait.ge [sflag:s17], $0x80  }
.Ltmp1:
0x37: {  	[sflag:s17] =	ssyncset.done $0x0;
	(pc) =	sbr.rel @p0 .LBB2_4-.Ltmp1, $4  }
0x38: {  	[sflag:s17] =	ssyncadd.s32 $0xFFFFFF80  }
0x39: {  	[spmem:s2] =	stream.indirect.scatter.add.f32 [tilespmem:s18], [sflag:$0x1], $0x10, s3, s18, $0xb8;
	[tilespmem:$0x3800] =	vst v63  }
0x3a: {  	_ =	swait.ge [sflag:s17], $0x800  }
0x3b: {  	s22 =	smov.u32 s24;
	[sflag:s17] =	ssyncset.done $0x0  }
0x3c: {  	s21 =	sadd.s32 s21, s15;
	[sflag:s17] =	ssyncadd.s32 $0xFFFFF800  }
0x3d: {  	[tilespmem:s3], [sflag:$0x1] =	stream.linear.gather [hbm4b:s21+s3], $0x80, $0x38;
	[tilespmem:$0x3800] =	vst v63  }
0x3e: {  	_ =	swait.ge [sflag:s17], $0x80  }
0x3f: {  	[sflag:s17] =	ssyncset.done $0x0  }
0x40: {  	[sflag:s17] =	ssyncadd.s32 $0xFFFFFF80  }
0x41: {  	[spmem:s2] =	stream.indirect.scatter.add.f32 [tilespmem:s18], [sflag:$0x1], $0x10, s3, s18, $0xb8;
	[tilespmem:$0x3800] =	vst v63  }
0x42: {  	_ =	swait.ge [sflag:s17], $0x800  }
0x43: {  	[sflag:s17] =	ssyncset.done $0x0  }
0x44: {  	[sflag:s17] =	ssyncadd.s32 $0xFFFFF800  }
0x45: {  	s26 =	sshrl.u32 s4, $0x3;
	[bflag:$0x0] =	sbarrier.arrive $0xFFFF  }
0x46: {  	[hbm:s7], [sflag:s19] =	dma.local [spmem:s26], $0x100  }
0x47: {  	_ =	swait.ge [sflag:s17], $0x100  }
0x48: {  	[sflag:s17] =	ssyncset.done $0x0  }
0x49: {  	s28 =	sshrl.u32 s9, $0x3;
	[sflag:s17] =	ssyncadd.s32 $0xFFFFFF00  }
0x4a: {  	[hbm:s12], [sflag:s19] =	dma.local [spmem:s28], $0x100  }
0x4b: {  	_ =	swait.ge [sflag:s17], $0x100  }
0x4c: {  	[sflag:s17] =	ssyncset.done $0x0  }
0x4d: {  	s29 =	sshrl.u32 s10, $0x3;
	[sflag:s17] =	ssyncadd.s32 $0xFFFFFF00  }
0x4e: {  	[hbm:s13], [sflag:s19] =	dma.local [spmem:s29], $0x100  }
0x4f: {  	_ =	swait.ge [sflag:s17], $0x100  }
0x50: {  	[sflag:s17] =	ssyncset.done $0x0  }
0x51: {  	s30 =	sshrl.u32 s11, $0x3;
	[sflag:s17] =	ssyncadd.s32 $0xFFFFFF00  }
0x52: {  	[hbm:s14], [sflag:s19] =	dma.local [spmem:s30], $0x100  }
0x53: {  	s20 =	sadd.s32 $0x1, s20;
	_ =	swait.ge [sflag:s17], $0x100  }
0x54: {  	p0 =	sne.s32 s20, s8;
	[sflag:s17] =	ssyncset.done $0x0  }
.Ltmp2:
0x55: {  	s31 =	sshrl.u32 s5, $0x3;
	[sflag:s17] =	ssyncadd.s32 $0xFFFFFF00;
	(pc) =	sbr.rel @p0 .LBB2_1-.Ltmp2, $4  }
0x56: {  	[hbm:s6], [sflag:s19] =	dma.local [spmem:s31], $0xF0  }
0x57: {  	_ =	swait.ge [sflag:s17], $0xF0  }
0x58: {  	[sflag:s17] =	ssyncset.done $0x0  }
0x59: {  	[sflag:s17] =	ssyncadd.s32 $0xFFFFFF10  }
0x5a: {  	_ =	sfence.sel $0x180000  }
0x5b: {  	[bflag:$0x0] =	sbarrier.arrive $0xFFFF  }
0x5c: {  	p0 =	sne.s32 s0, $0x0;
	_ =	strace $0x9000004D  }
0x5d: {  	s0 =	sadd.s32 @!p0 $0x100000, s1;
	[bflag:$0x2] =	sbarrier.arrive $0xFFFF  }
0x5e: {  	[sflag:s0] =	ssyncadd.tile.s32 @!p0 $0x1;
	_ =	shalt  }
.Lfunc_end2:
_tile_overlayer_lowered:
.L_overlay_start_2:
0x5f: {  	(tag) =	ssettag $0x2  }
0x60: {  	s0 =	rddreg [dreg:$0x0];
	s2 =	stileid.u32  }
0x61: {  	s1 =	rddreg [dreg:$0x1];
	p0 =	sne.s32 s2, $0x0  }
0x62: {  	s3 =	rddreg [dreg:$0x2];
	[bflag:$0x3] =	sbarrier.arrive $0xFFFF;
	s2 =	simm.s32 @!p0 $0x1C01  }
0x63: {  	[timem:s3], [sflag:s2] =	dma.local @!p0 [hbm:s0], s1  }
0x64: {  	s0 =	simm.s32 @!p0 $0x1  }
0x65: {  	_ =	swait.ge @!p0 [sflag:s0], s1  }
0x66: {  	s1 =	ssub.s32 @!p0 $0x0, s1;
	[sflag:s0] =	ssyncset.done @!p0 $0x0  }
0x67: {  	[sflag:s0] =	ssyncadd.s32 @!p0 s1  }
0x68: {  	[bflag:$0x3] =	sbarrier.arrive $0xFFFF  }
0x69: {  	_ =	shalt  }

// kernel: kernel.27.cloned.1.call-start
scs
__scs_entry_jumppad:
0x0: {  	(pc) =	sbr.rel $0x88, $3  }
0x1: {  	(tag) =	ssettag $0x0;
	lr =	simm.s32 $0x1  }
0x2: {  	[smem:$0x3F91] =	sst lr;
	_ =	strace $0xD0000000  }
0x3: {  	_ = 	snop  }
0x4: {  	_ = 	snop  }
0x5: {  	_ = 	snop  }
0x6: {  	_ = 	snop  }
0x7: {  	_ = 	snop  }
__scs_overlays_trampoline_lowered:
0x8: {  	[smem:$0x3FA0] =	sst s0  }
0x9: {  	[smem:$0x3FA1] =	sst s1  }
0xa: {  	[smem:$0x3FA2] =	sst s2  }
0xb: {  	[smem:$0x3FA3] =	sst s3  }
0xc: {  	[smem:$0x3FA4] =	sst s4  }
0xd: {  	[smem:$0x3FA5] =	sst s5  }
0xe: {  	[smem:$0x3FA6] =	sst s6  }
0xf: {  	[smem:$0x3FA7] =	sst s7  }
0x10: {  	[smem:$0x3FA8] =	sst s8  }
0x11: {  	[smem:$0x3FA9] =	sst s9;
	s0 =	simm.s32 @!p0 $0x0  }
0x12: {  	s1 =	sld [smem:$0x3F8F];
	s0 =	simm.s32 @p0 $0x1  }
0x13: {  	[smem:$0x3FAA] =	sst s0;
	s0 =	simm.s32 @!p1 $0x0  }
0x14: {  	s2 =	sld [smem:$0x3F8E];
	s0 =	simm.s32 @p1 $0x1  }
0x15: {  	[smem:$0x3FAB] =	sst s0;
	s0 =	simm.s32 @!p2 $0x0  }
0x16: {  	s3 =	sld [smem:$0x3FDB];
	s0 =	simm.s32 @p2 $0x1  }
0x17: {  	s4 =	simm.s32 $0x1BF5;
	[smem:$0x3FAD] =	sst s0  }
0x18: {  	s0 =	sld [smem:$0x3F90];
	_ =	swait.ge [sflag:s4], $0x0  }
0x19: {  	s7 =	sld [smem:$0x3F91]  }
0x1a: {  	s8 =	sadd.s32 $0xFFFFE003, lr  }
0x1b: {  	s9 =	sadd.s32 $0xFFFFFEF7, lr;
	s5 =	simm.s32 $0xFFFFFFFF;
	p2 =	slt.u32 s8, $0xFFFFF086  }
0x1c: {  	p1 =	slt.u32 s9, $0xF7A;
	s5 =	simm.s32 @!p2 $0x0  }
0x1d: {  	s5 =	simm.s32 @p1 $0x1;
	p0 =	seq.s32 s7, s2  }
0x1e: {  	s7 =	smul.u32 @!p0 $0xF7A, s2;
	p2 =	seq.s32 @!p0 s5, $0x0  }
0x1f: {  	s9 =	smul.u32 $0xF7A, s1;
	s8 =	simm.s32 @!p0 $0x1BF5;
	p2 =	por !p2, p0  }
0x20: {  	[sflag:s8] =	ssyncset.s32 @!p0 $0xFFFFF086;
	s6 =	sadd.s32 @!p0 s3, s7;
	s7 =	simm.s32 @!p0 $0x108  }
0x21: {  	s3 =	sadd.s32 s3, s9;
	s6 =	sadd.s32 @!p0 $0x88, s6;
	s7 =	simm.s32 @p2 $0x1082  }
0x22: {  	[simem:s7], [sflag:s8] =	dma.local @!p0 [hbm:s6], $0xF7A  }
0x23: {  	s9 =	sor.u32 $0xD0000000, s2;
	s6 =	simm.s32 $0x108;
	_ =	swait.ge @!p0 [sflag:s8], $0x0  }
0x24: {  	s3 =	sadd.s32 $0x88, s3;
	s6 =	simm.s32 @!p1 $0x1082;
	[sflag:s4] =	ssyncset.s32 $0xFFFFF086  }
0x25: {  	[simem:s6], [sflag:s4] =	dma.local [hbm:s3], $0xF7A  }
0x26: {  	[smem:$0x3F91] =	sst s1;
	(tag) =	ssettag s2;
	_ =	strace s9  }
0x27: {  	s1 =	sld [smem:$0x3FA1]  }
0x28: {  	s2 =	sld [smem:$0x3FA2]  }
0x29: {  	s4 =	sld [smem:$0x3FA4]  }
0x2a: {  	p0 =	seq.s32 s5, $0x0;
	s5 =	sld [smem:$0x3FA5]  }
0x2b: {  	s6 =	sld [smem:$0x3FA6]  }
0x2c: {  	s7 =	sld [smem:$0x3FA7]  }
0x2d: {  	s3 =	simm.s32 $0x108;
	s8 =	sld [smem:$0x3FA8]  }
0x2e: {  	s3 =	simm.s32 @!p0 $0x1082;
	s9 =	sld [smem:$0x3FA9]  }
0x2f: {  	lr =	sadd.s32 s0, s3;
	s0 =	sld [smem:$0x3FA0]  }
0x30: {  	s3 =	sld [smem:$0x3FA3]  }
0x31: {  	[smem:$0x3FAC] =	sst s10  }
0x32: {  	s10 =	sld [smem:$0x3FAA];
	_ =	sdelay $0x3  }
0x33: {  	p0 =	seq.s32 s10, $0x1;
	s10 =	sld [smem:$0x3FAC];
	_ =	sdelay $0x3  }
0x34: {  	[smem:$0x3FAC] =	sst s10  }
0x35: {  	s10 =	sld [smem:$0x3FAB];
	_ =	sdelay $0x3  }
0x36: {  	p1 =	seq.s32 s10, $0x1;
	s10 =	sld [smem:$0x3FAC];
	_ =	sdelay $0x3  }
0x37: {  	[smem:$0x3FAC] =	sst s10  }
0x38: {  	s10 =	sld [smem:$0x3FAD]  }
0x39: {  	_ = 	snop;
	(pc) =	sbr.ind lr, $3  }
0x3a: {  	_ = 	snop  }
0x3b: {  	_ = 	snop  }
0x3c: {  	p2 =	seq.s32 s10, $0x1;
	s10 =	sld [smem:$0x3FAC]  }
0x3d: {  	_ =	shalt  }
0x3e: {  	_ =	shalt  }
0x3f: {  	_ =	shalt  }
0x40: {  	_ =	shalt  }
0x41: {  	_ =	shalt  }
0x42: {  	_ =	shalt  }
0x43: {  	_ =	shalt  }
0x44: {  	_ =	shalt  }
0x45: {  	_ =	shalt  }
0x46: {  	_ =	shalt  }
0x47: {  	_ =	shalt  }
0x48: {  	_ =	shalt  }
0x49: {  	_ =	shalt  }
0x4a: {  	_ =	shalt  }
0x4b: {  	_ =	shalt  }
0x4c: {  	_ =	shalt  }
0x4d: {  	_ =	shalt  }
0x4e: {  	_ =	shalt  }
0x4f: {  	_ =	shalt  }
0x50: {  	_ =	shalt  }
0x51: {  	_ =	shalt  }
0x52: {  	_ =	shalt  }
0x53: {  	_ =	shalt  }
0x54: {  	_ =	shalt  }
0x55: {  	_ =	shalt  }
0x56: {  	_ =	shalt  }
0x57: {  	_ =	shalt  }
0x58: {  	_ =	shalt  }
0x59: {  	_ =	shalt  }
0x5a: {  	_ =	shalt  }
0x5b: {  	_ =	shalt  }
0x5c: {  	_ =	shalt  }
0x5d: {  	_ =	shalt  }
0x5e: {  	_ =	shalt  }
0x5f: {  	_ =	shalt  }
0x60: {  	_ =	shalt  }
0x61: {  	_ =	shalt  }
0x62: {  	_ =	shalt  }
0x63: {  	_ =	shalt  }
0x64: {  	_ =	shalt  }
0x65: {  	_ =	shalt  }
0x66: {  	_ =	shalt  }
0x67: {  	_ =	shalt  }
0x68: {  	_ =	shalt  }
0x69: {  	_ =	shalt  }
0x6a: {  	_ =	shalt  }
0x6b: {  	_ =	shalt  }
0x6c: {  	_ =	shalt  }
0x6d: {  	_ =	shalt  }
0x6e: {  	_ =	shalt  }
0x6f: {  	_ =	shalt  }
0x70: {  	_ =	shalt  }
0x71: {  	_ =	shalt  }
0x72: {  	_ =	shalt  }
0x73: {  	_ =	shalt  }
0x74: {  	_ =	shalt  }
0x75: {  	_ =	shalt  }
0x76: {  	_ =	shalt  }
0x77: {  	_ =	shalt  }
0x78: {  	_ =	shalt  }
0x79: {  	_ =	shalt  }
0x7a: {  	_ =	shalt  }
0x7b: {  	_ =	shalt  }
0x7c: {  	_ =	shalt  }
0x7d: {  	_ =	shalt  }
0x7e: {  	_ =	shalt  }
0x7f: {  	_ =	shalt  }
0x80: {  	_ =	shalt  }
0x81: {  	_ =	shalt  }
0x82: {  	_ =	shalt  }
0x83: {  	_ =	shalt  }
0x84: {  	_ =	shalt  }
0x85: {  	_ =	shalt  }
0x86: {  	_ =	shalt  }
0x87: {  	_ =	shalt  }
.Lfunc_end0:
.L_simem_size_0:
called_computation.3_lowered:
.L_overlay_start_0:
0x88: {  	s2 =	sld [smem:$0x3FD9]  }
0x89: {  	s3 =	sld [smem:$0x3FFE];
	_ =	sdelay $0x1  }
0x8a: {  	s1 =	srdreg.scid  }
0x8b: {  	s0 =	sand.u32 $0x1, s1  }
0x8c: {  	s16 =	sshll.u32 s0, $0xA;
	s2 =	sadd.s32 s3, s2  }
0x8d: {  	s2 =	sadd.s32 s2, s16  }
0x8e: {  	[smem:$0x3FB8] =	sst s2  }
0x8f: {  	_ = 	snop  }
0x90: {  	(tm) =	ssettm $0x1  }
0x91: {  	s17 =	sld [smem:$0x3FFB];
	_ =	sdelay $0x3  }
0x92: {  	_ =	strace s17  }
0x93: {  	s2 =	sld [smem:$0x3FFC];
	_ =	sdelay $0x3  }
0x94: {  	_ =	strace s2  }
0x95: {  	s2 =	sld [smem:$0x3FFD];
	_ =	sdelay $0x3  }
0x96: {  	_ =	strace s2  }
0x97: {  	_ =	strace $0x8FFFFFFF  }
0x98: {  	s18 =	sld [smem:$0x3FDB];
	_ =	sdelay $0x1  }
0x99: {  	s19 =	simm.s32 $_scs_section_size  }
0x9a: {  	s4 =	simm.s32 $_size__tile_overlayer_lowered;
	s5 =	simm.s32 $_tile_overlayer_lowered  }
0x9b: {  	s22 =	simm.s32 $0x1BFF;
	s21 =	sshll.u32 s5, $0x1;
	s2 =	sadd.s32 s19, s18  }
0x9c: {  	s6 =	simm.s32 $0x0;
	s20 =	sshll.u32 s4, $0x1;
	s4 =	sadd.s32 s21, s2  }
0x9d: {  	[timem:s6], [sflag:s22] =	dma.local [hbm:s4], s20  }
0x9e: {  	_ =	swait.ge [sflag:s22], s20  }
0x9f: {  	s3 =	ssub.s32 $0x0, s20;
	[sflag:s22] =	ssyncset.done $0x0  }
0xa0: {  	[sflag:s22] =	ssyncadd.s32 s3;
	_ =	sdelay $0x1  }
0xa1: {  	s23 =	simm.s32 $0x1B8B  }
0xa2: {  	_ =	swait.ge [sflag:s23], $0x1  }
0xa3: {  	[sflag:s23] =	ssyncset.done $0x0  }
0xa4: {  	s25 =	simm.s32 $0x1B8E;
	s24 =	sld [smem:$0x3FFE];
	[sflag:s23] =	ssyncadd.s32 $0xFFFFFFFF  }
0xa5: {  	s26 =	simm.s32 $execute0_lowered;
	[smem:$0x3FD2] =	sst s25  }
0xa6: {  	s4 =	sshll.u32 s26, $0x1;
	_ =	strace $0x8000004F;
	[dreg:$0x1] =	wrdreg $0xFFFFFFFF  }
0xa7: {  	s28 =	simm.s32 $_size_execute0_lowered;
	s2 =	sadd.s32 s2, s4;
	[dreg:$0x0] =	wrdreg $0x0  }
0xa8: {  	s4 =	sshll.u32 s28, $0x1;
	[dreg:$0x2] =	wrdreg s2  }
0xa9: {  	[dreg:$0x3] =	wrdreg s4  }
0xaa: {  	[dreg:$0x4] =	wrdreg $0xC0  }
0xab: {  	_ =	task [dreg:s6], $0x5FFFF  }
0xac: {  	[dreg:$0x1] =	wrdreg $0xFFFFFFFF  }
0xad: {  	[dreg:$0x0] =	wrdreg $0x60  }
0xae: {  	[dreg:$0x2] =	wrdreg s24  }
0xaf: {  	[dreg:$0x3] =	wrdreg $0x21000  }
0xb0: {  	[dreg:$0x4] =	wrdreg $0x9  }
0xb1: {  	_ =	task.clear_ibuf [dreg:s6], $0x5FFFF;
	_ =	strace $0x9000004F  }
0xb2: {  	s29 =	simm.s32 $0x9;
	_ =	strace $0x80000051  }
0xb3: {  	_ =	swait.ge [sflag:s29], $0x1  }
0xb4: {  	[sflag:s29] =	ssyncadd.s32 $0xFFFFFFFF  }
0xb5: {  	_ =	strace $0x90000051  }
0xb6: {  	_ =	sfence  }
0xb7: {  	s30 =	sld [smem:$0x0];
	_ =	sdelay $0x2  }
0xb8: {  	s31 =	sshll.u32 s1, $0xD;
	s1 =	sshrl.u32 s1, $0x2  }
0xb9: {  	s3 =	sand.u32 $0x4000, s31;
	s1 =	sadd.s32 s1, s30  }
0xba: {  	s0 =	sor.u32 s3, s0;
	s1 =	sshll.u32 s1, $0x11  }
0xbb: {  	s0 =	sor.u32 s1, s0  }
0xbc: {  	s0 =	sadd.s32 $0x8F2B, s0  }
0xbd: {  	[sflag:s0] =	ssyncadd.remote.s32 $0x1  }
0xbe: {  	_ =	sfence.sel $0xFFFF  }
0xbf: {  	[dreg:$0x0] =	wrdreg $0xFFFFFFFF;
	(pc) =	sbr.abs _section_cstart, $3  }
0xc0: {  	[dreg:$0x1] =	wrdreg $0xFFFFFFFF  }
0xc1: {  	_ =	task.clear_ibuf [dreg:s6], $0x2FFFF;
	_ =	strace $0x9FFFFFFF  }
0xc2: {  	(tm) =	ssettm $0x7FFFFFFF  }
0xc3: {  	_ =	shalt  }
tec
execute0_lowered:
.L_overlay_start_1:
0x0: {  	(tag) =	ssettag $0x1  }
0x1: {  	s11 =	stileid.u32  }
0x2: {  	s0 =	rddreg [dreg:$0x0];
	s1 =	smul.u32 $0x1870, s11  }
0x3: {  	s2 =	rddreg [dreg:$0x1];
	s5 =	smul.u32 $0xC38, s11  }
0x4: {  	s4 =	srdreg.scid;
	s8 =	smul.u32 $0x61C00, s11  }
0x5: {  	s3 =	simm.s32 $0x0;
	s7 =	sand.u32 $0x1, s4;
	s23 =	smul.u32 $0x30E0, s11  }
0x6: {  	[smem:$0x7FF] =	sst s3;
	s6 =	smul.u32 $0xC380, s7  }
0x7: {  	s4 =	sadd.s32 $0x4FA800, s0;
	s11 =	simm.s32 $0x2;
	s13 =	smul.u32 $0xC350, s7  }
0x8: {  	_ =	strace $0x80000050;
	s9 =	ssub.s32 $0x2, s7;
	s7 =	smul.u32 $0x30E00, s7  }
0x9: {  	s1 =	sadd.s32 s1, s0;
	s0 =	sadd.s32 $0x5AB400, s0;
	s26 =	sshrl.u32 s9, $0x1  }
0xa: {  	s8 =	sshrl.u32 s8, $0x2;
	s5 =	sadd.s32 s5, s6;
	s9 =	ssub.s32 s9, s26  }
0xb: {  	s10 =	sshll.u32 s5, $0x2;
	s5 =	sadd.s32 s8, s2;
	s12 =	smax.u32 s9, $0x1  }
0xc: {  	v0 =	vmov s13;
	s13 =	simm.s32 $0x100;
	[dreg:$0x4] =	wrdreg s12;
	s14 =	sadd.s32 $0x2000, s5  }
0xd: {  	s10 =	sadd.s32 s10, s0;
	s15 =	sadd.s32 $0x3000, s5;
	[dreg:$0x5] =	wrdreg s14  }
0xe: {  	s6 =	sadd.s32 $0x18000, s5;
	s16 =	sadd.s32 $0x4000, s5;
	[dreg:$0x6] =	wrdreg s15  }
0xf: {  	s18 =	sadd.s32 $0x1000, s5;
	s17 =	sadd.s32 $0x5000, s5;
	[dreg:$0x7] =	wrdreg s16  }
0x10: {  	s19 =	sadd.s32 $0x6000, s5;
	s20 =	sadd.s32 $0x7000, s5;
	[dreg:$0x8] =	wrdreg s17  }
0x11: {  	s21 =	sadd.s32 $0x8000, s5;
	s22 =	sadd.s32 $0x9000, s5;
	[dreg:$0x9] =	wrdreg s19  }
0x12: {  	s24 =	sadd.s32 $0xA000, s5;
	s25 =	sadd.s32 $0xB000, s5;
	[dreg:$0xa] =	wrdreg s20  }
0x13: {  	s0 =	sadd.s32 s7, s0;
	s26 =	sadd.s32 $0xC000, s5;
	[dreg:$0xb] =	wrdreg s21  }
0x14: {  	s28 =	sadd.s32 $0x10000, s5;
	s29 =	sadd.s32 $0x11000, s5;
	[dreg:$0xc] =	wrdreg s22  }
0x15: {  	s30 =	sadd.s32 $0x12000, s5;
	s31 =	sadd.s32 $0x13000, s5;
	[dreg:$0xd] =	wrdreg s24  }
0x16: {  	s7 =	sadd.s32 $0x16000, s5;
	s12 =	simm.s32 $0x80;
	[dreg:$0xe] =	wrdreg s25  }
0x17: {  	s8 =	sadd.s32 $0x3000, s10;
	[dreg:$0xf] =	wrdreg s26;
	s21 =	sadd.s32 $0xD000, s5  }
0x18: {  	s22 =	sadd.s32 s23, s0;
	s23 =	sadd.s32 $0x48C00, s1;
	s24 =	sadd.s32 $0x30400, s1  }
0x19: {  	s25 =	sadd.s32 $0xE000, s5;
	s26 =	sadd.s32 $0xF000, s5;
	s0 =	sadd.s32 $0x14000, s5  }
0x1a: {  	s1 =	sadd.s32 $0x15000, s5;
	s10 =	simm.s32 $0x1100;
	s14 =	simm.s32 $0x1  }
0x1b: {  	v1 =	vimm.f32 $0.0e+00;
	s15 =	simm.s32 $0x0;
	[dreg:$0x3] =	wrdreg s8;
	s8 =	sadd.s32 $0x17000, s5  }
.LBB2_1:
0x1c: {  	s9 =	simm.s32 $0x80;
	s16 =	simm.s32 $0x0  }
.LBB2_2:
0x1d: {  	p0 =	sne.s32 s9, $0x3F80;
	[tilespmem:s16+$0x1100] =	vst v1;
	s17 =	smov.u32 s9;
	s9 =	sadd.s32 $0x80, s9  }
.Ltmp0:
0x1e: {  	[tilespmem:s16+$0x1110] =	vst v1;
	(pc) =	sbr.rel @p0 .LBB2_2-.Ltmp0, $2  }
0x1f: {  	_ =	sdelay $0x2  }
0x20: {  	s16 =	sshra.s32 s17, $0x2  }
0x21: {  	[tilespmem:s16+$0x1100] =	vst v1  }
0x22: {  	[tilespmem:s16+$0x1110] =	vst v1  }
0x23: {  	[spmem:s5] =	stream.linear.scatter [tilespmem:s10], [sflag:$0x2], $0x1000, $0x38;
	[tilespmem:$0x1A800] =	vst v63  }
0x24: {  	_ =	swait.ge [sflag:s11], $0x1000  }
0x25: {  	[sflag:s11] =	ssyncset.done $0x0  }
0x26: {  	[sflag:s11] =	ssyncadd.s32 $0xFFFFF000  }
0x27: {  	[spmem:s18] =	stream.linear.scatter [tilespmem:s10], [sflag:$0x2], $0x1000, $0x38;
	[tilespmem:$0x1A800] =	vst v63  }
0x28: {  	_ =	swait.ge [sflag:s11], $0x1000  }
0x29: {  	[sflag:s11] =	ssyncset.done $0x0  }
0x2a: {  	s9 =	rddreg [dreg:$0x5];
	[sflag:s11] =	ssyncadd.s32 $0xFFFFF000  }
0x2b: {  	[spmem:s9] =	stream.linear.scatter [tilespmem:s10], [sflag:$0x2], $0x1000, $0x38;
	[tilespmem:$0x1A800] =	vst v63  }
0x2c: {  	_ =	swait.ge [sflag:s11], $0x1000  }
0x2d: {  	[sflag:s11] =	ssyncset.done $0x0  }
0x2e: {  	s16 =	rddreg [dreg:$0x6];
	[sflag:s11] =	ssyncadd.s32 $0xFFFFF000  }
0x2f: {  	[spmem:s16] =	stream.linear.scatter [tilespmem:s10], [sflag:$0x2], $0x1000, $0x38;
	[tilespmem:$0x1A800] =	vst v63  }
0x30: {  	_ =	swait.ge [sflag:s11], $0x1000  }
0x31: {  	[sflag:s11] =	ssyncset.done $0x0  }
0x32: {  	s17 =	rddreg [dreg:$0x7];
	[sflag:s11] =	ssyncadd.s32 $0xFFFFF000  }
0x33: {  	[spmem:s17] =	stream.linear.scatter [tilespmem:s10], [sflag:$0x2], $0x1000, $0x38;
	[tilespmem:$0x1A800] =	vst v63  }
0x34: {  	_ =	swait.ge [sflag:s11], $0x1000  }
0x35: {  	[sflag:s11] =	ssyncset.done $0x0  }
0x36: {  	s19 =	rddreg [dreg:$0x8];
	[sflag:s11] =	ssyncadd.s32 $0xFFFFF000  }
0x37: {  	[spmem:s19] =	stream.linear.scatter [tilespmem:s10], [sflag:$0x2], $0x1000, $0x38;
	[tilespmem:$0x1A800] =	vst v63  }
0x38: {  	_ =	swait.ge [sflag:s11], $0x1000  }
0x39: {  	[sflag:s11] =	ssyncset.done $0x0  }
0x3a: {  	s20 =	rddreg [dreg:$0x9];
	[sflag:s11] =	ssyncadd.s32 $0xFFFFF000  }
0x3b: {  	[spmem:s20] =	stream.linear.scatter [tilespmem:s10], [sflag:$0x2], $0x1000, $0x38;
	[tilespmem:$0x1A800] =	vst v63  }
0x3c: {  	_ =	swait.ge [sflag:s11], $0x1000  }
0x3d: {  	[sflag:s11] =	ssyncset.done $0x0  }
0x3e: {  	s16 =	rddreg [dreg:$0xa];
	[sflag:s11] =	ssyncadd.s32 $0xFFFFF000  }
0x3f: {  	[spmem:s16] =	stream.linear.scatter [tilespmem:s10], [sflag:$0x2], $0x1000, $0x38;
	[tilespmem:$0x1A800] =	vst v63  }
0x40: {  	_ =	swait.ge [sflag:s11], $0x1000  }
0x41: {  	[sflag:s11] =	ssyncset.done $0x0  }
0x42: {  	s17 =	rddreg [dreg:$0xb];
	[sflag:s11] =	ssyncadd.s32 $0xFFFFF000  }
0x43: {  	[spmem:s17] =	stream.linear.scatter [tilespmem:s10], [sflag:$0x2], $0x1000, $0x38;
	[tilespmem:$0x1A800] =	vst v63  }
0x44: {  	_ =	swait.ge [sflag:s11], $0x1000  }
0x45: {  	[sflag:s11] =	ssyncset.done $0x0  }
0x46: {  	s19 =	rddreg [dreg:$0xc];
	[sflag:s11] =	ssyncadd.s32 $0xFFFFF000  }
0x47: {  	[spmem:s19] =	stream.linear.scatter [tilespmem:s10], [sflag:$0x2], $0x1000, $0x38;
	[tilespmem:$0x1A800] =	vst v63  }
0x48: {  	_ =	swait.ge [sflag:s11], $0x1000  }
0x49: {  	[sflag:s11] =	ssyncset.done $0x0  }
0x4a: {  	s20 =	rddreg [dreg:$0xd];
	[sflag:s11] =	ssyncadd.s32 $0xFFFFF000  }
0x4b: {  	[spmem:s20] =	stream.linear.scatter [tilespmem:s10], [sflag:$0x2], $0x1000, $0x38;
	[tilespmem:$0x1A800] =	vst v63  }
0x4c: {  	_ =	swait.ge [sflag:s11], $0x1000  }
0x4d: {  	[sflag:s11] =	ssyncset.done $0x0  }
0x4e: {  	s16 =	rddreg [dreg:$0xe];
	[sflag:s11] =	ssyncadd.s32 $0xFFFFF000  }
0x4f: {  	[spmem:s16] =	stream.linear.scatter [tilespmem:s10], [sflag:$0x2], $0x1000, $0x38;
	[tilespmem:$0x1A800] =	vst v63  }
0x50: {  	_ =	swait.ge [sflag:s11], $0x1000  }
0x51: {  	[sflag:s11] =	ssyncset.done $0x0  }
0x52: {  	s17 =	rddreg [dreg:$0xf];
	[sflag:s11] =	ssyncadd.s32 $0xFFFFF000  }
0x53: {  	[spmem:s17] =	stream.linear.scatter [tilespmem:s10], [sflag:$0x2], $0x1000, $0x38;
	[tilespmem:$0x1A800] =	vst v63  }
0x54: {  	_ =	swait.ge [sflag:s11], $0x1000  }
0x55: {  	[sflag:s11] =	ssyncset.done $0x0  }
0x56: {  	[sflag:s11] =	ssyncadd.s32 $0xFFFFF000  }
0x57: {  	[spmem:s21] =	stream.linear.scatter [tilespmem:s10], [sflag:$0x2], $0x1000, $0x38;
	[tilespmem:$0x1A800] =	vst v63  }
0x58: {  	_ =	swait.ge [sflag:s11], $0x1000  }
0x59: {  	[sflag:s11] =	ssyncset.done $0x0  }
0x5a: {  	[sflag:s11] =	ssyncadd.s32 $0xFFFFF000  }
0x5b: {  	[spmem:s25] =	stream.linear.scatter [tilespmem:s10], [sflag:$0x2], $0x1000, $0x38;
	[tilespmem:$0x1A800] =	vst v63  }
0x5c: {  	_ =	swait.ge [sflag:s11], $0x1000  }
0x5d: {  	[sflag:s11] =	ssyncset.done $0x0  }
0x5e: {  	[sflag:s11] =	ssyncadd.s32 $0xFFFFF000  }
0x5f: {  	[spmem:s26] =	stream.linear.scatter [tilespmem:s10], [sflag:$0x2], $0x1000, $0x38;
	[tilespmem:$0x1A800] =	vst v63  }
0x60: {  	_ =	swait.ge [sflag:s11], $0x1000  }
0x61: {  	[sflag:s11] =	ssyncset.done $0x0  }
0x62: {  	[sflag:s11] =	ssyncadd.s32 $0xFFFFF000  }
0x63: {  	[spmem:s28] =	stream.linear.scatter [tilespmem:s10], [sflag:$0x2], $0x1000, $0x38;
	[tilespmem:$0x1A800] =	vst v63  }
0x64: {  	_ =	swait.ge [sflag:s11], $0x1000  }
0x65: {  	[sflag:s11] =	ssyncset.done $0x0  }
0x66: {  	[sflag:s11] =	ssyncadd.s32 $0xFFFFF000  }
0x67: {  	[spmem:s29] =	stream.linear.scatter [tilespmem:s10], [sflag:$0x2], $0x1000, $0x38;
	[tilespmem:$0x1A800] =	vst v63  }
0x68: {  	_ =	swait.ge [sflag:s11], $0x1000  }
0x69: {  	[sflag:s11] =	ssyncset.done $0x0  }
0x6a: {  	[sflag:s11] =	ssyncadd.s32 $0xFFFFF000  }
0x6b: {  	[spmem:s30] =	stream.linear.scatter [tilespmem:s10], [sflag:$0x2], $0x1000, $0x38;
	[tilespmem:$0x1A800] =	vst v63  }
0x6c: {  	_ =	swait.ge [sflag:s11], $0x1000  }
0x6d: {  	[sflag:s11] =	ssyncset.done $0x0  }
0x6e: {  	[sflag:s11] =	ssyncadd.s32 $0xFFFFF000  }
0x6f: {  	[spmem:s31] =	stream.linear.scatter [tilespmem:s10], [sflag:$0x2], $0x1000, $0x38;
	[tilespmem:$0x1A800] =	vst v63  }
0x70: {  	_ =	swait.ge [sflag:s11], $0x1000  }
0x71: {  	[sflag:s11] =	ssyncset.done $0x0  }
0x72: {  	[sflag:s11] =	ssyncadd.s32 $0xFFFFF000  }
0x73: {  	[spmem:s0] =	stream.linear.scatter [tilespmem:s10], [sflag:$0x2], $0x1000, $0x38;
	[tilespmem:$0x1A800] =	vst v63  }
0x74: {  	_ =	swait.ge [sflag:s11], $0x1000  }
0x75: {  	[sflag:s11] =	ssyncset.done $0x0  }
0x76: {  	[sflag:s11] =	ssyncadd.s32 $0xFFFFF000  }
0x77: {  	[spmem:s1] =	stream.linear.scatter [tilespmem:s10], [sflag:$0x2], $0x1000, $0x38;
	[tilespmem:$0x1A800] =	vst v63  }
0x78: {  	_ =	swait.ge [sflag:s11], $0x1000  }
0x79: {  	[sflag:s11] =	ssyncset.done $0x0  }
0x7a: {  	[sflag:s11] =	ssyncadd.s32 $0xFFFFF000  }
0x7b: {  	[spmem:s7] =	stream.linear.scatter [tilespmem:s10], [sflag:$0x2], $0x1000, $0x38;
	[tilespmem:$0x1A800] =	vst v63  }
0x7c: {  	_ =	swait.ge [sflag:s11], $0x1000  }
0x7d: {  	[sflag:s11] =	ssyncset.done $0x0  }
0x7e: {  	[sflag:s11] =	ssyncadd.s32 $0xFFFFF000  }
0x7f: {  	[spmem:s8] =	stream.linear.scatter [tilespmem:s10], [sflag:$0x2], $0x1000, $0x38;
	[tilespmem:$0x1A800] =	vst v63  }
0x80: {  	_ =	swait.ge [sflag:s11], $0x1000  }
0x81: {  	[sflag:s11] =	ssyncset.done $0x0  }
0x82: {  	[sflag:s11] =	ssyncadd.s32 $0xFFFFF000  }
0x83: {  	[spmem:s6] =	stream.linear.scatter [tilespmem:s10], [sflag:$0x2], $0x700, $0x38;
	[tilespmem:$0x1A800] =	vst v63  }
0x84: {  	_ =	swait.ge [sflag:s11], $0x700  }
0x85: {  	[sflag:s11] =	ssyncset.done $0x0  }
0x86: {  	[sflag:s11] =	ssyncadd.s32 $0xFFFFF900  }
0x87: {  	s19 =	sadd.s32 $0x0, s24;
	[bflag:$0x0] =	sbarrier.arrive $0xFFFF  }
0x88: {  	[tilespmem:s3], [sflag:$0x2] =	stream.linear.gather [hbm4b:s19+s3], $0x80, $0x38;
	[tilespmem:$0x1A800] =	vst v63  }
0x89: {  	_ =	swait.ge [sflag:s11], $0x80  }
0x8a: {  	[sflag:s11] =	ssyncset.done $0x0  }
0x8b: {  	s20 =	sadd.s32 $0x0, s23;
	[sflag:s11] =	ssyncadd.s32 $0xFFFFFF80  }
0x8c: {  	[tilespmem:s12], [sflag:$0x2] =	stream.linear.gather [hbm4b:s20+s3], $0x80, $0x38;
	[tilespmem:$0x1A800] =	vst v63  }
0x8d: {  	_ =	swait.ge [sflag:s11], $0x80  }
0x8e: {  	[sflag:s11] =	ssyncset.done $0x0  }
0x8f: {  	[sflag:s11] =	ssyncadd.s32 $0xFFFFFF80  }
0x90: {  	v2 =	vld [tilespmem:$0x70]  }
0x91: {  	v3 =	vld [tilespmem:$0x30]  }
0x92: {  	v6 =	vld [tilespmem:$0x20]  }
0x93: {  	v4 =	vld [tilespmem:$0x50]  }
0x94: {  	v5 =	vld [tilespmem:$0x60]  }
0x95: {  	v7 =	vld [tilespmem:$0x10];
	v2 =	vadd.s32 v0, v2  }
0x96: {  	v8 =	vld [tilespmem:$0x40];
	v3 =	vadd.s32 v0, v3;
	[tilespmem:$0x70] =	vst v2  }
0x97: {  	v63 =	vadd.s32 v0, v6;
	v2 =	vld [tilespmem:$0x0];
	[tilespmem:$0x30] =	vst v3  }
0x98: {  	v3 =	vadd.s32 v0, v4;
	[tilespmem:$0x20] =	vst v63  }
0x99: {  	[tilespmem:$0x50] =	vst v3;
	v3 =	vadd.s32 v0, v5  }
0x9a: {  	[tilespmem:$0x60] =	vst v3;
	v3 =	vadd.s32 v0, v7  }
0x9b: {  	[tilespmem:$0x10] =	vst v3;
	v3 =	vadd.s32 v0, v8  }
0x9c: {  	[tilespmem:$0x40] =	vst v3;
	v2 =	vadd.s32 v0, v2  }
0x9d: {  	s16 =	simm.s32 $0x10;
	[tilespmem:$0x0] =	vst v2  }
.LBB2_4:
0x9e: {  	[tilespmem:s13], [sflag:$0x1] =	stream.indirect.gather [hbm4b:s4+s12], $0x20, s3, s12, $0xb8;
	[tilespmem:$0x1A800] =	vst v63  }
0x9f: {  	s9 =	smov.u32 s16  }
0xa0: {  	p0 =	sne.s32 s16, $0x1860;
	s16 =	sadd.s32 $0x10, s16;
	_ =	swait.ge [sflag:s14], $0x1000  }
0xa1: {  	[sflag:s14] =	ssyncset.done $0x0  }
0xa2: {  	[sflag:s14] =	ssyncadd.s32 $0xFFFFF000  }
0xa3: {  	[spmem:s2] =	stream.indirect.scatter.add.f32 [tilespmem:s13], [sflag:$0x2], $0x20, s12, s12, $0xb8;
	[tilespmem:$0x1A800] =	vst v63  }
0xa4: {  	_ =	swait.ge [sflag:s11], $0x1000  }
0xa5: {  	[sflag:s11] =	ssyncset.done $0x0  }
0xa6: {  	s17 =	sadd.s32 s9, s24;
	[sflag:s11] =	ssyncadd.s32 $0xFFFFF000  }
0xa7: {  	[tilespmem:s3], [sflag:$0x2] =	stream.linear.gather [hbm4b:s17+s3], $0x80, $0x38;
	[tilespmem:$0x1A800] =	vst v63  }
0xa8: {  	_ =	swait.ge [sflag:s11], $0x80  }
0xa9: {  	[sflag:s11] =	ssyncset.done $0x0  }
0xaa: {  	s9 =	sadd.s32 s9, s23;
	[sflag:s11] =	ssyncadd.s32 $0xFFFFFF80  }
0xab: {  	[tilespmem:s12], [sflag:$0x2] =	stream.linear.gather [hbm4b:s9+s3], $0x80, $0x38;
	[tilespmem:$0x1A800] =	vst v63  }
0xac: {  	_ =	swait.ge [sflag:s11], $0x80  }
0xad: {  	[sflag:s11] =	ssyncset.done $0x0  }
0xae: {  	[sflag:s11] =	ssyncadd.s32 $0xFFFFFF80  }
0xaf: {  	v2 =	vld [tilespmem:$0x70]  }
0xb0: {  	v3 =	vld [tilespmem:$0x30]  }
0xb1: {  	v4 =	vld [tilespmem:$0x50]  }
0xb2: {  	v5 =	vld [tilespmem:$0x60]  }
0xb3: {  	v6 =	vld [tilespmem:$0x20]  }
0xb4: {  	v7 =	vld [tilespmem:$0x10];
	v2 =	vadd.s32 v0, v2  }
0xb5: {  	v3 =	vadd.s32 v0, v3;
	v8 =	vld [tilespmem:$0x40];
	[tilespmem:$0x70] =	vst v2  }
0xb6: {  	v2 =	vld [tilespmem:$0x0];
	[tilespmem:$0x30] =	vst v3;
	v3 =	vadd.s32 v0, v4  }
0xb7: {  	[tilespmem:$0x50] =	vst v3;
	v3 =	vadd.s32 v0, v5  }
.Ltmp1:
0xb8: {  	v4 =	vadd.s32 v0, v6;
	[tilespmem:$0x60] =	vst v3;
	(pc) =	sbr.rel @p0 .LBB2_4-.Ltmp1, $4  }
0xb9: {  	v3 =	vadd.s32 v0, v7;
	[tilespmem:$0x20] =	vst v4  }
0xba: {  	[tilespmem:$0x10] =	vst v3;
	v3 =	vadd.s32 v0, v8  }
0xbb: {  	v2 =	vadd.s32 v0, v2;
	[tilespmem:$0x40] =	vst v3  }
0xbc: {  	[tilespmem:$0x0] =	vst v2  }
0xbd: {  	[tilespmem:s13], [sflag:$0x1] =	stream.indirect.gather [hbm4b:s4+s12], $0x20, s3, s12, $0xb8;
	[tilespmem:$0x1A800] =	vst v63  }
0xbe: {  	_ =	swait.ge [sflag:s14], $0x1000  }
0xbf: {  	[sflag:s14] =	ssyncset.done $0x0  }
0xc0: {  	[sflag:s14] =	ssyncadd.s32 $0xFFFFF000  }
0xc1: {  	[spmem:s2] =	stream.indirect.scatter.add.f32 [tilespmem:s13], [sflag:$0x2], $0x20, s12, s12, $0xb8;
	[tilespmem:$0x1A800] =	vst v63  }
0xc2: {  	_ =	swait.ge [sflag:s11], $0x1000  }
0xc3: {  	s9 =	stileid.u32;
	[sflag:s11] =	ssyncset.done $0x0  }
0xc4: {  	s17 =	sadd.s32 $0x0, s22;
	s9 =	sshll.u32 s9, $0x6;
	[sflag:s11] =	ssyncadd.s32 $0xFFFFF000  }
0xc5: {  	s20 =	sshrl.u32 s5, $0x3;
	s16 =	sor.u32 $0x1C02, s9;
	[bflag:$0x0] =	sbarrier.arrive $0xFFFF  }
0xc6: {  	[hbm:s17], [sflag:s16] =	dma.local [spmem:s20], $0x200  }
0xc7: {  	s9 =	smov.u32 s18;
	s17 =	simm.s32 $0x200;
	_ =	swait.ge [sflag:s11], $0x200  }
.LBB2_6:
0xc8: {  	s19 =	sadd.s32 s17, s22;
	[sflag:s11] =	ssyncset.done $0x0;
	p0 =	sne.s32 s17, $0x2E00  }
.Ltmp2:
0xc9: {  	s20 =	sshrl.u32 s9, $0x3;
	[sflag:s11] =	ssyncadd.s32 $0xFFFFFE00;
	(pc) =	sbr.rel @p0 .LBB2_6-.Ltmp2, $3  }
0xca: {  	[hbm:s19], [sflag:s16] =	dma.local [spmem:s20], $0x200  }
0xcb: {  	s17 =	sadd.s32 $0x200, s17;
	_ =	sdelay $0x1  }
0xcc: {  	s9 =	sadd.s32 $0x1000, s9;
	_ =	swait.ge [sflag:s11], $0x200  }
0xcd: {  	[sflag:s11] =	ssyncset.done $0x0  }
0xce: {  	s9 =	sshrl.u32 s6, $0x3;
	s17 =	rddreg [dreg:$0x3];
	[sflag:s11] =	ssyncadd.s32 $0xFFFFFE00  }
0xcf: {  	[hbm:s17], [sflag:s16] =	dma.local [spmem:s9], $0xE0  }
0xd0: {  	_ =	swait.ge [sflag:s11], $0xE0  }
0xd1: {  	s15 =	sadd.s32 $0x1, s15;
	s20 =	rddreg [dreg:$0x4]  }
0xd2: {  	p0 =	sne.s32 s15, s20  }
.Ltmp3:
0xd3: {  	_ = 	snop;
	(pc) =	sbr.rel @p0 .LBB2_1-.Ltmp3, $3  }
0xd4: {  	_ =	sdelay $0x1  }
0xd5: {  	[sflag:s11] =	ssyncset.done $0x0  }
0xd6: {  	[sflag:s11] =	ssyncadd.s32 $0xFFFFFF20  }
0xd7: {  	_ =	sfence.sel $0x180000  }
0xd8: {  	[bflag:$0x0] =	sbarrier.arrive $0xFFFF  }
0xd9: {  	_ =	strace $0x90000050  }
0xda: {  	s0 =	stileid.u32;
	[bflag:$0x2] =	sbarrier.arrive $0xFFFF  }
0xdb: {  	p0 =	sne.s32 s0, $0x0;
	s0 =	rddreg [dreg:$0x2]  }
0xdc: {  	s0 =	sadd.s32 @!p0 $0x100000, s0  }
0xdd: {  	[sflag:s0] =	ssyncadd.tile.s32 @!p0 $0x1;
	_ =	shalt  }
.Lfunc_end2:
_tile_overlayer_lowered:
.L_overlay_start_2:
0xde: {  	(tag) =	ssettag $0x2  }
0xdf: {  	s0 =	rddreg [dreg:$0x0];
	s2 =	stileid.u32  }
0xe0: {  	s1 =	rddreg [dreg:$0x1];
	p0 =	sne.s32 s2, $0x0  }
0xe1: {  	s3 =	rddreg [dreg:$0x2];
	[bflag:$0x3] =	sbarrier.arrive $0xFFFF;
	s2 =	simm.s32 @!p0 $0x1C02  }
0xe2: {  	[timem:s3], [sflag:s2] =	dma.local @!p0 [hbm:s0], s1  }
0xe3: {  	s0 =	simm.s32 @!p0 $0x2  }
0xe4: {  	_ =	swait.ge @!p0 [sflag:s0], s1  }
0xe5: {  	s1 =	ssub.s32 @!p0 $0x0, s1;
	[sflag:s0] =	ssyncset.done @!p0 $0x0  }
0xe6: {  	[sflag:s0] =	ssyncadd.s32 @!p0 s1  }
0xe7: {  	[bflag:$0x3] =	sbarrier.arrive $0xFFFF  }
0xe8: {  	_ =	shalt  }

// kernel: kernel.30.cloned.1.call-start
scs
__scs_entry_jumppad:
0x0: {  	(pc) =	sbr.rel $0x88, $3  }
0x1: {  	(tag) =	ssettag $0x0;
	lr =	simm.s32 $0x1  }
0x2: {  	[smem:$0x3F91] =	sst lr;
	_ =	strace $0xD0000000  }
0x3: {  	_ = 	snop  }
0x4: {  	_ = 	snop  }
0x5: {  	_ = 	snop  }
0x6: {  	_ = 	snop  }
0x7: {  	_ = 	snop  }
__scs_overlays_trampoline_lowered:
0x8: {  	[smem:$0x3FA0] =	sst s0  }
0x9: {  	[smem:$0x3FA1] =	sst s1  }
0xa: {  	[smem:$0x3FA2] =	sst s2  }
0xb: {  	[smem:$0x3FA3] =	sst s3  }
0xc: {  	[smem:$0x3FA4] =	sst s4  }
0xd: {  	[smem:$0x3FA5] =	sst s5  }
0xe: {  	[smem:$0x3FA6] =	sst s6  }
0xf: {  	[smem:$0x3FA7] =	sst s7  }
0x10: {  	[smem:$0x3FA8] =	sst s8  }
0x11: {  	[smem:$0x3FA9] =	sst s9;
	s0 =	simm.s32 @!p0 $0x0  }
0x12: {  	s1 =	sld [smem:$0x3F8F];
	s0 =	simm.s32 @p0 $0x1  }
0x13: {  	[smem:$0x3FAA] =	sst s0;
	s0 =	simm.s32 @!p1 $0x0  }
0x14: {  	s2 =	sld [smem:$0x3F8E];
	s0 =	simm.s32 @p1 $0x1  }
0x15: {  	[smem:$0x3FAB] =	sst s0;
	s0 =	simm.s32 @!p2 $0x0  }
0x16: {  	s3 =	sld [smem:$0x3FDB];
	s0 =	simm.s32 @p2 $0x1  }
0x17: {  	s4 =	simm.s32 $0x1BF5;
	[smem:$0x3FAD] =	sst s0  }
0x18: {  	s0 =	sld [smem:$0x3F90];
	_ =	swait.ge [sflag:s4], $0x0  }
0x19: {  	s7 =	sld [smem:$0x3F91]  }
0x1a: {  	s8 =	sadd.s32 $0xFFFFE003, lr  }
0x1b: {  	s9 =	sadd.s32 $0xFFFFFEF7, lr;
	s5 =	simm.s32 $0xFFFFFFFF;
	p2 =	slt.u32 s8, $0xFFFFF086  }
0x1c: {  	p1 =	slt.u32 s9, $0xF7A;
	s5 =	simm.s32 @!p2 $0x0  }
0x1d: {  	s5 =	simm.s32 @p1 $0x1;
	p0 =	seq.s32 s7, s2  }
0x1e: {  	s7 =	smul.u32 @!p0 $0xF7A, s2;
	p2 =	seq.s32 @!p0 s5, $0x0  }
0x1f: {  	s9 =	smul.u32 $0xF7A, s1;
	s8 =	simm.s32 @!p0 $0x1BF5;
	p2 =	por !p2, p0  }
0x20: {  	[sflag:s8] =	ssyncset.s32 @!p0 $0xFFFFF086;
	s6 =	sadd.s32 @!p0 s3, s7;
	s7 =	simm.s32 @!p0 $0x108  }
0x21: {  	s3 =	sadd.s32 s3, s9;
	s6 =	sadd.s32 @!p0 $0x88, s6;
	s7 =	simm.s32 @p2 $0x1082  }
0x22: {  	[simem:s7], [sflag:s8] =	dma.local @!p0 [hbm:s6], $0xF7A  }
0x23: {  	s9 =	sor.u32 $0xD0000000, s2;
	s6 =	simm.s32 $0x108;
	_ =	swait.ge @!p0 [sflag:s8], $0x0  }
0x24: {  	s3 =	sadd.s32 $0x88, s3;
	s6 =	simm.s32 @!p1 $0x1082;
	[sflag:s4] =	ssyncset.s32 $0xFFFFF086  }
0x25: {  	[simem:s6], [sflag:s4] =	dma.local [hbm:s3], $0xF7A  }
0x26: {  	[smem:$0x3F91] =	sst s1;
	(tag) =	ssettag s2;
	_ =	strace s9  }
0x27: {  	s1 =	sld [smem:$0x3FA1]  }
0x28: {  	s2 =	sld [smem:$0x3FA2]  }
0x29: {  	s4 =	sld [smem:$0x3FA4]  }
0x2a: {  	p0 =	seq.s32 s5, $0x0;
	s5 =	sld [smem:$0x3FA5]  }
0x2b: {  	s6 =	sld [smem:$0x3FA6]  }
0x2c: {  	s7 =	sld [smem:$0x3FA7]  }
0x2d: {  	s3 =	simm.s32 $0x108;
	s8 =	sld [smem:$0x3FA8]  }
0x2e: {  	s3 =	simm.s32 @!p0 $0x1082;
	s9 =	sld [smem:$0x3FA9]  }
0x2f: {  	lr =	sadd.s32 s0, s3;
	s0 =	sld [smem:$0x3FA0]  }
0x30: {  	s3 =	sld [smem:$0x3FA3]  }
0x31: {  	[smem:$0x3FAC] =	sst s10  }
0x32: {  	s10 =	sld [smem:$0x3FAA];
	_ =	sdelay $0x3  }
0x33: {  	p0 =	seq.s32 s10, $0x1;
	s10 =	sld [smem:$0x3FAC];
	_ =	sdelay $0x3  }
0x34: {  	[smem:$0x3FAC] =	sst s10  }
0x35: {  	s10 =	sld [smem:$0x3FAB];
	_ =	sdelay $0x3  }
0x36: {  	p1 =	seq.s32 s10, $0x1;
	s10 =	sld [smem:$0x3FAC];
	_ =	sdelay $0x3  }
0x37: {  	[smem:$0x3FAC] =	sst s10  }
0x38: {  	s10 =	sld [smem:$0x3FAD]  }
0x39: {  	_ = 	snop;
	(pc) =	sbr.ind lr, $3  }
0x3a: {  	_ = 	snop  }
0x3b: {  	_ = 	snop  }
0x3c: {  	p2 =	seq.s32 s10, $0x1;
	s10 =	sld [smem:$0x3FAC]  }
0x3d: {  	_ =	shalt  }
0x3e: {  	_ =	shalt  }
0x3f: {  	_ =	shalt  }
0x40: {  	_ =	shalt  }
0x41: {  	_ =	shalt  }
0x42: {  	_ =	shalt  }
0x43: {  	_ =	shalt  }
0x44: {  	_ =	shalt  }
0x45: {  	_ =	shalt  }
0x46: {  	_ =	shalt  }
0x47: {  	_ =	shalt  }
0x48: {  	_ =	shalt  }
0x49: {  	_ =	shalt  }
0x4a: {  	_ =	shalt  }
0x4b: {  	_ =	shalt  }
0x4c: {  	_ =	shalt  }
0x4d: {  	_ =	shalt  }
0x4e: {  	_ =	shalt  }
0x4f: {  	_ =	shalt  }
0x50: {  	_ =	shalt  }
0x51: {  	_ =	shalt  }
0x52: {  	_ =	shalt  }
0x53: {  	_ =	shalt  }
0x54: {  	_ =	shalt  }
0x55: {  	_ =	shalt  }
0x56: {  	_ =	shalt  }
0x57: {  	_ =	shalt  }
0x58: {  	_ =	shalt  }
0x59: {  	_ =	shalt  }
0x5a: {  	_ =	shalt  }
0x5b: {  	_ =	shalt  }
0x5c: {  	_ =	shalt  }
0x5d: {  	_ =	shalt  }
0x5e: {  	_ =	shalt  }
0x5f: {  	_ =	shalt  }
0x60: {  	_ =	shalt  }
0x61: {  	_ =	shalt  }
0x62: {  	_ =	shalt  }
0x63: {  	_ =	shalt  }
0x64: {  	_ =	shalt  }
0x65: {  	_ =	shalt  }
0x66: {  	_ =	shalt  }
0x67: {  	_ =	shalt  }
0x68: {  	_ =	shalt  }
0x69: {  	_ =	shalt  }
0x6a: {  	_ =	shalt  }
0x6b: {  	_ =	shalt  }
0x6c: {  	_ =	shalt  }
0x6d: {  	_ =	shalt  }
0x6e: {  	_ =	shalt  }
0x6f: {  	_ =	shalt  }
0x70: {  	_ =	shalt  }
0x71: {  	_ =	shalt  }
0x72: {  	_ =	shalt  }
0x73: {  	_ =	shalt  }
0x74: {  	_ =	shalt  }
0x75: {  	_ =	shalt  }
0x76: {  	_ =	shalt  }
0x77: {  	_ =	shalt  }
0x78: {  	_ =	shalt  }
0x79: {  	_ =	shalt  }
0x7a: {  	_ =	shalt  }
0x7b: {  	_ =	shalt  }
0x7c: {  	_ =	shalt  }
0x7d: {  	_ =	shalt  }
0x7e: {  	_ =	shalt  }
0x7f: {  	_ =	shalt  }
0x80: {  	_ =	shalt  }
0x81: {  	_ =	shalt  }
0x82: {  	_ =	shalt  }
0x83: {  	_ =	shalt  }
0x84: {  	_ =	shalt  }
0x85: {  	_ =	shalt  }
0x86: {  	_ =	shalt  }
0x87: {  	_ =	shalt  }
.Lfunc_end0:
.L_simem_size_0:
called_computation.4_lowered:
.L_overlay_start_0:
0x88: {  	s2 =	sld [smem:$0x3FD9]  }
0x89: {  	s3 =	sld [smem:$0x3FFE];
	_ =	sdelay $0x1  }
0x8a: {  	s1 =	srdreg.scid  }
0x8b: {  	s0 =	sand.u32 $0x1, s1  }
0x8c: {  	s16 =	sshll.u32 s0, $0xA;
	s2 =	sadd.s32 s3, s2  }
0x8d: {  	s2 =	sadd.s32 s2, s16  }
0x8e: {  	[smem:$0x3FB8] =	sst s2  }
0x8f: {  	_ = 	snop  }
0x90: {  	(tm) =	ssettm $0x1  }
0x91: {  	s17 =	sld [smem:$0x3FFB];
	_ =	sdelay $0x3  }
0x92: {  	_ =	strace s17  }
0x93: {  	s2 =	sld [smem:$0x3FFC];
	_ =	sdelay $0x3  }
0x94: {  	_ =	strace s2  }
0x95: {  	s2 =	sld [smem:$0x3FFD];
	_ =	sdelay $0x3  }
0x96: {  	_ =	strace s2  }
0x97: {  	_ =	strace $0x8FFFFFFF  }
0x98: {  	s18 =	sld [smem:$0x3FDB];
	_ =	sdelay $0x1  }
0x99: {  	s19 =	simm.s32 $_scs_section_size  }
0x9a: {  	s4 =	simm.s32 $_size__tile_overlayer_lowered;
	s5 =	simm.s32 $_tile_overlayer_lowered  }
0x9b: {  	s22 =	simm.s32 $0x1BFF;
	s21 =	sshll.u32 s5, $0x1;
	s2 =	sadd.s32 s19, s18  }
0x9c: {  	s6 =	simm.s32 $0x0;
	s20 =	sshll.u32 s4, $0x1;
	s4 =	sadd.s32 s21, s2  }
0x9d: {  	[timem:s6], [sflag:s22] =	dma.local [hbm:s4], s20  }
0x9e: {  	_ =	swait.ge [sflag:s22], s20  }
0x9f: {  	s3 =	ssub.s32 $0x0, s20;
	[sflag:s22] =	ssyncset.done $0x0  }
0xa0: {  	[sflag:s22] =	ssyncadd.s32 s3;
	_ =	sdelay $0x1  }
0xa1: {  	s23 =	simm.s32 $0x1B8B  }
0xa2: {  	_ =	swait.ge [sflag:s23], $0x1  }
0xa3: {  	[sflag:s23] =	ssyncset.done $0x0  }
0xa4: {  	s25 =	simm.s32 $0x1B8E;
	s24 =	sld [smem:$0x3FFE];
	[sflag:s23] =	ssyncadd.s32 $0xFFFFFFFF  }
0xa5: {  	s26 =	simm.s32 $execute0_lowered;
	[smem:$0x3FD2] =	sst s25  }
0xa6: {  	s4 =	sshll.u32 s26, $0x1;
	_ =	strace $0x80000052;
	[dreg:$0x1] =	wrdreg $0xFFFFFFFF  }
0xa7: {  	s28 =	simm.s32 $_size_execute0_lowered;
	s2 =	sadd.s32 s2, s4;
	[dreg:$0x0] =	wrdreg $0x0  }
0xa8: {  	s4 =	sshll.u32 s28, $0x1;
	[dreg:$0x2] =	wrdreg s2  }
0xa9: {  	[dreg:$0x3] =	wrdreg s4  }
0xaa: {  	[dreg:$0x4] =	wrdreg $0xC0  }
0xab: {  	_ =	task [dreg:s6], $0x5FFFF  }
0xac: {  	[dreg:$0x1] =	wrdreg $0xFFFFFFFF  }
0xad: {  	[dreg:$0x0] =	wrdreg $0x60  }
0xae: {  	[dreg:$0x2] =	wrdreg s24  }
0xaf: {  	[dreg:$0x3] =	wrdreg $0x21000  }
0xb0: {  	[dreg:$0x4] =	wrdreg $0x9  }
0xb1: {  	_ =	task.clear_ibuf [dreg:s6], $0x5FFFF;
	_ =	strace $0x90000052  }
0xb2: {  	s29 =	simm.s32 $0x9;
	_ =	strace $0x80000054  }
0xb3: {  	_ =	swait.ge [sflag:s29], $0x1  }
0xb4: {  	[sflag:s29] =	ssyncadd.s32 $0xFFFFFFFF  }
0xb5: {  	_ =	strace $0x90000054  }
0xb6: {  	_ =	sfence  }
0xb7: {  	s30 =	sld [smem:$0x0];
	_ =	sdelay $0x2  }
0xb8: {  	s31 =	sshll.u32 s1, $0xD;
	s1 =	sshrl.u32 s1, $0x2  }
0xb9: {  	s3 =	sand.u32 $0x4000, s31;
	s1 =	sadd.s32 s1, s30  }
0xba: {  	s0 =	sor.u32 s3, s0;
	s1 =	sshll.u32 s1, $0x11  }
0xbb: {  	s0 =	sor.u32 s1, s0  }
0xbc: {  	s0 =	sadd.s32 $0x8F2B, s0  }
0xbd: {  	[sflag:s0] =	ssyncadd.remote.s32 $0x1  }
0xbe: {  	_ =	sfence.sel $0xFFFF  }
0xbf: {  	[dreg:$0x0] =	wrdreg $0xFFFFFFFF;
	(pc) =	sbr.abs _section_cstart, $3  }
0xc0: {  	[dreg:$0x1] =	wrdreg $0xFFFFFFFF  }
0xc1: {  	_ =	task.clear_ibuf [dreg:s6], $0x2FFFF;
	_ =	strace $0x9FFFFFFF  }
0xc2: {  	(tm) =	ssettm $0x7FFFFFFF  }
0xc3: {  	_ =	shalt  }
tec
execute0_lowered:
.L_overlay_start_1:
0x0: {  	(tag) =	ssettag $0x1  }
0x1: {  	s11 =	stileid.u32  }
0x2: {  	s0 =	rddreg [dreg:$0x0];
	s1 =	smul.u32 $0x9D0, s11  }
0x3: {  	s2 =	rddreg [dreg:$0x1];
	s5 =	smul.u32 $0xC38, s11  }
0x4: {  	s4 =	srdreg.scid;
	s8 =	smul.u32 $0x61C00, s11  }
0x5: {  	s3 =	simm.s32 $0x0;
	s7 =	sand.u32 $0x1, s4;
	s23 =	smul.u32 $0x30E0, s11  }
0x6: {  	[smem:$0x7FF] =	sst s3;
	s6 =	smul.u32 $0xC380, s7  }
0x7: {  	s4 =	sadd.s32 $0x1C800, s0;
	s11 =	simm.s32 $0x2;
	s13 =	smul.u32 $0x2710, s7  }
0x8: {  	_ =	strace $0x80000053;
	s9 =	ssub.s32 $0x2, s7;
	s7 =	smul.u32 $0x30E00, s7  }
0x9: {  	s1 =	sadd.s32 s1, s0;
	s0 =	sadd.s32 $0x5AB400, s0;
	s26 =	sshrl.u32 s9, $0x1  }
0xa: {  	s8 =	sshrl.u32 s8, $0x2;
	s5 =	sadd.s32 s5, s6;
	s9 =	ssub.s32 s9, s26  }
0xb: {  	s10 =	sshll.u32 s5, $0x2;
	s5 =	sadd.s32 s8, s2;
	s12 =	smax.u32 s9, $0x1  }
0xc: {  	v0 =	vmov s13;
	s13 =	simm.s32 $0x100;
	[dreg:$0x4] =	wrdreg s12;
	s14 =	sadd.s32 $0x2000, s5  }
0xd: {  	s10 =	sadd.s32 s10, s0;
	s15 =	sadd.s32 $0x3000, s5;
	[dreg:$0x5] =	wrdreg s14  }
0xe: {  	s6 =	sadd.s32 $0x18000, s5;
	s16 =	sadd.s32 $0x4000, s5;
	[dreg:$0x6] =	wrdreg s15  }
0xf: {  	s18 =	sadd.s32 $0x1000, s5;
	s17 =	sadd.s32 $0x5000, s5;
	[dreg:$0x7] =	wrdreg s16  }
0x10: {  	s19 =	sadd.s32 $0x6000, s5;
	s20 =	sadd.s32 $0x7000, s5;
	[dreg:$0x8] =	wrdreg s17  }
0x11: {  	s21 =	sadd.s32 $0x8000, s5;
	s22 =	sadd.s32 $0x9000, s5;
	[dreg:$0x9] =	wrdreg s19  }
0x12: {  	s24 =	sadd.s32 $0xA000, s5;
	s25 =	sadd.s32 $0xB000, s5;
	[dreg:$0xa] =	wrdreg s20  }
0x13: {  	s0 =	sadd.s32 s7, s0;
	s26 =	sadd.s32 $0xC000, s5;
	[dreg:$0xb] =	wrdreg s21  }
0x14: {  	s28 =	sadd.s32 $0x10000, s5;
	s29 =	sadd.s32 $0x11000, s5;
	[dreg:$0xc] =	wrdreg s22  }
0x15: {  	s30 =	sadd.s32 $0x12000, s5;
	s31 =	sadd.s32 $0x13000, s5;
	[dreg:$0xd] =	wrdreg s24  }
0x16: {  	s7 =	sadd.s32 $0x16000, s5;
	s12 =	simm.s32 $0x80;
	[dreg:$0xe] =	wrdreg s25  }
0x17: {  	s8 =	sadd.s32 $0x3000, s10;
	[dreg:$0xf] =	wrdreg s26;
	s21 =	sadd.s32 $0xD000, s5  }
0x18: {  	s22 =	sadd.s32 s23, s0;
	s23 =	sadd.s32 $0x52A00, s1;
	s24 =	sadd.s32 $0x48C00, s1  }
0x19: {  	s25 =	sadd.s32 $0xE000, s5;
	s26 =	sadd.s32 $0xF000, s5;
	s0 =	sadd.s32 $0x14000, s5  }
0x1a: {  	s1 =	sadd.s32 $0x15000, s5;
	s10 =	simm.s32 $0x1100;
	s14 =	simm.s32 $0x1  }
0x1b: {  	v1 =	vimm.f32 $0.0e+00;
	s15 =	simm.s32 $0x0;
	[dreg:$0x3] =	wrdreg s8;
	s8 =	sadd.s32 $0x17000, s5  }
.LBB2_1:
0x1c: {  	s9 =	simm.s32 $0x80;
	s16 =	simm.s32 $0x0  }
.LBB2_2:
0x1d: {  	p0 =	sne.s32 s9, $0x3F80;
	[tilespmem:s16+$0x1100] =	vst v1;
	s17 =	smov.u32 s9;
	s9 =	sadd.s32 $0x80, s9  }
.Ltmp0:
0x1e: {  	[tilespmem:s16+$0x1110] =	vst v1;
	(pc) =	sbr.rel @p0 .LBB2_2-.Ltmp0, $2  }
0x1f: {  	_ =	sdelay $0x2  }
0x20: {  	s16 =	sshra.s32 s17, $0x2  }
0x21: {  	[tilespmem:s16+$0x1100] =	vst v1  }
0x22: {  	[tilespmem:s16+$0x1110] =	vst v1  }
0x23: {  	[spmem:s5] =	stream.linear.scatter [tilespmem:s10], [sflag:$0x2], $0x1000, $0x38;
	[tilespmem:$0x1A800] =	vst v63  }
0x24: {  	_ =	swait.ge [sflag:s11], $0x1000  }
0x25: {  	[sflag:s11] =	ssyncset.done $0x0  }
0x26: {  	[sflag:s11] =	ssyncadd.s32 $0xFFFFF000  }
0x27: {  	[spmem:s18] =	stream.linear.scatter [tilespmem:s10], [sflag:$0x2], $0x1000, $0x38;
	[tilespmem:$0x1A800] =	vst v63  }
0x28: {  	_ =	swait.ge [sflag:s11], $0x1000  }
0x29: {  	[sflag:s11] =	ssyncset.done $0x0  }
0x2a: {  	s9 =	rddreg [dreg:$0x5];
	[sflag:s11] =	ssyncadd.s32 $0xFFFFF000  }
0x2b: {  	[spmem:s9] =	stream.linear.scatter [tilespmem:s10], [sflag:$0x2], $0x1000, $0x38;
	[tilespmem:$0x1A800] =	vst v63  }
0x2c: {  	_ =	swait.ge [sflag:s11], $0x1000  }
0x2d: {  	[sflag:s11] =	ssyncset.done $0x0  }
0x2e: {  	s16 =	rddreg [dreg:$0x6];
	[sflag:s11] =	ssyncadd.s32 $0xFFFFF000  }
0x2f: {  	[spmem:s16] =	stream.linear.scatter [tilespmem:s10], [sflag:$0x2], $0x1000, $0x38;
	[tilespmem:$0x1A800] =	vst v63  }
0x30: {  	_ =	swait.ge [sflag:s11], $0x1000  }
0x31: {  	[sflag:s11] =	ssyncset.done $0x0  }
0x32: {  	s17 =	rddreg [dreg:$0x7];
	[sflag:s11] =	ssyncadd.s32 $0xFFFFF000  }
0x33: {  	[spmem:s17] =	stream.linear.scatter [tilespmem:s10], [sflag:$0x2], $0x1000, $0x38;
	[tilespmem:$0x1A800] =	vst v63  }
0x34: {  	_ =	swait.ge [sflag:s11], $0x1000  }
0x35: {  	[sflag:s11] =	ssyncset.done $0x0  }
0x36: {  	s19 =	rddreg [dreg:$0x8];
	[sflag:s11] =	ssyncadd.s32 $0xFFFFF000  }
0x37: {  	[spmem:s19] =	stream.linear.scatter [tilespmem:s10], [sflag:$0x2], $0x1000, $0x38;
	[tilespmem:$0x1A800] =	vst v63  }
0x38: {  	_ =	swait.ge [sflag:s11], $0x1000  }
0x39: {  	[sflag:s11] =	ssyncset.done $0x0  }
0x3a: {  	s20 =	rddreg [dreg:$0x9];
	[sflag:s11] =	ssyncadd.s32 $0xFFFFF000  }
0x3b: {  	[spmem:s20] =	stream.linear.scatter [tilespmem:s10], [sflag:$0x2], $0x1000, $0x38;
	[tilespmem:$0x1A800] =	vst v63  }
0x3c: {  	_ =	swait.ge [sflag:s11], $0x1000  }
0x3d: {  	[sflag:s11] =	ssyncset.done $0x0  }
0x3e: {  	s16 =	rddreg [dreg:$0xa];
	[sflag:s11] =	ssyncadd.s32 $0xFFFFF000  }
0x3f: {  	[spmem:s16] =	stream.linear.scatter [tilespmem:s10], [sflag:$0x2], $0x1000, $0x38;
	[tilespmem:$0x1A800] =	vst v63  }
0x40: {  	_ =	swait.ge [sflag:s11], $0x1000  }
0x41: {  	[sflag:s11] =	ssyncset.done $0x0  }
0x42: {  	s17 =	rddreg [dreg:$0xb];
	[sflag:s11] =	ssyncadd.s32 $0xFFFFF000  }
0x43: {  	[spmem:s17] =	stream.linear.scatter [tilespmem:s10], [sflag:$0x2], $0x1000, $0x38;
	[tilespmem:$0x1A800] =	vst v63  }
0x44: {  	_ =	swait.ge [sflag:s11], $0x1000  }
0x45: {  	[sflag:s11] =	ssyncset.done $0x0  }
0x46: {  	s19 =	rddreg [dreg:$0xc];
	[sflag:s11] =	ssyncadd.s32 $0xFFFFF000  }
0x47: {  	[spmem:s19] =	stream.linear.scatter [tilespmem:s10], [sflag:$0x2], $0x1000, $0x38;
	[tilespmem:$0x1A800] =	vst v63  }
0x48: {  	_ =	swait.ge [sflag:s11], $0x1000  }
0x49: {  	[sflag:s11] =	ssyncset.done $0x0  }
0x4a: {  	s20 =	rddreg [dreg:$0xd];
	[sflag:s11] =	ssyncadd.s32 $0xFFFFF000  }
0x4b: {  	[spmem:s20] =	stream.linear.scatter [tilespmem:s10], [sflag:$0x2], $0x1000, $0x38;
	[tilespmem:$0x1A800] =	vst v63  }
0x4c: {  	_ =	swait.ge [sflag:s11], $0x1000  }
0x4d: {  	[sflag:s11] =	ssyncset.done $0x0  }
0x4e: {  	s16 =	rddreg [dreg:$0xe];
	[sflag:s11] =	ssyncadd.s32 $0xFFFFF000  }
0x4f: {  	[spmem:s16] =	stream.linear.scatter [tilespmem:s10], [sflag:$0x2], $0x1000, $0x38;
	[tilespmem:$0x1A800] =	vst v63  }
0x50: {  	_ =	swait.ge [sflag:s11], $0x1000  }
0x51: {  	[sflag:s11] =	ssyncset.done $0x0  }
0x52: {  	s17 =	rddreg [dreg:$0xf];
	[sflag:s11] =	ssyncadd.s32 $0xFFFFF000  }
0x53: {  	[spmem:s17] =	stream.linear.scatter [tilespmem:s10], [sflag:$0x2], $0x1000, $0x38;
	[tilespmem:$0x1A800] =	vst v63  }
0x54: {  	_ =	swait.ge [sflag:s11], $0x1000  }
0x55: {  	[sflag:s11] =	ssyncset.done $0x0  }
0x56: {  	[sflag:s11] =	ssyncadd.s32 $0xFFFFF000  }
0x57: {  	[spmem:s21] =	stream.linear.scatter [tilespmem:s10], [sflag:$0x2], $0x1000, $0x38;
	[tilespmem:$0x1A800] =	vst v63  }
0x58: {  	_ =	swait.ge [sflag:s11], $0x1000  }
0x59: {  	[sflag:s11] =	ssyncset.done $0x0  }
0x5a: {  	[sflag:s11] =	ssyncadd.s32 $0xFFFFF000  }
0x5b: {  	[spmem:s25] =	stream.linear.scatter [tilespmem:s10], [sflag:$0x2], $0x1000, $0x38;
	[tilespmem:$0x1A800] =	vst v63  }
0x5c: {  	_ =	swait.ge [sflag:s11], $0x1000  }
0x5d: {  	[sflag:s11] =	ssyncset.done $0x0  }
0x5e: {  	[sflag:s11] =	ssyncadd.s32 $0xFFFFF000  }
0x5f: {  	[spmem:s26] =	stream.linear.scatter [tilespmem:s10], [sflag:$0x2], $0x1000, $0x38;
	[tilespmem:$0x1A800] =	vst v63  }
0x60: {  	_ =	swait.ge [sflag:s11], $0x1000  }
0x61: {  	[sflag:s11] =	ssyncset.done $0x0  }
0x62: {  	[sflag:s11] =	ssyncadd.s32 $0xFFFFF000  }
0x63: {  	[spmem:s28] =	stream.linear.scatter [tilespmem:s10], [sflag:$0x2], $0x1000, $0x38;
	[tilespmem:$0x1A800] =	vst v63  }
0x64: {  	_ =	swait.ge [sflag:s11], $0x1000  }
0x65: {  	[sflag:s11] =	ssyncset.done $0x0  }
0x66: {  	[sflag:s11] =	ssyncadd.s32 $0xFFFFF000  }
0x67: {  	[spmem:s29] =	stream.linear.scatter [tilespmem:s10], [sflag:$0x2], $0x1000, $0x38;
	[tilespmem:$0x1A800] =	vst v63  }
0x68: {  	_ =	swait.ge [sflag:s11], $0x1000  }
0x69: {  	[sflag:s11] =	ssyncset.done $0x0  }
0x6a: {  	[sflag:s11] =	ssyncadd.s32 $0xFFFFF000  }
0x6b: {  	[spmem:s30] =	stream.linear.scatter [tilespmem:s10], [sflag:$0x2], $0x1000, $0x38;
	[tilespmem:$0x1A800] =	vst v63  }
0x6c: {  	_ =	swait.ge [sflag:s11], $0x1000  }
0x6d: {  	[sflag:s11] =	ssyncset.done $0x0  }
0x6e: {  	[sflag:s11] =	ssyncadd.s32 $0xFFFFF000  }
0x6f: {  	[spmem:s31] =	stream.linear.scatter [tilespmem:s10], [sflag:$0x2], $0x1000, $0x38;
	[tilespmem:$0x1A800] =	vst v63  }
0x70: {  	_ =	swait.ge [sflag:s11], $0x1000  }
0x71: {  	[sflag:s11] =	ssyncset.done $0x0  }
0x72: {  	[sflag:s11] =	ssyncadd.s32 $0xFFFFF000  }
0x73: {  	[spmem:s0] =	stream.linear.scatter [tilespmem:s10], [sflag:$0x2], $0x1000, $0x38;
	[tilespmem:$0x1A800] =	vst v63  }
0x74: {  	_ =	swait.ge [sflag:s11], $0x1000  }
0x75: {  	[sflag:s11] =	ssyncset.done $0x0  }
0x76: {  	[sflag:s11] =	ssyncadd.s32 $0xFFFFF000  }
0x77: {  	[spmem:s1] =	stream.linear.scatter [tilespmem:s10], [sflag:$0x2], $0x1000, $0x38;
	[tilespmem:$0x1A800] =	vst v63  }
0x78: {  	_ =	swait.ge [sflag:s11], $0x1000  }
0x79: {  	[sflag:s11] =	ssyncset.done $0x0  }
0x7a: {  	[sflag:s11] =	ssyncadd.s32 $0xFFFFF000  }
0x7b: {  	[spmem:s7] =	stream.linear.scatter [tilespmem:s10], [sflag:$0x2], $0x1000, $0x38;
	[tilespmem:$0x1A800] =	vst v63  }
0x7c: {  	_ =	swait.ge [sflag:s11], $0x1000  }
0x7d: {  	[sflag:s11] =	ssyncset.done $0x0  }
0x7e: {  	[sflag:s11] =	ssyncadd.s32 $0xFFFFF000  }
0x7f: {  	[spmem:s8] =	stream.linear.scatter [tilespmem:s10], [sflag:$0x2], $0x1000, $0x38;
	[tilespmem:$0x1A800] =	vst v63  }
0x80: {  	_ =	swait.ge [sflag:s11], $0x1000  }
0x81: {  	[sflag:s11] =	ssyncset.done $0x0  }
0x82: {  	[sflag:s11] =	ssyncadd.s32 $0xFFFFF000  }
0x83: {  	[spmem:s6] =	stream.linear.scatter [tilespmem:s10], [sflag:$0x2], $0x700, $0x38;
	[tilespmem:$0x1A800] =	vst v63  }
0x84: {  	_ =	swait.ge [sflag:s11], $0x700  }
0x85: {  	[sflag:s11] =	ssyncset.done $0x0  }
0x86: {  	[sflag:s11] =	ssyncadd.s32 $0xFFFFF900  }
0x87: {  	s19 =	sadd.s32 $0x0, s24;
	[bflag:$0x0] =	sbarrier.arrive $0xFFFF  }
0x88: {  	[tilespmem:s3], [sflag:$0x2] =	stream.linear.gather [hbm4b:s19+s3], $0x80, $0x38;
	[tilespmem:$0x1A800] =	vst v63  }
0x89: {  	_ =	swait.ge [sflag:s11], $0x80  }
0x8a: {  	[sflag:s11] =	ssyncset.done $0x0  }
0x8b: {  	s20 =	sadd.s32 $0x0, s23;
	[sflag:s11] =	ssyncadd.s32 $0xFFFFFF80  }
0x8c: {  	[tilespmem:s12], [sflag:$0x2] =	stream.linear.gather [hbm4b:s20+s3], $0x80, $0x38;
	[tilespmem:$0x1A800] =	vst v63  }
0x8d: {  	_ =	swait.ge [sflag:s11], $0x80  }
0x8e: {  	[sflag:s11] =	ssyncset.done $0x0  }
0x8f: {  	[sflag:s11] =	ssyncadd.s32 $0xFFFFFF80  }
0x90: {  	v2 =	vld [tilespmem:$0x70]  }
0x91: {  	v3 =	vld [tilespmem:$0x30]  }
0x92: {  	v6 =	vld [tilespmem:$0x20]  }
0x93: {  	v4 =	vld [tilespmem:$0x50]  }
0x94: {  	v5 =	vld [tilespmem:$0x60]  }
0x95: {  	v7 =	vld [tilespmem:$0x10];
	v2 =	vadd.s32 v0, v2  }
0x96: {  	v8 =	vld [tilespmem:$0x40];
	v3 =	vadd.s32 v0, v3;
	[tilespmem:$0x70] =	vst v2  }
0x97: {  	v63 =	vadd.s32 v0, v6;
	v2 =	vld [tilespmem:$0x0];
	[tilespmem:$0x30] =	vst v3  }
0x98: {  	v3 =	vadd.s32 v0, v4;
	[tilespmem:$0x20] =	vst v63  }
0x99: {  	[tilespmem:$0x50] =	vst v3;
	v3 =	vadd.s32 v0, v5  }
0x9a: {  	[tilespmem:$0x60] =	vst v3;
	v3 =	vadd.s32 v0, v7  }
0x9b: {  	[tilespmem:$0x10] =	vst v3;
	v3 =	vadd.s32 v0, v8  }
0x9c: {  	[tilespmem:$0x40] =	vst v3;
	v2 =	vadd.s32 v0, v2  }
0x9d: {  	s16 =	simm.s32 $0x10;
	[tilespmem:$0x0] =	vst v2  }
.LBB2_4:
0x9e: {  	[tilespmem:s13], [sflag:$0x1] =	stream.indirect.gather [hbm4b:s4+s12], $0x20, s3, s12, $0xb8;
	[tilespmem:$0x1A800] =	vst v63  }
0x9f: {  	s9 =	smov.u32 s16  }
0xa0: {  	p0 =	sne.s32 s16, $0x9C0;
	s16 =	sadd.s32 $0x10, s16;
	_ =	swait.ge [sflag:s14], $0x1000  }
0xa1: {  	[sflag:s14] =	ssyncset.done $0x0  }
0xa2: {  	[sflag:s14] =	ssyncadd.s32 $0xFFFFF000  }
0xa3: {  	[spmem:s2] =	stream.indirect.scatter.add.f32 [tilespmem:s13], [sflag:$0x2], $0x20, s12, s12, $0xb8;
	[tilespmem:$0x1A800] =	vst v63  }
0xa4: {  	_ =	swait.ge [sflag:s11], $0x1000  }
0xa5: {  	[sflag:s11] =	ssyncset.done $0x0  }
0xa6: {  	s17 =	sadd.s32 s9, s24;
	[sflag:s11] =	ssyncadd.s32 $0xFFFFF000  }
0xa7: {  	[tilespmem:s3], [sflag:$0x2] =	stream.linear.gather [hbm4b:s17+s3], $0x80, $0x38;
	[tilespmem:$0x1A800] =	vst v63  }
0xa8: {  	_ =	swait.ge [sflag:s11], $0x80  }
0xa9: {  	[sflag:s11] =	ssyncset.done $0x0  }
0xaa: {  	s9 =	sadd.s32 s9, s23;
	[sflag:s11] =	ssyncadd.s32 $0xFFFFFF80  }
0xab: {  	[tilespmem:s12], [sflag:$0x2] =	stream.linear.gather [hbm4b:s9+s3], $0x80, $0x38;
	[tilespmem:$0x1A800] =	vst v63  }
0xac: {  	_ =	swait.ge [sflag:s11], $0x80  }
0xad: {  	[sflag:s11] =	ssyncset.done $0x0  }
0xae: {  	[sflag:s11] =	ssyncadd.s32 $0xFFFFFF80  }
0xaf: {  	v2 =	vld [tilespmem:$0x70]  }
0xb0: {  	v3 =	vld [tilespmem:$0x30]  }
0xb1: {  	v4 =	vld [tilespmem:$0x50]  }
0xb2: {  	v5 =	vld [tilespmem:$0x60]  }
0xb3: {  	v6 =	vld [tilespmem:$0x20]  }
0xb4: {  	v7 =	vld [tilespmem:$0x10];
	v2 =	vadd.s32 v0, v2  }
0xb5: {  	v3 =	vadd.s32 v0, v3;
	v8 =	vld [tilespmem:$0x40];
	[tilespmem:$0x70] =	vst v2  }
0xb6: {  	v2 =	vld [tilespmem:$0x0];
	[tilespmem:$0x30] =	vst v3;
	v3 =	vadd.s32 v0, v4  }
0xb7: {  	[tilespmem:$0x50] =	vst v3;
	v3 =	vadd.s32 v0, v5  }
.Ltmp1:
0xb8: {  	v4 =	vadd.s32 v0, v6;
	[tilespmem:$0x60] =	vst v3;
	(pc) =	sbr.rel @p0 .LBB2_4-.Ltmp1, $4  }
0xb9: {  	v3 =	vadd.s32 v0, v7;
	[tilespmem:$0x20] =	vst v4  }
0xba: {  	[tilespmem:$0x10] =	vst v3;
	v3 =	vadd.s32 v0, v8  }
0xbb: {  	v2 =	vadd.s32 v0, v2;
	[tilespmem:$0x40] =	vst v3  }
0xbc: {  	[tilespmem:$0x0] =	vst v2  }
0xbd: {  	[tilespmem:s13], [sflag:$0x1] =	stream.indirect.gather [hbm4b:s4+s12], $0x20, s3, s12, $0xb8;
	[tilespmem:$0x1A800] =	vst v63  }
0xbe: {  	_ =	swait.ge [sflag:s14], $0x1000  }
0xbf: {  	[sflag:s14] =	ssyncset.done $0x0  }
0xc0: {  	[sflag:s14] =	ssyncadd.s32 $0xFFFFF000  }
0xc1: {  	[spmem:s2] =	stream.indirect.scatter.add.f32 [tilespmem:s13], [sflag:$0x2], $0x20, s12, s12, $0xb8;
	[tilespmem:$0x1A800] =	vst v63  }
0xc2: {  	_ =	swait.ge [sflag:s11], $0x1000  }
0xc3: {  	s9 =	stileid.u32;
	[sflag:s11] =	ssyncset.done $0x0  }
0xc4: {  	s17 =	sadd.s32 $0x0, s22;
	s9 =	sshll.u32 s9, $0x6;
	[sflag:s11] =	ssyncadd.s32 $0xFFFFF000  }
0xc5: {  	s20 =	sshrl.u32 s5, $0x3;
	s16 =	sor.u32 $0x1C02, s9;
	[bflag:$0x0] =	sbarrier.arrive $0xFFFF  }
0xc6: {  	[hbm:s17], [sflag:s16] =	dma.local [spmem:s20], $0x200  }
0xc7: {  	s9 =	smov.u32 s18;
	s17 =	simm.s32 $0x200;
	_ =	swait.ge [sflag:s11], $0x200  }
.LBB2_6:
0xc8: {  	s19 =	sadd.s32 s17, s22;
	[sflag:s11] =	ssyncset.done $0x0;
	p0 =	sne.s32 s17, $0x2E00  }
.Ltmp2:
0xc9: {  	s20 =	sshrl.u32 s9, $0x3;
	[sflag:s11] =	ssyncadd.s32 $0xFFFFFE00;
	(pc) =	sbr.rel @p0 .LBB2_6-.Ltmp2, $3  }
0xca: {  	[hbm:s19], [sflag:s16] =	dma.local [spmem:s20], $0x200  }
0xcb: {  	s17 =	sadd.s32 $0x200, s17;
	_ =	sdelay $0x1  }
0xcc: {  	s9 =	sadd.s32 $0x1000, s9;
	_ =	swait.ge [sflag:s11], $0x200  }
0xcd: {  	[sflag:s11] =	ssyncset.done $0x0  }
0xce: {  	s9 =	sshrl.u32 s6, $0x3;
	s17 =	rddreg [dreg:$0x3];
	[sflag:s11] =	ssyncadd.s32 $0xFFFFFE00  }
0xcf: {  	[hbm:s17], [sflag:s16] =	dma.local [spmem:s9], $0xE0  }
0xd0: {  	_ =	swait.ge [sflag:s11], $0xE0  }
0xd1: {  	s15 =	sadd.s32 $0x1, s15;
	s20 =	rddreg [dreg:$0x4]  }
0xd2: {  	p0 =	sne.s32 s15, s20  }
.Ltmp3:
0xd3: {  	_ = 	snop;
	(pc) =	sbr.rel @p0 .LBB2_1-.Ltmp3, $3  }
0xd4: {  	_ =	sdelay $0x1  }
0xd5: {  	[sflag:s11] =	ssyncset.done $0x0  }
0xd6: {  	[sflag:s11] =	ssyncadd.s32 $0xFFFFFF20  }
0xd7: {  	_ =	sfence.sel $0x180000  }
0xd8: {  	[bflag:$0x0] =	sbarrier.arrive $0xFFFF  }
0xd9: {  	_ =	strace $0x90000053  }
0xda: {  	s0 =	stileid.u32;
	[bflag:$0x2] =	sbarrier.arrive $0xFFFF  }
0xdb: {  	p0 =	sne.s32 s0, $0x0;
	s0 =	rddreg [dreg:$0x2]  }
0xdc: {  	s0 =	sadd.s32 @!p0 $0x100000, s0  }
0xdd: {  	[sflag:s0] =	ssyncadd.tile.s32 @!p0 $0x1;
	_ =	shalt  }
.Lfunc_end2:
_tile_overlayer_lowered:
.L_overlay_start_2:
0xde: {  	(tag) =	ssettag $0x2  }
0xdf: {  	s0 =	rddreg [dreg:$0x0];
	s2 =	stileid.u32  }
0xe0: {  	s1 =	rddreg [dreg:$0x1];
	p0 =	sne.s32 s2, $0x0  }
0xe1: {  	s3 =	rddreg [dreg:$0x2];
	[bflag:$0x3] =	sbarrier.arrive $0xFFFF;
	s2 =	simm.s32 @!p0 $0x1C02  }
0xe2: {  	[timem:s3], [sflag:s2] =	dma.local @!p0 [hbm:s0], s1  }
0xe3: {  	s0 =	simm.s32 @!p0 $0x2  }
0xe4: {  	_ =	swait.ge @!p0 [sflag:s0], s1  }
0xe5: {  	s1 =	ssub.s32 @!p0 $0x0, s1;
	[sflag:s0] =	ssyncset.done @!p0 $0x0  }
0xe6: {  	[sflag:s0] =	ssyncadd.s32 @!p0 s1  }
0xe7: {  	[bflag:$0x3] =	sbarrier.arrive $0xFFFF  }
0xe8: {  	_ =	shalt  }

// kernel: kernel.33.cloned.1.call-start
scs
__scs_entry_jumppad:
0x0: {  	(pc) =	sbr.rel $0x88, $3  }
0x1: {  	(tag) =	ssettag $0x0;
	lr =	simm.s32 $0x1  }
0x2: {  	[smem:$0x3F91] =	sst lr;
	_ =	strace $0xD0000000  }
0x3: {  	_ = 	snop  }
0x4: {  	_ = 	snop  }
0x5: {  	_ = 	snop  }
0x6: {  	_ = 	snop  }
0x7: {  	_ = 	snop  }
__scs_overlays_trampoline_lowered:
0x8: {  	[smem:$0x3FA0] =	sst s0  }
0x9: {  	[smem:$0x3FA1] =	sst s1  }
0xa: {  	[smem:$0x3FA2] =	sst s2  }
0xb: {  	[smem:$0x3FA3] =	sst s3  }
0xc: {  	[smem:$0x3FA4] =	sst s4  }
0xd: {  	[smem:$0x3FA5] =	sst s5  }
0xe: {  	[smem:$0x3FA6] =	sst s6  }
0xf: {  	[smem:$0x3FA7] =	sst s7  }
0x10: {  	[smem:$0x3FA8] =	sst s8  }
0x11: {  	[smem:$0x3FA9] =	sst s9;
	s0 =	simm.s32 @!p0 $0x0  }
0x12: {  	s1 =	sld [smem:$0x3F8F];
	s0 =	simm.s32 @p0 $0x1  }
0x13: {  	[smem:$0x3FAA] =	sst s0;
	s0 =	simm.s32 @!p1 $0x0  }
0x14: {  	s2 =	sld [smem:$0x3F8E];
	s0 =	simm.s32 @p1 $0x1  }
0x15: {  	[smem:$0x3FAB] =	sst s0;
	s0 =	simm.s32 @!p2 $0x0  }
0x16: {  	s3 =	sld [smem:$0x3FDB];
	s0 =	simm.s32 @p2 $0x1  }
0x17: {  	s4 =	simm.s32 $0x1BF5;
	[smem:$0x3FAD] =	sst s0  }
0x18: {  	s0 =	sld [smem:$0x3F90];
	_ =	swait.ge [sflag:s4], $0x0  }
0x19: {  	s7 =	sld [smem:$0x3F91]  }
0x1a: {  	s8 =	sadd.s32 $0xFFFFE003, lr  }
0x1b: {  	s9 =	sadd.s32 $0xFFFFFEF7, lr;
	s5 =	simm.s32 $0xFFFFFFFF;
	p2 =	slt.u32 s8, $0xFFFFF086  }
0x1c: {  	p1 =	slt.u32 s9, $0xF7A;
	s5 =	simm.s32 @!p2 $0x0  }
0x1d: {  	s5 =	simm.s32 @p1 $0x1;
	p0 =	seq.s32 s7, s2  }
0x1e: {  	s7 =	smul.u32 @!p0 $0xF7A, s2;
	p2 =	seq.s32 @!p0 s5, $0x0  }
0x1f: {  	s9 =	smul.u32 $0xF7A, s1;
	s8 =	simm.s32 @!p0 $0x1BF5;
	p2 =	por !p2, p0  }
0x20: {  	[sflag:s8] =	ssyncset.s32 @!p0 $0xFFFFF086;
	s6 =	sadd.s32 @!p0 s3, s7;
	s7 =	simm.s32 @!p0 $0x108  }
0x21: {  	s3 =	sadd.s32 s3, s9;
	s6 =	sadd.s32 @!p0 $0x88, s6;
	s7 =	simm.s32 @p2 $0x1082  }
0x22: {  	[simem:s7], [sflag:s8] =	dma.local @!p0 [hbm:s6], $0xF7A  }
0x23: {  	s9 =	sor.u32 $0xD0000000, s2;
	s6 =	simm.s32 $0x108;
	_ =	swait.ge @!p0 [sflag:s8], $0x0  }
0x24: {  	s3 =	sadd.s32 $0x88, s3;
	s6 =	simm.s32 @!p1 $0x1082;
	[sflag:s4] =	ssyncset.s32 $0xFFFFF086  }
0x25: {  	[simem:s6], [sflag:s4] =	dma.local [hbm:s3], $0xF7A  }
0x26: {  	[smem:$0x3F91] =	sst s1;
	(tag) =	ssettag s2;
	_ =	strace s9  }
0x27: {  	s1 =	sld [smem:$0x3FA1]  }
0x28: {  	s2 =	sld [smem:$0x3FA2]  }
0x29: {  	s4 =	sld [smem:$0x3FA4]  }
0x2a: {  	p0 =	seq.s32 s5, $0x0;
	s5 =	sld [smem:$0x3FA5]  }
0x2b: {  	s6 =	sld [smem:$0x3FA6]  }
0x2c: {  	s7 =	sld [smem:$0x3FA7]  }
0x2d: {  	s3 =	simm.s32 $0x108;
	s8 =	sld [smem:$0x3FA8]  }
0x2e: {  	s3 =	simm.s32 @!p0 $0x1082;
	s9 =	sld [smem:$0x3FA9]  }
0x2f: {  	lr =	sadd.s32 s0, s3;
	s0 =	sld [smem:$0x3FA0]  }
0x30: {  	s3 =	sld [smem:$0x3FA3]  }
0x31: {  	[smem:$0x3FAC] =	sst s10  }
0x32: {  	s10 =	sld [smem:$0x3FAA];
	_ =	sdelay $0x3  }
0x33: {  	p0 =	seq.s32 s10, $0x1;
	s10 =	sld [smem:$0x3FAC];
	_ =	sdelay $0x3  }
0x34: {  	[smem:$0x3FAC] =	sst s10  }
0x35: {  	s10 =	sld [smem:$0x3FAB];
	_ =	sdelay $0x3  }
0x36: {  	p1 =	seq.s32 s10, $0x1;
	s10 =	sld [smem:$0x3FAC];
	_ =	sdelay $0x3  }
0x37: {  	[smem:$0x3FAC] =	sst s10  }
0x38: {  	s10 =	sld [smem:$0x3FAD]  }
0x39: {  	_ = 	snop;
	(pc) =	sbr.ind lr, $3  }
0x3a: {  	_ = 	snop  }
0x3b: {  	_ = 	snop  }
0x3c: {  	p2 =	seq.s32 s10, $0x1;
	s10 =	sld [smem:$0x3FAC]  }
0x3d: {  	_ =	shalt  }
0x3e: {  	_ =	shalt  }
0x3f: {  	_ =	shalt  }
0x40: {  	_ =	shalt  }
0x41: {  	_ =	shalt  }
0x42: {  	_ =	shalt  }
0x43: {  	_ =	shalt  }
0x44: {  	_ =	shalt  }
0x45: {  	_ =	shalt  }
0x46: {  	_ =	shalt  }
0x47: {  	_ =	shalt  }
0x48: {  	_ =	shalt  }
0x49: {  	_ =	shalt  }
0x4a: {  	_ =	shalt  }
0x4b: {  	_ =	shalt  }
0x4c: {  	_ =	shalt  }
0x4d: {  	_ =	shalt  }
0x4e: {  	_ =	shalt  }
0x4f: {  	_ =	shalt  }
0x50: {  	_ =	shalt  }
0x51: {  	_ =	shalt  }
0x52: {  	_ =	shalt  }
0x53: {  	_ =	shalt  }
0x54: {  	_ =	shalt  }
0x55: {  	_ =	shalt  }
0x56: {  	_ =	shalt  }
0x57: {  	_ =	shalt  }
0x58: {  	_ =	shalt  }
0x59: {  	_ =	shalt  }
0x5a: {  	_ =	shalt  }
0x5b: {  	_ =	shalt  }
0x5c: {  	_ =	shalt  }
0x5d: {  	_ =	shalt  }
0x5e: {  	_ =	shalt  }
0x5f: {  	_ =	shalt  }
0x60: {  	_ =	shalt  }
0x61: {  	_ =	shalt  }
0x62: {  	_ =	shalt  }
0x63: {  	_ =	shalt  }
0x64: {  	_ =	shalt  }
0x65: {  	_ =	shalt  }
0x66: {  	_ =	shalt  }
0x67: {  	_ =	shalt  }
0x68: {  	_ =	shalt  }
0x69: {  	_ =	shalt  }
0x6a: {  	_ =	shalt  }
0x6b: {  	_ =	shalt  }
0x6c: {  	_ =	shalt  }
0x6d: {  	_ =	shalt  }
0x6e: {  	_ =	shalt  }
0x6f: {  	_ =	shalt  }
0x70: {  	_ =	shalt  }
0x71: {  	_ =	shalt  }
0x72: {  	_ =	shalt  }
0x73: {  	_ =	shalt  }
0x74: {  	_ =	shalt  }
0x75: {  	_ =	shalt  }
0x76: {  	_ =	shalt  }
0x77: {  	_ =	shalt  }
0x78: {  	_ =	shalt  }
0x79: {  	_ =	shalt  }
0x7a: {  	_ =	shalt  }
0x7b: {  	_ =	shalt  }
0x7c: {  	_ =	shalt  }
0x7d: {  	_ =	shalt  }
0x7e: {  	_ =	shalt  }
0x7f: {  	_ =	shalt  }
0x80: {  	_ =	shalt  }
0x81: {  	_ =	shalt  }
0x82: {  	_ =	shalt  }
0x83: {  	_ =	shalt  }
0x84: {  	_ =	shalt  }
0x85: {  	_ =	shalt  }
0x86: {  	_ =	shalt  }
0x87: {  	_ =	shalt  }
.Lfunc_end0:
.L_simem_size_0:
called_computation.5_lowered:
.L_overlay_start_0:
0x88: {  	s2 =	sld [smem:$0x3FD9]  }
0x89: {  	s3 =	sld [smem:$0x3FFE];
	_ =	sdelay $0x1  }
0x8a: {  	s1 =	srdreg.scid  }
0x8b: {  	s0 =	sand.u32 $0x1, s1  }
0x8c: {  	s16 =	sshll.u32 s0, $0xA;
	s2 =	sadd.s32 s3, s2  }
0x8d: {  	s2 =	sadd.s32 s2, s16  }
0x8e: {  	[smem:$0x3FB8] =	sst s2  }
0x8f: {  	_ = 	snop  }
0x90: {  	(tm) =	ssettm $0x1  }
0x91: {  	s17 =	sld [smem:$0x3FFB];
	_ =	sdelay $0x3  }
0x92: {  	_ =	strace s17  }
0x93: {  	s2 =	sld [smem:$0x3FFC];
	_ =	sdelay $0x3  }
0x94: {  	_ =	strace s2  }
0x95: {  	s2 =	sld [smem:$0x3FFD];
	_ =	sdelay $0x3  }
0x96: {  	_ =	strace s2  }
0x97: {  	_ =	strace $0x8FFFFFFF  }
0x98: {  	s18 =	sld [smem:$0x3FDB];
	_ =	sdelay $0x1  }
0x99: {  	s19 =	simm.s32 $_scs_section_size  }
0x9a: {  	s4 =	simm.s32 $_size__tile_overlayer_lowered;
	s5 =	simm.s32 $_tile_overlayer_lowered  }
0x9b: {  	s22 =	simm.s32 $0x1BFF;
	s21 =	sshll.u32 s5, $0x1;
	s2 =	sadd.s32 s19, s18  }
0x9c: {  	s6 =	simm.s32 $0x0;
	s20 =	sshll.u32 s4, $0x1;
	s4 =	sadd.s32 s21, s2  }
0x9d: {  	[timem:s6], [sflag:s22] =	dma.local [hbm:s4], s20  }
0x9e: {  	_ =	swait.ge [sflag:s22], s20  }
0x9f: {  	s3 =	ssub.s32 $0x0, s20;
	[sflag:s22] =	ssyncset.done $0x0  }
0xa0: {  	[sflag:s22] =	ssyncadd.s32 s3;
	_ =	sdelay $0x1  }
0xa1: {  	s23 =	simm.s32 $0x1B8B  }
0xa2: {  	_ =	swait.ge [sflag:s23], $0x1  }
0xa3: {  	[sflag:s23] =	ssyncset.done $0x0  }
0xa4: {  	s25 =	simm.s32 $0x1B8E;
	s24 =	sld [smem:$0x3FFE];
	[sflag:s23] =	ssyncadd.s32 $0xFFFFFFFF  }
0xa5: {  	s26 =	simm.s32 $execute0_lowered;
	[smem:$0x3FD2] =	sst s25  }
0xa6: {  	s4 =	sshll.u32 s26, $0x1;
	_ =	strace $0x80000055;
	[dreg:$0x1] =	wrdreg $0xFFFFFFFF  }
0xa7: {  	s28 =	simm.s32 $_size_execute0_lowered;
	s2 =	sadd.s32 s2, s4;
	[dreg:$0x0] =	wrdreg $0x0  }
0xa8: {  	s4 =	sshll.u32 s28, $0x1;
	[dreg:$0x2] =	wrdreg s2  }
0xa9: {  	[dreg:$0x3] =	wrdreg s4  }
0xaa: {  	[dreg:$0x4] =	wrdreg $0xC0  }
0xab: {  	_ =	task [dreg:s6], $0x5FFFF  }
0xac: {  	[dreg:$0x1] =	wrdreg $0xFFFFFFFF  }
0xad: {  	[dreg:$0x0] =	wrdreg $0x60  }
0xae: {  	[dreg:$0x2] =	wrdreg s24  }
0xaf: {  	[dreg:$0x3] =	wrdreg $0x21000  }
0xb0: {  	[dreg:$0x4] =	wrdreg $0x9  }
0xb1: {  	_ =	task.clear_ibuf [dreg:s6], $0x5FFFF;
	_ =	strace $0x90000055  }
0xb2: {  	s29 =	simm.s32 $0x9;
	_ =	strace $0x80000057  }
0xb3: {  	_ =	swait.ge [sflag:s29], $0x1  }
0xb4: {  	[sflag:s29] =	ssyncadd.s32 $0xFFFFFFFF  }
0xb5: {  	_ =	strace $0x90000057  }
0xb6: {  	_ =	sfence  }
0xb7: {  	s30 =	sld [smem:$0x0];
	_ =	sdelay $0x2  }
0xb8: {  	s31 =	sshll.u32 s1, $0xD;
	s1 =	sshrl.u32 s1, $0x2  }
0xb9: {  	s3 =	sand.u32 $0x4000, s31;
	s1 =	sadd.s32 s1, s30  }
0xba: {  	s0 =	sor.u32 s3, s0;
	s1 =	sshll.u32 s1, $0x11  }
0xbb: {  	s0 =	sor.u32 s1, s0  }
0xbc: {  	s0 =	sadd.s32 $0x8F2B, s0  }
0xbd: {  	[sflag:s0] =	ssyncadd.remote.s32 $0x1  }
0xbe: {  	_ =	sfence.sel $0xFFFF  }
0xbf: {  	[dreg:$0x0] =	wrdreg $0xFFFFFFFF;
	(pc) =	sbr.abs _section_cstart, $3  }
0xc0: {  	[dreg:$0x1] =	wrdreg $0xFFFFFFFF  }
0xc1: {  	_ =	task.clear_ibuf [dreg:s6], $0x2FFFF;
	_ =	strace $0x9FFFFFFF  }
0xc2: {  	(tm) =	ssettm $0x7FFFFFFF  }
0xc3: {  	_ =	shalt  }
tec
execute0_lowered:
.L_overlay_start_1:
0x0: {  	(tag) =	ssettag $0x1  }
0x1: {  	s5 =	rddreg [dreg:$0x0]  }
0x2: {  	s0 =	stileid.u32;
	s1 =	srdreg.scid  }
0x3: {  	s2 =	rddreg [dreg:$0x1];
	s3 =	simm.s32 $0x0;
	s18 =	simm.s32 $0x1100  }
0x4: {  	s19 =	simm.s32 $0x2;
	s20 =	simm.s32 $0x80;
	s6 =	smul.u32 $0x9D0, s0  }
0x5: {  	s22 =	simm.s32 $0x1;
	s23 =	simm.s32 $0x0;
	s8 =	smul.u32 $0x278, s0  }
0x6: {  	s7 =	sand.u32 $0x1, s1;
	s1 =	rddreg [dreg:$0x2];
	s10 =	smul.u32 $0x13C00, s0  }
0x7: {  	[smem:$0x7FF] =	sst s3;
	s4 =	sadd.s32 $0x4FA800, s5;
	s9 =	smul.u32 $0x2780, s7  }
0x8: {  	_ =	strace $0x80000056;
	s30 =	ssub.s32 $0x2, s7;
	s21 =	smul.u32 $0xC350, s7  }
0x9: {  	s17 =	sadd.s32 s6, s5;
	s31 =	sshrl.u32 s30, $0x1;
	s8 =	sadd.s32 s8, s9  }
0xa: {  	s29 =	sshrl.u32 s10, $0x2;
	s12 =	ssub.s32 s30, s31;
	s28 =	sshll.u32 s8, $0x2  }
0xb: {  	s16 =	sadd.s32 $0x1C800, s17;
	s17 =	sadd.s32 $0x52A00, s17;
	s15 =	sadd.s32 s28, s5  }
0xc: {  	v0 =	vmov s21;
	s21 =	simm.s32 $0x100;
	s5 =	sadd.s32 s29, s2;
	s7 =	sadd.s32 $0x5ABC00, s15  }
0xd: {  	s6 =	sadd.s32 $0x4000, s5;
	s8 =	sadd.s32 $0x5AB400, s15;
	s9 =	sadd.s32 $0x1000, s5  }
0xe: {  	s10 =	sadd.s32 $0x2000, s5;
	s11 =	sadd.s32 $0x3000, s5;
	s13 =	sadd.s32 $0x5AB600, s15  }
0xf: {  	v1 =	vimm.f32 $0.0e+00;
	s12 =	smax.u32 s12, $0x1;
	s14 =	sadd.s32 $0x5AB800, s15;
	s15 =	sadd.s32 $0x5ABA00, s15  }
.LBB2_1:
0x10: {  	s24 =	simm.s32 $0x80;
	s25 =	simm.s32 $0x0  }
.LBB2_2:
0x11: {  	p0 =	sne.s32 s24, $0x3F80;
	[tilespmem:s25+$0x1100] =	vst v1;
	s26 =	smov.u32 s24;
	s24 =	sadd.s32 $0x80, s24  }
.Ltmp0:
0x12: {  	[tilespmem:s25+$0x1110] =	vst v1;
	(pc) =	sbr.rel @p0 .LBB2_2-.Ltmp0, $2  }
0x13: {  	_ =	sdelay $0x2  }
0x14: {  	s25 =	sshra.s32 s26, $0x2  }
0x15: {  	[tilespmem:s25+$0x1100] =	vst v1  }
0x16: {  	[tilespmem:s25+$0x1110] =	vst v1  }
0x17: {  	[spmem:s5] =	stream.linear.scatter [tilespmem:s18], [sflag:$0x2], $0x1000, $0x38;
	[tilespmem:$0x7000] =	vst v63  }
0x18: {  	_ =	swait.ge [sflag:s19], $0x1000  }
0x19: {  	[sflag:s19] =	ssyncset.done $0x0  }
0x1a: {  	[sflag:s19] =	ssyncadd.s32 $0xFFFFF000  }
0x1b: {  	[spmem:s9] =	stream.linear.scatter [tilespmem:s18], [sflag:$0x2], $0x1000, $0x38;
	[tilespmem:$0x7000] =	vst v63  }
0x1c: {  	_ =	swait.ge [sflag:s19], $0x1000  }
0x1d: {  	[sflag:s19] =	ssyncset.done $0x0  }
0x1e: {  	[sflag:s19] =	ssyncadd.s32 $0xFFFFF000  }
0x1f: {  	[spmem:s10] =	stream.linear.scatter [tilespmem:s18], [sflag:$0x2], $0x1000, $0x38;
	[tilespmem:$0x7000] =	vst v63  }
0x20: {  	_ =	swait.ge [sflag:s19], $0x1000  }
0x21: {  	[sflag:s19] =	ssyncset.done $0x0  }
0x22: {  	[sflag:s19] =	ssyncadd.s32 $0xFFFFF000  }
0x23: {  	[spmem:s11] =	stream.linear.scatter [tilespmem:s18], [sflag:$0x2], $0x1000, $0x38;
	[tilespmem:$0x7000] =	vst v63  }
0x24: {  	_ =	swait.ge [sflag:s19], $0x1000  }
0x25: {  	[sflag:s19] =	ssyncset.done $0x0  }
0x26: {  	[sflag:s19] =	ssyncadd.s32 $0xFFFFF000  }
0x27: {  	[spmem:s6] =	stream.linear.scatter [tilespmem:s18], [sflag:$0x2], $0xF00, $0x38;
	[tilespmem:$0x7000] =	vst v63  }
0x28: {  	_ =	swait.ge [sflag:s19], $0xF00  }
0x29: {  	[sflag:s19] =	ssyncset.done $0x0  }
0x2a: {  	[sflag:s19] =	ssyncadd.s32 $0xFFFFF100  }
0x2b: {  	s24 =	sadd.s32 $0x0, s17;
	[bflag:$0x0] =	sbarrier.arrive $0xFFFF  }
0x2c: {  	[tilespmem:s3], [sflag:$0x2] =	stream.linear.gather [hbm4b:s24+s3], $0x80, $0x38;
	[tilespmem:$0x7000] =	vst v63  }
0x2d: {  	_ =	swait.ge [sflag:s19], $0x80  }
0x2e: {  	[sflag:s19] =	ssyncset.done $0x0  }
0x2f: {  	s31 =	sadd.s32 $0x0, s16;
	[sflag:s19] =	ssyncadd.s32 $0xFFFFFF80  }
0x30: {  	[tilespmem:s20], [sflag:$0x2] =	stream.linear.gather [hbm4b:s31+s3], $0x80, $0x38;
	[tilespmem:$0x7000] =	vst v63  }
0x31: {  	_ =	swait.ge [sflag:s19], $0x80  }
0x32: {  	[sflag:s19] =	ssyncset.done $0x0  }
0x33: {  	[sflag:s19] =	ssyncadd.s32 $0xFFFFFF80  }
0x34: {  	v2 =	vld [tilespmem:$0x70]  }
0x35: {  	v3 =	vld [tilespmem:$0x30]  }
0x36: {  	v6 =	vld [tilespmem:$0x20]  }
0x37: {  	v4 =	vld [tilespmem:$0x50]  }
0x38: {  	v5 =	vld [tilespmem:$0x60]  }
0x39: {  	v7 =	vld [tilespmem:$0x10];
	v2 =	vadd.s32 v0, v2  }
0x3a: {  	v8 =	vld [tilespmem:$0x40];
	v3 =	vadd.s32 v0, v3;
	[tilespmem:$0x70] =	vst v2  }
0x3b: {  	v63 =	vadd.s32 v0, v6;
	v2 =	vld [tilespmem:$0x0];
	[tilespmem:$0x30] =	vst v3  }
0x3c: {  	v3 =	vadd.s32 v0, v4;
	[tilespmem:$0x20] =	vst v63  }
0x3d: {  	[tilespmem:$0x50] =	vst v3;
	v3 =	vadd.s32 v0, v5  }
0x3e: {  	[tilespmem:$0x60] =	vst v3;
	v3 =	vadd.s32 v0, v7  }
0x3f: {  	[tilespmem:$0x10] =	vst v3;
	v3 =	vadd.s32 v0, v8  }
0x40: {  	[tilespmem:$0x40] =	vst v3;
	v2 =	vadd.s32 v0, v2  }
0x41: {  	s24 =	simm.s32 $0x10;
	[tilespmem:$0x0] =	vst v2  }
.LBB2_4:
0x42: {  	[tilespmem:s21], [sflag:$0x1] =	stream.indirect.gather [hbm4b:s4+s20], $0x20, s3, s20, $0xb8;
	[tilespmem:$0x7000] =	vst v63  }
0x43: {  	s25 =	smov.u32 s24  }
0x44: {  	p0 =	sne.s32 s24, $0x9C0;
	s24 =	sadd.s32 $0x10, s24;
	_ =	swait.ge [sflag:s22], $0x1000  }
0x45: {  	[sflag:s22] =	ssyncset.done $0x0  }
0x46: {  	[sflag:s22] =	ssyncadd.s32 $0xFFFFF000  }
0x47: {  	[spmem:s2] =	stream.indirect.scatter.add.f32 [tilespmem:s21], [sflag:$0x2], $0x20, s20, s20, $0xb8;
	[tilespmem:$0x7000] =	vst v63  }
0x48: {  	_ =	swait.ge [sflag:s19], $0x1000  }
0x49: {  	[sflag:s19] =	ssyncset.done $0x0  }
0x4a: {  	s26 =	sadd.s32 s25, s17;
	[sflag:s19] =	ssyncadd.s32 $0xFFFFF000  }
0x4b: {  	[tilespmem:s3], [sflag:$0x2] =	stream.linear.gather [hbm4b:s26+s3], $0x80, $0x38;
	[tilespmem:$0x7000] =	vst v63  }
0x4c: {  	_ =	swait.ge [sflag:s19], $0x80  }
0x4d: {  	[sflag:s19] =	ssyncset.done $0x0  }
0x4e: {  	s25 =	sadd.s32 s25, s16;
	[sflag:s19] =	ssyncadd.s32 $0xFFFFFF80  }
0x4f: {  	[tilespmem:s20], [sflag:$0x2] =	stream.linear.gather [hbm4b:s25+s3], $0x80, $0x38;
	[tilespmem:$0x7000] =	vst v63  }
0x50: {  	_ =	swait.ge [sflag:s19], $0x80  }
0x51: {  	[sflag:s19] =	ssyncset.done $0x0  }
0x52: {  	[sflag:s19] =	ssyncadd.s32 $0xFFFFFF80  }
0x53: {  	v2 =	vld [tilespmem:$0x70]  }
0x54: {  	v3 =	vld [tilespmem:$0x30]  }
0x55: {  	v4 =	vld [tilespmem:$0x50]  }
0x56: {  	v5 =	vld [tilespmem:$0x60]  }
0x57: {  	v6 =	vld [tilespmem:$0x20]  }
0x58: {  	v7 =	vld [tilespmem:$0x10];
	v2 =	vadd.s32 v0, v2  }
0x59: {  	v3 =	vadd.s32 v0, v3;
	v8 =	vld [tilespmem:$0x40];
	[tilespmem:$0x70] =	vst v2  }
0x5a: {  	v2 =	vld [tilespmem:$0x0];
	[tilespmem:$0x30] =	vst v3;
	v3 =	vadd.s32 v0, v4  }
0x5b: {  	[tilespmem:$0x50] =	vst v3;
	v3 =	vadd.s32 v0, v5  }
.Ltmp1:
0x5c: {  	v4 =	vadd.s32 v0, v6;
	[tilespmem:$0x60] =	vst v3;
	(pc) =	sbr.rel @p0 .LBB2_4-.Ltmp1, $4  }
0x5d: {  	v3 =	vadd.s32 v0, v7;
	[tilespmem:$0x20] =	vst v4  }
0x5e: {  	[tilespmem:$0x10] =	vst v3;
	v3 =	vadd.s32 v0, v8  }
0x5f: {  	v2 =	vadd.s32 v0, v2;
	[tilespmem:$0x40] =	vst v3  }
0x60: {  	[tilespmem:$0x0] =	vst v2  }
0x61: {  	[tilespmem:s21], [sflag:$0x1] =	stream.indirect.gather [hbm4b:s4+s20], $0x20, s3, s20, $0xb8;
	[tilespmem:$0x7000] =	vst v63  }
0x62: {  	_ =	swait.ge [sflag:s22], $0x1000  }
0x63: {  	[sflag:s22] =	ssyncset.done $0x0  }
0x64: {  	[sflag:s22] =	ssyncadd.s32 $0xFFFFF000  }
0x65: {  	[spmem:s2] =	stream.indirect.scatter.add.f32 [tilespmem:s21], [sflag:$0x2], $0x20, s20, s20, $0xb8;
	[tilespmem:$0x7000] =	vst v63  }
0x66: {  	_ =	swait.ge [sflag:s19], $0x1000  }
0x67: {  	[sflag:s19] =	ssyncset.done $0x0  }
0x68: {  	s24 =	sshll.u32 s0, $0x6;
	[sflag:s19] =	ssyncadd.s32 $0xFFFFF000  }
0x69: {  	s25 =	sshrl.u32 s5, $0x3;
	s24 =	sor.u32 $0x1C02, s24;
	[bflag:$0x0] =	sbarrier.arrive $0xFFFF  }
0x6a: {  	[hbm:s8], [sflag:s24] =	dma.local [spmem:s25], $0x200  }
0x6b: {  	_ =	swait.ge [sflag:s19], $0x200  }
0x6c: {  	[sflag:s19] =	ssyncset.done $0x0  }
0x6d: {  	s28 =	sshrl.u32 s9, $0x3;
	[sflag:s19] =	ssyncadd.s32 $0xFFFFFE00  }
0x6e: {  	[hbm:s13], [sflag:s24] =	dma.local [spmem:s28], $0x200  }
0x6f: {  	_ =	swait.ge [sflag:s19], $0x200  }
0x70: {  	[sflag:s19] =	ssyncset.done $0x0  }
0x71: {  	s29 =	sshrl.u32 s10, $0x3;
	[sflag:s19] =	ssyncadd.s32 $0xFFFFFE00  }
0x72: {  	[hbm:s14], [sflag:s24] =	dma.local [spmem:s29], $0x200  }
0x73: {  	_ =	swait.ge [sflag:s19], $0x200  }
0x74: {  	[sflag:s19] =	ssyncset.done $0x0  }
0x75: {  	s30 =	sshrl.u32 s11, $0x3;
	[sflag:s19] =	ssyncadd.s32 $0xFFFFFE00  }
0x76: {  	[hbm:s15], [sflag:s24] =	dma.local [spmem:s30], $0x200  }
0x77: {  	s23 =	sadd.s32 $0x1, s23;
	_ =	swait.ge [sflag:s19], $0x200  }
0x78: {  	p0 =	sne.s32 s23, s12;
	[sflag:s19] =	ssyncset.done $0x0  }
.Ltmp2:
0x79: {  	s31 =	sshrl.u32 s6, $0x3;
	[sflag:s19] =	ssyncadd.s32 $0xFFFFFE00;
	(pc) =	sbr.rel @p0 .LBB2_1-.Ltmp2, $4  }
0x7a: {  	[hbm:s7], [sflag:s24] =	dma.local [spmem:s31], $0x1E0  }
0x7b: {  	_ =	swait.ge [sflag:s19], $0x1E0  }
0x7c: {  	[sflag:s19] =	ssyncset.done $0x0  }
0x7d: {  	[sflag:s19] =	ssyncadd.s32 $0xFFFFFE20  }
0x7e: {  	_ =	sfence.sel $0x180000  }
0x7f: {  	[bflag:$0x0] =	sbarrier.arrive $0xFFFF  }
0x80: {  	p0 =	sne.s32 s0, $0x0;
	_ =	strace $0x90000056  }
0x81: {  	s0 =	sadd.s32 @!p0 $0x100000, s1;
	[bflag:$0x2] =	sbarrier.arrive $0xFFFF  }
0x82: {  	[sflag:s0] =	ssyncadd.tile.s32 @!p0 $0x1;
	_ =	shalt  }
.Lfunc_end2:
_tile_overlayer_lowered:
.L_overlay_start_2:
0x83: {  	(tag) =	ssettag $0x2  }
0x84: {  	s0 =	rddreg [dreg:$0x0];
	s2 =	stileid.u32  }
0x85: {  	s1 =	rddreg [dreg:$0x1];
	p0 =	sne.s32 s2, $0x0  }
0x86: {  	s3 =	rddreg [dreg:$0x2];
	[bflag:$0x3] =	sbarrier.arrive $0xFFFF;
	s2 =	simm.s32 @!p0 $0x1C02  }
0x87: {  	[timem:s3], [sflag:s2] =	dma.local @!p0 [hbm:s0], s1  }
0x88: {  	s0 =	simm.s32 @!p0 $0x2  }
0x89: {  	_ =	swait.ge @!p0 [sflag:s0], s1  }
0x8a: {  	s1 =	ssub.s32 @!p0 $0x0, s1;
	[sflag:s0] =	ssyncset.done @!p0 $0x0  }
0x8b: {  	[sflag:s0] =	ssyncadd.s32 @!p0 s1  }
0x8c: {  	[bflag:$0x3] =	sbarrier.arrive $0xFFFF  }
0x8d: {  	_ =	shalt  }

// kernel: kernel.36.cloned.1.call-start
scs
__scs_entry_jumppad:
0x0: {  	(pc) =	sbr.rel $0x88, $3  }
0x1: {  	(tag) =	ssettag $0x0;
	lr =	simm.s32 $0x1  }
0x2: {  	[smem:$0x3F91] =	sst lr;
	_ =	strace $0xD0000000  }
0x3: {  	_ = 	snop  }
0x4: {  	_ = 	snop  }
0x5: {  	_ = 	snop  }
0x6: {  	_ = 	snop  }
0x7: {  	_ = 	snop  }
__scs_overlays_trampoline_lowered:
0x8: {  	[smem:$0x3FA0] =	sst s0  }
0x9: {  	[smem:$0x3FA1] =	sst s1  }
0xa: {  	[smem:$0x3FA2] =	sst s2  }
0xb: {  	[smem:$0x3FA3] =	sst s3  }
0xc: {  	[smem:$0x3FA4] =	sst s4  }
0xd: {  	[smem:$0x3FA5] =	sst s5  }
0xe: {  	[smem:$0x3FA6] =	sst s6  }
0xf: {  	[smem:$0x3FA7] =	sst s7  }
0x10: {  	[smem:$0x3FA8] =	sst s8  }
0x11: {  	[smem:$0x3FA9] =	sst s9;
	s0 =	simm.s32 @!p0 $0x0  }
0x12: {  	s1 =	sld [smem:$0x3F8F];
	s0 =	simm.s32 @p0 $0x1  }
0x13: {  	[smem:$0x3FAA] =	sst s0;
	s0 =	simm.s32 @!p1 $0x0  }
0x14: {  	s2 =	sld [smem:$0x3F8E];
	s0 =	simm.s32 @p1 $0x1  }
0x15: {  	[smem:$0x3FAB] =	sst s0;
	s0 =	simm.s32 @!p2 $0x0  }
0x16: {  	s3 =	sld [smem:$0x3FDB];
	s0 =	simm.s32 @p2 $0x1  }
0x17: {  	s4 =	simm.s32 $0x1BF5;
	[smem:$0x3FAD] =	sst s0  }
0x18: {  	s0 =	sld [smem:$0x3F90];
	_ =	swait.ge [sflag:s4], $0x0  }
0x19: {  	s7 =	sld [smem:$0x3F91]  }
0x1a: {  	s8 =	sadd.s32 $0xFFFFE003, lr  }
0x1b: {  	s9 =	sadd.s32 $0xFFFFFEF7, lr;
	s5 =	simm.s32 $0xFFFFFFFF;
	p2 =	slt.u32 s8, $0xFFFFF086  }
0x1c: {  	p1 =	slt.u32 s9, $0xF7A;
	s5 =	simm.s32 @!p2 $0x0  }
0x1d: {  	s5 =	simm.s32 @p1 $0x1;
	p0 =	seq.s32 s7, s2  }
0x1e: {  	s7 =	smul.u32 @!p0 $0xF7A, s2;
	p2 =	seq.s32 @!p0 s5, $0x0  }
0x1f: {  	s9 =	smul.u32 $0xF7A, s1;
	s8 =	simm.s32 @!p0 $0x1BF5;
	p2 =	por !p2, p0  }
0x20: {  	[sflag:s8] =	ssyncset.s32 @!p0 $0xFFFFF086;
	s6 =	sadd.s32 @!p0 s3, s7;
	s7 =	simm.s32 @!p0 $0x108  }
0x21: {  	s3 =	sadd.s32 s3, s9;
	s6 =	sadd.s32 @!p0 $0x88, s6;
	s7 =	simm.s32 @p2 $0x1082  }
0x22: {  	[simem:s7], [sflag:s8] =	dma.local @!p0 [hbm:s6], $0xF7A  }
0x23: {  	s9 =	sor.u32 $0xD0000000, s2;
	s6 =	simm.s32 $0x108;
	_ =	swait.ge @!p0 [sflag:s8], $0x0  }
0x24: {  	s3 =	sadd.s32 $0x88, s3;
	s6 =	simm.s32 @!p1 $0x1082;
	[sflag:s4] =	ssyncset.s32 $0xFFFFF086  }
0x25: {  	[simem:s6], [sflag:s4] =	dma.local [hbm:s3], $0xF7A  }
0x26: {  	[smem:$0x3F91] =	sst s1;
	(tag) =	ssettag s2;
	_ =	strace s9  }
0x27: {  	s1 =	sld [smem:$0x3FA1]  }
0x28: {  	s2 =	sld [smem:$0x3FA2]  }
0x29: {  	s4 =	sld [smem:$0x3FA4]  }
0x2a: {  	p0 =	seq.s32 s5, $0x0;
	s5 =	sld [smem:$0x3FA5]  }
0x2b: {  	s6 =	sld [smem:$0x3FA6]  }
0x2c: {  	s7 =	sld [smem:$0x3FA7]  }
0x2d: {  	s3 =	simm.s32 $0x108;
	s8 =	sld [smem:$0x3FA8]  }
0x2e: {  	s3 =	simm.s32 @!p0 $0x1082;
	s9 =	sld [smem:$0x3FA9]  }
0x2f: {  	lr =	sadd.s32 s0, s3;
	s0 =	sld [smem:$0x3FA0]  }
0x30: {  	s3 =	sld [smem:$0x3FA3]  }
0x31: {  	[smem:$0x3FAC] =	sst s10  }
0x32: {  	s10 =	sld [smem:$0x3FAA];
	_ =	sdelay $0x3  }
0x33: {  	p0 =	seq.s32 s10, $0x1;
	s10 =	sld [smem:$0x3FAC];
	_ =	sdelay $0x3  }
0x34: {  	[smem:$0x3FAC] =	sst s10  }
0x35: {  	s10 =	sld [smem:$0x3FAB];
	_ =	sdelay $0x3  }
0x36: {  	p1 =	seq.s32 s10, $0x1;
	s10 =	sld [smem:$0x3FAC];
	_ =	sdelay $0x3  }
0x37: {  	[smem:$0x3FAC] =	sst s10  }
0x38: {  	s10 =	sld [smem:$0x3FAD]  }
0x39: {  	_ = 	snop;
	(pc) =	sbr.ind lr, $3  }
0x3a: {  	_ = 	snop  }
0x3b: {  	_ = 	snop  }
0x3c: {  	p2 =	seq.s32 s10, $0x1;
	s10 =	sld [smem:$0x3FAC]  }
0x3d: {  	_ =	shalt  }
0x3e: {  	_ =	shalt  }
0x3f: {  	_ =	shalt  }
0x40: {  	_ =	shalt  }
0x41: {  	_ =	shalt  }
0x42: {  	_ =	shalt  }
0x43: {  	_ =	shalt  }
0x44: {  	_ =	shalt  }
0x45: {  	_ =	shalt  }
0x46: {  	_ =	shalt  }
0x47: {  	_ =	shalt  }
0x48: {  	_ =	shalt  }
0x49: {  	_ =	shalt  }
0x4a: {  	_ =	shalt  }
0x4b: {  	_ =	shalt  }
0x4c: {  	_ =	shalt  }
0x4d: {  	_ =	shalt  }
0x4e: {  	_ =	shalt  }
0x4f: {  	_ =	shalt  }
0x50: {  	_ =	shalt  }
0x51: {  	_ =	shalt  }
0x52: {  	_ =	shalt  }
0x53: {  	_ =	shalt  }
0x54: {  	_ =	shalt  }
0x55: {  	_ =	shalt  }
0x56: {  	_ =	shalt  }
0x57: {  	_ =	shalt  }
0x58: {  	_ =	shalt  }
0x59: {  	_ =	shalt  }
0x5a: {  	_ =	shalt  }
0x5b: {  	_ =	shalt  }
0x5c: {  	_ =	shalt  }
0x5d: {  	_ =	shalt  }
0x5e: {  	_ =	shalt  }
0x5f: {  	_ =	shalt  }
0x60: {  	_ =	shalt  }
0x61: {  	_ =	shalt  }
0x62: {  	_ =	shalt  }
0x63: {  	_ =	shalt  }
0x64: {  	_ =	shalt  }
0x65: {  	_ =	shalt  }
0x66: {  	_ =	shalt  }
0x67: {  	_ =	shalt  }
0x68: {  	_ =	shalt  }
0x69: {  	_ =	shalt  }
0x6a: {  	_ =	shalt  }
0x6b: {  	_ =	shalt  }
0x6c: {  	_ =	shalt  }
0x6d: {  	_ =	shalt  }
0x6e: {  	_ =	shalt  }
0x6f: {  	_ =	shalt  }
0x70: {  	_ =	shalt  }
0x71: {  	_ =	shalt  }
0x72: {  	_ =	shalt  }
0x73: {  	_ =	shalt  }
0x74: {  	_ =	shalt  }
0x75: {  	_ =	shalt  }
0x76: {  	_ =	shalt  }
0x77: {  	_ =	shalt  }
0x78: {  	_ =	shalt  }
0x79: {  	_ =	shalt  }
0x7a: {  	_ =	shalt  }
0x7b: {  	_ =	shalt  }
0x7c: {  	_ =	shalt  }
0x7d: {  	_ =	shalt  }
0x7e: {  	_ =	shalt  }
0x7f: {  	_ =	shalt  }
0x80: {  	_ =	shalt  }
0x81: {  	_ =	shalt  }
0x82: {  	_ =	shalt  }
0x83: {  	_ =	shalt  }
0x84: {  	_ =	shalt  }
0x85: {  	_ =	shalt  }
0x86: {  	_ =	shalt  }
0x87: {  	_ =	shalt  }
.Lfunc_end0:
.L_simem_size_0:
called_computation.6_lowered:
.L_overlay_start_0:
0x88: {  	s2 =	sld [smem:$0x3FD9]  }
0x89: {  	s3 =	sld [smem:$0x3FFE];
	_ =	sdelay $0x1  }
0x8a: {  	s1 =	srdreg.scid  }
0x8b: {  	s0 =	sand.u32 $0x1, s1  }
0x8c: {  	s16 =	sshll.u32 s0, $0xA;
	s2 =	sadd.s32 s3, s2  }
0x8d: {  	s2 =	sadd.s32 s2, s16  }
0x8e: {  	[smem:$0x3FB8] =	sst s2  }
0x8f: {  	_ = 	snop  }
0x90: {  	(tm) =	ssettm $0x1  }
0x91: {  	s17 =	sld [smem:$0x3FFB];
	_ =	sdelay $0x3  }
0x92: {  	_ =	strace s17  }
0x93: {  	s2 =	sld [smem:$0x3FFC];
	_ =	sdelay $0x3  }
0x94: {  	_ =	strace s2  }
0x95: {  	s2 =	sld [smem:$0x3FFD];
	_ =	sdelay $0x3  }
0x96: {  	_ =	strace s2  }
0x97: {  	_ =	strace $0x8FFFFFFF  }
0x98: {  	s18 =	sld [smem:$0x3FDB];
	_ =	sdelay $0x1  }
0x99: {  	s19 =	simm.s32 $_scs_section_size  }
0x9a: {  	s4 =	simm.s32 $_size__tile_overlayer_lowered;
	s5 =	simm.s32 $_tile_overlayer_lowered  }
0x9b: {  	s22 =	simm.s32 $0x1BFF;
	s21 =	sshll.u32 s5, $0x1;
	s2 =	sadd.s32 s19, s18  }
0x9c: {  	s6 =	simm.s32 $0x0;
	s20 =	sshll.u32 s4, $0x1;
	s4 =	sadd.s32 s21, s2  }
0x9d: {  	[timem:s6], [sflag:s22] =	dma.local [hbm:s4], s20  }
0x9e: {  	_ =	swait.ge [sflag:s22], s20  }
0x9f: {  	s3 =	ssub.s32 $0x0, s20;
	[sflag:s22] =	ssyncset.done $0x0  }
0xa0: {  	[sflag:s22] =	ssyncadd.s32 s3;
	_ =	sdelay $0x1  }
0xa1: {  	s23 =	simm.s32 $0x1B8B  }
0xa2: {  	_ =	swait.ge [sflag:s23], $0x1  }
0xa3: {  	[sflag:s23] =	ssyncset.done $0x0  }
0xa4: {  	s25 =	simm.s32 $0x1B8E;
	s24 =	sld [smem:$0x3FFE];
	[sflag:s23] =	ssyncadd.s32 $0xFFFFFFFF  }
0xa5: {  	s26 =	simm.s32 $execute0_lowered;
	[smem:$0x3FD2] =	sst s25  }
0xa6: {  	s4 =	sshll.u32 s26, $0x1;
	_ =	strace $0x80000058;
	[dreg:$0x1] =	wrdreg $0xFFFFFFFF  }
0xa7: {  	s28 =	simm.s32 $_size_execute0_lowered;
	s2 =	sadd.s32 s2, s4;
	[dreg:$0x0] =	wrdreg $0x0  }
0xa8: {  	s4 =	sshll.u32 s28, $0x1;
	[dreg:$0x2] =	wrdreg s2  }
0xa9: {  	[dreg:$0x3] =	wrdreg s4  }
0xaa: {  	[dreg:$0x4] =	wrdreg $0xC0  }
0xab: {  	_ =	task [dreg:s6], $0x5FFFF  }
0xac: {  	[dreg:$0x1] =	wrdreg $0xFFFFFFFF  }
0xad: {  	[dreg:$0x0] =	wrdreg $0x60  }
0xae: {  	[dreg:$0x2] =	wrdreg s24  }
0xaf: {  	[dreg:$0x3] =	wrdreg $0x21000  }
0xb0: {  	[dreg:$0x4] =	wrdreg $0x9  }
0xb1: {  	_ =	task.clear_ibuf [dreg:s6], $0x5FFFF;
	_ =	strace $0x90000058  }
0xb2: {  	s29 =	simm.s32 $0x9;
	_ =	strace $0x8000005A  }
0xb3: {  	_ =	swait.ge [sflag:s29], $0x1  }
0xb4: {  	[sflag:s29] =	ssyncadd.s32 $0xFFFFFFFF  }
0xb5: {  	_ =	strace $0x9000005A  }
0xb6: {  	_ =	sfence  }
0xb7: {  	s30 =	sld [smem:$0x0];
	_ =	sdelay $0x2  }
0xb8: {  	s31 =	sshll.u32 s1, $0xD;
	s1 =	sshrl.u32 s1, $0x2  }
0xb9: {  	s3 =	sand.u32 $0x4000, s31;
	s1 =	sadd.s32 s1, s30  }
0xba: {  	s0 =	sor.u32 s3, s0;
	s1 =	sshll.u32 s1, $0x11  }
0xbb: {  	s0 =	sor.u32 s1, s0  }
0xbc: {  	s0 =	sadd.s32 $0x8F2B, s0  }
0xbd: {  	[sflag:s0] =	ssyncadd.remote.s32 $0x1  }
0xbe: {  	_ =	sfence.sel $0xFFFF  }
0xbf: {  	[dreg:$0x0] =	wrdreg $0xFFFFFFFF;
	(pc) =	sbr.abs _section_cstart, $3  }
0xc0: {  	[dreg:$0x1] =	wrdreg $0xFFFFFFFF  }
0xc1: {  	_ =	task.clear_ibuf [dreg:s6], $0x2FFFF;
	_ =	strace $0x9FFFFFFF  }
0xc2: {  	(tm) =	ssettm $0x7FFFFFFF  }
0xc3: {  	_ =	shalt  }
tec
execute0_lowered:
.L_overlay_start_1:
0x0: {  	(tag) =	ssettag $0x1  }
0x1: {  	s11 =	stileid.u32  }
0x2: {  	s0 =	rddreg [dreg:$0x0];
	s1 =	smul.u32 $0x1870, s11  }
0x3: {  	s2 =	rddreg [dreg:$0x1];
	s5 =	smul.u32 $0xC38, s11  }
0x4: {  	s4 =	srdreg.scid;
	s8 =	smul.u32 $0x61C00, s11  }
0x5: {  	s3 =	simm.s32 $0x0;
	s7 =	sand.u32 $0x1, s4;
	s23 =	smul.u32 $0x30E0, s11  }
0x6: {  	[smem:$0x7FF] =	sst s3;
	s6 =	smul.u32 $0xC380, s7  }
0x7: {  	s4 =	sadd.s32 $0x373E00, s0;
	s11 =	simm.s32 $0x2;
	s13 =	smul.u32 $0xC350, s7  }
0x8: {  	_ =	strace $0x80000059;
	s9 =	ssub.s32 $0x2, s7;
	s7 =	smul.u32 $0x30E00, s7  }
0x9: {  	s1 =	sadd.s32 s1, s0;
	s0 =	sadd.s32 $0x3D5A00, s0;
	s26 =	sshrl.u32 s9, $0x1  }
0xa: {  	s8 =	sshrl.u32 s8, $0x2;
	s5 =	sadd.s32 s5, s6;
	s9 =	ssub.s32 s9, s26  }
0xb: {  	s10 =	sshll.u32 s5, $0x2;
	s5 =	sadd.s32 s8, s2;
	s12 =	smax.u32 s9, $0x1  }
0xc: {  	v0 =	vmov s13;
	s13 =	simm.s32 $0x100;
	[dreg:$0x4] =	wrdreg s12;
	s14 =	sadd.s32 $0x2000, s5  }
0xd: {  	s10 =	sadd.s32 s10, s0;
	s15 =	sadd.s32 $0x3000, s5;
	[dreg:$0x5] =	wrdreg s14  }
0xe: {  	s6 =	sadd.s32 $0x18000, s5;
	s16 =	sadd.s32 $0x4000, s5;
	[dreg:$0x6] =	wrdreg s15  }
0xf: {  	s18 =	sadd.s32 $0x1000, s5;
	s17 =	sadd.s32 $0x5000, s5;
	[dreg:$0x7] =	wrdreg s16  }
0x10: {  	s19 =	sadd.s32 $0x6000, s5;
	s20 =	sadd.s32 $0x7000, s5;
	[dreg:$0x8] =	wrdreg s17  }
0x11: {  	s21 =	sadd.s32 $0x8000, s5;
	s22 =	sadd.s32 $0x9000, s5;
	[dreg:$0x9] =	wrdreg s19  }
0x12: {  	s24 =	sadd.s32 $0xA000, s5;
	s25 =	sadd.s32 $0xB000, s5;
	[dreg:$0xa] =	wrdreg s20  }
0x13: {  	s0 =	sadd.s32 s7, s0;
	s26 =	sadd.s32 $0xC000, s5;
	[dreg:$0xb] =	wrdreg s21  }
0x14: {  	s28 =	sadd.s32 $0x10000, s5;
	s29 =	sadd.s32 $0x11000, s5;
	[dreg:$0xc] =	wrdreg s22  }
0x15: {  	s30 =	sadd.s32 $0x12000, s5;
	s31 =	sadd.s32 $0x13000, s5;
	[dreg:$0xd] =	wrdreg s24  }
0x16: {  	s7 =	sadd.s32 $0x16000, s5;
	s12 =	simm.s32 $0x80;
	[dreg:$0xe] =	wrdreg s25  }
0x17: {  	s8 =	sadd.s32 $0x3000, s10;
	[dreg:$0xf] =	wrdreg s26;
	s21 =	sadd.s32 $0xD000, s5  }
0x18: {  	s22 =	sadd.s32 s23, s0;
	s23 =	sadd.s32 $0x4000, s1;
	s24 =	sadd.s32 $0x30400, s1  }
0x19: {  	s25 =	sadd.s32 $0xE000, s5;
	s26 =	sadd.s32 $0xF000, s5;
	s0 =	sadd.s32 $0x14000, s5  }
0x1a: {  	s1 =	sadd.s32 $0x15000, s5;
	s10 =	simm.s32 $0x1100;
	s14 =	simm.s32 $0x1  }
0x1b: {  	v1 =	vimm.f32 $0.0e+00;
	s15 =	simm.s32 $0x0;
	[dreg:$0x3] =	wrdreg s8;
	s8 =	sadd.s32 $0x17000, s5  }
.LBB2_1:
0x1c: {  	s9 =	simm.s32 $0x80;
	s16 =	simm.s32 $0x0  }
.LBB2_2:
0x1d: {  	p0 =	sne.s32 s9, $0x3F80;
	[tilespmem:s16+$0x1100] =	vst v1;
	s17 =	smov.u32 s9;
	s9 =	sadd.s32 $0x80, s9  }
.Ltmp0:
0x1e: {  	[tilespmem:s16+$0x1110] =	vst v1;
	(pc) =	sbr.rel @p0 .LBB2_2-.Ltmp0, $2  }
0x1f: {  	_ =	sdelay $0x2  }
0x20: {  	s16 =	sshra.s32 s17, $0x2  }
0x21: {  	[tilespmem:s16+$0x1100] =	vst v1  }
0x22: {  	[tilespmem:s16+$0x1110] =	vst v1  }
0x23: {  	[spmem:s5] =	stream.linear.scatter [tilespmem:s10], [sflag:$0x2], $0x1000, $0x38;
	[tilespmem:$0x1A800] =	vst v63  }
0x24: {  	_ =	swait.ge [sflag:s11], $0x1000  }
0x25: {  	[sflag:s11] =	ssyncset.done $0x0  }
0x26: {  	[sflag:s11] =	ssyncadd.s32 $0xFFFFF000  }
0x27: {  	[spmem:s18] =	stream.linear.scatter [tilespmem:s10], [sflag:$0x2], $0x1000, $0x38;
	[tilespmem:$0x1A800] =	vst v63  }
0x28: {  	_ =	swait.ge [sflag:s11], $0x1000  }
0x29: {  	[sflag:s11] =	ssyncset.done $0x0  }
0x2a: {  	s9 =	rddreg [dreg:$0x5];
	[sflag:s11] =	ssyncadd.s32 $0xFFFFF000  }
0x2b: {  	[spmem:s9] =	stream.linear.scatter [tilespmem:s10], [sflag:$0x2], $0x1000, $0x38;
	[tilespmem:$0x1A800] =	vst v63  }
0x2c: {  	_ =	swait.ge [sflag:s11], $0x1000  }
0x2d: {  	[sflag:s11] =	ssyncset.done $0x0  }
0x2e: {  	s16 =	rddreg [dreg:$0x6];
	[sflag:s11] =	ssyncadd.s32 $0xFFFFF000  }
0x2f: {  	[spmem:s16] =	stream.linear.scatter [tilespmem:s10], [sflag:$0x2], $0x1000, $0x38;
	[tilespmem:$0x1A800] =	vst v63  }
0x30: {  	_ =	swait.ge [sflag:s11], $0x1000  }
0x31: {  	[sflag:s11] =	ssyncset.done $0x0  }
0x32: {  	s17 =	rddreg [dreg:$0x7];
	[sflag:s11] =	ssyncadd.s32 $0xFFFFF000  }
0x33: {  	[spmem:s17] =	stream.linear.scatter [tilespmem:s10], [sflag:$0x2], $0x1000, $0x38;
	[tilespmem:$0x1A800] =	vst v63  }
0x34: {  	_ =	swait.ge [sflag:s11], $0x1000  }
0x35: {  	[sflag:s11] =	ssyncset.done $0x0  }
0x36: {  	s19 =	rddreg [dreg:$0x8];
	[sflag:s11] =	ssyncadd.s32 $0xFFFFF000  }
0x37: {  	[spmem:s19] =	stream.linear.scatter [tilespmem:s10], [sflag:$0x2], $0x1000, $0x38;
	[tilespmem:$0x1A800] =	vst v63  }
0x38: {  	_ =	swait.ge [sflag:s11], $0x1000  }
0x39: {  	[sflag:s11] =	ssyncset.done $0x0  }
0x3a: {  	s20 =	rddreg [dreg:$0x9];
	[sflag:s11] =	ssyncadd.s32 $0xFFFFF000  }
0x3b: {  	[spmem:s20] =	stream.linear.scatter [tilespmem:s10], [sflag:$0x2], $0x1000, $0x38;
	[tilespmem:$0x1A800] =	vst v63  }
0x3c: {  	_ =	swait.ge [sflag:s11], $0x1000  }
0x3d: {  	[sflag:s11] =	ssyncset.done $0x0  }
0x3e: {  	s16 =	rddreg [dreg:$0xa];
	[sflag:s11] =	ssyncadd.s32 $0xFFFFF000  }
0x3f: {  	[spmem:s16] =	stream.linear.scatter [tilespmem:s10], [sflag:$0x2], $0x1000, $0x38;
	[tilespmem:$0x1A800] =	vst v63  }
0x40: {  	_ =	swait.ge [sflag:s11], $0x1000  }
0x41: {  	[sflag:s11] =	ssyncset.done $0x0  }
0x42: {  	s17 =	rddreg [dreg:$0xb];
	[sflag:s11] =	ssyncadd.s32 $0xFFFFF000  }
0x43: {  	[spmem:s17] =	stream.linear.scatter [tilespmem:s10], [sflag:$0x2], $0x1000, $0x38;
	[tilespmem:$0x1A800] =	vst v63  }
0x44: {  	_ =	swait.ge [sflag:s11], $0x1000  }
0x45: {  	[sflag:s11] =	ssyncset.done $0x0  }
0x46: {  	s19 =	rddreg [dreg:$0xc];
	[sflag:s11] =	ssyncadd.s32 $0xFFFFF000  }
0x47: {  	[spmem:s19] =	stream.linear.scatter [tilespmem:s10], [sflag:$0x2], $0x1000, $0x38;
	[tilespmem:$0x1A800] =	vst v63  }
0x48: {  	_ =	swait.ge [sflag:s11], $0x1000  }
0x49: {  	[sflag:s11] =	ssyncset.done $0x0  }
0x4a: {  	s20 =	rddreg [dreg:$0xd];
	[sflag:s11] =	ssyncadd.s32 $0xFFFFF000  }
0x4b: {  	[spmem:s20] =	stream.linear.scatter [tilespmem:s10], [sflag:$0x2], $0x1000, $0x38;
	[tilespmem:$0x1A800] =	vst v63  }
0x4c: {  	_ =	swait.ge [sflag:s11], $0x1000  }
0x4d: {  	[sflag:s11] =	ssyncset.done $0x0  }
0x4e: {  	s16 =	rddreg [dreg:$0xe];
	[sflag:s11] =	ssyncadd.s32 $0xFFFFF000  }
0x4f: {  	[spmem:s16] =	stream.linear.scatter [tilespmem:s10], [sflag:$0x2], $0x1000, $0x38;
	[tilespmem:$0x1A800] =	vst v63  }
0x50: {  	_ =	swait.ge [sflag:s11], $0x1000  }
0x51: {  	[sflag:s11] =	ssyncset.done $0x0  }
0x52: {  	s17 =	rddreg [dreg:$0xf];
	[sflag:s11] =	ssyncadd.s32 $0xFFFFF000  }
0x53: {  	[spmem:s17] =	stream.linear.scatter [tilespmem:s10], [sflag:$0x2], $0x1000, $0x38;
	[tilespmem:$0x1A800] =	vst v63  }
0x54: {  	_ =	swait.ge [sflag:s11], $0x1000  }
0x55: {  	[sflag:s11] =	ssyncset.done $0x0  }
0x56: {  	[sflag:s11] =	ssyncadd.s32 $0xFFFFF000  }
0x57: {  	[spmem:s21] =	stream.linear.scatter [tilespmem:s10], [sflag:$0x2], $0x1000, $0x38;
	[tilespmem:$0x1A800] =	vst v63  }
0x58: {  	_ =	swait.ge [sflag:s11], $0x1000  }
0x59: {  	[sflag:s11] =	ssyncset.done $0x0  }
0x5a: {  	[sflag:s11] =	ssyncadd.s32 $0xFFFFF000  }
0x5b: {  	[spmem:s25] =	stream.linear.scatter [tilespmem:s10], [sflag:$0x2], $0x1000, $0x38;
	[tilespmem:$0x1A800] =	vst v63  }
0x5c: {  	_ =	swait.ge [sflag:s11], $0x1000  }
0x5d: {  	[sflag:s11] =	ssyncset.done $0x0  }
0x5e: {  	[sflag:s11] =	ssyncadd.s32 $0xFFFFF000  }
0x5f: {  	[spmem:s26] =	stream.linear.scatter [tilespmem:s10], [sflag:$0x2], $0x1000, $0x38;
	[tilespmem:$0x1A800] =	vst v63  }
0x60: {  	_ =	swait.ge [sflag:s11], $0x1000  }
0x61: {  	[sflag:s11] =	ssyncset.done $0x0  }
0x62: {  	[sflag:s11] =	ssyncadd.s32 $0xFFFFF000  }
0x63: {  	[spmem:s28] =	stream.linear.scatter [tilespmem:s10], [sflag:$0x2], $0x1000, $0x38;
	[tilespmem:$0x1A800] =	vst v63  }
0x64: {  	_ =	swait.ge [sflag:s11], $0x1000  }
0x65: {  	[sflag:s11] =	ssyncset.done $0x0  }
0x66: {  	[sflag:s11] =	ssyncadd.s32 $0xFFFFF000  }
0x67: {  	[spmem:s29] =	stream.linear.scatter [tilespmem:s10], [sflag:$0x2], $0x1000, $0x38;
	[tilespmem:$0x1A800] =	vst v63  }
0x68: {  	_ =	swait.ge [sflag:s11], $0x1000  }
0x69: {  	[sflag:s11] =	ssyncset.done $0x0  }
0x6a: {  	[sflag:s11] =	ssyncadd.s32 $0xFFFFF000  }
0x6b: {  	[spmem:s30] =	stream.linear.scatter [tilespmem:s10], [sflag:$0x2], $0x1000, $0x38;
	[tilespmem:$0x1A800] =	vst v63  }
0x6c: {  	_ =	swait.ge [sflag:s11], $0x1000  }
0x6d: {  	[sflag:s11] =	ssyncset.done $0x0  }
0x6e: {  	[sflag:s11] =	ssyncadd.s32 $0xFFFFF000  }
0x6f: {  	[spmem:s31] =	stream.linear.scatter [tilespmem:s10], [sflag:$0x2], $0x1000, $0x38;
	[tilespmem:$0x1A800] =	vst v63  }
0x70: {  	_ =	swait.ge [sflag:s11], $0x1000  }
0x71: {  	[sflag:s11] =	ssyncset.done $0x0  }
0x72: {  	[sflag:s11] =	ssyncadd.s32 $0xFFFFF000  }
0x73: {  	[spmem:s0] =	stream.linear.scatter [tilespmem:s10], [sflag:$0x2], $0x1000, $0x38;
	[tilespmem:$0x1A800] =	vst v63  }
0x74: {  	_ =	swait.ge [sflag:s11], $0x1000  }
0x75: {  	[sflag:s11] =	ssyncset.done $0x0  }
0x76: {  	[sflag:s11] =	ssyncadd.s32 $0xFFFFF000  }
0x77: {  	[spmem:s1] =	stream.linear.scatter [tilespmem:s10], [sflag:$0x2], $0x1000, $0x38;
	[tilespmem:$0x1A800] =	vst v63  }
0x78: {  	_ =	swait.ge [sflag:s11], $0x1000  }
0x79: {  	[sflag:s11] =	ssyncset.done $0x0  }
0x7a: {  	[sflag:s11] =	ssyncadd.s32 $0xFFFFF000  }
0x7b: {  	[spmem:s7] =	stream.linear.scatter [tilespmem:s10], [sflag:$0x2], $0x1000, $0x38;
	[tilespmem:$0x1A800] =	vst v63  }
0x7c: {  	_ =	swait.ge [sflag:s11], $0x1000  }
0x7d: {  	[sflag:s11] =	ssyncset.done $0x0  }
0x7e: {  	[sflag:s11] =	ssyncadd.s32 $0xFFFFF000  }
0x7f: {  	[spmem:s8] =	stream.linear.scatter [tilespmem:s10], [sflag:$0x2], $0x1000, $0x38;
	[tilespmem:$0x1A800] =	vst v63  }
0x80: {  	_ =	swait.ge [sflag:s11], $0x1000  }
0x81: {  	[sflag:s11] =	ssyncset.done $0x0  }
0x82: {  	[sflag:s11] =	ssyncadd.s32 $0xFFFFF000  }
0x83: {  	[spmem:s6] =	stream.linear.scatter [tilespmem:s10], [sflag:$0x2], $0x700, $0x38;
	[tilespmem:$0x1A800] =	vst v63  }
0x84: {  	_ =	swait.ge [sflag:s11], $0x700  }
0x85: {  	[sflag:s11] =	ssyncset.done $0x0  }
0x86: {  	[sflag:s11] =	ssyncadd.s32 $0xFFFFF900  }
0x87: {  	s19 =	sadd.s32 $0x0, s24;
	[bflag:$0x0] =	sbarrier.arrive $0xFFFF  }
0x88: {  	[tilespmem:s3], [sflag:$0x2] =	stream.linear.gather [hbm4b:s19+s3], $0x80, $0x38;
	[tilespmem:$0x1A800] =	vst v63  }
0x89: {  	_ =	swait.ge [sflag:s11], $0x80  }
0x8a: {  	[sflag:s11] =	ssyncset.done $0x0  }
0x8b: {  	s20 =	sadd.s32 $0x0, s23;
	[sflag:s11] =	ssyncadd.s32 $0xFFFFFF80  }
0x8c: {  	[tilespmem:s12], [sflag:$0x2] =	stream.linear.gather [hbm4b:s20+s3], $0x80, $0x38;
	[tilespmem:$0x1A800] =	vst v63  }
0x8d: {  	_ =	swait.ge [sflag:s11], $0x80  }
0x8e: {  	[sflag:s11] =	ssyncset.done $0x0  }
0x8f: {  	[sflag:s11] =	ssyncadd.s32 $0xFFFFFF80  }
0x90: {  	v2 =	vld [tilespmem:$0x70]  }
0x91: {  	v3 =	vld [tilespmem:$0x30]  }
0x92: {  	v6 =	vld [tilespmem:$0x20]  }
0x93: {  	v4 =	vld [tilespmem:$0x50]  }
0x94: {  	v5 =	vld [tilespmem:$0x60]  }
0x95: {  	v7 =	vld [tilespmem:$0x10];
	v2 =	vadd.s32 v0, v2  }
0x96: {  	v8 =	vld [tilespmem:$0x40];
	v3 =	vadd.s32 v0, v3;
	[tilespmem:$0x70] =	vst v2  }
0x97: {  	v63 =	vadd.s32 v0, v6;
	v2 =	vld [tilespmem:$0x0];
	[tilespmem:$0x30] =	vst v3  }
0x98: {  	v3 =	vadd.s32 v0, v4;
	[tilespmem:$0x20] =	vst v63  }
0x99: {  	[tilespmem:$0x50] =	vst v3;
	v3 =	vadd.s32 v0, v5  }
0x9a: {  	[tilespmem:$0x60] =	vst v3;
	v3 =	vadd.s32 v0, v7  }
0x9b: {  	[tilespmem:$0x10] =	vst v3;
	v3 =	vadd.s32 v0, v8  }
0x9c: {  	[tilespmem:$0x40] =	vst v3;
	v2 =	vadd.s32 v0, v2  }
0x9d: {  	s16 =	simm.s32 $0x10;
	[tilespmem:$0x0] =	vst v2  }
.LBB2_4:
0x9e: {  	[tilespmem:s13], [sflag:$0x1] =	stream.indirect.gather [hbm4b:s4+s12], $0x20, s3, s12, $0xb8;
	[tilespmem:$0x1A800] =	vst v63  }
0x9f: {  	s9 =	smov.u32 s16  }
0xa0: {  	p0 =	sne.s32 s16, $0x1860;
	s16 =	sadd.s32 $0x10, s16;
	_ =	swait.ge [sflag:s14], $0x1000  }
0xa1: {  	[sflag:s14] =	ssyncset.done $0x0  }
0xa2: {  	[sflag:s14] =	ssyncadd.s32 $0xFFFFF000  }
0xa3: {  	[spmem:s2] =	stream.indirect.scatter.add.f32 [tilespmem:s13], [sflag:$0x2], $0x20, s12, s12, $0xb8;
	[tilespmem:$0x1A800] =	vst v63  }
0xa4: {  	_ =	swait.ge [sflag:s11], $0x1000  }
0xa5: {  	[sflag:s11] =	ssyncset.done $0x0  }
0xa6: {  	s17 =	sadd.s32 s9, s24;
	[sflag:s11] =	ssyncadd.s32 $0xFFFFF000  }
0xa7: {  	[tilespmem:s3], [sflag:$0x2] =	stream.linear.gather [hbm4b:s17+s3], $0x80, $0x38;
	[tilespmem:$0x1A800] =	vst v63  }
0xa8: {  	_ =	swait.ge [sflag:s11], $0x80  }
0xa9: {  	[sflag:s11] =	ssyncset.done $0x0  }
0xaa: {  	s9 =	sadd.s32 s9, s23;
	[sflag:s11] =	ssyncadd.s32 $0xFFFFFF80  }
0xab: {  	[tilespmem:s12], [sflag:$0x2] =	stream.linear.gather [hbm4b:s9+s3], $0x80, $0x38;
	[tilespmem:$0x1A800] =	vst v63  }
0xac: {  	_ =	swait.ge [sflag:s11], $0x80  }
0xad: {  	[sflag:s11] =	ssyncset.done $0x0  }
0xae: {  	[sflag:s11] =	ssyncadd.s32 $0xFFFFFF80  }
0xaf: {  	v2 =	vld [tilespmem:$0x70]  }
0xb0: {  	v3 =	vld [tilespmem:$0x30]  }
0xb1: {  	v4 =	vld [tilespmem:$0x50]  }
0xb2: {  	v5 =	vld [tilespmem:$0x60]  }
0xb3: {  	v6 =	vld [tilespmem:$0x20]  }
0xb4: {  	v7 =	vld [tilespmem:$0x10];
	v2 =	vadd.s32 v0, v2  }
0xb5: {  	v3 =	vadd.s32 v0, v3;
	v8 =	vld [tilespmem:$0x40];
	[tilespmem:$0x70] =	vst v2  }
0xb6: {  	v2 =	vld [tilespmem:$0x0];
	[tilespmem:$0x30] =	vst v3;
	v3 =	vadd.s32 v0, v4  }
0xb7: {  	[tilespmem:$0x50] =	vst v3;
	v3 =	vadd.s32 v0, v5  }
.Ltmp1:
0xb8: {  	v4 =	vadd.s32 v0, v6;
	[tilespmem:$0x60] =	vst v3;
	(pc) =	sbr.rel @p0 .LBB2_4-.Ltmp1, $4  }
0xb9: {  	v3 =	vadd.s32 v0, v7;
	[tilespmem:$0x20] =	vst v4  }
0xba: {  	[tilespmem:$0x10] =	vst v3;
	v3 =	vadd.s32 v0, v8  }
0xbb: {  	v2 =	vadd.s32 v0, v2;
	[tilespmem:$0x40] =	vst v3  }
0xbc: {  	[tilespmem:$0x0] =	vst v2  }
0xbd: {  	[tilespmem:s13], [sflag:$0x1] =	stream.indirect.gather [hbm4b:s4+s12], $0x20, s3, s12, $0xb8;
	[tilespmem:$0x1A800] =	vst v63  }
0xbe: {  	_ =	swait.ge [sflag:s14], $0x1000  }
0xbf: {  	[sflag:s14] =	ssyncset.done $0x0  }
0xc0: {  	[sflag:s14] =	ssyncadd.s32 $0xFFFFF000  }
0xc1: {  	[spmem:s2] =	stream.indirect.scatter.add.f32 [tilespmem:s13], [sflag:$0x2], $0x20, s12, s12, $0xb8;
	[tilespmem:$0x1A800] =	vst v63  }
0xc2: {  	_ =	swait.ge [sflag:s11], $0x1000  }
0xc3: {  	s9 =	stileid.u32;
	[sflag:s11] =	ssyncset.done $0x0  }
0xc4: {  	s17 =	sadd.s32 $0x0, s22;
	s9 =	sshll.u32 s9, $0x6;
	[sflag:s11] =	ssyncadd.s32 $0xFFFFF000  }
0xc5: {  	s20 =	sshrl.u32 s5, $0x3;
	s16 =	sor.u32 $0x1C02, s9;
	[bflag:$0x0] =	sbarrier.arrive $0xFFFF  }
0xc6: {  	[hbm:s17], [sflag:s16] =	dma.local [spmem:s20], $0x200  }
0xc7: {  	s9 =	smov.u32 s18;
	s17 =	simm.s32 $0x200;
	_ =	swait.ge [sflag:s11], $0x200  }
.LBB2_6:
0xc8: {  	s19 =	sadd.s32 s17, s22;
	[sflag:s11] =	ssyncset.done $0x0;
	p0 =	sne.s32 s17, $0x2E00  }
.Ltmp2:
0xc9: {  	s20 =	sshrl.u32 s9, $0x3;
	[sflag:s11] =	ssyncadd.s32 $0xFFFFFE00;
	(pc) =	sbr.rel @p0 .LBB2_6-.Ltmp2, $3  }
0xca: {  	[hbm:s19], [sflag:s16] =	dma.local [spmem:s20], $0x200  }
0xcb: {  	s17 =	sadd.s32 $0x200, s17;
	_ =	sdelay $0x1  }
0xcc: {  	s9 =	sadd.s32 $0x1000, s9;
	_ =	swait.ge [sflag:s11], $0x200  }
0xcd: {  	[sflag:s11] =	ssyncset.done $0x0  }
0xce: {  	s9 =	sshrl.u32 s6, $0x3;
	s17 =	rddreg [dreg:$0x3];
	[sflag:s11] =	ssyncadd.s32 $0xFFFFFE00  }
0xcf: {  	[hbm:s17], [sflag:s16] =	dma.local [spmem:s9], $0xE0  }
0xd0: {  	_ =	swait.ge [sflag:s11], $0xE0  }
0xd1: {  	s15 =	sadd.s32 $0x1, s15;
	s20 =	rddreg [dreg:$0x4]  }
0xd2: {  	p0 =	sne.s32 s15, s20  }
.Ltmp3:
0xd3: {  	_ = 	snop;
	(pc) =	sbr.rel @p0 .LBB2_1-.Ltmp3, $3  }
0xd4: {  	_ =	sdelay $0x1  }
0xd5: {  	[sflag:s11] =	ssyncset.done $0x0  }
0xd6: {  	[sflag:s11] =	ssyncadd.s32 $0xFFFFFF20  }
0xd7: {  	_ =	sfence.sel $0x180000  }
0xd8: {  	[bflag:$0x0] =	sbarrier.arrive $0xFFFF  }
0xd9: {  	_ =	strace $0x90000059  }
0xda: {  	s0 =	stileid.u32;
	[bflag:$0x2] =	sbarrier.arrive $0xFFFF  }
0xdb: {  	p0 =	sne.s32 s0, $0x0;
	s0 =	rddreg [dreg:$0x2]  }
0xdc: {  	s0 =	sadd.s32 @!p0 $0x100000, s0  }
0xdd: {  	[sflag:s0] =	ssyncadd.tile.s32 @!p0 $0x1;
	_ =	shalt  }
.Lfunc_end2:
_tile_overlayer_lowered:
.L_overlay_start_2:
0xde: {  	(tag) =	ssettag $0x2  }
0xdf: {  	s0 =	rddreg [dreg:$0x0];
	s2 =	stileid.u32  }
0xe0: {  	s1 =	rddreg [dreg:$0x1];
	p0 =	sne.s32 s2, $0x0  }
0xe1: {  	s3 =	rddreg [dreg:$0x2];
	[bflag:$0x3] =	sbarrier.arrive $0xFFFF;
	s2 =	simm.s32 @!p0 $0x1C02  }
0xe2: {  	[timem:s3], [sflag:s2] =	dma.local @!p0 [hbm:s0], s1  }
0xe3: {  	s0 =	simm.s32 @!p0 $0x2  }
0xe4: {  	_ =	swait.ge @!p0 [sflag:s0], s1  }
0xe5: {  	s1 =	ssub.s32 @!p0 $0x0, s1;
	[sflag:s0] =	ssyncset.done @!p0 $0x0  }
0xe6: {  	[sflag:s0] =	ssyncadd.s32 @!p0 s1  }
0xe7: {  	[bflag:$0x3] =	sbarrier.arrive $0xFFFF  }
0xe8: {  	_ =	shalt  }

// kernel: kernel.39.cloned.1.call-start
scs
__scs_entry_jumppad:
0x0: {  	(pc) =	sbr.rel $0x88, $3  }
0x1: {  	(tag) =	ssettag $0x0;
	lr =	simm.s32 $0x1  }
0x2: {  	[smem:$0x3F91] =	sst lr;
	_ =	strace $0xD0000000  }
0x3: {  	_ = 	snop  }
0x4: {  	_ = 	snop  }
0x5: {  	_ = 	snop  }
0x6: {  	_ = 	snop  }
0x7: {  	_ = 	snop  }
__scs_overlays_trampoline_lowered:
0x8: {  	[smem:$0x3FA0] =	sst s0  }
0x9: {  	[smem:$0x3FA1] =	sst s1  }
0xa: {  	[smem:$0x3FA2] =	sst s2  }
0xb: {  	[smem:$0x3FA3] =	sst s3  }
0xc: {  	[smem:$0x3FA4] =	sst s4  }
0xd: {  	[smem:$0x3FA5] =	sst s5  }
0xe: {  	[smem:$0x3FA6] =	sst s6  }
0xf: {  	[smem:$0x3FA7] =	sst s7  }
0x10: {  	[smem:$0x3FA8] =	sst s8  }
0x11: {  	[smem:$0x3FA9] =	sst s9;
	s0 =	simm.s32 @!p0 $0x0  }
0x12: {  	s1 =	sld [smem:$0x3F8F];
	s0 =	simm.s32 @p0 $0x1  }
0x13: {  	[smem:$0x3FAA] =	sst s0;
	s0 =	simm.s32 @!p1 $0x0  }
0x14: {  	s2 =	sld [smem:$0x3F8E];
	s0 =	simm.s32 @p1 $0x1  }
0x15: {  	[smem:$0x3FAB] =	sst s0;
	s0 =	simm.s32 @!p2 $0x0  }
0x16: {  	s3 =	sld [smem:$0x3FDB];
	s0 =	simm.s32 @p2 $0x1  }
0x17: {  	s4 =	simm.s32 $0x1BF5;
	[smem:$0x3FAD] =	sst s0  }
0x18: {  	s0 =	sld [smem:$0x3F90];
	_ =	swait.ge [sflag:s4], $0x0  }
0x19: {  	s7 =	sld [smem:$0x3F91]  }
0x1a: {  	s8 =	sadd.s32 $0xFFFFE003, lr  }
0x1b: {  	s9 =	sadd.s32 $0xFFFFFEF7, lr;
	s5 =	simm.s32 $0xFFFFFFFF;
	p2 =	slt.u32 s8, $0xFFFFF086  }
0x1c: {  	p1 =	slt.u32 s9, $0xF7A;
	s5 =	simm.s32 @!p2 $0x0  }
0x1d: {  	s5 =	simm.s32 @p1 $0x1;
	p0 =	seq.s32 s7, s2  }
0x1e: {  	s7 =	smul.u32 @!p0 $0xF7A, s2;
	p2 =	seq.s32 @!p0 s5, $0x0  }
0x1f: {  	s9 =	smul.u32 $0xF7A, s1;
	s8 =	simm.s32 @!p0 $0x1BF5;
	p2 =	por !p2, p0  }
0x20: {  	[sflag:s8] =	ssyncset.s32 @!p0 $0xFFFFF086;
	s6 =	sadd.s32 @!p0 s3, s7;
	s7 =	simm.s32 @!p0 $0x108  }
0x21: {  	s3 =	sadd.s32 s3, s9;
	s6 =	sadd.s32 @!p0 $0x88, s6;
	s7 =	simm.s32 @p2 $0x1082  }
0x22: {  	[simem:s7], [sflag:s8] =	dma.local @!p0 [hbm:s6], $0xF7A  }
0x23: {  	s9 =	sor.u32 $0xD0000000, s2;
	s6 =	simm.s32 $0x108;
	_ =	swait.ge @!p0 [sflag:s8], $0x0  }
0x24: {  	s3 =	sadd.s32 $0x88, s3;
	s6 =	simm.s32 @!p1 $0x1082;
	[sflag:s4] =	ssyncset.s32 $0xFFFFF086  }
0x25: {  	[simem:s6], [sflag:s4] =	dma.local [hbm:s3], $0xF7A  }
0x26: {  	[smem:$0x3F91] =	sst s1;
	(tag) =	ssettag s2;
	_ =	strace s9  }
0x27: {  	s1 =	sld [smem:$0x3FA1]  }
0x28: {  	s2 =	sld [smem:$0x3FA2]  }
0x29: {  	s4 =	sld [smem:$0x3FA4]  }
0x2a: {  	p0 =	seq.s32 s5, $0x0;
	s5 =	sld [smem:$0x3FA5]  }
0x2b: {  	s6 =	sld [smem:$0x3FA6]  }
0x2c: {  	s7 =	sld [smem:$0x3FA7]  }
0x2d: {  	s3 =	simm.s32 $0x108;
	s8 =	sld [smem:$0x3FA8]  }
0x2e: {  	s3 =	simm.s32 @!p0 $0x1082;
	s9 =	sld [smem:$0x3FA9]  }
0x2f: {  	lr =	sadd.s32 s0, s3;
	s0 =	sld [smem:$0x3FA0]  }
0x30: {  	s3 =	sld [smem:$0x3FA3]  }
0x31: {  	[smem:$0x3FAC] =	sst s10  }
0x32: {  	s10 =	sld [smem:$0x3FAA];
	_ =	sdelay $0x3  }
0x33: {  	p0 =	seq.s32 s10, $0x1;
	s10 =	sld [smem:$0x3FAC];
	_ =	sdelay $0x3  }
0x34: {  	[smem:$0x3FAC] =	sst s10  }
0x35: {  	s10 =	sld [smem:$0x3FAB];
	_ =	sdelay $0x3  }
0x36: {  	p1 =	seq.s32 s10, $0x1;
	s10 =	sld [smem:$0x3FAC];
	_ =	sdelay $0x3  }
0x37: {  	[smem:$0x3FAC] =	sst s10  }
0x38: {  	s10 =	sld [smem:$0x3FAD]  }
0x39: {  	_ = 	snop;
	(pc) =	sbr.ind lr, $3  }
0x3a: {  	_ = 	snop  }
0x3b: {  	_ = 	snop  }
0x3c: {  	p2 =	seq.s32 s10, $0x1;
	s10 =	sld [smem:$0x3FAC]  }
0x3d: {  	_ =	shalt  }
0x3e: {  	_ =	shalt  }
0x3f: {  	_ =	shalt  }
0x40: {  	_ =	shalt  }
0x41: {  	_ =	shalt  }
0x42: {  	_ =	shalt  }
0x43: {  	_ =	shalt  }
0x44: {  	_ =	shalt  }
0x45: {  	_ =	shalt  }
0x46: {  	_ =	shalt  }
0x47: {  	_ =	shalt  }
0x48: {  	_ =	shalt  }
0x49: {  	_ =	shalt  }
0x4a: {  	_ =	shalt  }
0x4b: {  	_ =	shalt  }
0x4c: {  	_ =	shalt  }
0x4d: {  	_ =	shalt  }
0x4e: {  	_ =	shalt  }
0x4f: {  	_ =	shalt  }
0x50: {  	_ =	shalt  }
0x51: {  	_ =	shalt  }
0x52: {  	_ =	shalt  }
0x53: {  	_ =	shalt  }
0x54: {  	_ =	shalt  }
0x55: {  	_ =	shalt  }
0x56: {  	_ =	shalt  }
0x57: {  	_ =	shalt  }
0x58: {  	_ =	shalt  }
0x59: {  	_ =	shalt  }
0x5a: {  	_ =	shalt  }
0x5b: {  	_ =	shalt  }
0x5c: {  	_ =	shalt  }
0x5d: {  	_ =	shalt  }
0x5e: {  	_ =	shalt  }
0x5f: {  	_ =	shalt  }
0x60: {  	_ =	shalt  }
0x61: {  	_ =	shalt  }
0x62: {  	_ =	shalt  }
0x63: {  	_ =	shalt  }
0x64: {  	_ =	shalt  }
0x65: {  	_ =	shalt  }
0x66: {  	_ =	shalt  }
0x67: {  	_ =	shalt  }
0x68: {  	_ =	shalt  }
0x69: {  	_ =	shalt  }
0x6a: {  	_ =	shalt  }
0x6b: {  	_ =	shalt  }
0x6c: {  	_ =	shalt  }
0x6d: {  	_ =	shalt  }
0x6e: {  	_ =	shalt  }
0x6f: {  	_ =	shalt  }
0x70: {  	_ =	shalt  }
0x71: {  	_ =	shalt  }
0x72: {  	_ =	shalt  }
0x73: {  	_ =	shalt  }
0x74: {  	_ =	shalt  }
0x75: {  	_ =	shalt  }
0x76: {  	_ =	shalt  }
0x77: {  	_ =	shalt  }
0x78: {  	_ =	shalt  }
0x79: {  	_ =	shalt  }
0x7a: {  	_ =	shalt  }
0x7b: {  	_ =	shalt  }
0x7c: {  	_ =	shalt  }
0x7d: {  	_ =	shalt  }
0x7e: {  	_ =	shalt  }
0x7f: {  	_ =	shalt  }
0x80: {  	_ =	shalt  }
0x81: {  	_ =	shalt  }
0x82: {  	_ =	shalt  }
0x83: {  	_ =	shalt  }
0x84: {  	_ =	shalt  }
0x85: {  	_ =	shalt  }
0x86: {  	_ =	shalt  }
0x87: {  	_ =	shalt  }
.Lfunc_end0:
.L_simem_size_0:
called_computation.7_lowered:
.L_overlay_start_0:
0x88: {  	s2 =	sld [smem:$0x3FD9]  }
0x89: {  	s3 =	sld [smem:$0x3FFE];
	_ =	sdelay $0x1  }
0x8a: {  	s1 =	srdreg.scid  }
0x8b: {  	s0 =	sand.u32 $0x1, s1  }
0x8c: {  	s16 =	sshll.u32 s0, $0xA;
	s2 =	sadd.s32 s3, s2  }
0x8d: {  	s2 =	sadd.s32 s2, s16  }
0x8e: {  	[smem:$0x3FB8] =	sst s2  }
0x8f: {  	_ = 	snop  }
0x90: {  	(tm) =	ssettm $0x1  }
0x91: {  	s17 =	sld [smem:$0x3FFB];
	_ =	sdelay $0x3  }
0x92: {  	_ =	strace s17  }
0x93: {  	s2 =	sld [smem:$0x3FFC];
	_ =	sdelay $0x3  }
0x94: {  	_ =	strace s2  }
0x95: {  	s2 =	sld [smem:$0x3FFD];
	_ =	sdelay $0x3  }
0x96: {  	_ =	strace s2  }
0x97: {  	_ =	strace $0x8FFFFFFF  }
0x98: {  	s18 =	sld [smem:$0x3FDB];
	_ =	sdelay $0x1  }
0x99: {  	s19 =	simm.s32 $_scs_section_size  }
0x9a: {  	s4 =	simm.s32 $_size__tile_overlayer_lowered;
	s5 =	simm.s32 $_tile_overlayer_lowered  }
0x9b: {  	s22 =	simm.s32 $0x1BFF;
	s21 =	sshll.u32 s5, $0x1;
	s2 =	sadd.s32 s19, s18  }
0x9c: {  	s6 =	simm.s32 $0x0;
	s20 =	sshll.u32 s4, $0x1;
	s4 =	sadd.s32 s21, s2  }
0x9d: {  	[timem:s6], [sflag:s22] =	dma.local [hbm:s4], s20  }
0x9e: {  	_ =	swait.ge [sflag:s22], s20  }
0x9f: {  	s3 =	ssub.s32 $0x0, s20;
	[sflag:s22] =	ssyncset.done $0x0  }
0xa0: {  	[sflag:s22] =	ssyncadd.s32 s3;
	_ =	sdelay $0x1  }
0xa1: {  	s23 =	simm.s32 $0x1B8B  }
0xa2: {  	_ =	swait.ge [sflag:s23], $0x1  }
0xa3: {  	[sflag:s23] =	ssyncset.done $0x0  }
0xa4: {  	s25 =	simm.s32 $0x1B8E;
	s24 =	sld [smem:$0x3FFE];
	[sflag:s23] =	ssyncadd.s32 $0xFFFFFFFF  }
0xa5: {  	s26 =	simm.s32 $execute0_lowered;
	[smem:$0x3FD2] =	sst s25  }
0xa6: {  	s4 =	sshll.u32 s26, $0x1;
	_ =	strace $0x8000005B;
	[dreg:$0x1] =	wrdreg $0xFFFFFFFF  }
0xa7: {  	s28 =	simm.s32 $_size_execute0_lowered;
	s2 =	sadd.s32 s2, s4;
	[dreg:$0x0] =	wrdreg $0x0  }
0xa8: {  	s4 =	sshll.u32 s28, $0x1;
	[dreg:$0x2] =	wrdreg s2  }
0xa9: {  	[dreg:$0x3] =	wrdreg s4  }
0xaa: {  	[dreg:$0x4] =	wrdreg $0xC0  }
0xab: {  	_ =	task [dreg:s6], $0x5FFFF  }
0xac: {  	[dreg:$0x1] =	wrdreg $0xFFFFFFFF  }
0xad: {  	[dreg:$0x0] =	wrdreg $0x60  }
0xae: {  	[dreg:$0x2] =	wrdreg s24  }
0xaf: {  	[dreg:$0x3] =	wrdreg $0x21000  }
0xb0: {  	[dreg:$0x4] =	wrdreg $0x9  }
0xb1: {  	_ =	task.clear_ibuf [dreg:s6], $0x5FFFF;
	_ =	strace $0x9000005B  }
0xb2: {  	s29 =	simm.s32 $0x9;
	_ =	strace $0x8000005D  }
0xb3: {  	_ =	swait.ge [sflag:s29], $0x1  }
0xb4: {  	[sflag:s29] =	ssyncadd.s32 $0xFFFFFFFF  }
0xb5: {  	_ =	strace $0x9000005D  }
0xb6: {  	_ =	sfence  }
0xb7: {  	s30 =	sld [smem:$0x0];
	_ =	sdelay $0x2  }
0xb8: {  	s31 =	sshll.u32 s1, $0xD;
	s1 =	sshrl.u32 s1, $0x2  }
0xb9: {  	s3 =	sand.u32 $0x4000, s31;
	s1 =	sadd.s32 s1, s30  }
0xba: {  	s0 =	sor.u32 s3, s0;
	s1 =	sshll.u32 s1, $0x11  }
0xbb: {  	s0 =	sor.u32 s1, s0  }
0xbc: {  	s0 =	sadd.s32 $0x8F2B, s0  }
0xbd: {  	[sflag:s0] =	ssyncadd.remote.s32 $0x1  }
0xbe: {  	_ =	sfence.sel $0xFFFF  }
0xbf: {  	[dreg:$0x0] =	wrdreg $0xFFFFFFFF;
	(pc) =	sbr.abs _section_cstart, $3  }
0xc0: {  	[dreg:$0x1] =	wrdreg $0xFFFFFFFF  }
0xc1: {  	_ =	task.clear_ibuf [dreg:s6], $0x2FFFF;
	_ =	strace $0x9FFFFFFF  }
0xc2: {  	(tm) =	ssettm $0x7FFFFFFF  }
0xc3: {  	_ =	shalt  }
tec
execute0_lowered:
.L_overlay_start_1:
0x0: {  	(tag) =	ssettag $0x1  }
0x1: {  	s11 =	stileid.u32  }
0x2: {  	s0 =	rddreg [dreg:$0x0];
	s1 =	smul.u32 $0x9D0, s11  }
0x3: {  	s2 =	rddreg [dreg:$0x1];
	s5 =	smul.u32 $0xC38, s11  }
0x4: {  	s4 =	srdreg.scid;
	s8 =	smul.u32 $0x61C00, s11  }
0x5: {  	s3 =	simm.s32 $0x0;
	s7 =	sand.u32 $0x1, s4;
	s23 =	smul.u32 $0x30E0, s11  }
0x6: {  	[smem:$0x7FF] =	sst s3;
	s6 =	smul.u32 $0xC380, s7  }
0x7: {  	s4 =	sadd.s32 $0x1C800, s0;
	s11 =	simm.s32 $0x2;
	s13 =	smul.u32 $0x2710, s7  }
0x8: {  	_ =	strace $0x8000005C;
	s9 =	ssub.s32 $0x2, s7;
	s7 =	smul.u32 $0x30E00, s7  }
0x9: {  	s1 =	sadd.s32 s1, s0;
	s0 =	sadd.s32 $0x3D5A00, s0;
	s26 =	sshrl.u32 s9, $0x1  }
0xa: {  	s8 =	sshrl.u32 s8, $0x2;
	s5 =	sadd.s32 s5, s6;
	s9 =	ssub.s32 s9, s26  }
0xb: {  	s10 =	sshll.u32 s5, $0x2;
	s5 =	sadd.s32 s8, s2;
	s12 =	smax.u32 s9, $0x1  }
0xc: {  	v0 =	vmov s13;
	s13 =	simm.s32 $0x100;
	[dreg:$0x4] =	wrdreg s12;
	s14 =	sadd.s32 $0x2000, s5  }
0xd: {  	s10 =	sadd.s32 s10, s0;
	s15 =	sadd.s32 $0x3000, s5;
	[dreg:$0x5] =	wrdreg s14  }
0xe: {  	s6 =	sadd.s32 $0x18000, s5;
	s16 =	sadd.s32 $0x4000, s5;
	[dreg:$0x6] =	wrdreg s15  }
0xf: {  	s18 =	sadd.s32 $0x1000, s5;
	s17 =	sadd.s32 $0x5000, s5;
	[dreg:$0x7] =	wrdreg s16  }
0x10: {  	s19 =	sadd.s32 $0x6000, s5;
	s20 =	sadd.s32 $0x7000, s5;
	[dreg:$0x8] =	wrdreg s17  }
0x11: {  	s21 =	sadd.s32 $0x8000, s5;
	s22 =	sadd.s32 $0x9000, s5;
	[dreg:$0x9] =	wrdreg s19  }
0x12: {  	s24 =	sadd.s32 $0xA000, s5;
	s25 =	sadd.s32 $0xB000, s5;
	[dreg:$0xa] =	wrdreg s20  }
0x13: {  	s0 =	sadd.s32 s7, s0;
	s26 =	sadd.s32 $0xC000, s5;
	[dreg:$0xb] =	wrdreg s21  }
0x14: {  	s28 =	sadd.s32 $0x10000, s5;
	s29 =	sadd.s32 $0x11000, s5;
	[dreg:$0xc] =	wrdreg s22  }
0x15: {  	s30 =	sadd.s32 $0x12000, s5;
	s31 =	sadd.s32 $0x13000, s5;
	[dreg:$0xd] =	wrdreg s24  }
0x16: {  	s7 =	sadd.s32 $0x16000, s5;
	s12 =	simm.s32 $0x80;
	[dreg:$0xe] =	wrdreg s25  }
0x17: {  	s8 =	sadd.s32 $0x3000, s10;
	[dreg:$0xf] =	wrdreg s26;
	s21 =	sadd.s32 $0xD000, s5  }
0x18: {  	s22 =	sadd.s32 s23, s0;
	s23 =	sadd.s32 $0x4000, s1;
	s24 =	sadd.s32 $0x48C00, s1  }
0x19: {  	s25 =	sadd.s32 $0xE000, s5;
	s26 =	sadd.s32 $0xF000, s5;
	s0 =	sadd.s32 $0x14000, s5  }
0x1a: {  	s1 =	sadd.s32 $0x15000, s5;
	s10 =	simm.s32 $0x1100;
	s14 =	simm.s32 $0x1  }
0x1b: {  	v1 =	vimm.f32 $0.0e+00;
	s15 =	simm.s32 $0x0;
	[dreg:$0x3] =	wrdreg s8;
	s8 =	sadd.s32 $0x17000, s5  }
.LBB2_1:
0x1c: {  	s9 =	simm.s32 $0x80;
	s16 =	simm.s32 $0x0  }
.LBB2_2:
0x1d: {  	p0 =	sne.s32 s9, $0x3F80;
	[tilespmem:s16+$0x1100] =	vst v1;
	s17 =	smov.u32 s9;
	s9 =	sadd.s32 $0x80, s9  }
.Ltmp0:
0x1e: {  	[tilespmem:s16+$0x1110] =	vst v1;
	(pc) =	sbr.rel @p0 .LBB2_2-.Ltmp0, $2  }
0x1f: {  	_ =	sdelay $0x2  }
0x20: {  	s16 =	sshra.s32 s17, $0x2  }
0x21: {  	[tilespmem:s16+$0x1100] =	vst v1  }
0x22: {  	[tilespmem:s16+$0x1110] =	vst v1  }
0x23: {  	[spmem:s5] =	stream.linear.scatter [tilespmem:s10], [sflag:$0x2], $0x1000, $0x38;
	[tilespmem:$0x1A800] =	vst v63  }
0x24: {  	_ =	swait.ge [sflag:s11], $0x1000  }
0x25: {  	[sflag:s11] =	ssyncset.done $0x0  }
0x26: {  	[sflag:s11] =	ssyncadd.s32 $0xFFFFF000  }
0x27: {  	[spmem:s18] =	stream.linear.scatter [tilespmem:s10], [sflag:$0x2], $0x1000, $0x38;
	[tilespmem:$0x1A800] =	vst v63  }
0x28: {  	_ =	swait.ge [sflag:s11], $0x1000  }
0x29: {  	[sflag:s11] =	ssyncset.done $0x0  }
0x2a: {  	s9 =	rddreg [dreg:$0x5];
	[sflag:s11] =	ssyncadd.s32 $0xFFFFF000  }
0x2b: {  	[spmem:s9] =	stream.linear.scatter [tilespmem:s10], [sflag:$0x2], $0x1000, $0x38;
	[tilespmem:$0x1A800] =	vst v63  }
0x2c: {  	_ =	swait.ge [sflag:s11], $0x1000  }
0x2d: {  	[sflag:s11] =	ssyncset.done $0x0  }
0x2e: {  	s16 =	rddreg [dreg:$0x6];
	[sflag:s11] =	ssyncadd.s32 $0xFFFFF000  }
0x2f: {  	[spmem:s16] =	stream.linear.scatter [tilespmem:s10], [sflag:$0x2], $0x1000, $0x38;
	[tilespmem:$0x1A800] =	vst v63  }
0x30: {  	_ =	swait.ge [sflag:s11], $0x1000  }
0x31: {  	[sflag:s11] =	ssyncset.done $0x0  }
0x32: {  	s17 =	rddreg [dreg:$0x7];
	[sflag:s11] =	ssyncadd.s32 $0xFFFFF000  }
0x33: {  	[spmem:s17] =	stream.linear.scatter [tilespmem:s10], [sflag:$0x2], $0x1000, $0x38;
	[tilespmem:$0x1A800] =	vst v63  }
0x34: {  	_ =	swait.ge [sflag:s11], $0x1000  }
0x35: {  	[sflag:s11] =	ssyncset.done $0x0  }
0x36: {  	s19 =	rddreg [dreg:$0x8];
	[sflag:s11] =	ssyncadd.s32 $0xFFFFF000  }
0x37: {  	[spmem:s19] =	stream.linear.scatter [tilespmem:s10], [sflag:$0x2], $0x1000, $0x38;
	[tilespmem:$0x1A800] =	vst v63  }
0x38: {  	_ =	swait.ge [sflag:s11], $0x1000  }
0x39: {  	[sflag:s11] =	ssyncset.done $0x0  }
0x3a: {  	s20 =	rddreg [dreg:$0x9];
	[sflag:s11] =	ssyncadd.s32 $0xFFFFF000  }
0x3b: {  	[spmem:s20] =	stream.linear.scatter [tilespmem:s10], [sflag:$0x2], $0x1000, $0x38;
	[tilespmem:$0x1A800] =	vst v63  }
0x3c: {  	_ =	swait.ge [sflag:s11], $0x1000  }
0x3d: {  	[sflag:s11] =	ssyncset.done $0x0  }
0x3e: {  	s16 =	rddreg [dreg:$0xa];
	[sflag:s11] =	ssyncadd.s32 $0xFFFFF000  }
0x3f: {  	[spmem:s16] =	stream.linear.scatter [tilespmem:s10], [sflag:$0x2], $0x1000, $0x38;
	[tilespmem:$0x1A800] =	vst v63  }
0x40: {  	_ =	swait.ge [sflag:s11], $0x1000  }
0x41: {  	[sflag:s11] =	ssyncset.done $0x0  }
0x42: {  	s17 =	rddreg [dreg:$0xb];
	[sflag:s11] =	ssyncadd.s32 $0xFFFFF000  }
0x43: {  	[spmem:s17] =	stream.linear.scatter [tilespmem:s10], [sflag:$0x2], $0x1000, $0x38;
	[tilespmem:$0x1A800] =	vst v63  }
0x44: {  	_ =	swait.ge [sflag:s11], $0x1000  }
0x45: {  	[sflag:s11] =	ssyncset.done $0x0  }
0x46: {  	s19 =	rddreg [dreg:$0xc];
	[sflag:s11] =	ssyncadd.s32 $0xFFFFF000  }
0x47: {  	[spmem:s19] =	stream.linear.scatter [tilespmem:s10], [sflag:$0x2], $0x1000, $0x38;
	[tilespmem:$0x1A800] =	vst v63  }
0x48: {  	_ =	swait.ge [sflag:s11], $0x1000  }
0x49: {  	[sflag:s11] =	ssyncset.done $0x0  }
0x4a: {  	s20 =	rddreg [dreg:$0xd];
	[sflag:s11] =	ssyncadd.s32 $0xFFFFF000  }
0x4b: {  	[spmem:s20] =	stream.linear.scatter [tilespmem:s10], [sflag:$0x2], $0x1000, $0x38;
	[tilespmem:$0x1A800] =	vst v63  }
0x4c: {  	_ =	swait.ge [sflag:s11], $0x1000  }
0x4d: {  	[sflag:s11] =	ssyncset.done $0x0  }
0x4e: {  	s16 =	rddreg [dreg:$0xe];
	[sflag:s11] =	ssyncadd.s32 $0xFFFFF000  }
0x4f: {  	[spmem:s16] =	stream.linear.scatter [tilespmem:s10], [sflag:$0x2], $0x1000, $0x38;
	[tilespmem:$0x1A800] =	vst v63  }
0x50: {  	_ =	swait.ge [sflag:s11], $0x1000  }
0x51: {  	[sflag:s11] =	ssyncset.done $0x0  }
0x52: {  	s17 =	rddreg [dreg:$0xf];
	[sflag:s11] =	ssyncadd.s32 $0xFFFFF000  }
0x53: {  	[spmem:s17] =	stream.linear.scatter [tilespmem:s10], [sflag:$0x2], $0x1000, $0x38;
	[tilespmem:$0x1A800] =	vst v63  }
0x54: {  	_ =	swait.ge [sflag:s11], $0x1000  }
0x55: {  	[sflag:s11] =	ssyncset.done $0x0  }
0x56: {  	[sflag:s11] =	ssyncadd.s32 $0xFFFFF000  }
0x57: {  	[spmem:s21] =	stream.linear.scatter [tilespmem:s10], [sflag:$0x2], $0x1000, $0x38;
	[tilespmem:$0x1A800] =	vst v63  }
0x58: {  	_ =	swait.ge [sflag:s11], $0x1000  }
0x59: {  	[sflag:s11] =	ssyncset.done $0x0  }
0x5a: {  	[sflag:s11] =	ssyncadd.s32 $0xFFFFF000  }
0x5b: {  	[spmem:s25] =	stream.linear.scatter [tilespmem:s10], [sflag:$0x2], $0x1000, $0x38;
	[tilespmem:$0x1A800] =	vst v63  }
0x5c: {  	_ =	swait.ge [sflag:s11], $0x1000  }
0x5d: {  	[sflag:s11] =	ssyncset.done $0x0  }
0x5e: {  	[sflag:s11] =	ssyncadd.s32 $0xFFFFF000  }
0x5f: {  	[spmem:s26] =	stream.linear.scatter [tilespmem:s10], [sflag:$0x2], $0x1000, $0x38;
	[tilespmem:$0x1A800] =	vst v63  }
0x60: {  	_ =	swait.ge [sflag:s11], $0x1000  }
0x61: {  	[sflag:s11] =	ssyncset.done $0x0  }
0x62: {  	[sflag:s11] =	ssyncadd.s32 $0xFFFFF000  }
0x63: {  	[spmem:s28] =	stream.linear.scatter [tilespmem:s10], [sflag:$0x2], $0x1000, $0x38;
	[tilespmem:$0x1A800] =	vst v63  }
0x64: {  	_ =	swait.ge [sflag:s11], $0x1000  }
0x65: {  	[sflag:s11] =	ssyncset.done $0x0  }
0x66: {  	[sflag:s11] =	ssyncadd.s32 $0xFFFFF000  }
0x67: {  	[spmem:s29] =	stream.linear.scatter [tilespmem:s10], [sflag:$0x2], $0x1000, $0x38;
	[tilespmem:$0x1A800] =	vst v63  }
0x68: {  	_ =	swait.ge [sflag:s11], $0x1000  }
0x69: {  	[sflag:s11] =	ssyncset.done $0x0  }
0x6a: {  	[sflag:s11] =	ssyncadd.s32 $0xFFFFF000  }
0x6b: {  	[spmem:s30] =	stream.linear.scatter [tilespmem:s10], [sflag:$0x2], $0x1000, $0x38;
	[tilespmem:$0x1A800] =	vst v63  }
0x6c: {  	_ =	swait.ge [sflag:s11], $0x1000  }
0x6d: {  	[sflag:s11] =	ssyncset.done $0x0  }
0x6e: {  	[sflag:s11] =	ssyncadd.s32 $0xFFFFF000  }
0x6f: {  	[spmem:s31] =	stream.linear.scatter [tilespmem:s10], [sflag:$0x2], $0x1000, $0x38;
	[tilespmem:$0x1A800] =	vst v63  }
0x70: {  	_ =	swait.ge [sflag:s11], $0x1000  }
0x71: {  	[sflag:s11] =	ssyncset.done $0x0  }
0x72: {  	[sflag:s11] =	ssyncadd.s32 $0xFFFFF000  }
0x73: {  	[spmem:s0] =	stream.linear.scatter [tilespmem:s10], [sflag:$0x2], $0x1000, $0x38;
	[tilespmem:$0x1A800] =	vst v63  }
0x74: {  	_ =	swait.ge [sflag:s11], $0x1000  }
0x75: {  	[sflag:s11] =	ssyncset.done $0x0  }
0x76: {  	[sflag:s11] =	ssyncadd.s32 $0xFFFFF000  }
0x77: {  	[spmem:s1] =	stream.linear.scatter [tilespmem:s10], [sflag:$0x2], $0x1000, $0x38;
	[tilespmem:$0x1A800] =	vst v63  }
0x78: {  	_ =	swait.ge [sflag:s11], $0x1000  }
0x79: {  	[sflag:s11] =	ssyncset.done $0x0  }
0x7a: {  	[sflag:s11] =	ssyncadd.s32 $0xFFFFF000  }
0x7b: {  	[spmem:s7] =	stream.linear.scatter [tilespmem:s10], [sflag:$0x2], $0x1000, $0x38;
	[tilespmem:$0x1A800] =	vst v63  }
0x7c: {  	_ =	swait.ge [sflag:s11], $0x1000  }
0x7d: {  	[sflag:s11] =	ssyncset.done $0x0  }
0x7e: {  	[sflag:s11] =	ssyncadd.s32 $0xFFFFF000  }
0x7f: {  	[spmem:s8] =	stream.linear.scatter [tilespmem:s10], [sflag:$0x2], $0x1000, $0x38;
	[tilespmem:$0x1A800] =	vst v63  }
0x80: {  	_ =	swait.ge [sflag:s11], $0x1000  }
0x81: {  	[sflag:s11] =	ssyncset.done $0x0  }
0x82: {  	[sflag:s11] =	ssyncadd.s32 $0xFFFFF000  }
0x83: {  	[spmem:s6] =	stream.linear.scatter [tilespmem:s10], [sflag:$0x2], $0x700, $0x38;
	[tilespmem:$0x1A800] =	vst v63  }
0x84: {  	_ =	swait.ge [sflag:s11], $0x700  }
0x85: {  	[sflag:s11] =	ssyncset.done $0x0  }
0x86: {  	[sflag:s11] =	ssyncadd.s32 $0xFFFFF900  }
0x87: {  	s19 =	sadd.s32 $0x0, s24;
	[bflag:$0x0] =	sbarrier.arrive $0xFFFF  }
0x88: {  	[tilespmem:s3], [sflag:$0x2] =	stream.linear.gather [hbm4b:s19+s3], $0x80, $0x38;
	[tilespmem:$0x1A800] =	vst v63  }
0x89: {  	_ =	swait.ge [sflag:s11], $0x80  }
0x8a: {  	[sflag:s11] =	ssyncset.done $0x0  }
0x8b: {  	s20 =	sadd.s32 $0x0, s23;
	[sflag:s11] =	ssyncadd.s32 $0xFFFFFF80  }
0x8c: {  	[tilespmem:s12], [sflag:$0x2] =	stream.linear.gather [hbm4b:s20+s3], $0x80, $0x38;
	[tilespmem:$0x1A800] =	vst v63  }
0x8d: {  	_ =	swait.ge [sflag:s11], $0x80  }
0x8e: {  	[sflag:s11] =	ssyncset.done $0x0  }
0x8f: {  	[sflag:s11] =	ssyncadd.s32 $0xFFFFFF80  }
0x90: {  	v2 =	vld [tilespmem:$0x70]  }
0x91: {  	v3 =	vld [tilespmem:$0x30]  }
0x92: {  	v6 =	vld [tilespmem:$0x20]  }
0x93: {  	v4 =	vld [tilespmem:$0x50]  }
0x94: {  	v5 =	vld [tilespmem:$0x60]  }
0x95: {  	v7 =	vld [tilespmem:$0x10];
	v2 =	vadd.s32 v0, v2  }
0x96: {  	v8 =	vld [tilespmem:$0x40];
	v3 =	vadd.s32 v0, v3;
	[tilespmem:$0x70] =	vst v2  }
0x97: {  	v63 =	vadd.s32 v0, v6;
	v2 =	vld [tilespmem:$0x0];
	[tilespmem:$0x30] =	vst v3  }
0x98: {  	v3 =	vadd.s32 v0, v4;
	[tilespmem:$0x20] =	vst v63  }
0x99: {  	[tilespmem:$0x50] =	vst v3;
	v3 =	vadd.s32 v0, v5  }
0x9a: {  	[tilespmem:$0x60] =	vst v3;
	v3 =	vadd.s32 v0, v7  }
0x9b: {  	[tilespmem:$0x10] =	vst v3;
	v3 =	vadd.s32 v0, v8  }
0x9c: {  	[tilespmem:$0x40] =	vst v3;
	v2 =	vadd.s32 v0, v2  }
0x9d: {  	s16 =	simm.s32 $0x10;
	[tilespmem:$0x0] =	vst v2  }
.LBB2_4:
0x9e: {  	[tilespmem:s13], [sflag:$0x1] =	stream.indirect.gather [hbm4b:s4+s12], $0x20, s3, s12, $0xb8;
	[tilespmem:$0x1A800] =	vst v63  }
0x9f: {  	s9 =	smov.u32 s16  }
0xa0: {  	p0 =	sne.s32 s16, $0x9C0;
	s16 =	sadd.s32 $0x10, s16;
	_ =	swait.ge [sflag:s14], $0x1000  }
0xa1: {  	[sflag:s14] =	ssyncset.done $0x0  }
0xa2: {  	[sflag:s14] =	ssyncadd.s32 $0xFFFFF000  }
0xa3: {  	[spmem:s2] =	stream.indirect.scatter.add.f32 [tilespmem:s13], [sflag:$0x2], $0x20, s12, s12, $0xb8;
	[tilespmem:$0x1A800] =	vst v63  }
0xa4: {  	_ =	swait.ge [sflag:s11], $0x1000  }
0xa5: {  	[sflag:s11] =	ssyncset.done $0x0  }
0xa6: {  	s17 =	sadd.s32 s9, s24;
	[sflag:s11] =	ssyncadd.s32 $0xFFFFF000  }
0xa7: {  	[tilespmem:s3], [sflag:$0x2] =	stream.linear.gather [hbm4b:s17+s3], $0x80, $0x38;
	[tilespmem:$0x1A800] =	vst v63  }
0xa8: {  	_ =	swait.ge [sflag:s11], $0x80  }
0xa9: {  	[sflag:s11] =	ssyncset.done $0x0  }
0xaa: {  	s9 =	sadd.s32 s9, s23;
	[sflag:s11] =	ssyncadd.s32 $0xFFFFFF80  }
0xab: {  	[tilespmem:s12], [sflag:$0x2] =	stream.linear.gather [hbm4b:s9+s3], $0x80, $0x38;
	[tilespmem:$0x1A800] =	vst v63  }
0xac: {  	_ =	swait.ge [sflag:s11], $0x80  }
0xad: {  	[sflag:s11] =	ssyncset.done $0x0  }
0xae: {  	[sflag:s11] =	ssyncadd.s32 $0xFFFFFF80  }
0xaf: {  	v2 =	vld [tilespmem:$0x70]  }
0xb0: {  	v3 =	vld [tilespmem:$0x30]  }
0xb1: {  	v4 =	vld [tilespmem:$0x50]  }
0xb2: {  	v5 =	vld [tilespmem:$0x60]  }
0xb3: {  	v6 =	vld [tilespmem:$0x20]  }
0xb4: {  	v7 =	vld [tilespmem:$0x10];
	v2 =	vadd.s32 v0, v2  }
0xb5: {  	v3 =	vadd.s32 v0, v3;
	v8 =	vld [tilespmem:$0x40];
	[tilespmem:$0x70] =	vst v2  }
0xb6: {  	v2 =	vld [tilespmem:$0x0];
	[tilespmem:$0x30] =	vst v3;
	v3 =	vadd.s32 v0, v4  }
0xb7: {  	[tilespmem:$0x50] =	vst v3;
	v3 =	vadd.s32 v0, v5  }
.Ltmp1:
0xb8: {  	v4 =	vadd.s32 v0, v6;
	[tilespmem:$0x60] =	vst v3;
	(pc) =	sbr.rel @p0 .LBB2_4-.Ltmp1, $4  }
0xb9: {  	v3 =	vadd.s32 v0, v7;
	[tilespmem:$0x20] =	vst v4  }
0xba: {  	[tilespmem:$0x10] =	vst v3;
	v3 =	vadd.s32 v0, v8  }
0xbb: {  	v2 =	vadd.s32 v0, v2;
	[tilespmem:$0x40] =	vst v3  }
0xbc: {  	[tilespmem:$0x0] =	vst v2  }
0xbd: {  	[tilespmem:s13], [sflag:$0x1] =	stream.indirect.gather [hbm4b:s4+s12], $0x20, s3, s12, $0xb8;
	[tilespmem:$0x1A800] =	vst v63  }
0xbe: {  	_ =	swait.ge [sflag:s14], $0x1000  }
0xbf: {  	[sflag:s14] =	ssyncset.done $0x0  }
0xc0: {  	[sflag:s14] =	ssyncadd.s32 $0xFFFFF000  }
0xc1: {  	[spmem:s2] =	stream.indirect.scatter.add.f32 [tilespmem:s13], [sflag:$0x2], $0x20, s12, s12, $0xb8;
	[tilespmem:$0x1A800] =	vst v63  }
0xc2: {  	_ =	swait.ge [sflag:s11], $0x1000  }
0xc3: {  	s9 =	stileid.u32;
	[sflag:s11] =	ssyncset.done $0x0  }
0xc4: {  	s17 =	sadd.s32 $0x0, s22;
	s9 =	sshll.u32 s9, $0x6;
	[sflag:s11] =	ssyncadd.s32 $0xFFFFF000  }
0xc5: {  	s20 =	sshrl.u32 s5, $0x3;
	s16 =	sor.u32 $0x1C02, s9;
	[bflag:$0x0] =	sbarrier.arrive $0xFFFF  }
0xc6: {  	[hbm:s17], [sflag:s16] =	dma.local [spmem:s20], $0x200  }
0xc7: {  	s9 =	smov.u32 s18;
	s17 =	simm.s32 $0x200;
	_ =	swait.ge [sflag:s11], $0x200  }
.LBB2_6:
0xc8: {  	s19 =	sadd.s32 s17, s22;
	[sflag:s11] =	ssyncset.done $0x0;
	p0 =	sne.s32 s17, $0x2E00  }
.Ltmp2:
0xc9: {  	s20 =	sshrl.u32 s9, $0x3;
	[sflag:s11] =	ssyncadd.s32 $0xFFFFFE00;
	(pc) =	sbr.rel @p0 .LBB2_6-.Ltmp2, $3  }
0xca: {  	[hbm:s19], [sflag:s16] =	dma.local [spmem:s20], $0x200  }
0xcb: {  	s17 =	sadd.s32 $0x200, s17;
	_ =	sdelay $0x1  }
0xcc: {  	s9 =	sadd.s32 $0x1000, s9;
	_ =	swait.ge [sflag:s11], $0x200  }
0xcd: {  	[sflag:s11] =	ssyncset.done $0x0  }
0xce: {  	s9 =	sshrl.u32 s6, $0x3;
	s17 =	rddreg [dreg:$0x3];
	[sflag:s11] =	ssyncadd.s32 $0xFFFFFE00  }
0xcf: {  	[hbm:s17], [sflag:s16] =	dma.local [spmem:s9], $0xE0  }
0xd0: {  	_ =	swait.ge [sflag:s11], $0xE0  }
0xd1: {  	s15 =	sadd.s32 $0x1, s15;
	s20 =	rddreg [dreg:$0x4]  }
0xd2: {  	p0 =	sne.s32 s15, s20  }
.Ltmp3:
0xd3: {  	_ = 	snop;
	(pc) =	sbr.rel @p0 .LBB2_1-.Ltmp3, $3  }
0xd4: {  	_ =	sdelay $0x1  }
0xd5: {  	[sflag:s11] =	ssyncset.done $0x0  }
0xd6: {  	[sflag:s11] =	ssyncadd.s32 $0xFFFFFF20  }
0xd7: {  	_ =	sfence.sel $0x180000  }
0xd8: {  	[bflag:$0x0] =	sbarrier.arrive $0xFFFF  }
0xd9: {  	_ =	strace $0x9000005C  }
0xda: {  	s0 =	stileid.u32;
	[bflag:$0x2] =	sbarrier.arrive $0xFFFF  }
0xdb: {  	p0 =	sne.s32 s0, $0x0;
	s0 =	rddreg [dreg:$0x2]  }
0xdc: {  	s0 =	sadd.s32 @!p0 $0x100000, s0  }
0xdd: {  	[sflag:s0] =	ssyncadd.tile.s32 @!p0 $0x1;
	_ =	shalt  }
.Lfunc_end2:
_tile_overlayer_lowered:
.L_overlay_start_2:
0xde: {  	(tag) =	ssettag $0x2  }
0xdf: {  	s0 =	rddreg [dreg:$0x0];
	s2 =	stileid.u32  }
0xe0: {  	s1 =	rddreg [dreg:$0x1];
	p0 =	sne.s32 s2, $0x0  }
0xe1: {  	s3 =	rddreg [dreg:$0x2];
	[bflag:$0x3] =	sbarrier.arrive $0xFFFF;
	s2 =	simm.s32 @!p0 $0x1C02  }
0xe2: {  	[timem:s3], [sflag:s2] =	dma.local @!p0 [hbm:s0], s1  }
0xe3: {  	s0 =	simm.s32 @!p0 $0x2  }
0xe4: {  	_ =	swait.ge @!p0 [sflag:s0], s1  }
0xe5: {  	s1 =	ssub.s32 @!p0 $0x0, s1;
	[sflag:s0] =	ssyncset.done @!p0 $0x0  }
0xe6: {  	[sflag:s0] =	ssyncadd.s32 @!p0 s1  }
0xe7: {  	[bflag:$0x3] =	sbarrier.arrive $0xFFFF  }
0xe8: {  	_ =	shalt  }

// kernel: kernel.42.cloned.1.call-start
scs
__scs_entry_jumppad:
0x0: {  	(pc) =	sbr.rel $0x88, $3  }
0x1: {  	(tag) =	ssettag $0x0;
	lr =	simm.s32 $0x1  }
0x2: {  	[smem:$0x3F91] =	sst lr;
	_ =	strace $0xD0000000  }
0x3: {  	_ = 	snop  }
0x4: {  	_ = 	snop  }
0x5: {  	_ = 	snop  }
0x6: {  	_ = 	snop  }
0x7: {  	_ = 	snop  }
__scs_overlays_trampoline_lowered:
0x8: {  	[smem:$0x3FA0] =	sst s0  }
0x9: {  	[smem:$0x3FA1] =	sst s1  }
0xa: {  	[smem:$0x3FA2] =	sst s2  }
0xb: {  	[smem:$0x3FA3] =	sst s3  }
0xc: {  	[smem:$0x3FA4] =	sst s4  }
0xd: {  	[smem:$0x3FA5] =	sst s5  }
0xe: {  	[smem:$0x3FA6] =	sst s6  }
0xf: {  	[smem:$0x3FA7] =	sst s7  }
0x10: {  	[smem:$0x3FA8] =	sst s8  }
0x11: {  	[smem:$0x3FA9] =	sst s9;
	s0 =	simm.s32 @!p0 $0x0  }
0x12: {  	s1 =	sld [smem:$0x3F8F];
	s0 =	simm.s32 @p0 $0x1  }
0x13: {  	[smem:$0x3FAA] =	sst s0;
	s0 =	simm.s32 @!p1 $0x0  }
0x14: {  	s2 =	sld [smem:$0x3F8E];
	s0 =	simm.s32 @p1 $0x1  }
0x15: {  	[smem:$0x3FAB] =	sst s0;
	s0 =	simm.s32 @!p2 $0x0  }
0x16: {  	s3 =	sld [smem:$0x3FDB];
	s0 =	simm.s32 @p2 $0x1  }
0x17: {  	s4 =	simm.s32 $0x1BF5;
	[smem:$0x3FAD] =	sst s0  }
0x18: {  	s0 =	sld [smem:$0x3F90];
	_ =	swait.ge [sflag:s4], $0x0  }
0x19: {  	s7 =	sld [smem:$0x3F91]  }
0x1a: {  	s8 =	sadd.s32 $0xFFFFE003, lr  }
0x1b: {  	s9 =	sadd.s32 $0xFFFFFEF7, lr;
	s5 =	simm.s32 $0xFFFFFFFF;
	p2 =	slt.u32 s8, $0xFFFFF086  }
0x1c: {  	p1 =	slt.u32 s9, $0xF7A;
	s5 =	simm.s32 @!p2 $0x0  }
0x1d: {  	s5 =	simm.s32 @p1 $0x1;
	p0 =	seq.s32 s7, s2  }
0x1e: {  	s7 =	smul.u32 @!p0 $0xF7A, s2;
	p2 =	seq.s32 @!p0 s5, $0x0  }
0x1f: {  	s9 =	smul.u32 $0xF7A, s1;
	s8 =	simm.s32 @!p0 $0x1BF5;
	p2 =	por !p2, p0  }
0x20: {  	[sflag:s8] =	ssyncset.s32 @!p0 $0xFFFFF086;
	s6 =	sadd.s32 @!p0 s3, s7;
	s7 =	simm.s32 @!p0 $0x108  }
0x21: {  	s3 =	sadd.s32 s3, s9;
	s6 =	sadd.s32 @!p0 $0x88, s6;
	s7 =	simm.s32 @p2 $0x1082  }
0x22: {  	[simem:s7], [sflag:s8] =	dma.local @!p0 [hbm:s6], $0xF7A  }
0x23: {  	s9 =	sor.u32 $0xD0000000, s2;
	s6 =	simm.s32 $0x108;
	_ =	swait.ge @!p0 [sflag:s8], $0x0  }
0x24: {  	s3 =	sadd.s32 $0x88, s3;
	s6 =	simm.s32 @!p1 $0x1082;
	[sflag:s4] =	ssyncset.s32 $0xFFFFF086  }
0x25: {  	[simem:s6], [sflag:s4] =	dma.local [hbm:s3], $0xF7A  }
0x26: {  	[smem:$0x3F91] =	sst s1;
	(tag) =	ssettag s2;
	_ =	strace s9  }
0x27: {  	s1 =	sld [smem:$0x3FA1]  }
0x28: {  	s2 =	sld [smem:$0x3FA2]  }
0x29: {  	s4 =	sld [smem:$0x3FA4]  }
0x2a: {  	p0 =	seq.s32 s5, $0x0;
	s5 =	sld [smem:$0x3FA5]  }
0x2b: {  	s6 =	sld [smem:$0x3FA6]  }
0x2c: {  	s7 =	sld [smem:$0x3FA7]  }
0x2d: {  	s3 =	simm.s32 $0x108;
	s8 =	sld [smem:$0x3FA8]  }
0x2e: {  	s3 =	simm.s32 @!p0 $0x1082;
	s9 =	sld [smem:$0x3FA9]  }
0x2f: {  	lr =	sadd.s32 s0, s3;
	s0 =	sld [smem:$0x3FA0]  }
0x30: {  	s3 =	sld [smem:$0x3FA3]  }
0x31: {  	[smem:$0x3FAC] =	sst s10  }
0x32: {  	s10 =	sld [smem:$0x3FAA];
	_ =	sdelay $0x3  }
0x33: {  	p0 =	seq.s32 s10, $0x1;
	s10 =	sld [smem:$0x3FAC];
	_ =	sdelay $0x3  }
0x34: {  	[smem:$0x3FAC] =	sst s10  }
0x35: {  	s10 =	sld [smem:$0x3FAB];
	_ =	sdelay $0x3  }
0x36: {  	p1 =	seq.s32 s10, $0x1;
	s10 =	sld [smem:$0x3FAC];
	_ =	sdelay $0x3  }
0x37: {  	[smem:$0x3FAC] =	sst s10  }
0x38: {  	s10 =	sld [smem:$0x3FAD]  }
0x39: {  	_ = 	snop;
	(pc) =	sbr.ind lr, $3  }
0x3a: {  	_ = 	snop  }
0x3b: {  	_ = 	snop  }
0x3c: {  	p2 =	seq.s32 s10, $0x1;
	s10 =	sld [smem:$0x3FAC]  }
0x3d: {  	_ =	shalt  }
0x3e: {  	_ =	shalt  }
0x3f: {  	_ =	shalt  }
0x40: {  	_ =	shalt  }
0x41: {  	_ =	shalt  }
0x42: {  	_ =	shalt  }
0x43: {  	_ =	shalt  }
0x44: {  	_ =	shalt  }
0x45: {  	_ =	shalt  }
0x46: {  	_ =	shalt  }
0x47: {  	_ =	shalt  }
0x48: {  	_ =	shalt  }
0x49: {  	_ =	shalt  }
0x4a: {  	_ =	shalt  }
0x4b: {  	_ =	shalt  }
0x4c: {  	_ =	shalt  }
0x4d: {  	_ =	shalt  }
0x4e: {  	_ =	shalt  }
0x4f: {  	_ =	shalt  }
0x50: {  	_ =	shalt  }
0x51: {  	_ =	shalt  }
0x52: {  	_ =	shalt  }
0x53: {  	_ =	shalt  }
0x54: {  	_ =	shalt  }
0x55: {  	_ =	shalt  }
0x56: {  	_ =	shalt  }
0x57: {  	_ =	shalt  }
0x58: {  	_ =	shalt  }
0x59: {  	_ =	shalt  }
0x5a: {  	_ =	shalt  }
0x5b: {  	_ =	shalt  }
0x5c: {  	_ =	shalt  }
0x5d: {  	_ =	shalt  }
0x5e: {  	_ =	shalt  }
0x5f: {  	_ =	shalt  }
0x60: {  	_ =	shalt  }
0x61: {  	_ =	shalt  }
0x62: {  	_ =	shalt  }
0x63: {  	_ =	shalt  }
0x64: {  	_ =	shalt  }
0x65: {  	_ =	shalt  }
0x66: {  	_ =	shalt  }
0x67: {  	_ =	shalt  }
0x68: {  	_ =	shalt  }
0x69: {  	_ =	shalt  }
0x6a: {  	_ =	shalt  }
0x6b: {  	_ =	shalt  }
0x6c: {  	_ =	shalt  }
0x6d: {  	_ =	shalt  }
0x6e: {  	_ =	shalt  }
0x6f: {  	_ =	shalt  }
0x70: {  	_ =	shalt  }
0x71: {  	_ =	shalt  }
0x72: {  	_ =	shalt  }
0x73: {  	_ =	shalt  }
0x74: {  	_ =	shalt  }
0x75: {  	_ =	shalt  }
0x76: {  	_ =	shalt  }
0x77: {  	_ =	shalt  }
0x78: {  	_ =	shalt  }
0x79: {  	_ =	shalt  }
0x7a: {  	_ =	shalt  }
0x7b: {  	_ =	shalt  }
0x7c: {  	_ =	shalt  }
0x7d: {  	_ =	shalt  }
0x7e: {  	_ =	shalt  }
0x7f: {  	_ =	shalt  }
0x80: {  	_ =	shalt  }
0x81: {  	_ =	shalt  }
0x82: {  	_ =	shalt  }
0x83: {  	_ =	shalt  }
0x84: {  	_ =	shalt  }
0x85: {  	_ =	shalt  }
0x86: {  	_ =	shalt  }
0x87: {  	_ =	shalt  }
.Lfunc_end0:
.L_simem_size_0:
called_computation.8_lowered:
.L_overlay_start_0:
0x88: {  	s2 =	sld [smem:$0x3FD9]  }
0x89: {  	s3 =	sld [smem:$0x3FFE];
	_ =	sdelay $0x1  }
0x8a: {  	s1 =	srdreg.scid  }
0x8b: {  	s0 =	sand.u32 $0x1, s1  }
0x8c: {  	s16 =	sshll.u32 s0, $0xA;
	s2 =	sadd.s32 s3, s2  }
0x8d: {  	s2 =	sadd.s32 s2, s16  }
0x8e: {  	[smem:$0x3FB8] =	sst s2  }
0x8f: {  	_ = 	snop  }
0x90: {  	(tm) =	ssettm $0x1  }
0x91: {  	s17 =	sld [smem:$0x3FFB];
	_ =	sdelay $0x3  }
0x92: {  	_ =	strace s17  }
0x93: {  	s2 =	sld [smem:$0x3FFC];
	_ =	sdelay $0x3  }
0x94: {  	_ =	strace s2  }
0x95: {  	s2 =	sld [smem:$0x3FFD];
	_ =	sdelay $0x3  }
0x96: {  	_ =	strace s2  }
0x97: {  	_ =	strace $0x8FFFFFFF  }
0x98: {  	s18 =	sld [smem:$0x3FDB];
	_ =	sdelay $0x1  }
0x99: {  	s19 =	simm.s32 $_scs_section_size  }
0x9a: {  	s4 =	simm.s32 $_size__tile_overlayer_lowered;
	s5 =	simm.s32 $_tile_overlayer_lowered  }
0x9b: {  	s22 =	simm.s32 $0x1BFF;
	s21 =	sshll.u32 s5, $0x1;
	s2 =	sadd.s32 s19, s18  }
0x9c: {  	s6 =	simm.s32 $0x0;
	s20 =	sshll.u32 s4, $0x1;
	s4 =	sadd.s32 s21, s2  }
0x9d: {  	[timem:s6], [sflag:s22] =	dma.local [hbm:s4], s20  }
0x9e: {  	_ =	swait.ge [sflag:s22], s20  }
0x9f: {  	s3 =	ssub.s32 $0x0, s20;
	[sflag:s22] =	ssyncset.done $0x0  }
0xa0: {  	[sflag:s22] =	ssyncadd.s32 s3;
	_ =	sdelay $0x1  }
0xa1: {  	s23 =	simm.s32 $0x1B8B  }
0xa2: {  	_ =	swait.ge [sflag:s23], $0x1  }
0xa3: {  	[sflag:s23] =	ssyncset.done $0x0  }
0xa4: {  	s25 =	simm.s32 $0x1B8E;
	s24 =	sld [smem:$0x3FFE];
	[sflag:s23] =	ssyncadd.s32 $0xFFFFFFFF  }
0xa5: {  	s26 =	simm.s32 $execute0_lowered;
	[smem:$0x3FD2] =	sst s25  }
0xa6: {  	s4 =	sshll.u32 s26, $0x1;
	_ =	strace $0x8000005E;
	[dreg:$0x1] =	wrdreg $0xFFFFFFFF  }
0xa7: {  	s28 =	simm.s32 $_size_execute0_lowered;
	s2 =	sadd.s32 s2, s4;
	[dreg:$0x0] =	wrdreg $0x0  }
0xa8: {  	s4 =	sshll.u32 s28, $0x1;
	[dreg:$0x2] =	wrdreg s2  }
0xa9: {  	[dreg:$0x3] =	wrdreg s4  }
0xaa: {  	[dreg:$0x4] =	wrdreg $0xC0  }
0xab: {  	_ =	task [dreg:s6], $0x5FFFF  }
0xac: {  	[dreg:$0x1] =	wrdreg $0xFFFFFFFF  }
0xad: {  	[dreg:$0x0] =	wrdreg $0x60  }
0xae: {  	[dreg:$0x2] =	wrdreg s24  }
0xaf: {  	[dreg:$0x3] =	wrdreg $0x21000  }
0xb0: {  	[dreg:$0x4] =	wrdreg $0x9  }
0xb1: {  	_ =	task.clear_ibuf [dreg:s6], $0x5FFFF;
	_ =	strace $0x9000005E  }
0xb2: {  	s29 =	simm.s32 $0x9;
	_ =	strace $0x80000060  }
0xb3: {  	_ =	swait.ge [sflag:s29], $0x1  }
0xb4: {  	[sflag:s29] =	ssyncadd.s32 $0xFFFFFFFF  }
0xb5: {  	_ =	strace $0x90000060  }
0xb6: {  	_ =	sfence  }
0xb7: {  	s30 =	sld [smem:$0x0];
	_ =	sdelay $0x2  }
0xb8: {  	s31 =	sshll.u32 s1, $0xD;
	s1 =	sshrl.u32 s1, $0x2  }
0xb9: {  	s3 =	sand.u32 $0x4000, s31;
	s1 =	sadd.s32 s1, s30  }
0xba: {  	s0 =	sor.u32 s3, s0;
	s1 =	sshll.u32 s1, $0x11  }
0xbb: {  	s0 =	sor.u32 s1, s0  }
0xbc: {  	s0 =	sadd.s32 $0x8F2B, s0  }
0xbd: {  	[sflag:s0] =	ssyncadd.remote.s32 $0x1  }
0xbe: {  	_ =	sfence.sel $0xFFFF  }
0xbf: {  	[dreg:$0x0] =	wrdreg $0xFFFFFFFF;
	(pc) =	sbr.abs _section_cstart, $3  }
0xc0: {  	[dreg:$0x1] =	wrdreg $0xFFFFFFFF  }
0xc1: {  	_ =	task.clear_ibuf [dreg:s6], $0x2FFFF;
	_ =	strace $0x9FFFFFFF  }
0xc2: {  	(tm) =	ssettm $0x7FFFFFFF  }
0xc3: {  	_ =	shalt  }
tec
execute0_lowered:
.L_overlay_start_1:
0x0: {  	(tag) =	ssettag $0x1  }
0x1: {  	s6 =	rddreg [dreg:$0x0]  }
0x2: {  	s0 =	stileid.u32;
	s1 =	srdreg.scid  }
0x3: {  	s2 =	rddreg [dreg:$0x1];
	s3 =	simm.s32 $0x0;
	s18 =	simm.s32 $0x1100  }
0x4: {  	s19 =	simm.s32 $0x2;
	s20 =	simm.s32 $0x80;
	s5 =	smul.u32 $0x9D0, s0  }
0x5: {  	s22 =	simm.s32 $0x1;
	s23 =	simm.s32 $0x0;
	s8 =	smul.u32 $0x278, s0  }
0x6: {  	s7 =	sand.u32 $0x1, s1;
	s1 =	rddreg [dreg:$0x2];
	s10 =	smul.u32 $0x13C00, s0  }
0x7: {  	[smem:$0x7FF] =	sst s3;
	s4 =	sadd.s32 $0x373E00, s6;
	s9 =	smul.u32 $0x2780, s7  }
0x8: {  	_ =	strace $0x8000005F;
	s28 =	ssub.s32 $0x2, s7;
	s21 =	smul.u32 $0xC350, s7  }
0x9: {  	s17 =	sadd.s32 s5, s6;
	s29 =	sshrl.u32 s10, $0x2;
	s11 =	sshrl.u32 s28, $0x1  }
0xa: {  	s26 =	sadd.s32 s8, s9;
	s5 =	sadd.s32 s29, s2;
	s31 =	ssub.s32 s28, s11  }
0xb: {  	s16 =	sadd.s32 $0x4000, s17;
	s17 =	sadd.s32 $0x52A00, s17;
	v0 =	vmov s21;
	s21 =	simm.s32 $0x100  }
0xc: {  	s30 =	sshll.u32 s26, $0x2;
	s9 =	smax.u32 s31, $0x1;
	s10 =	sadd.s32 $0x1000, s5  }
0xd: {  	s11 =	sadd.s32 $0x2000, s5;
	s12 =	sadd.s32 $0x3000, s5;
	s15 =	sadd.s32 s30, s6  }
0xe: {  	s6 =	sadd.s32 $0x4000, s5;
	s7 =	sadd.s32 $0xE600, s15;
	s8 =	sadd.s32 $0xDE00, s15  }
0xf: {  	v1 =	vimm.f32 $0.0e+00;
	s13 =	sadd.s32 $0xE000, s15;
	s14 =	sadd.s32 $0xE200, s15;
	s15 =	sadd.s32 $0xE400, s15  }
.LBB2_1:
0x10: {  	s24 =	simm.s32 $0x80;
	s25 =	simm.s32 $0x0  }
.LBB2_2:
0x11: {  	p0 =	sne.s32 s24, $0x3F80;
	[tilespmem:s25+$0x1100] =	vst v1;
	s26 =	smov.u32 s24;
	s24 =	sadd.s32 $0x80, s24  }
.Ltmp0:
0x12: {  	[tilespmem:s25+$0x1110] =	vst v1;
	(pc) =	sbr.rel @p0 .LBB2_2-.Ltmp0, $2  }
0x13: {  	_ =	sdelay $0x2  }
0x14: {  	s25 =	sshra.s32 s26, $0x2  }
0x15: {  	[tilespmem:s25+$0x1100] =	vst v1  }
0x16: {  	[tilespmem:s25+$0x1110] =	vst v1  }
0x17: {  	[spmem:s5] =	stream.linear.scatter [tilespmem:s18], [sflag:$0x2], $0x1000, $0x38;
	[tilespmem:$0x7000] =	vst v63  }
0x18: {  	_ =	swait.ge [sflag:s19], $0x1000  }
0x19: {  	[sflag:s19] =	ssyncset.done $0x0  }
0x1a: {  	[sflag:s19] =	ssyncadd.s32 $0xFFFFF000  }
0x1b: {  	[spmem:s10] =	stream.linear.scatter [tilespmem:s18], [sflag:$0x2], $0x1000, $0x38;
	[tilespmem:$0x7000] =	vst v63  }
0x1c: {  	_ =	swait.ge [sflag:s19], $0x1000  }
0x1d: {  	[sflag:s19] =	ssyncset.done $0x0  }
0x1e: {  	[sflag:s19] =	ssyncadd.s32 $0xFFFFF000  }
0x1f: {  	[spmem:s11] =	stream.linear.scatter [tilespmem:s18], [sflag:$0x2], $0x1000, $0x38;
	[tilespmem:$0x7000] =	vst v63  }
0x20: {  	_ =	swait.ge [sflag:s19], $0x1000  }
0x21: {  	[sflag:s19] =	ssyncset.done $0x0  }
0x22: {  	[sflag:s19] =	ssyncadd.s32 $0xFFFFF000  }
0x23: {  	[spmem:s12] =	stream.linear.scatter [tilespmem:s18], [sflag:$0x2], $0x1000, $0x38;
	[tilespmem:$0x7000] =	vst v63  }
0x24: {  	_ =	swait.ge [sflag:s19], $0x1000  }
0x25: {  	[sflag:s19] =	ssyncset.done $0x0  }
0x26: {  	[sflag:s19] =	ssyncadd.s32 $0xFFFFF000  }
0x27: {  	[spmem:s6] =	stream.linear.scatter [tilespmem:s18], [sflag:$0x2], $0xF00, $0x38;
	[tilespmem:$0x7000] =	vst v63  }
0x28: {  	_ =	swait.ge [sflag:s19], $0xF00  }
0x29: {  	[sflag:s19] =	ssyncset.done $0x0  }
0x2a: {  	[sflag:s19] =	ssyncadd.s32 $0xFFFFF100  }
0x2b: {  	s24 =	sadd.s32 $0x0, s17;
	[bflag:$0x0] =	sbarrier.arrive $0xFFFF  }
0x2c: {  	[tilespmem:s3], [sflag:$0x2] =	stream.linear.gather [hbm4b:s24+s3], $0x80, $0x38;
	[tilespmem:$0x7000] =	vst v63  }
0x2d: {  	_ =	swait.ge [sflag:s19], $0x80  }
0x2e: {  	[sflag:s19] =	ssyncset.done $0x0  }
0x2f: {  	s31 =	sadd.s32 $0x0, s16;
	[sflag:s19] =	ssyncadd.s32 $0xFFFFFF80  }
0x30: {  	[tilespmem:s20], [sflag:$0x2] =	stream.linear.gather [hbm4b:s31+s3], $0x80, $0x38;
	[tilespmem:$0x7000] =	vst v63  }
0x31: {  	_ =	swait.ge [sflag:s19], $0x80  }
0x32: {  	[sflag:s19] =	ssyncset.done $0x0  }
0x33: {  	[sflag:s19] =	ssyncadd.s32 $0xFFFFFF80  }
0x34: {  	v2 =	vld [tilespmem:$0x70]  }
0x35: {  	v3 =	vld [tilespmem:$0x30]  }
0x36: {  	v6 =	vld [tilespmem:$0x20]  }
0x37: {  	v4 =	vld [tilespmem:$0x50]  }
0x38: {  	v5 =	vld [tilespmem:$0x60]  }
0x39: {  	v7 =	vld [tilespmem:$0x10];
	v2 =	vadd.s32 v0, v2  }
0x3a: {  	v8 =	vld [tilespmem:$0x40];
	v3 =	vadd.s32 v0, v3;
	[tilespmem:$0x70] =	vst v2  }
0x3b: {  	v63 =	vadd.s32 v0, v6;
	v2 =	vld [tilespmem:$0x0];
	[tilespmem:$0x30] =	vst v3  }
0x3c: {  	v3 =	vadd.s32 v0, v4;
	[tilespmem:$0x20] =	vst v63  }
0x3d: {  	[tilespmem:$0x50] =	vst v3;
	v3 =	vadd.s32 v0, v5  }
0x3e: {  	[tilespmem:$0x60] =	vst v3;
	v3 =	vadd.s32 v0, v7  }
0x3f: {  	[tilespmem:$0x10] =	vst v3;
	v3 =	vadd.s32 v0, v8  }
0x40: {  	[tilespmem:$0x40] =	vst v3;
	v2 =	vadd.s32 v0, v2  }
0x41: {  	s24 =	simm.s32 $0x10;
	[tilespmem:$0x0] =	vst v2  }
.LBB2_4:
0x42: {  	[tilespmem:s21], [sflag:$0x1] =	stream.indirect.gather [hbm4b:s4+s20], $0x20, s3, s20, $0xb8;
	[tilespmem:$0x7000] =	vst v63  }
0x43: {  	s25 =	smov.u32 s24  }
0x44: {  	p0 =	sne.s32 s24, $0x9C0;
	s24 =	sadd.s32 $0x10, s24;
	_ =	swait.ge [sflag:s22], $0x1000  }
0x45: {  	[sflag:s22] =	ssyncset.done $0x0  }
0x46: {  	[sflag:s22] =	ssyncadd.s32 $0xFFFFF000  }
0x47: {  	[spmem:s2] =	stream.indirect.scatter.add.f32 [tilespmem:s21], [sflag:$0x2], $0x20, s20, s20, $0xb8;
	[tilespmem:$0x7000] =	vst v63  }
0x48: {  	_ =	swait.ge [sflag:s19], $0x1000  }
0x49: {  	[sflag:s19] =	ssyncset.done $0x0  }
0x4a: {  	s26 =	sadd.s32 s25, s17;
	[sflag:s19] =	ssyncadd.s32 $0xFFFFF000  }
0x4b: {  	[tilespmem:s3], [sflag:$0x2] =	stream.linear.gather [hbm4b:s26+s3], $0x80, $0x38;
	[tilespmem:$0x7000] =	vst v63  }
0x4c: {  	_ =	swait.ge [sflag:s19], $0x80  }
0x4d: {  	[sflag:s19] =	ssyncset.done $0x0  }
0x4e: {  	s25 =	sadd.s32 s25, s16;
	[sflag:s19] =	ssyncadd.s32 $0xFFFFFF80  }
0x4f: {  	[tilespmem:s20], [sflag:$0x2] =	stream.linear.gather [hbm4b:s25+s3], $0x80, $0x38;
	[tilespmem:$0x7000] =	vst v63  }
0x50: {  	_ =	swait.ge [sflag:s19], $0x80  }
0x51: {  	[sflag:s19] =	ssyncset.done $0x0  }
0x52: {  	[sflag:s19] =	ssyncadd.s32 $0xFFFFFF80  }
0x53: {  	v2 =	vld [tilespmem:$0x70]  }
0x54: {  	v3 =	vld [tilespmem:$0x30]  }
0x55: {  	v4 =	vld [tilespmem:$0x50]  }
0x56: {  	v5 =	vld [tilespmem:$0x60]  }
0x57: {  	v6 =	vld [tilespmem:$0x20]  }
0x58: {  	v7 =	vld [tilespmem:$0x10];
	v2 =	vadd.s32 v0, v2  }
0x59: {  	v3 =	vadd.s32 v0, v3;
	v8 =	vld [tilespmem:$0x40];
	[tilespmem:$0x70] =	vst v2  }
0x5a: {  	v2 =	vld [tilespmem:$0x0];
	[tilespmem:$0x30] =	vst v3;
	v3 =	vadd.s32 v0, v4  }
0x5b: {  	[tilespmem:$0x50] =	vst v3;
	v3 =	vadd.s32 v0, v5  }
.Ltmp1:
0x5c: {  	v4 =	vadd.s32 v0, v6;
	[tilespmem:$0x60] =	vst v3;
	(pc) =	sbr.rel @p0 .LBB2_4-.Ltmp1, $4  }
0x5d: {  	v3 =	vadd.s32 v0, v7;
	[tilespmem:$0x20] =	vst v4  }
0x5e: {  	[tilespmem:$0x10] =	vst v3;
	v3 =	vadd.s32 v0, v8  }
0x5f: {  	v2 =	vadd.s32 v0, v2;
	[tilespmem:$0x40] =	vst v3  }
0x60: {  	[tilespmem:$0x0] =	vst v2  }
0x61: {  	[tilespmem:s21], [sflag:$0x1] =	stream.indirect.gather [hbm4b:s4+s20], $0x20, s3, s20, $0xb8;
	[tilespmem:$0x7000] =	vst v63  }
0x62: {  	_ =	swait.ge [sflag:s22], $0x1000  }
0x63: {  	[sflag:s22] =	ssyncset.done $0x0  }
0x64: {  	[sflag:s22] =	ssyncadd.s32 $0xFFFFF000  }
0x65: {  	[spmem:s2] =	stream.indirect.scatter.add.f32 [tilespmem:s21], [sflag:$0x2], $0x20, s20, s20, $0xb8;
	[tilespmem:$0x7000] =	vst v63  }
0x66: {  	_ =	swait.ge [sflag:s19], $0x1000  }
0x67: {  	[sflag:s19] =	ssyncset.done $0x0  }
0x68: {  	s24 =	sshll.u32 s0, $0x6;
	[sflag:s19] =	ssyncadd.s32 $0xFFFFF000  }
0x69: {  	s25 =	sshrl.u32 s5, $0x3;
	s24 =	sor.u32 $0x1C02, s24;
	[bflag:$0x0] =	sbarrier.arrive $0xFFFF  }
0x6a: {  	[hbm:s8], [sflag:s24] =	dma.local [spmem:s25], $0x200  }
0x6b: {  	_ =	swait.ge [sflag:s19], $0x200  }
0x6c: {  	[sflag:s19] =	ssyncset.done $0x0  }
0x6d: {  	s28 =	sshrl.u32 s10, $0x3;
	[sflag:s19] =	ssyncadd.s32 $0xFFFFFE00  }
0x6e: {  	[hbm:s13], [sflag:s24] =	dma.local [spmem:s28], $0x200  }
0x6f: {  	_ =	swait.ge [sflag:s19], $0x200  }
0x70: {  	[sflag:s19] =	ssyncset.done $0x0  }
0x71: {  	s29 =	sshrl.u32 s11, $0x3;
	[sflag:s19] =	ssyncadd.s32 $0xFFFFFE00  }
0x72: {  	[hbm:s14], [sflag:s24] =	dma.local [spmem:s29], $0x200  }
0x73: {  	_ =	swait.ge [sflag:s19], $0x200  }
0x74: {  	[sflag:s19] =	ssyncset.done $0x0  }
0x75: {  	s30 =	sshrl.u32 s12, $0x3;
	[sflag:s19] =	ssyncadd.s32 $0xFFFFFE00  }
0x76: {  	[hbm:s15], [sflag:s24] =	dma.local [spmem:s30], $0x200  }
0x77: {  	s23 =	sadd.s32 $0x1, s23;
	_ =	swait.ge [sflag:s19], $0x200  }
0x78: {  	p0 =	sne.s32 s23, s9;
	[sflag:s19] =	ssyncset.done $0x0  }
.Ltmp2:
0x79: {  	s31 =	sshrl.u32 s6, $0x3;
	[sflag:s19] =	ssyncadd.s32 $0xFFFFFE00;
	(pc) =	sbr.rel @p0 .LBB2_1-.Ltmp2, $4  }
0x7a: {  	[hbm:s7], [sflag:s24] =	dma.local [spmem:s31], $0x1E0  }
0x7b: {  	_ =	swait.ge [sflag:s19], $0x1E0  }
0x7c: {  	[sflag:s19] =	ssyncset.done $0x0  }
0x7d: {  	[sflag:s19] =	ssyncadd.s32 $0xFFFFFE20  }
0x7e: {  	_ =	sfence.sel $0x180000  }
0x7f: {  	[bflag:$0x0] =	sbarrier.arrive $0xFFFF  }
0x80: {  	p0 =	sne.s32 s0, $0x0;
	_ =	strace $0x9000005F  }
0x81: {  	s0 =	sadd.s32 @!p0 $0x100000, s1;
	[bflag:$0x2] =	sbarrier.arrive $0xFFFF  }
0x82: {  	[sflag:s0] =	ssyncadd.tile.s32 @!p0 $0x1;
	_ =	shalt  }
.Lfunc_end2:
_tile_overlayer_lowered:
.L_overlay_start_2:
0x83: {  	(tag) =	ssettag $0x2  }
0x84: {  	s0 =	rddreg [dreg:$0x0];
	s2 =	stileid.u32  }
0x85: {  	s1 =	rddreg [dreg:$0x1];
	p0 =	sne.s32 s2, $0x0  }
0x86: {  	s3 =	rddreg [dreg:$0x2];
	[bflag:$0x3] =	sbarrier.arrive $0xFFFF;
	s2 =	simm.s32 @!p0 $0x1C02  }
0x87: {  	[timem:s3], [sflag:s2] =	dma.local @!p0 [hbm:s0], s1  }
0x88: {  	s0 =	simm.s32 @!p0 $0x2  }
0x89: {  	_ =	swait.ge @!p0 [sflag:s0], s1  }
0x8a: {  	s1 =	ssub.s32 @!p0 $0x0, s1;
	[sflag:s0] =	ssyncset.done @!p0 $0x0  }
0x8b: {  	[sflag:s0] =	ssyncadd.s32 @!p0 s1  }
0x8c: {  	[bflag:$0x3] =	sbarrier.arrive $0xFFFF  }
0x8d: {  	_ =	shalt  }

</sc_bundles>
